<compile_context>
chip_gen: v7x
topology: tpu7x:2x2x1
jax: 0.10.2.dev20260603
libtpu: 0.0.44.dev20260713+nightly
codegen_flags: <defaults>
</compile_context>

<pallas_src>
import jax
import jax.numpy as jnp
from jax import lax
from jax.experimental import pallas as pl
from jax.experimental.pallas import tpu as pltpu
from jax.experimental.pallas import tpu_sc as plsc

EMBED = 64
BATCH = 16384
L = 16
NC, NS = 2, 16
NW = NC * NS
BPW = BATCH // NW
NCH = 16
CH = BPW // NCH
GPC = CH // L

PI = 3.14159265358979
TWO_PI = 6.28318530717959

S3 = -0.16664433
S5 = 0.008315025
S7 = -0.00019337327
S9 = 2.1777885e-06
C0 = 0.9999992
C2 = -0.49999422
C4 = 0.041659776
C6 = -0.001385879
C8 = 2.4202942e-05
C10 = -2.1972964e-07


def _sc_body(t_hbm, lab_hbm, table_hbm, inv_hbm, out_hbm,
             t_v, lab_v, rows_v, out_v, inv_v, sems):
    wid = lax.axis_index("s") * NC + lax.axis_index("c")
    base = wid * BPW
    pltpu.sync_copy(t_hbm.at[pl.ds(base, BPW)], t_v)
    pltpu.sync_copy(lab_hbm.at[pl.ds(base, BPW)], lab_v)
    pltpu.sync_copy(inv_hbm, inv_v)
    inv0 = inv_v[pl.ds(0, L)]
    inv1 = inv_v[pl.ds(L, L)]

    def fire_chunk(j):
        j2 = j % 2

        def fg(g, c):
            vg = lab_v[pl.ds(j * CH + g * L, L)]
            for i in range(L):
                pltpu.async_copy(
                    table_hbm.at[pl.ds(vg[i], 1), :],
                    rows_v.at[j2, pl.ds(g * L + i, 1), :],
                    sems.at[j2])
            return c

        lax.fori_loop(0, GPC, fg, 0)

    def wait_chunk(j):
        pltpu.make_async_copy(table_hbm.at[pl.ds(0, CH), :],
                              rows_v.at[j % 2], sems.at[j % 2]).wait()

    fire_chunk(0)

    def chunk_body(j, carry):
        @pl.when(j + 1 < NCH)
        def _():
            fire_chunk(j + 1)

        wait_chunk(j)
        j2 = j % 2

        def group_body(g, c2):
            bl = g * L
            b0 = j * CH + bl
            tg = t_v[pl.ds(b0, L)]
            for i in range(L):
                tb = lax.broadcast(tg[i], (L,))
                a0 = tb * inv0
                a1 = tb * inv1
                r0 = lax.rem(a0 + PI, TWO_PI) - PI
                r1 = lax.rem(a1 + PI, TWO_PI) - PI
                z0 = r0 * r0
                z1 = r1 * r1
                p0 = ((S9 * z0 + S7) * z0 + S5) * z0 + S3
                p1 = ((S9 * z1 + S7) * z1 + S5) * z1 + S3
                sin0 = r0 + r0 * z0 * p0
                sin1 = r1 + r1 * z1 * p1
                cos0 = C0 + z0 * (C2 + z0 * (C4 + z0 * (C6 + z0 * (C8 + z0 * C10))))
                cos1 = C0 + z1 * (C2 + z1 * (C4 + z1 * (C6 + z1 * (C8 + z1 * C10))))
                for q, pos in enumerate((sin0, sin1, cos0, cos1)):
                    x = rows_v[j2, bl + i, pl.ds(q * L, L)] + pos
                    y = x / (1.0 + jnp.exp(-x))
                    out_v[b0 + i, pl.ds(q * L, L)] = y
            return c2

        lax.fori_loop(0, GPC, group_body, 0)
        return carry

    lax.fori_loop(0, NCH, chunk_body, 0)
    pltpu.sync_copy(out_v, out_hbm.at[pl.ds(base, BPW), :])


def kernel(t, label, table):
    lab = label.astype(jnp.int32)
    inv = (1.0 / (10000.0 ** (jnp.arange(1, EMBED, 2, dtype=jnp.float32)
                              / EMBED))).astype(jnp.float32)
    mesh = plsc.VectorSubcoreMesh(core_axis_name="c", subcore_axis_name="s")
    f = pl.kernel(
        _sc_body,
        mesh=mesh,
        out_type=jax.ShapeDtypeStruct((BATCH, EMBED), jnp.float32),
        scratch_types=[
            pltpu.VMEM((BPW,), jnp.float32),
            pltpu.VMEM((BPW,), jnp.int32),
            pltpu.VMEM((2, CH, EMBED), jnp.float32),
            pltpu.VMEM((BPW, EMBED), jnp.float32),
            pltpu.VMEM((2 * L,), jnp.float32),
            pltpu.SemaphoreType.DMA((2,)),
        ],
    )
    return f(t, lab, table, inv)

# --- scband reference (transcript-rebuilt; emitter-appended) ---
"""Pipeline reference for scband-condition-4355096838420 (READ-ONLY COPY).

The authoritative reference and input builder live on the scoring server;
editing this copy changes nothing except your own understanding.
"""

import jax, jax.numpy as jnp
import numpy as np

EMBED_DIM = 64
LABEL_SIZE = 1000000
BATCH = 16384

def setup_inputs(seed: int = 0) -> dict:
    key = jax.random.key(seed)
    k1, k2, k3 = jax.random.split(key, 3)
    t = jax.random.uniform(k1, (BATCH,), dtype=jnp.float32) * 1000.0
    label = jax.random.randint(k2, (BATCH,), 0, LABEL_SIZE, dtype=jnp.int64)
    table = jax.random.normal(k3, (LABEL_SIZE, EMBED_DIM), dtype=jnp.float32) * 0.02
    return {"t": t, "label": label, "table": table}

def positional_encoding(t, embed_dim):
    inverse = 1.0 / (10000.0 ** (jnp.arange(1, embed_dim, 2, dtype=jnp.float32) / embed_dim))
    repeated_t = jnp.repeat(t[:, None], embed_dim // 2, axis=1)
    pos_A = jnp.sin(repeated_t * inverse)
    pos_B = jnp.cos(repeated_t * inverse)
    return jnp.concatenate([pos_A, pos_B], axis=-1)

def reference(t, label, table):
    emb = jnp.take(table, label, axis=0)
    pos = positional_encoding(t, EMBED_DIM)
    return jax.nn.silu(emb + pos)

if __name__ == "__main__":
    import jax
    _d = setup_inputs()
    print(jax.jit(kernel)(*tuple(_d.values())))

</pallas_src>

<mosaic_0001>
#map = affine_map<(d0, d1) -> (0)>
#map1 = affine_map<(d0, d1) -> (0, 0)>
module attributes {stable_mosaic.version = 14 : i64} {
  func.func @_sc_body(%arg0: i32, %arg1: i32, %arg2: memref<16384xf32, #tpu.memory_space<hbm>>, %arg3: memref<16384xi32, #tpu.memory_space<hbm>>, %arg4: memref<1000000x64xf32, #tpu.memory_space<hbm>>, %arg5: memref<32xf32, #tpu.memory_space<hbm>>, %arg6: memref<16384x64xf32, #tpu.memory_space<hbm>>, %arg7: memref<512xf32, #tpu.memory_space<vmem>>, %arg8: memref<512xi32, #tpu.memory_space<vmem>>, %arg9: memref<2x32x64xf32, #tpu.memory_space<vmem>>, %arg10: memref<512x64xf32, #tpu.memory_space<vmem>>, %arg11: memref<32xf32, #tpu.memory_space<vmem>>, %arg12: memref<2x!tpu.dma_semaphore, #tpu.memory_space<semaphore_mem>>) attributes {dimension_semantics = [#tpu.dimension_semantics<core_parallel>, #tpu.dimension_semantics<subcore_parallel>], iteration_bounds = array<i64: 2, 16>, scalar_prefetch = 0 : i64, scratch_operands = 6 : i64, tpu.core_type = #tpu.core_type<sc_vector_subcore>, window_params = [{transform_indices = #map}, {transform_indices = #map}, {transform_indices = #map1}, {transform_indices = #map}, {transform_indices = #map1}]} {
    %mul3A = arith.constant 2 : i32
    %mul3A_0 = arith.muli %arg1, %mul3A : i32
    %add3A = arith.addi %mul3A_0, %arg0 : i32
    %mul3A_1 = arith.constant 512 : i32
    %mul3A_2 = arith.muli %add3A, %mul3A_1 : i32
    "tpu.region"() ({
      %run_scoped3A = tpu.sem_alloc : memref<!tpu.dma_semaphore, #tpu.memory_space<semaphore_mem>>
      %dma_start3A = tpu.memref_slice %arg2[%mul3A_2] : memref<16384xf32, #tpu.memory_space<hbm>> -> memref<512xf32, #tpu.memory_space<hbm>>
      %dma_start3A_19 = tpu.memref_slice %arg2[%mul3A_2] : memref<16384xf32, #tpu.memory_space<hbm>> -> memref<512xf32, #tpu.memory_space<hbm>>
      tpu.enqueue_dma source(%dma_start3A_19 : memref<512xf32, #tpu.memory_space<hbm>>) target(%arg7 : memref<512xf32, #tpu.memory_space<vmem>>) target_semaphore(%run_scoped3A : memref<!tpu.dma_semaphore, #tpu.memory_space<semaphore_mem>>)
      %dma_wait3A = tpu.memref_slice %arg2[%mul3A_2] : memref<16384xf32, #tpu.memory_space<hbm>> -> memref<512xf32, #tpu.memory_space<hbm>>
      %dma_wait3A_20 = tpu.memref_slice %arg2[%mul3A_2] : memref<16384xf32, #tpu.memory_space<hbm>> -> memref<512xf32, #tpu.memory_space<hbm>>
      tpu.wait_dma2 semaphore(%run_scoped3A : memref<!tpu.dma_semaphore, #tpu.memory_space<semaphore_mem>>) src(%dma_wait3A_20 : memref<512xf32, #tpu.memory_space<hbm>>) dst(%arg7 : memref<512xf32, #tpu.memory_space<vmem>>)
      tpu.yield
    }) : () -> ()
    "tpu.region"() ({
      %run_scoped3A = tpu.sem_alloc : memref<!tpu.dma_semaphore, #tpu.memory_space<semaphore_mem>>
      %dma_start3A = tpu.memref_slice %arg3[%mul3A_2] : memref<16384xi32, #tpu.memory_space<hbm>> -> memref<512xi32, #tpu.memory_space<hbm>>
      %dma_start3A_19 = tpu.memref_slice %arg3[%mul3A_2] : memref<16384xi32, #tpu.memory_space<hbm>> -> memref<512xi32, #tpu.memory_space<hbm>>
      tpu.enqueue_dma source(%dma_start3A_19 : memref<512xi32, #tpu.memory_space<hbm>>) target(%arg8 : memref<512xi32, #tpu.memory_space<vmem>>) target_semaphore(%run_scoped3A : memref<!tpu.dma_semaphore, #tpu.memory_space<semaphore_mem>>)
      %dma_wait3A = tpu.memref_slice %arg3[%mul3A_2] : memref<16384xi32, #tpu.memory_space<hbm>> -> memref<512xi32, #tpu.memory_space<hbm>>
      %dma_wait3A_20 = tpu.memref_slice %arg3[%mul3A_2] : memref<16384xi32, #tpu.memory_space<hbm>> -> memref<512xi32, #tpu.memory_space<hbm>>
      tpu.wait_dma2 semaphore(%run_scoped3A : memref<!tpu.dma_semaphore, #tpu.memory_space<semaphore_mem>>) src(%dma_wait3A_20 : memref<512xi32, #tpu.memory_space<hbm>>) dst(%arg8 : memref<512xi32, #tpu.memory_space<vmem>>)
      tpu.yield
    }) : () -> ()
    "tpu.region"() ({
      %run_scoped3A = tpu.sem_alloc : memref<!tpu.dma_semaphore, #tpu.memory_space<semaphore_mem>>
      tpu.enqueue_dma source(%arg5 : memref<32xf32, #tpu.memory_space<hbm>>) target(%arg11 : memref<32xf32, #tpu.memory_space<vmem>>) target_semaphore(%run_scoped3A : memref<!tpu.dma_semaphore, #tpu.memory_space<semaphore_mem>>)
      tpu.wait_dma2 semaphore(%run_scoped3A : memref<!tpu.dma_semaphore, #tpu.memory_space<semaphore_mem>>) src(%arg5 : memref<32xf32, #tpu.memory_space<hbm>>) dst(%arg11 : memref<32xf32, #tpu.memory_space<vmem>>)
      tpu.yield
    }) : () -> ()
    %get3A = arith.constant 0 : index
    %get3A_3 = tpu.vector_load %arg11[%get3A] {strides = array<i32>} : memref<32xf32, #tpu.memory_space<vmem>>, vector<16xf32>,
    %get3A_4 = vector.shape_cast %get3A_3 : vector<16xf32> to vector<16xf32>
    %get3A_5 = arith.constant 16 : index
    %get3A_6 = tpu.vector_load %arg11[%get3A_5] {strides = array<i32>} : memref<32xf32, #tpu.memory_space<vmem>>, vector<16xf32>,
    %get3A_7 = vector.shape_cast %get3A_6 : vector<16xf32> to vector<16xf32>
    %scan3A = arith.constant 0 : i32
    %scan3A_8 = arith.constant 0 : i32
    %scan3A_9 = arith.constant 2 : i32
    %scan3A_10 = arith.addi %scan3A_8, %scan3A_9 : i32
    %scan3A_11 = arith.constant 1 : i32
    scf.for %scan3A_19 = %scan3A_8 to %scan3A_10 step %scan3A_11  : i32 {
      %mul3A_20 = arith.constant 16 : i32
      %mul3A_21 = arith.muli %scan3A_19, %mul3A_20 : i32
      %add3A_22 = arith.constant 0 : i32
      %add3A_23 = arith.addi %add3A_22, %mul3A_21 : i32
      %get3A_24 = arith.index_cast %add3A_23 : i32 to index
      %get3A_25 = tpu.vector_load %arg8[%get3A_24] {strides = array<i32>} : memref<512xi32, #tpu.memory_space<vmem>>, vector<16xi32>,
      %get3A_26 = vector.shape_cast %get3A_25 : vector<16xi32> to vector<16xi32>
      %slice3A = vector.extract_strided_slice %get3A_26 {offsets = [0], sizes = [1], strides = [1]} : vector<16xi32> to vector<1xi32>
      %squeeze3A = vector.extract %slice3A[0] : i32 from vector<1xi32>
      %mul3A_27 = arith.constant 16 : i32
      %mul3A_28 = arith.muli %scan3A_19, %mul3A_27 : i32
      %add3A_29 = arith.constant 0 : i32
      %add3A_30 = arith.addi %mul3A_28, %add3A_29 : i32
      %dma_start3A = arith.constant 0 : i32
      %dma_start3A_31 = arith.constant 0 : i32
      %dma_start3A_32 = arith.constant 0 : i32
      %dma_start3A_33 = tpu.memref_slice %arg9[%dma_start3A, %add3A_30, %dma_start3A_32] : memref<2x32x64xf32, #tpu.memory_space<vmem>> -> memref<1x1x64xf32, #tpu.memory_space<vmem>>
      %dma_start3A_34 = tpu.memref_squeeze %dma_start3A_33 : memref<1x1x64xf32, #tpu.memory_space<vmem>> -> memref<1x64xf32, #tpu.memory_space<vmem>>
      %dma_start3A_35 = arith.constant 0 : i32
      %dma_start3A_36 = tpu.memref_slice %arg4[%squeeze3A, %dma_start3A_35] : memref<1000000x64xf32, #tpu.memory_space<hbm>> -> memref<1x64xf32, #tpu.memory_space<hbm>>
      %dma_start3A_37 = tpu.memref_slice %arg12[%dma_start3A_31] : memref<2x!tpu.dma_semaphore, #tpu.memory_space<semaphore_mem>> -> memref<1x!tpu.dma_semaphore, #tpu.memory_space<semaphore_mem>>
      %dma_start3A_38 = tpu.memref_squeeze %dma_start3A_37 : memref<1x!tpu.dma_semaphore, #tpu.memory_space<semaphore_mem>> -> memref<!tpu.dma_semaphore, #tpu.memory_space<semaphore_mem>>
      %dma_start3A_39 = arith.constant 0 : i32
      %dma_start3A_40 = tpu.memref_slice %arg9[%dma_start3A, %add3A_30, %dma_start3A_39] : memref<2x32x64xf32, #tpu.memory_space<vmem>> -> memref<1x1x64xf32, #tpu.memory_space<vmem>>
      %dma_start3A_41 = tpu.memref_squeeze %dma_start3A_40 : memref<1x1x64xf32, #tpu.memory_space<vmem>> -> memref<1x64xf32, #tpu.memory_space<vmem>>
      %dma_start3A_42 = arith.constant 0 : i32
      %dma_start3A_43 = tpu.memref_slice %arg4[%squeeze3A, %dma_start3A_42] : memref<1000000x64xf32, #tpu.memory_space<hbm>> -> memref<1x64xf32, #tpu.memory_space<hbm>>
      tpu.enqueue_dma source(%dma_start3A_43 : memref<1x64xf32, #tpu.memory_space<hbm>>) target(%dma_start3A_41 : memref<1x64xf32, #tpu.memory_space<vmem>>) target_semaphore(%dma_start3A_38 : memref<!tpu.dma_semaphore, #tpu.memory_space<semaphore_mem>>)
      %slice3A_44 = vector.extract_strided_slice %get3A_26 {offsets = [1], sizes = [1], strides = [1]} : vector<16xi32> to vector<1xi32>
      %squeeze3A_45 = vector.extract %slice3A_44[0] : i32 from vector<1xi32>
      %mul3A_46 = arith.constant 16 : i32
      %mul3A_47 = arith.muli %scan3A_19, %mul3A_46 : i32
      %add3A_48 = arith.constant 1 : i32
      %add3A_49 = arith.addi %mul3A_47, %add3A_48 : i32
      %dma_start3A_50 = arith.constant 0 : i32
      %dma_start3A_51 = arith.constant 0 : i32
      %dma_start3A_52 = arith.constant 0 : i32
      %dma_start3A_53 = tpu.memref_slice %arg9[%dma_start3A_50, %add3A_49, %dma_start3A_52] : memref<2x32x64xf32, #tpu.memory_space<vmem>> -> memref<1x1x64xf32, #tpu.memory_space<vmem>>
      %dma_start3A_54 = tpu.memref_squeeze %dma_start3A_53 : memref<1x1x64xf32, #tpu.memory_space<vmem>> -> memref<1x64xf32, #tpu.memory_space<vmem>>
      %dma_start3A_55 = arith.constant 0 : i32
      %dma_start3A_56 = tpu.memref_slice %arg4[%squeeze3A_45, %dma_start3A_55] : memref<1000000x64xf32, #tpu.memory_space<hbm>> -> memref<1x64xf32, #tpu.memory_space<hbm>>
      %dma_start3A_57 = tpu.memref_slice %arg12[%dma_start3A_51] : memref<2x!tpu.dma_semaphore, #tpu.memory_space<semaphore_mem>> -> memref<1x!tpu.dma_semaphore, #tpu.memory_space<semaphore_mem>>
      %dma_start3A_58 = tpu.memref_squeeze %dma_start3A_57 : memref<1x!tpu.dma_semaphore, #tpu.memory_space<semaphore_mem>> -> memref<!tpu.dma_semaphore, #tpu.memory_space<semaphore_mem>>
      %dma_start3A_59 = arith.constant 0 : i32
      %dma_start3A_60 = tpu.memref_slice %arg9[%dma_start3A_50, %add3A_49, %dma_start3A_59] : memref<2x32x64xf32, #tpu.memory_space<vmem>> -> memref<1x1x64xf32, #tpu.memory_space<vmem>>
      %dma_start3A_61 = tpu.memref_squeeze %dma_start3A_60 : memref<1x1x64xf32, #tpu.memory_space<vmem>> -> memref<1x64xf32, #tpu.memory_space<vmem>>
      %dma_start3A_62 = arith.constant 0 : i32
      %dma_start3A_63 = tpu.memref_slice %arg4[%squeeze3A_45, %dma_start3A_62] : memref<1000000x64xf32, #tpu.memory_space<hbm>> -> memref<1x64xf32, #tpu.memory_space<hbm>>
      tpu.enqueue_dma source(%dma_start3A_63 : memref<1x64xf32, #tpu.memory_space<hbm>>) target(%dma_start3A_61 : memref<1x64xf32, #tpu.memory_space<vmem>>) target_semaphore(%dma_start3A_58 : memref<!tpu.dma_semaphore, #tpu.memory_space<semaphore_mem>>)
      %slice3A_64 = vector.extract_strided_slice %get3A_26 {offsets = [2], sizes = [1], strides = [1]} : vector<16xi32> to vector<1xi32>
      %squeeze3A_65 = vector.extract %slice3A_64[0] : i32 from vector<1xi32>
      %mul3A_66 = arith.constant 16 : i32
      %mul3A_67 = arith.muli %scan3A_19, %mul3A_66 : i32
      %add3A_68 = arith.constant 2 : i32
      %add3A_69 = arith.addi %mul3A_67, %add3A_68 : i32
      %dma_start3A_70 = arith.constant 0 : i32
      %dma_start3A_71 = arith.constant 0 : i32
      %dma_start3A_72 = arith.constant 0 : i32
      %dma_start3A_73 = tpu.memref_slice %arg9[%dma_start3A_70, %add3A_69, %dma_start3A_72] : memref<2x32x64xf32, #tpu.memory_space<vmem>> -> memref<1x1x64xf32, #tpu.memory_space<vmem>>
      %dma_start3A_74 = tpu.memref_squeeze %dma_start3A_73 : memref<1x1x64xf32, #tpu.memory_space<vmem>> -> memref<1x64xf32, #tpu.memory_space<vmem>>
      %dma_start3A_75 = arith.constant 0 : i32
      %dma_start3A_76 = tpu.memref_slice %arg4[%squeeze3A_65, %dma_start3A_75] : memref<1000000x64xf32, #tpu.memory_space<hbm>> -> memref<1x64xf32, #tpu.memory_space<hbm>>
      %dma_start3A_77 = tpu.memref_slice %arg12[%dma_start3A_71] : memref<2x!tpu.dma_semaphore, #tpu.memory_space<semaphore_mem>> -> memref<1x!tpu.dma_semaphore, #tpu.memory_space<semaphore_mem>>
      %dma_start3A_78 = tpu.memref_squeeze %dma_start3A_77 : memref<1x!tpu.dma_semaphore, #tpu.memory_space<semaphore_mem>> -> memref<!tpu.dma_semaphore, #tpu.memory_space<semaphore_mem>>
      %dma_start3A_79 = arith.constant 0 : i32
      %dma_start3A_80 = tpu.memref_slice %arg9[%dma_start3A_70, %add3A_69, %dma_start3A_79] : memref<2x32x64xf32, #tpu.memory_space<vmem>> -> memref<1x1x64xf32, #tpu.memory_space<vmem>>
      %dma_start3A_81 = tpu.memref_squeeze %dma_start3A_80 : memref<1x1x64xf32, #tpu.memory_space<vmem>> -> memref<1x64xf32, #tpu.memory_space<vmem>>
      %dma_start3A_82 = arith.constant 0 : i32
      %dma_start3A_83 = tpu.memref_slice %arg4[%squeeze3A_65, %dma_start3A_82] : memref<1000000x64xf32, #tpu.memory_space<hbm>> -> memref<1x64xf32, #tpu.memory_space<hbm>>
      tpu.enqueue_dma source(%dma_start3A_83 : memref<1x64xf32, #tpu.memory_space<hbm>>) target(%dma_start3A_81 : memref<1x64xf32, #tpu.memory_space<vmem>>) target_semaphore(%dma_start3A_78 : memref<!tpu.dma_semaphore, #tpu.memory_space<semaphore_mem>>)
      %slice3A_84 = vector.extract_strided_slice %get3A_26 {offsets = [3], sizes = [1], strides = [1]} : vector<16xi32> to vector<1xi32>
      %squeeze3A_85 = vector.extract %slice3A_84[0] : i32 from vector<1xi32>
      %mul3A_86 = arith.constant 16 : i32
      %mul3A_87 = arith.muli %scan3A_19, %mul3A_86 : i32
      %add3A_88 = arith.constant 3 : i32
      %add3A_89 = arith.addi %mul3A_87, %add3A_88 : i32
      %dma_start3A_90 = arith.constant 0 : i32
      %dma_start3A_91 = arith.constant 0 : i32
      %dma_start3A_92 = arith.constant 0 : i32
      %dma_start3A_93 = tpu.memref_slice %arg9[%dma_start3A_90, %add3A_89, %dma_start3A_92] : memref<2x32x64xf32, #tpu.memory_space<vmem>> -> memref<1x1x64xf32, #tpu.memory_space<vmem>>
      %dma_start3A_94 = tpu.memref_squeeze %dma_start3A_93 : memref<1x1x64xf32, #tpu.memory_space<vmem>> -> memref<1x64xf32, #tpu.memory_space<vmem>>
      %dma_start3A_95 = arith.constant 0 : i32
      %dma_start3A_96 = tpu.memref_slice %arg4[%squeeze3A_85, %dma_start3A_95] : memref<1000000x64xf32, #tpu.memory_space<hbm>> -> memref<1x64xf32, #tpu.memory_space<hbm>>
      %dma_start3A_97 = tpu.memref_slice %arg12[%dma_start3A_91] : memref<2x!tpu.dma_semaphore, #tpu.memory_space<semaphore_mem>> -> memref<1x!tpu.dma_semaphore, #tpu.memory_space<semaphore_mem>>
      %dma_start3A_98 = tpu.memref_squeeze %dma_start3A_97 : memref<1x!tpu.dma_semaphore, #tpu.memory_space<semaphore_mem>> -> memref<!tpu.dma_semaphore, #tpu.memory_space<semaphore_mem>>
      %dma_start3A_99 = arith.constant 0 : i32
      %dma_start3A_100 = tpu.memref_slice %arg9[%dma_start3A_90, %add3A_89, %dma_start3A_99] : memref<2x32x64xf32, #tpu.memory_space<vmem>> -> memref<1x1x64xf32, #tpu.memory_space<vmem>>
      %dma_start3A_101 = tpu.memref_squeeze %dma_start3A_100 : memref<1x1x64xf32, #tpu.memory_space<vmem>> -> memref<1x64xf32, #tpu.memory_space<vmem>>
      %dma_start3A_102 = arith.constant 0 : i32
      %dma_start3A_103 = tpu.memref_slice %arg4[%squeeze3A_85, %dma_start3A_102] : memref<1000000x64xf32, #tpu.memory_space<hbm>> -> memref<1x64xf32, #tpu.memory_space<hbm>>
      tpu.enqueue_dma source(%dma_start3A_103 : memref<1x64xf32, #tpu.memory_space<hbm>>) target(%dma_start3A_101 : memref<1x64xf32, #tpu.memory_space<vmem>>) target_semaphore(%dma_start3A_98 : memref<!tpu.dma_semaphore, #tpu.memory_space<semaphore_mem>>)
      %slice3A_104 = vector.extract_strided_slice %get3A_26 {offsets = [4], sizes = [1], strides = [1]} : vector<16xi32> to vector<1xi32>
      %squeeze3A_105 = vector.extract %slice3A_104[0] : i32 from vector<1xi32>
      %mul3A_106 = arith.constant 16 : i32
      %mul3A_107 = arith.muli %scan3A_19, %mul3A_106 : i32
      %add3A_108 = arith.constant 4 : i32
      %add3A_109 = arith.addi %mul3A_107, %add3A_108 : i32
      %dma_start3A_110 = arith.constant 0 : i32
      %dma_start3A_111 = arith.constant 0 : i32
      %dma_start3A_112 = arith.constant 0 : i32
      %dma_start3A_113 = tpu.memref_slice %arg9[%dma_start3A_110, %add3A_109, %dma_start3A_112] : memref<2x32x64xf32, #tpu.memory_space<vmem>> -> memref<1x1x64xf32, #tpu.memory_space<vmem>>
      %dma_start3A_114 = tpu.memref_squeeze %dma_start3A_113 : memref<1x1x64xf32, #tpu.memory_space<vmem>> -> memref<1x64xf32, #tpu.memory_space<vmem>>
      %dma_start3A_115 = arith.constant 0 : i32
      %dma_start3A_116 = tpu.memref_slice %arg4[%squeeze3A_105, %dma_start3A_115] : memref<1000000x64xf32, #tpu.memory_space<hbm>> -> memref<1x64xf32, #tpu.memory_space<hbm>>
      %dma_start3A_117 = tpu.memref_slice %arg12[%dma_start3A_111] : memref<2x!tpu.dma_semaphore, #tpu.memory_space<semaphore_mem>> -> memref<1x!tpu.dma_semaphore, #tpu.memory_space<semaphore_mem>>
      %dma_start3A_118 = tpu.memref_squeeze %dma_start3A_117 : memref<1x!tpu.dma_semaphore, #tpu.memory_space<semaphore_mem>> -> memref<!tpu.dma_semaphore, #tpu.memory_space<semaphore_mem>>
      %dma_start3A_119 = arith.constant 0 : i32
      %dma_start3A_120 = tpu.memref_slice %arg9[%dma_start3A_110, %add3A_109, %dma_start3A_119] : memref<2x32x64xf32, #tpu.memory_space<vmem>> -> memref<1x1x64xf32, #tpu.memory_space<vmem>>
      %dma_start3A_121 = tpu.memref_squeeze %dma_start3A_120 : memref<1x1x64xf32, #tpu.memory_space<vmem>> -> memref<1x64xf32, #tpu.memory_space<vmem>>
      %dma_start3A_122 = arith.constant 0 : i32
      %dma_start3A_123 = tpu.memref_slice %arg4[%squeeze3A_105, %dma_start3A_122] : memref<1000000x64xf32, #tpu.memory_space<hbm>> -> memref<1x64xf32, #tpu.memory_space<hbm>>
      tpu.enqueue_dma source(%dma_start3A_123 : memref<1x64xf32, #tpu.memory_space<hbm>>) target(%dma_start3A_121 : memref<1x64xf32, #tpu.memory_space<vmem>>) target_semaphore(%dma_start3A_118 : memref<!tpu.dma_semaphore, #tpu.memory_space<semaphore_mem>>)
      %slice3A_124 = vector.extract_strided_slice %get3A_26 {offsets = [5], sizes = [1], strides = [1]} : vector<16xi32> to vector<1xi32>
      %squeeze3A_125 = vector.extract %slice3A_124[0] : i32 from vector<1xi32>
      %mul3A_126 = arith.constant 16 : i32
      %mul3A_127 = arith.muli %scan3A_19, %mul3A_126 : i32
      %add3A_128 = arith.constant 5 : i32
      %add3A_129 = arith.addi %mul3A_127, %add3A_128 : i32
      %dma_start3A_130 = arith.constant 0 : i32
      %dma_start3A_131 = arith.constant 0 : i32
      %dma_start3A_132 = arith.constant 0 : i32
      %dma_start3A_133 = tpu.memref_slice %arg9[%dma_start3A_130, %add3A_129, %dma_start3A_132] : memref<2x32x64xf32, #tpu.memory_space<vmem>> -> memref<1x1x64xf32, #tpu.memory_space<vmem>>
      %dma_start3A_134 = tpu.memref_squeeze %dma_start3A_133 : memref<1x1x64xf32, #tpu.memory_space<vmem>> -> memref<1x64xf32, #tpu.memory_space<vmem>>
      %dma_start3A_135 = arith.constant 0 : i32
      %dma_start3A_136 = tpu.memref_slice %arg4[%squeeze3A_125, %dma_start3A_135] : memref<1000000x64xf32, #tpu.memory_space<hbm>> -> memref<1x64xf32, #tpu.memory_space<hbm>>
      %dma_start3A_137 = tpu.memref_slice %arg12[%dma_start3A_131] : memref<2x!tpu.dma_semaphore, #tpu.memory_space<semaphore_mem>> -> memref<1x!tpu.dma_semaphore, #tpu.memory_space<semaphore_mem>>
      %dma_start3A_138 = tpu.memref_squeeze %dma_start3A_137 : memref<1x!tpu.dma_semaphore, #tpu.memory_space<semaphore_mem>> -> memref<!tpu.dma_semaphore, #tpu.memory_space<semaphore_mem>>
      %dma_start3A_139 = arith.constant 0 : i32
      %dma_start3A_140 = tpu.memref_slice %arg9[%dma_start3A_130, %add3A_129, %dma_start3A_139] : memref<2x32x64xf32, #tpu.memory_space<vmem>> -> memref<1x1x64xf32, #tpu.memory_space<vmem>>
      %dma_start3A_141 = tpu.memref_squeeze %dma_start3A_140 : memref<1x1x64xf32, #tpu.memory_space<vmem>> -> memref<1x64xf32, #tpu.memory_space<vmem>>
      %dma_start3A_142 = arith.constant 0 : i32
      %dma_start3A_143 = tpu.memref_slice %arg4[%squeeze3A_125, %dma_start3A_142] : memref<1000000x64xf32, #tpu.memory_space<hbm>> -> memref<1x64xf32, #tpu.memory_space<hbm>>
      tpu.enqueue_dma source(%dma_start3A_143 : memref<1x64xf32, #tpu.memory_space<hbm>>) target(%dma_start3A_141 : memref<1x64xf32, #tpu.memory_space<vmem>>) target_semaphore(%dma_start3A_138 : memref<!tpu.dma_semaphore, #tpu.memory_space<semaphore_mem>>)
      %slice3A_144 = vector.extract_strided_slice %get3A_26 {offsets = [6], sizes = [1], strides = [1]} : vector<16xi32> to vector<1xi32>
      %squeeze3A_145 = vector.extract %slice3A_144[0] : i32 from vector<1xi32>
      %mul3A_146 = arith.constant 16 : i32
      %mul3A_147 = arith.muli %scan3A_19, %mul3A_146 : i32
      %add3A_148 = arith.constant 6 : i32
      %add3A_149 = arith.addi %mul3A_147, %add3A_148 : i32
      %dma_start3A_150 = arith.constant 0 : i32
      %dma_start3A_151 = arith.constant 0 : i32
      %dma_start3A_152 = arith.constant 0 : i32
      %dma_start3A_153 = tpu.memref_slice %arg9[%dma_start3A_150, %add3A_149, %dma_start3A_152] : memref<2x32x64xf32, #tpu.memory_space<vmem>> -> memref<1x1x64xf32, #tpu.memory_space<vmem>>
      %dma_start3A_154 = tpu.memref_squeeze %dma_start3A_153 : memref<1x1x64xf32, #tpu.memory_space<vmem>> -> memref<1x64xf32, #tpu.memory_space<vmem>>
      %dma_start3A_155 = arith.constant 0 : i32
      %dma_start3A_156 = tpu.memref_slice %arg4[%squeeze3A_145, %dma_start3A_155] : memref<1000000x64xf32, #tpu.memory_space<hbm>> -> memref<1x64xf32, #tpu.memory_space<hbm>>
      %dma_start3A_157 = tpu.memref_slice %arg12[%dma_start3A_151] : memref<2x!tpu.dma_semaphore, #tpu.memory_space<semaphore_mem>> -> memref<1x!tpu.dma_semaphore, #tpu.memory_space<semaphore_mem>>
      %dma_start3A_158 = tpu.memref_squeeze %dma_start3A_157 : memref<1x!tpu.dma_semaphore, #tpu.memory_space<semaphore_mem>> -> memref<!tpu.dma_semaphore, #tpu.memory_space<semaphore_mem>>
      %dma_start3A_159 = arith.constant 0 : i32
      %dma_start3A_160 = tpu.memref_slice %arg9[%dma_start3A_150, %add3A_149, %dma_start3A_159] : memref<2x32x64xf32, #tpu.memory_space<vmem>> -> memref<1x1x64xf32, #tpu.memory_space<vmem>>
      %dma_start3A_161 = tpu.memref_squeeze %dma_start3A_160 : memref<1x1x64xf32, #tpu.memory_space<vmem>> -> memref<1x64xf32, #tpu.memory_space<vmem>>
      %dma_start3A_162 = arith.constant 0 : i32
      %dma_start3A_163 = tpu.memref_slice %arg4[%squeeze3A_145, %dma_start3A_162] : memref<1000000x64xf32, #tpu.memory_space<hbm>> -> memref<1x64xf32, #tpu.memory_space<hbm>>
      tpu.enqueue_dma source(%dma_start3A_163 : memref<1x64xf32, #tpu.memory_space<hbm>>) target(%dma_start3A_161 : memref<1x64xf32, #tpu.memory_space<vmem>>) target_semaphore(%dma_start3A_158 : memref<!tpu.dma_semaphore, #tpu.memory_space<semaphore_mem>>)
      %slice3A_164 = vector.extract_strided_slice %get3A_26 {offsets = [7], sizes = [1], strides = [1]} : vector<16xi32> to vector<1xi32>
      %squeeze3A_165 = vector.extract %slice3A_164[0] : i32 from vector<1xi32>
      %mul3A_166 = arith.constant 16 : i32
      %mul3A_167 = arith.muli %scan3A_19, %mul3A_166 : i32
      %add3A_168 = arith.constant 7 : i32
      %add3A_169 = arith.addi %mul3A_167, %add3A_168 : i32
      %dma_start3A_170 = arith.constant 0 : i32
      %dma_start3A_171 = arith.constant 0 : i32
      %dma_start3A_172 = arith.constant 0 : i32
      %dma_start3A_173 = tpu.memref_slice %arg9[%dma_start3A_170, %add3A_169, %dma_start3A_172] : memref<2x32x64xf32, #tpu.memory_space<vmem>> -> memref<1x1x64xf32, #tpu.memory_space<vmem>>
      %dma_start3A_174 = tpu.memref_squeeze %dma_start3A_173 : memref<1x1x64xf32, #tpu.memory_space<vmem>> -> memref<1x64xf32, #tpu.memory_space<vmem>>
      %dma_start3A_175 = arith.constant 0 : i32
      %dma_start3A_176 = tpu.memref_slice %arg4[%squeeze3A_165, %dma_start3A_175] : memref<1000000x64xf32, #tpu.memory_space<hbm>> -> memref<1x64xf32, #tpu.memory_space<hbm>>
      %dma_start3A_177 = tpu.memref_slice %arg12[%dma_start3A_171] : memref<2x!tpu.dma_semaphore, #tpu.memory_space<semaphore_mem>> -> memref<1x!tpu.dma_semaphore, #tpu.memory_space<semaphore_mem>>
      %dma_start3A_178 = tpu.memref_squeeze %dma_start3A_177 : memref<1x!tpu.dma_semaphore, #tpu.memory_space<semaphore_mem>> -> memref<!tpu.dma_semaphore, #tpu.memory_space<semaphore_mem>>
      %dma_start3A_179 = arith.constant 0 : i32
      %dma_start3A_180 = tpu.memref_slice %arg9[%dma_start3A_170, %add3A_169, %dma_start3A_179] : memref<2x32x64xf32, #tpu.memory_space<vmem>> -> memref<1x1x64xf32, #tpu.memory_space<vmem>>
      %dma_start3A_181 = tpu.memref_squeeze %dma_start3A_180 : memref<1x1x64xf32, #tpu.memory_space<vmem>> -> memref<1x64xf32, #tpu.memory_space<vmem>>
      %dma_start3A_182 = arith.constant 0 : i32
      %dma_start3A_183 = tpu.memref_slice %arg4[%squeeze3A_165, %dma_start3A_182] : memref<1000000x64xf32, #tpu.memory_space<hbm>> -> memref<1x64xf32, #tpu.memory_space<hbm>>
      tpu.enqueue_dma source(%dma_start3A_183 : memref<1x64xf32, #tpu.memory_space<hbm>>) target(%dma_start3A_181 : memref<1x64xf32, #tpu.memory_space<vmem>>) target_semaphore(%dma_start3A_178 : memref<!tpu.dma_semaphore, #tpu.memory_space<semaphore_mem>>)
      %slice3A_184 = vector.extract_strided_slice %get3A_26 {offsets = [8], sizes = [1], strides = [1]} : vector<16xi32> to vector<1xi32>
      %squeeze3A_185 = vector.extract %slice3A_184[0] : i32 from vector<1xi32>
      %mul3A_186 = arith.constant 16 : i32
      %mul3A_187 = arith.muli %scan3A_19, %mul3A_186 : i32
      %add3A_188 = arith.constant 8 : i32
      %add3A_189 = arith.addi %mul3A_187, %add3A_188 : i32
      %dma_start3A_190 = arith.constant 0 : i32
      %dma_start3A_191 = arith.constant 0 : i32
      %dma_start3A_192 = arith.constant 0 : i32
      %dma_start3A_193 = tpu.memref_slice %arg9[%dma_start3A_190, %add3A_189, %dma_start3A_192] : memref<2x32x64xf32, #tpu.memory_space<vmem>> -> memref<1x1x64xf32, #tpu.memory_space<vmem>>
      %dma_start3A_194 = tpu.memref_squeeze %dma_start3A_193 : memref<1x1x64xf32, #tpu.memory_space<vmem>> -> memref<1x64xf32, #tpu.memory_space<vmem>>
      %dma_start3A_195 = arith.constant 0 : i32
      %dma_start3A_196 = tpu.memref_slice %arg4[%squeeze3A_185, %dma_start3A_195] : memref<1000000x64xf32, #tpu.memory_space<hbm>> -> memref<1x64xf32, #tpu.memory_space<hbm>>
      %dma_start3A_197 = tpu.memref_slice %arg12[%dma_start3A_191] : memref<2x!tpu.dma_semaphore, #tpu.memory_space<semaphore_mem>> -> memref<1x!tpu.dma_semaphore, #tpu.memory_space<semaphore_mem>>
      %dma_start3A_198 = tpu.memref_squeeze %dma_start3A_197 : memref<1x!tpu.dma_semaphore, #tpu.memory_space<semaphore_mem>> -> memref<!tpu.dma_semaphore, #tpu.memory_space<semaphore_mem>>
      %dma_start3A_199 = arith.constant 0 : i32
      %dma_start3A_200 = tpu.memref_slice %arg9[%dma_start3A_190, %add3A_189, %dma_start3A_199] : memref<2x32x64xf32, #tpu.memory_space<vmem>> -> memref<1x1x64xf32, #tpu.memory_space<vmem>>
      %dma_start3A_201 = tpu.memref_squeeze %dma_start3A_200 : memref<1x1x64xf32, #tpu.memory_space<vmem>> -> memref<1x64xf32, #tpu.memory_space<vmem>>
      %dma_start3A_202 = arith.constant 0 : i32
      %dma_start3A_203 = tpu.memref_slice %arg4[%squeeze3A_185, %dma_start3A_202] : memref<1000000x64xf32, #tpu.memory_space<hbm>> -> memref<1x64xf32, #tpu.memory_space<hbm>>
      tpu.enqueue_dma source(%dma_start3A_203 : memref<1x64xf32, #tpu.memory_space<hbm>>) target(%dma_start3A_201 : memref<1x64xf32, #tpu.memory_space<vmem>>) target_semaphore(%dma_start3A_198 : memref<!tpu.dma_semaphore, #tpu.memory_space<semaphore_mem>>)
      %slice3A_204 = vector.extract_strided_slice %get3A_26 {offsets = [9], sizes = [1], strides = [1]} : vector<16xi32> to vector<1xi32>
      %squeeze3A_205 = vector.extract %slice3A_204[0] : i32 from vector<1xi32>
      %mul3A_206 = arith.constant 16 : i32
      %mul3A_207 = arith.muli %scan3A_19, %mul3A_206 : i32
      %add3A_208 = arith.constant 9 : i32
      %add3A_209 = arith.addi %mul3A_207, %add3A_208 : i32
      %dma_start3A_210 = arith.constant 0 : i32
      %dma_start3A_211 = arith.constant 0 : i32
      %dma_start3A_212 = arith.constant 0 : i32
      %dma_start3A_213 = tpu.memref_slice %arg9[%dma_start3A_210, %add3A_209, %dma_start3A_212] : memref<2x32x64xf32, #tpu.memory_space<vmem>> -> memref<1x1x64xf32, #tpu.memory_space<vmem>>
      %dma_start3A_214 = tpu.memref_squeeze %dma_start3A_213 : memref<1x1x64xf32, #tpu.memory_space<vmem>> -> memref<1x64xf32, #tpu.memory_space<vmem>>
      %dma_start3A_215 = arith.constant 0 : i32
      %dma_start3A_216 = tpu.memref_slice %arg4[%squeeze3A_205, %dma_start3A_215] : memref<1000000x64xf32, #tpu.memory_space<hbm>> -> memref<1x64xf32, #tpu.memory_space<hbm>>
      %dma_start3A_217 = tpu.memref_slice %arg12[%dma_start3A_211] : memref<2x!tpu.dma_semaphore, #tpu.memory_space<semaphore_mem>> -> memref<1x!tpu.dma_semaphore, #tpu.memory_space<semaphore_mem>>
      %dma_start3A_218 = tpu.memref_squeeze %dma_start3A_217 : memref<1x!tpu.dma_semaphore, #tpu.memory_space<semaphore_mem>> -> memref<!tpu.dma_semaphore, #tpu.memory_space<semaphore_mem>>
      %dma_start3A_219 = arith.constant 0 : i32
      %dma_start3A_220 = tpu.memref_slice %arg9[%dma_start3A_210, %add3A_209, %dma_start3A_219] : memref<2x32x64xf32, #tpu.memory_space<vmem>> -> memref<1x1x64xf32, #tpu.memory_space<vmem>>
      %dma_start3A_221 = tpu.memref_squeeze %dma_start3A_220 : memref<1x1x64xf32, #tpu.memory_space<vmem>> -> memref<1x64xf32, #tpu.memory_space<vmem>>
      %dma_start3A_222 = arith.constant 0 : i32
      %dma_start3A_223 = tpu.memref_slice %arg4[%squeeze3A_205, %dma_start3A_222] : memref<1000000x64xf32, #tpu.memory_space<hbm>> -> memref<1x64xf32, #tpu.memory_space<hbm>>
      tpu.enqueue_dma source(%dma_start3A_223 : memref<1x64xf32, #tpu.memory_space<hbm>>) target(%dma_start3A_221 : memref<1x64xf32, #tpu.memory_space<vmem>>) target_semaphore(%dma_start3A_218 : memref<!tpu.dma_semaphore, #tpu.memory_space<semaphore_mem>>)
      %slice3A_224 = vector.extract_strided_slice %get3A_26 {offsets = [10], sizes = [1], strides = [1]} : vector<16xi32> to vector<1xi32>
      %squeeze3A_225 = vector.extract %slice3A_224[0] : i32 from vector<1xi32>
      %mul3A_226 = arith.constant 16 : i32
      %mul3A_227 = arith.muli %scan3A_19, %mul3A_226 : i32
      %add3A_228 = arith.constant 10 : i32
      %add3A_229 = arith.addi %mul3A_227, %add3A_228 : i32
      %dma_start3A_230 = arith.constant 0 : i32
      %dma_start3A_231 = arith.constant 0 : i32
      %dma_start3A_232 = arith.constant 0 : i32
      %dma_start3A_233 = tpu.memref_slice %arg9[%dma_start3A_230, %add3A_229, %dma_start3A_232] : memref<2x32x64xf32, #tpu.memory_space<vmem>> -> memref<1x1x64xf32, #tpu.memory_space<vmem>>
      %dma_start3A_234 = tpu.memref_squeeze %dma_start3A_233 : memref<1x1x64xf32, #tpu.memory_space<vmem>> -> memref<1x64xf32, #tpu.memory_space<vmem>>
      %dma_start3A_235 = arith.constant 0 : i32
      %dma_start3A_236 = tpu.memref_slice %arg4[%squeeze3A_225, %dma_start3A_235] : memref<1000000x64xf32, #tpu.memory_space<hbm>> -> memref<1x64xf32, #tpu.memory_space<hbm>>
      %dma_start3A_237 = tpu.memref_slice %arg12[%dma_start3A_231] : memref<2x!tpu.dma_semaphore, #tpu.memory_space<semaphore_mem>> -> memref<1x!tpu.dma_semaphore, #tpu.memory_space<semaphore_mem>>
      %dma_start3A_238 = tpu.memref_squeeze %dma_start3A_237 : memref<1x!tpu.dma_semaphore, #tpu.memory_space<semaphore_mem>> -> memref<!tpu.dma_semaphore, #tpu.memory_space<semaphore_mem>>
      %dma_start3A_239 = arith.constant 0 : i32
      %dma_start3A_240 = tpu.memref_slice %arg9[%dma_start3A_230, %add3A_229, %dma_start3A_239] : memref<2x32x64xf32, #tpu.memory_space<vmem>> -> memref<1x1x64xf32, #tpu.memory_space<vmem>>
      %dma_start3A_241 = tpu.memref_squeeze %dma_start3A_240 : memref<1x1x64xf32, #tpu.memory_space<vmem>> -> memref<1x64xf32, #tpu.memory_space<vmem>>
      %dma_start3A_242 = arith.constant 0 : i32
      %dma_start3A_243 = tpu.memref_slice %arg4[%squeeze3A_225, %dma_start3A_242] : memref<1000000x64xf32, #tpu.memory_space<hbm>> -> memref<1x64xf32, #tpu.memory_space<hbm>>
      tpu.enqueue_dma source(%dma_start3A_243 : memref<1x64xf32, #tpu.memory_space<hbm>>) target(%dma_start3A_241 : memref<1x64xf32, #tpu.memory_space<vmem>>) target_semaphore(%dma_start3A_238 : memref<!tpu.dma_semaphore, #tpu.memory_space<semaphore_mem>>)
      %slice3A_244 = vector.extract_strided_slice %get3A_26 {offsets = [11], sizes = [1], strides = [1]} : vector<16xi32> to vector<1xi32>
      %squeeze3A_245 = vector.extract %slice3A_244[0] : i32 from vector<1xi32>
      %mul3A_246 = arith.constant 16 : i32
      %mul3A_247 = arith.muli %scan3A_19, %mul3A_246 : i32
      %add3A_248 = arith.constant 11 : i32
      %add3A_249 = arith.addi %mul3A_247, %add3A_248 : i32
      %dma_start3A_250 = arith.constant 0 : i32
      %dma_start3A_251 = arith.constant 0 : i32
      %dma_start3A_252 = arith.constant 0 : i32
      %dma_start3A_253 = tpu.memref_slice %arg9[%dma_start3A_250, %add3A_249, %dma_start3A_252] : memref<2x32x64xf32, #tpu.memory_space<vmem>> -> memref<1x1x64xf32, #tpu.memory_space<vmem>>
      %dma_start3A_254 = tpu.memref_squeeze %dma_start3A_253 : memref<1x1x64xf32, #tpu.memory_space<vmem>> -> memref<1x64xf32, #tpu.memory_space<vmem>>
      %dma_start3A_255 = arith.constant 0 : i32
      %dma_start3A_256 = tpu.memref_slice %arg4[%squeeze3A_245, %dma_start3A_255] : memref<1000000x64xf32, #tpu.memory_space<hbm>> -> memref<1x64xf32, #tpu.memory_space<hbm>>
      %dma_start3A_257 = tpu.memref_slice %arg12[%dma_start3A_251] : memref<2x!tpu.dma_semaphore, #tpu.memory_space<semaphore_mem>> -> memref<1x!tpu.dma_semaphore, #tpu.memory_space<semaphore_mem>>
      %dma_start3A_258 = tpu.memref_squeeze %dma_start3A_257 : memref<1x!tpu.dma_semaphore, #tpu.memory_space<semaphore_mem>> -> memref<!tpu.dma_semaphore, #tpu.memory_space<semaphore_mem>>
      %dma_start3A_259 = arith.constant 0 : i32
      %dma_start3A_260 = tpu.memref_slice %arg9[%dma_start3A_250, %add3A_249, %dma_start3A_259] : memref<2x32x64xf32, #tpu.memory_space<vmem>> -> memref<1x1x64xf32, #tpu.memory_space<vmem>>
      %dma_start3A_261 = tpu.memref_squeeze %dma_start3A_260 : memref<1x1x64xf32, #tpu.memory_space<vmem>> -> memref<1x64xf32, #tpu.memory_space<vmem>>
      %dma_start3A_262 = arith.constant 0 : i32
      %dma_start3A_263 = tpu.memref_slice %arg4[%squeeze3A_245, %dma_start3A_262] : memref<1000000x64xf32, #tpu.memory_space<hbm>> -> memref<1x64xf32, #tpu.memory_space<hbm>>
      tpu.enqueue_dma source(%dma_start3A_263 : memref<1x64xf32, #tpu.memory_space<hbm>>) target(%dma_start3A_261 : memref<1x64xf32, #tpu.memory_space<vmem>>) target_semaphore(%dma_start3A_258 : memref<!tpu.dma_semaphore, #tpu.memory_space<semaphore_mem>>)
      %slice3A_264 = vector.extract_strided_slice %get3A_26 {offsets = [12], sizes = [1], strides = [1]} : vector<16xi32> to vector<1xi32>
      %squeeze3A_265 = vector.extract %slice3A_264[0] : i32 from vector<1xi32>
      %mul3A_266 = arith.constant 16 : i32
      %mul3A_267 = arith.muli %scan3A_19, %mul3A_266 : i32
      %add3A_268 = arith.constant 12 : i32
      %add3A_269 = arith.addi %mul3A_267, %add3A_268 : i32
      %dma_start3A_270 = arith.constant 0 : i32
      %dma_start3A_271 = arith.constant 0 : i32
      %dma_start3A_272 = arith.constant 0 : i32
      %dma_start3A_273 = tpu.memref_slice %arg9[%dma_start3A_270, %add3A_269, %dma_start3A_272] : memref<2x32x64xf32, #tpu.memory_space<vmem>> -> memref<1x1x64xf32, #tpu.memory_space<vmem>>
      %dma_start3A_274 = tpu.memref_squeeze %dma_start3A_273 : memref<1x1x64xf32, #tpu.memory_space<vmem>> -> memref<1x64xf32, #tpu.memory_space<vmem>>
      %dma_start3A_275 = arith.constant 0 : i32
      %dma_start3A_276 = tpu.memref_slice %arg4[%squeeze3A_265, %dma_start3A_275] : memref<1000000x64xf32, #tpu.memory_space<hbm>> -> memref<1x64xf32, #tpu.memory_space<hbm>>
      %dma_start3A_277 = tpu.memref_slice %arg12[%dma_start3A_271] : memref<2x!tpu.dma_semaphore, #tpu.memory_space<semaphore_mem>> -> memref<1x!tpu.dma_semaphore, #tpu.memory_space<semaphore_mem>>
      %dma_start3A_278 = tpu.memref_squeeze %dma_start3A_277 : memref<1x!tpu.dma_semaphore, #tpu.memory_space<semaphore_mem>> -> memref<!tpu.dma_semaphore, #tpu.memory_space<semaphore_mem>>
      %dma_start3A_279 = arith.constant 0 : i32
      %dma_start3A_280 = tpu.memref_slice %arg9[%dma_start3A_270, %add3A_269, %dma_start3A_279] : memref<2x32x64xf32, #tpu.memory_space<vmem>> -> memref<1x1x64xf32, #tpu.memory_space<vmem>>
      %dma_start3A_281 = tpu.memref_squeeze %dma_start3A_280 : memref<1x1x64xf32, #tpu.memory_space<vmem>> -> memref<1x64xf32, #tpu.memory_space<vmem>>
      %dma_start3A_282 = arith.constant 0 : i32
      %dma_start3A_283 = tpu.memref_slice %arg4[%squeeze3A_265, %dma_start3A_282] : memref<1000000x64xf32, #tpu.memory_space<hbm>> -> memref<1x64xf32, #tpu.memory_space<hbm>>
      tpu.enqueue_dma source(%dma_start3A_283 : memref<1x64xf32, #tpu.memory_space<hbm>>) target(%dma_start3A_281 : memref<1x64xf32, #tpu.memory_space<vmem>>) target_semaphore(%dma_start3A_278 : memref<!tpu.dma_semaphore, #tpu.memory_space<semaphore_mem>>)
      %slice3A_284 = vector.extract_strided_slice %get3A_26 {offsets = [13], sizes = [1], strides = [1]} : vector<16xi32> to vector<1xi32>
      %squeeze3A_285 = vector.extract %slice3A_284[0] : i32 from vector<1xi32>
      %mul3A_286 = arith.constant 16 : i32
      %mul3A_287 = arith.muli %scan3A_19, %mul3A_286 : i32
      %add3A_288 = arith.constant 13 : i32
      %add3A_289 = arith.addi %mul3A_287, %add3A_288 : i32
      %dma_start3A_290 = arith.constant 0 : i32
      %dma_start3A_291 = arith.constant 0 : i32
      %dma_start3A_292 = arith.constant 0 : i32
      %dma_start3A_293 = tpu.memref_slice %arg9[%dma_start3A_290, %add3A_289, %dma_start3A_292] : memref<2x32x64xf32, #tpu.memory_space<vmem>> -> memref<1x1x64xf32, #tpu.memory_space<vmem>>
      %dma_start3A_294 = tpu.memref_squeeze %dma_start3A_293 : memref<1x1x64xf32, #tpu.memory_space<vmem>> -> memref<1x64xf32, #tpu.memory_space<vmem>>
      %dma_start3A_295 = arith.constant 0 : i32
      %dma_start3A_296 = tpu.memref_slice %arg4[%squeeze3A_285, %dma_start3A_295] : memref<1000000x64xf32, #tpu.memory_space<hbm>> -> memref<1x64xf32, #tpu.memory_space<hbm>>
      %dma_start3A_297 = tpu.memref_slice %arg12[%dma_start3A_291] : memref<2x!tpu.dma_semaphore, #tpu.memory_space<semaphore_mem>> -> memref<1x!tpu.dma_semaphore, #tpu.memory_space<semaphore_mem>>
      %dma_start3A_298 = tpu.memref_squeeze %dma_start3A_297 : memref<1x!tpu.dma_semaphore, #tpu.memory_space<semaphore_mem>> -> memref<!tpu.dma_semaphore, #tpu.memory_space<semaphore_mem>>
      %dma_start3A_299 = arith.constant 0 : i32
      %dma_start3A_300 = tpu.memref_slice %arg9[%dma_start3A_290, %add3A_289, %dma_start3A_299] : memref<2x32x64xf32, #tpu.memory_space<vmem>> -> memref<1x1x64xf32, #tpu.memory_space<vmem>>
      %dma_start3A_301 = tpu.memref_squeeze %dma_start3A_300 : memref<1x1x64xf32, #tpu.memory_space<vmem>> -> memref<1x64xf32, #tpu.memory_space<vmem>>
      %dma_start3A_302 = arith.constant 0 : i32
      %dma_start3A_303 = tpu.memref_slice %arg4[%squeeze3A_285, %dma_start3A_302] : memref<1000000x64xf32, #tpu.memory_space<hbm>> -> memref<1x64xf32, #tpu.memory_space<hbm>>
      tpu.enqueue_dma source(%dma_start3A_303 : memref<1x64xf32, #tpu.memory_space<hbm>>) target(%dma_start3A_301 : memref<1x64xf32, #tpu.memory_space<vmem>>) target_semaphore(%dma_start3A_298 : memref<!tpu.dma_semaphore, #tpu.memory_space<semaphore_mem>>)
      %slice3A_304 = vector.extract_strided_slice %get3A_26 {offsets = [14], sizes = [1], strides = [1]} : vector<16xi32> to vector<1xi32>
      %squeeze3A_305 = vector.extract %slice3A_304[0] : i32 from vector<1xi32>
      %mul3A_306 = arith.constant 16 : i32
      %mul3A_307 = arith.muli %scan3A_19, %mul3A_306 : i32
      %add3A_308 = arith.constant 14 : i32
      %add3A_309 = arith.addi %mul3A_307, %add3A_308 : i32
      %dma_start3A_310 = arith.constant 0 : i32
      %dma_start3A_311 = arith.constant 0 : i32
      %dma_start3A_312 = arith.constant 0 : i32
      %dma_start3A_313 = tpu.memref_slice %arg9[%dma_start3A_310, %add3A_309, %dma_start3A_312] : memref<2x32x64xf32, #tpu.memory_space<vmem>> -> memref<1x1x64xf32, #tpu.memory_space<vmem>>
      %dma_start3A_314 = tpu.memref_squeeze %dma_start3A_313 : memref<1x1x64xf32, #tpu.memory_space<vmem>> -> memref<1x64xf32, #tpu.memory_space<vmem>>
      %dma_start3A_315 = arith.constant 0 : i32
      %dma_start3A_316 = tpu.memref_slice %arg4[%squeeze3A_305, %dma_start3A_315] : memref<1000000x64xf32, #tpu.memory_space<hbm>> -> memref<1x64xf32, #tpu.memory_space<hbm>>
      %dma_start3A_317 = tpu.memref_slice %arg12[%dma_start3A_311] : memref<2x!tpu.dma_semaphore, #tpu.memory_space<semaphore_mem>> -> memref<1x!tpu.dma_semaphore, #tpu.memory_space<semaphore_mem>>
      %dma_start3A_318 = tpu.memref_squeeze %dma_start3A_317 : memref<1x!tpu.dma_semaphore, #tpu.memory_space<semaphore_mem>> -> memref<!tpu.dma_semaphore, #tpu.memory_space<semaphore_mem>>
      %dma_start3A_319 = arith.constant 0 : i32
      %dma_start3A_320 = tpu.memref_slice %arg9[%dma_start3A_310, %add3A_309, %dma_start3A_319] : memref<2x32x64xf32, #tpu.memory_space<vmem>> -> memref<1x1x64xf32, #tpu.memory_space<vmem>>
      %dma_start3A_321 = tpu.memref_squeeze %dma_start3A_320 : memref<1x1x64xf32, #tpu.memory_space<vmem>> -> memref<1x64xf32, #tpu.memory_space<vmem>>
      %dma_start3A_322 = arith.constant 0 : i32
      %dma_start3A_323 = tpu.memref_slice %arg4[%squeeze3A_305, %dma_start3A_322] : memref<1000000x64xf32, #tpu.memory_space<hbm>> -> memref<1x64xf32, #tpu.memory_space<hbm>>
      tpu.enqueue_dma source(%dma_start3A_323 : memref<1x64xf32, #tpu.memory_space<hbm>>) target(%dma_start3A_321 : memref<1x64xf32, #tpu.memory_space<vmem>>) target_semaphore(%dma_start3A_318 : memref<!tpu.dma_semaphore, #tpu.memory_space<semaphore_mem>>)
      %slice3A_324 = vector.extract_strided_slice %get3A_26 {offsets = [15], sizes = [1], strides = [1]} : vector<16xi32> to vector<1xi32>
      %squeeze3A_325 = vector.extract %slice3A_324[0] : i32 from vector<1xi32>
      %mul3A_326 = arith.constant 16 : i32
      %mul3A_327 = arith.muli %scan3A_19, %mul3A_326 : i32
      %add3A_328 = arith.constant 15 : i32
      %add3A_329 = arith.addi %mul3A_327, %add3A_328 : i32
      %dma_start3A_330 = arith.constant 0 : i32
      %dma_start3A_331 = arith.constant 0 : i32
      %dma_start3A_332 = arith.constant 0 : i32
      %dma_start3A_333 = tpu.memref_slice %arg9[%dma_start3A_330, %add3A_329, %dma_start3A_332] : memref<2x32x64xf32, #tpu.memory_space<vmem>> -> memref<1x1x64xf32, #tpu.memory_space<vmem>>
      %dma_start3A_334 = tpu.memref_squeeze %dma_start3A_333 : memref<1x1x64xf32, #tpu.memory_space<vmem>> -> memref<1x64xf32, #tpu.memory_space<vmem>>
      %dma_start3A_335 = arith.constant 0 : i32
      %dma_start3A_336 = tpu.memref_slice %arg4[%squeeze3A_325, %dma_start3A_335] : memref<1000000x64xf32, #tpu.memory_space<hbm>> -> memref<1x64xf32, #tpu.memory_space<hbm>>
      %dma_start3A_337 = tpu.memref_slice %arg12[%dma_start3A_331] : memref<2x!tpu.dma_semaphore, #tpu.memory_space<semaphore_mem>> -> memref<1x!tpu.dma_semaphore, #tpu.memory_space<semaphore_mem>>
      %dma_start3A_338 = tpu.memref_squeeze %dma_start3A_337 : memref<1x!tpu.dma_semaphore, #tpu.memory_space<semaphore_mem>> -> memref<!tpu.dma_semaphore, #tpu.memory_space<semaphore_mem>>
      %dma_start3A_339 = arith.constant 0 : i32
      %dma_start3A_340 = tpu.memref_slice %arg9[%dma_start3A_330, %add3A_329, %dma_start3A_339] : memref<2x32x64xf32, #tpu.memory_space<vmem>> -> memref<1x1x64xf32, #tpu.memory_space<vmem>>
      %dma_start3A_341 = tpu.memref_squeeze %dma_start3A_340 : memref<1x1x64xf32, #tpu.memory_space<vmem>> -> memref<1x64xf32, #tpu.memory_space<vmem>>
      %dma_start3A_342 = arith.constant 0 : i32
      %dma_start3A_343 = tpu.memref_slice %arg4[%squeeze3A_325, %dma_start3A_342] : memref<1000000x64xf32, #tpu.memory_space<hbm>> -> memref<1x64xf32, #tpu.memory_space<hbm>>
      tpu.enqueue_dma source(%dma_start3A_343 : memref<1x64xf32, #tpu.memory_space<hbm>>) target(%dma_start3A_341 : memref<1x64xf32, #tpu.memory_space<vmem>>) target_semaphore(%dma_start3A_338 : memref<!tpu.dma_semaphore, #tpu.memory_space<semaphore_mem>>)
    }
    %scan3A_12 = arith.constant 2 : i32
    %scan3A_13 = arith.constant 0 : i32
    %scan3A_14 = arith.constant 0 : i32
    %scan3A_15 = arith.constant 16 : i32
    %scan3A_16 = arith.addi %scan3A_14, %scan3A_15 : i32
    %scan3A_17 = arith.constant 1 : i32
    scf.for %scan3A_19 = %scan3A_14 to %scan3A_16 step %scan3A_17  : i32 {
      %add3A_20 = arith.constant 1 : i32
      %add3A_21 = arith.addi %scan3A_19, %add3A_20 : i32
      %lt3A = arith.constant 16 : i32
      %lt3A_22 = arith.cmpi slt, %add3A_21, %lt3A : i32
      %convert_element_type3A = arith.extui %lt3A_22 : i1 to i32
      %cond3A = arith.constant 0 : i32
      %cond3A_23 = arith.cmpi ne, %convert_element_type3A, %cond3A : i32
      scf.if %cond3A_23 {
        %add3A_87 = arith.constant 1 : i32
        %add3A_88 = arith.addi %scan3A_19, %add3A_87 : i32
        %jit3A_89 = arith.constant 2 : i32
        %eq3A_90 = arith.constant 0 : i32
        %eq3A_91 = arith.cmpi eq, %jit3A_89, %eq3A_90 : i32
        %jit3A_92 = arith.constant 1 : i32
        %select_n3A_93 = arith.select %eq3A_91, %jit3A_92, %jit3A_89 : i32
        %rem3A_94 = arith.remsi %add3A_88, %select_n3A_93 : i32
        %ne3A_95 = arith.constant 0 : i32
        %ne3A_96 = arith.cmpi ne, %rem3A_94, %ne3A_95 : i32
        %lt3A_97 = arith.constant 0 : i32
        %lt3A_98 = arith.cmpi slt, %rem3A_94, %lt3A_97 : i32
        %lt3A_99 = arith.constant 0 : i32
        %lt3A_100 = arith.cmpi slt, %select_n3A_93, %lt3A_99 : i32
        %ne3A_101 = arith.xori %lt3A_98, %lt3A_100 : i1
        %and3A_102 = arith.andi %ne3A_101, %ne3A_96 : i1
        %add3A_103 = arith.addi %rem3A_94, %select_n3A_93 : i32
        %select_n3A_104 = arith.select %and3A_102, %add3A_103, %rem3A_94 : i32
        %scan3A_105 = arith.constant 0 : i32
        %scan3A_106 = arith.constant 0 : i32
        %scan3A_107 = arith.constant 2 : i32
        %scan3A_108 = arith.addi %scan3A_106, %scan3A_107 : i32
        %scan3A_109 = arith.constant 1 : i32
        scf.for %scan3A_111 = %scan3A_106 to %scan3A_108 step %scan3A_109  : i32 {
          %mul3A_112 = arith.constant 32 : i32
          %mul3A_113 = arith.muli %add3A_88, %mul3A_112 : i32
          %mul3A_114 = arith.constant 16 : i32
          %mul3A_115 = arith.muli %scan3A_111, %mul3A_114 : i32
          %add3A_116 = arith.addi %mul3A_113, %mul3A_115 : i32
          %get3A_117 = arith.index_cast %add3A_116 : i32 to index
          %get3A_118 = tpu.vector_load %arg8[%get3A_117] {strides = array<i32>} : memref<512xi32, #tpu.memory_space<vmem>>, vector<16xi32>,
          %get3A_119 = vector.shape_cast %get3A_118 : vector<16xi32> to vector<16xi32>
          %slice3A = vector.extract_strided_slice %get3A_119 {offsets = [0], sizes = [1], strides = [1]} : vector<16xi32> to vector<1xi32>
          %squeeze3A = vector.extract %slice3A[0] : i32 from vector<1xi32>
          %mul3A_120 = arith.constant 16 : i32
          %mul3A_121 = arith.muli %scan3A_111, %mul3A_120 : i32
          %add3A_122 = arith.constant 0 : i32
          %add3A_123 = arith.addi %mul3A_121, %add3A_122 : i32
          %dma_start3A = arith.constant 0 : i32
          %dma_start3A_124 = tpu.memref_slice %arg9[%select_n3A_104, %add3A_123, %dma_start3A] : memref<2x32x64xf32, #tpu.memory_space<vmem>> -> memref<1x1x64xf32, #tpu.memory_space<vmem>>
          %dma_start3A_125 = tpu.memref_squeeze %dma_start3A_124 : memref<1x1x64xf32, #tpu.memory_space<vmem>> -> memref<1x64xf32, #tpu.memory_space<vmem>>
          %dma_start3A_126 = arith.constant 0 : i32
          %dma_start3A_127 = tpu.memref_slice %arg4[%squeeze3A, %dma_start3A_126] : memref<1000000x64xf32, #tpu.memory_space<hbm>> -> memref<1x64xf32, #tpu.memory_space<hbm>>
          %dma_start3A_128 = tpu.memref_slice %arg12[%select_n3A_104] : memref<2x!tpu.dma_semaphore, #tpu.memory_space<semaphore_mem>> -> memref<1x!tpu.dma_semaphore, #tpu.memory_space<semaphore_mem>>
          %dma_start3A_129 = tpu.memref_squeeze %dma_start3A_128 : memref<1x!tpu.dma_semaphore, #tpu.memory_space<semaphore_mem>> -> memref<!tpu.dma_semaphore, #tpu.memory_space<semaphore_mem>>
          %dma_start3A_130 = arith.constant 0 : i32
          %dma_start3A_131 = tpu.memref_slice %arg9[%select_n3A_104, %add3A_123, %dma_start3A_130] : memref<2x32x64xf32, #tpu.memory_space<vmem>> -> memref<1x1x64xf32, #tpu.memory_space<vmem>>
          %dma_start3A_132 = tpu.memref_squeeze %dma_start3A_131 : memref<1x1x64xf32, #tpu.memory_space<vmem>> -> memref<1x64xf32, #tpu.memory_space<vmem>>
          %dma_start3A_133 = arith.constant 0 : i32
          %dma_start3A_134 = tpu.memref_slice %arg4[%squeeze3A, %dma_start3A_133] : memref<1000000x64xf32, #tpu.memory_space<hbm>> -> memref<1x64xf32, #tpu.memory_space<hbm>>
          tpu.enqueue_dma source(%dma_start3A_134 : memref<1x64xf32, #tpu.memory_space<hbm>>) target(%dma_start3A_132 : memref<1x64xf32, #tpu.memory_space<vmem>>) target_semaphore(%dma_start3A_129 : memref<!tpu.dma_semaphore, #tpu.memory_space<semaphore_mem>>)
          %slice3A_135 = vector.extract_strided_slice %get3A_119 {offsets = [1], sizes = [1], strides = [1]} : vector<16xi32> to vector<1xi32>
          %squeeze3A_136 = vector.extract %slice3A_135[0] : i32 from vector<1xi32>
          %mul3A_137 = arith.constant 16 : i32
          %mul3A_138 = arith.muli %scan3A_111, %mul3A_137 : i32
          %add3A_139 = arith.constant 1 : i32
          %add3A_140 = arith.addi %mul3A_138, %add3A_139 : i32
          %dma_start3A_141 = arith.constant 0 : i32
          %dma_start3A_142 = tpu.memref_slice %arg9[%select_n3A_104, %add3A_140, %dma_start3A_141] : memref<2x32x64xf32, #tpu.memory_space<vmem>> -> memref<1x1x64xf32, #tpu.memory_space<vmem>>
          %dma_start3A_143 = tpu.memref_squeeze %dma_start3A_142 : memref<1x1x64xf32, #tpu.memory_space<vmem>> -> memref<1x64xf32, #tpu.memory_space<vmem>>
          %dma_start3A_144 = arith.constant 0 : i32
          %dma_start3A_145 = tpu.memref_slice %arg4[%squeeze3A_136, %dma_start3A_144] : memref<1000000x64xf32, #tpu.memory_space<hbm>> -> memref<1x64xf32, #tpu.memory_space<hbm>>
          %dma_start3A_146 = tpu.memref_slice %arg12[%select_n3A_104] : memref<2x!tpu.dma_semaphore, #tpu.memory_space<semaphore_mem>> -> memref<1x!tpu.dma_semaphore, #tpu.memory_space<semaphore_mem>>
          %dma_start3A_147 = tpu.memref_squeeze %dma_start3A_146 : memref<1x!tpu.dma_semaphore, #tpu.memory_space<semaphore_mem>> -> memref<!tpu.dma_semaphore, #tpu.memory_space<semaphore_mem>>
          %dma_start3A_148 = arith.constant 0 : i32
          %dma_start3A_149 = tpu.memref_slice %arg9[%select_n3A_104, %add3A_140, %dma_start3A_148] : memref<2x32x64xf32, #tpu.memory_space<vmem>> -> memref<1x1x64xf32, #tpu.memory_space<vmem>>
          %dma_start3A_150 = tpu.memref_squeeze %dma_start3A_149 : memref<1x1x64xf32, #tpu.memory_space<vmem>> -> memref<1x64xf32, #tpu.memory_space<vmem>>
          %dma_start3A_151 = arith.constant 0 : i32
          %dma_start3A_152 = tpu.memref_slice %arg4[%squeeze3A_136, %dma_start3A_151] : memref<1000000x64xf32, #tpu.memory_space<hbm>> -> memref<1x64xf32, #tpu.memory_space<hbm>>
          tpu.enqueue_dma source(%dma_start3A_152 : memref<1x64xf32, #tpu.memory_space<hbm>>) target(%dma_start3A_150 : memref<1x64xf32, #tpu.memory_space<vmem>>) target_semaphore(%dma_start3A_147 : memref<!tpu.dma_semaphore, #tpu.memory_space<semaphore_mem>>)
          %slice3A_153 = vector.extract_strided_slice %get3A_119 {offsets = [2], sizes = [1], strides = [1]} : vector<16xi32> to vector<1xi32>
          %squeeze3A_154 = vector.extract %slice3A_153[0] : i32 from vector<1xi32>
          %mul3A_155 = arith.constant 16 : i32
          %mul3A_156 = arith.muli %scan3A_111, %mul3A_155 : i32
          %add3A_157 = arith.constant 2 : i32
          %add3A_158 = arith.addi %mul3A_156, %add3A_157 : i32
          %dma_start3A_159 = arith.constant 0 : i32
          %dma_start3A_160 = tpu.memref_slice %arg9[%select_n3A_104, %add3A_158, %dma_start3A_159] : memref<2x32x64xf32, #tpu.memory_space<vmem>> -> memref<1x1x64xf32, #tpu.memory_space<vmem>>
          %dma_start3A_161 = tpu.memref_squeeze %dma_start3A_160 : memref<1x1x64xf32, #tpu.memory_space<vmem>> -> memref<1x64xf32, #tpu.memory_space<vmem>>
          %dma_start3A_162 = arith.constant 0 : i32
          %dma_start3A_163 = tpu.memref_slice %arg4[%squeeze3A_154, %dma_start3A_162] : memref<1000000x64xf32, #tpu.memory_space<hbm>> -> memref<1x64xf32, #tpu.memory_space<hbm>>
          %dma_start3A_164 = tpu.memref_slice %arg12[%select_n3A_104] : memref<2x!tpu.dma_semaphore, #tpu.memory_space<semaphore_mem>> -> memref<1x!tpu.dma_semaphore, #tpu.memory_space<semaphore_mem>>
          %dma_start3A_165 = tpu.memref_squeeze %dma_start3A_164 : memref<1x!tpu.dma_semaphore, #tpu.memory_space<semaphore_mem>> -> memref<!tpu.dma_semaphore, #tpu.memory_space<semaphore_mem>>
          %dma_start3A_166 = arith.constant 0 : i32
          %dma_start3A_167 = tpu.memref_slice %arg9[%select_n3A_104, %add3A_158, %dma_start3A_166] : memref<2x32x64xf32, #tpu.memory_space<vmem>> -> memref<1x1x64xf32, #tpu.memory_space<vmem>>
          %dma_start3A_168 = tpu.memref_squeeze %dma_start3A_167 : memref<1x1x64xf32, #tpu.memory_space<vmem>> -> memref<1x64xf32, #tpu.memory_space<vmem>>
          %dma_start3A_169 = arith.constant 0 : i32
          %dma_start3A_170 = tpu.memref_slice %arg4[%squeeze3A_154, %dma_start3A_169] : memref<1000000x64xf32, #tpu.memory_space<hbm>> -> memref<1x64xf32, #tpu.memory_space<hbm>>
          tpu.enqueue_dma source(%dma_start3A_170 : memref<1x64xf32, #tpu.memory_space<hbm>>) target(%dma_start3A_168 : memref<1x64xf32, #tpu.memory_space<vmem>>) target_semaphore(%dma_start3A_165 : memref<!tpu.dma_semaphore, #tpu.memory_space<semaphore_mem>>)
          %slice3A_171 = vector.extract_strided_slice %get3A_119 {offsets = [3], sizes = [1], strides = [1]} : vector<16xi32> to vector<1xi32>
          %squeeze3A_172 = vector.extract %slice3A_171[0] : i32 from vector<1xi32>
          %mul3A_173 = arith.constant 16 : i32
          %mul3A_174 = arith.muli %scan3A_111, %mul3A_173 : i32
          %add3A_175 = arith.constant 3 : i32
          %add3A_176 = arith.addi %mul3A_174, %add3A_175 : i32
          %dma_start3A_177 = arith.constant 0 : i32
          %dma_start3A_178 = tpu.memref_slice %arg9[%select_n3A_104, %add3A_176, %dma_start3A_177] : memref<2x32x64xf32, #tpu.memory_space<vmem>> -> memref<1x1x64xf32, #tpu.memory_space<vmem>>
          %dma_start3A_179 = tpu.memref_squeeze %dma_start3A_178 : memref<1x1x64xf32, #tpu.memory_space<vmem>> -> memref<1x64xf32, #tpu.memory_space<vmem>>
          %dma_start3A_180 = arith.constant 0 : i32
          %dma_start3A_181 = tpu.memref_slice %arg4[%squeeze3A_172, %dma_start3A_180] : memref<1000000x64xf32, #tpu.memory_space<hbm>> -> memref<1x64xf32, #tpu.memory_space<hbm>>
          %dma_start3A_182 = tpu.memref_slice %arg12[%select_n3A_104] : memref<2x!tpu.dma_semaphore, #tpu.memory_space<semaphore_mem>> -> memref<1x!tpu.dma_semaphore, #tpu.memory_space<semaphore_mem>>
          %dma_start3A_183 = tpu.memref_squeeze %dma_start3A_182 : memref<1x!tpu.dma_semaphore, #tpu.memory_space<semaphore_mem>> -> memref<!tpu.dma_semaphore, #tpu.memory_space<semaphore_mem>>
          %dma_start3A_184 = arith.constant 0 : i32
          %dma_start3A_185 = tpu.memref_slice %arg9[%select_n3A_104, %add3A_176, %dma_start3A_184] : memref<2x32x64xf32, #tpu.memory_space<vmem>> -> memref<1x1x64xf32, #tpu.memory_space<vmem>>
          %dma_start3A_186 = tpu.memref_squeeze %dma_start3A_185 : memref<1x1x64xf32, #tpu.memory_space<vmem>> -> memref<1x64xf32, #tpu.memory_space<vmem>>
          %dma_start3A_187 = arith.constant 0 : i32
          %dma_start3A_188 = tpu.memref_slice %arg4[%squeeze3A_172, %dma_start3A_187] : memref<1000000x64xf32, #tpu.memory_space<hbm>> -> memref<1x64xf32, #tpu.memory_space<hbm>>
          tpu.enqueue_dma source(%dma_start3A_188 : memref<1x64xf32, #tpu.memory_space<hbm>>) target(%dma_start3A_186 : memref<1x64xf32, #tpu.memory_space<vmem>>) target_semaphore(%dma_start3A_183 : memref<!tpu.dma_semaphore, #tpu.memory_space<semaphore_mem>>)
          %slice3A_189 = vector.extract_strided_slice %get3A_119 {offsets = [4], sizes = [1], strides = [1]} : vector<16xi32> to vector<1xi32>
          %squeeze3A_190 = vector.extract %slice3A_189[0] : i32 from vector<1xi32>
          %mul3A_191 = arith.constant 16 : i32
          %mul3A_192 = arith.muli %scan3A_111, %mul3A_191 : i32
          %add3A_193 = arith.constant 4 : i32
          %add3A_194 = arith.addi %mul3A_192, %add3A_193 : i32
          %dma_start3A_195 = arith.constant 0 : i32
          %dma_start3A_196 = tpu.memref_slice %arg9[%select_n3A_104, %add3A_194, %dma_start3A_195] : memref<2x32x64xf32, #tpu.memory_space<vmem>> -> memref<1x1x64xf32, #tpu.memory_space<vmem>>
          %dma_start3A_197 = tpu.memref_squeeze %dma_start3A_196 : memref<1x1x64xf32, #tpu.memory_space<vmem>> -> memref<1x64xf32, #tpu.memory_space<vmem>>
          %dma_start3A_198 = arith.constant 0 : i32
          %dma_start3A_199 = tpu.memref_slice %arg4[%squeeze3A_190, %dma_start3A_198] : memref<1000000x64xf32, #tpu.memory_space<hbm>> -> memref<1x64xf32, #tpu.memory_space<hbm>>
          %dma_start3A_200 = tpu.memref_slice %arg12[%select_n3A_104] : memref<2x!tpu.dma_semaphore, #tpu.memory_space<semaphore_mem>> -> memref<1x!tpu.dma_semaphore, #tpu.memory_space<semaphore_mem>>
          %dma_start3A_201 = tpu.memref_squeeze %dma_start3A_200 : memref<1x!tpu.dma_semaphore, #tpu.memory_space<semaphore_mem>> -> memref<!tpu.dma_semaphore, #tpu.memory_space<semaphore_mem>>
          %dma_start3A_202 = arith.constant 0 : i32
          %dma_start3A_203 = tpu.memref_slice %arg9[%select_n3A_104, %add3A_194, %dma_start3A_202] : memref<2x32x64xf32, #tpu.memory_space<vmem>> -> memref<1x1x64xf32, #tpu.memory_space<vmem>>
          %dma_start3A_204 = tpu.memref_squeeze %dma_start3A_203 : memref<1x1x64xf32, #tpu.memory_space<vmem>> -> memref<1x64xf32, #tpu.memory_space<vmem>>
          %dma_start3A_205 = arith.constant 0 : i32
          %dma_start3A_206 = tpu.memref_slice %arg4[%squeeze3A_190, %dma_start3A_205] : memref<1000000x64xf32, #tpu.memory_space<hbm>> -> memref<1x64xf32, #tpu.memory_space<hbm>>
          tpu.enqueue_dma source(%dma_start3A_206 : memref<1x64xf32, #tpu.memory_space<hbm>>) target(%dma_start3A_204 : memref<1x64xf32, #tpu.memory_space<vmem>>) target_semaphore(%dma_start3A_201 : memref<!tpu.dma_semaphore, #tpu.memory_space<semaphore_mem>>)
          %slice3A_207 = vector.extract_strided_slice %get3A_119 {offsets = [5], sizes = [1], strides = [1]} : vector<16xi32> to vector<1xi32>
          %squeeze3A_208 = vector.extract %slice3A_207[0] : i32 from vector<1xi32>
          %mul3A_209 = arith.constant 16 : i32
          %mul3A_210 = arith.muli %scan3A_111, %mul3A_209 : i32
          %add3A_211 = arith.constant 5 : i32
          %add3A_212 = arith.addi %mul3A_210, %add3A_211 : i32
          %dma_start3A_213 = arith.constant 0 : i32
          %dma_start3A_214 = tpu.memref_slice %arg9[%select_n3A_104, %add3A_212, %dma_start3A_213] : memref<2x32x64xf32, #tpu.memory_space<vmem>> -> memref<1x1x64xf32, #tpu.memory_space<vmem>>
          %dma_start3A_215 = tpu.memref_squeeze %dma_start3A_214 : memref<1x1x64xf32, #tpu.memory_space<vmem>> -> memref<1x64xf32, #tpu.memory_space<vmem>>
          %dma_start3A_216 = arith.constant 0 : i32
          %dma_start3A_217 = tpu.memref_slice %arg4[%squeeze3A_208, %dma_start3A_216] : memref<1000000x64xf32, #tpu.memory_space<hbm>> -> memref<1x64xf32, #tpu.memory_space<hbm>>
          %dma_start3A_218 = tpu.memref_slice %arg12[%select_n3A_104] : memref<2x!tpu.dma_semaphore, #tpu.memory_space<semaphore_mem>> -> memref<1x!tpu.dma_semaphore, #tpu.memory_space<semaphore_mem>>
          %dma_start3A_219 = tpu.memref_squeeze %dma_start3A_218 : memref<1x!tpu.dma_semaphore, #tpu.memory_space<semaphore_mem>> -> memref<!tpu.dma_semaphore, #tpu.memory_space<semaphore_mem>>
          %dma_start3A_220 = arith.constant 0 : i32
          %dma_start3A_221 = tpu.memref_slice %arg9[%select_n3A_104, %add3A_212, %dma_start3A_220] : memref<2x32x64xf32, #tpu.memory_space<vmem>> -> memref<1x1x64xf32, #tpu.memory_space<vmem>>
          %dma_start3A_222 = tpu.memref_squeeze %dma_start3A_221 : memref<1x1x64xf32, #tpu.memory_space<vmem>> -> memref<1x64xf32, #tpu.memory_space<vmem>>
          %dma_start3A_223 = arith.constant 0 : i32
          %dma_start3A_224 = tpu.memref_slice %arg4[%squeeze3A_208, %dma_start3A_223] : memref<1000000x64xf32, #tpu.memory_space<hbm>> -> memref<1x64xf32, #tpu.memory_space<hbm>>
          tpu.enqueue_dma source(%dma_start3A_224 : memref<1x64xf32, #tpu.memory_space<hbm>>) target(%dma_start3A_222 : memref<1x64xf32, #tpu.memory_space<vmem>>) target_semaphore(%dma_start3A_219 : memref<!tpu.dma_semaphore, #tpu.memory_space<semaphore_mem>>)
          %slice3A_225 = vector.extract_strided_slice %get3A_119 {offsets = [6], sizes = [1], strides = [1]} : vector<16xi32> to vector<1xi32>
          %squeeze3A_226 = vector.extract %slice3A_225[0] : i32 from vector<1xi32>
          %mul3A_227 = arith.constant 16 : i32
          %mul3A_228 = arith.muli %scan3A_111, %mul3A_227 : i32
          %add3A_229 = arith.constant 6 : i32
          %add3A_230 = arith.addi %mul3A_228, %add3A_229 : i32
          %dma_start3A_231 = arith.constant 0 : i32
          %dma_start3A_232 = tpu.memref_slice %arg9[%select_n3A_104, %add3A_230, %dma_start3A_231] : memref<2x32x64xf32, #tpu.memory_space<vmem>> -> memref<1x1x64xf32, #tpu.memory_space<vmem>>
          %dma_start3A_233 = tpu.memref_squeeze %dma_start3A_232 : memref<1x1x64xf32, #tpu.memory_space<vmem>> -> memref<1x64xf32, #tpu.memory_space<vmem>>
          %dma_start3A_234 = arith.constant 0 : i32
          %dma_start3A_235 = tpu.memref_slice %arg4[%squeeze3A_226, %dma_start3A_234] : memref<1000000x64xf32, #tpu.memory_space<hbm>> -> memref<1x64xf32, #tpu.memory_space<hbm>>
          %dma_start3A_236 = tpu.memref_slice %arg12[%select_n3A_104] : memref<2x!tpu.dma_semaphore, #tpu.memory_space<semaphore_mem>> -> memref<1x!tpu.dma_semaphore, #tpu.memory_space<semaphore_mem>>
          %dma_start3A_237 = tpu.memref_squeeze %dma_start3A_236 : memref<1x!tpu.dma_semaphore, #tpu.memory_space<semaphore_mem>> -> memref<!tpu.dma_semaphore, #tpu.memory_space<semaphore_mem>>
          %dma_start3A_238 = arith.constant 0 : i32
          %dma_start3A_239 = tpu.memref_slice %arg9[%select_n3A_104, %add3A_230, %dma_start3A_238] : memref<2x32x64xf32, #tpu.memory_space<vmem>> -> memref<1x1x64xf32, #tpu.memory_space<vmem>>
          %dma_start3A_240 = tpu.memref_squeeze %dma_start3A_239 : memref<1x1x64xf32, #tpu.memory_space<vmem>> -> memref<1x64xf32, #tpu.memory_space<vmem>>
          %dma_start3A_241 = arith.constant 0 : i32
          %dma_start3A_242 = tpu.memref_slice %arg4[%squeeze3A_226, %dma_start3A_241] : memref<1000000x64xf32, #tpu.memory_space<hbm>> -> memref<1x64xf32, #tpu.memory_space<hbm>>
          tpu.enqueue_dma source(%dma_start3A_242 : memref<1x64xf32, #tpu.memory_space<hbm>>) target(%dma_start3A_240 : memref<1x64xf32, #tpu.memory_space<vmem>>) target_semaphore(%dma_start3A_237 : memref<!tpu.dma_semaphore, #tpu.memory_space<semaphore_mem>>)
          %slice3A_243 = vector.extract_strided_slice %get3A_119 {offsets = [7], sizes = [1], strides = [1]} : vector<16xi32> to vector<1xi32>
          %squeeze3A_244 = vector.extract %slice3A_243[0] : i32 from vector<1xi32>
          %mul3A_245 = arith.constant 16 : i32
          %mul3A_246 = arith.muli %scan3A_111, %mul3A_245 : i32
          %add3A_247 = arith.constant 7 : i32
          %add3A_248 = arith.addi %mul3A_246, %add3A_247 : i32
          %dma_start3A_249 = arith.constant 0 : i32
          %dma_start3A_250 = tpu.memref_slice %arg9[%select_n3A_104, %add3A_248, %dma_start3A_249] : memref<2x32x64xf32, #tpu.memory_space<vmem>> -> memref<1x1x64xf32, #tpu.memory_space<vmem>>
          %dma_start3A_251 = tpu.memref_squeeze %dma_start3A_250 : memref<1x1x64xf32, #tpu.memory_space<vmem>> -> memref<1x64xf32, #tpu.memory_space<vmem>>
          %dma_start3A_252 = arith.constant 0 : i32
          %dma_start3A_253 = tpu.memref_slice %arg4[%squeeze3A_244, %dma_start3A_252] : memref<1000000x64xf32, #tpu.memory_space<hbm>> -> memref<1x64xf32, #tpu.memory_space<hbm>>
          %dma_start3A_254 = tpu.memref_slice %arg12[%select_n3A_104] : memref<2x!tpu.dma_semaphore, #tpu.memory_space<semaphore_mem>> -> memref<1x!tpu.dma_semaphore, #tpu.memory_space<semaphore_mem>>
          %dma_start3A_255 = tpu.memref_squeeze %dma_start3A_254 : memref<1x!tpu.dma_semaphore, #tpu.memory_space<semaphore_mem>> -> memref<!tpu.dma_semaphore, #tpu.memory_space<semaphore_mem>>
          %dma_start3A_256 = arith.constant 0 : i32
          %dma_start3A_257 = tpu.memref_slice %arg9[%select_n3A_104, %add3A_248, %dma_start3A_256] : memref<2x32x64xf32, #tpu.memory_space<vmem>> -> memref<1x1x64xf32, #tpu.memory_space<vmem>>
          %dma_start3A_258 = tpu.memref_squeeze %dma_start3A_257 : memref<1x1x64xf32, #tpu.memory_space<vmem>> -> memref<1x64xf32, #tpu.memory_space<vmem>>
          %dma_start3A_259 = arith.constant 0 : i32
          %dma_start3A_260 = tpu.memref_slice %arg4[%squeeze3A_244, %dma_start3A_259] : memref<1000000x64xf32, #tpu.memory_space<hbm>> -> memref<1x64xf32, #tpu.memory_space<hbm>>
          tpu.enqueue_dma source(%dma_start3A_260 : memref<1x64xf32, #tpu.memory_space<hbm>>) target(%dma_start3A_258 : memref<1x64xf32, #tpu.memory_space<vmem>>) target_semaphore(%dma_start3A_255 : memref<!tpu.dma_semaphore, #tpu.memory_space<semaphore_mem>>)
          %slice3A_261 = vector.extract_strided_slice %get3A_119 {offsets = [8], sizes = [1], strides = [1]} : vector<16xi32> to vector<1xi32>
          %squeeze3A_262 = vector.extract %slice3A_261[0] : i32 from vector<1xi32>
          %mul3A_263 = arith.constant 16 : i32
          %mul3A_264 = arith.muli %scan3A_111, %mul3A_263 : i32
          %add3A_265 = arith.constant 8 : i32
          %add3A_266 = arith.addi %mul3A_264, %add3A_265 : i32
          %dma_start3A_267 = arith.constant 0 : i32
          %dma_start3A_268 = tpu.memref_slice %arg9[%select_n3A_104, %add3A_266, %dma_start3A_267] : memref<2x32x64xf32, #tpu.memory_space<vmem>> -> memref<1x1x64xf32, #tpu.memory_space<vmem>>
          %dma_start3A_269 = tpu.memref_squeeze %dma_start3A_268 : memref<1x1x64xf32, #tpu.memory_space<vmem>> -> memref<1x64xf32, #tpu.memory_space<vmem>>
          %dma_start3A_270 = arith.constant 0 : i32
          %dma_start3A_271 = tpu.memref_slice %arg4[%squeeze3A_262, %dma_start3A_270] : memref<1000000x64xf32, #tpu.memory_space<hbm>> -> memref<1x64xf32, #tpu.memory_space<hbm>>
          %dma_start3A_272 = tpu.memref_slice %arg12[%select_n3A_104] : memref<2x!tpu.dma_semaphore, #tpu.memory_space<semaphore_mem>> -> memref<1x!tpu.dma_semaphore, #tpu.memory_space<semaphore_mem>>
          %dma_start3A_273 = tpu.memref_squeeze %dma_start3A_272 : memref<1x!tpu.dma_semaphore, #tpu.memory_space<semaphore_mem>> -> memref<!tpu.dma_semaphore, #tpu.memory_space<semaphore_mem>>
          %dma_start3A_274 = arith.constant 0 : i32
          %dma_start3A_275 = tpu.memref_slice %arg9[%select_n3A_104, %add3A_266, %dma_start3A_274] : memref<2x32x64xf32, #tpu.memory_space<vmem>> -> memref<1x1x64xf32, #tpu.memory_space<vmem>>
          %dma_start3A_276 = tpu.memref_squeeze %dma_start3A_275 : memref<1x1x64xf32, #tpu.memory_space<vmem>> -> memref<1x64xf32, #tpu.memory_space<vmem>>
          %dma_start3A_277 = arith.constant 0 : i32
          %dma_start3A_278 = tpu.memref_slice %arg4[%squeeze3A_262, %dma_start3A_277] : memref<1000000x64xf32, #tpu.memory_space<hbm>> -> memref<1x64xf32, #tpu.memory_space<hbm>>
          tpu.enqueue_dma source(%dma_start3A_278 : memref<1x64xf32, #tpu.memory_space<hbm>>) target(%dma_start3A_276 : memref<1x64xf32, #tpu.memory_space<vmem>>) target_semaphore(%dma_start3A_273 : memref<!tpu.dma_semaphore, #tpu.memory_space<semaphore_mem>>)
          %slice3A_279 = vector.extract_strided_slice %get3A_119 {offsets = [9], sizes = [1], strides = [1]} : vector<16xi32> to vector<1xi32>
          %squeeze3A_280 = vector.extract %slice3A_279[0] : i32 from vector<1xi32>
          %mul3A_281 = arith.constant 16 : i32
          %mul3A_282 = arith.muli %scan3A_111, %mul3A_281 : i32
          %add3A_283 = arith.constant 9 : i32
          %add3A_284 = arith.addi %mul3A_282, %add3A_283 : i32
          %dma_start3A_285 = arith.constant 0 : i32
          %dma_start3A_286 = tpu.memref_slice %arg9[%select_n3A_104, %add3A_284, %dma_start3A_285] : memref<2x32x64xf32, #tpu.memory_space<vmem>> -> memref<1x1x64xf32, #tpu.memory_space<vmem>>
          %dma_start3A_287 = tpu.memref_squeeze %dma_start3A_286 : memref<1x1x64xf32, #tpu.memory_space<vmem>> -> memref<1x64xf32, #tpu.memory_space<vmem>>
          %dma_start3A_288 = arith.constant 0 : i32
          %dma_start3A_289 = tpu.memref_slice %arg4[%squeeze3A_280, %dma_start3A_288] : memref<1000000x64xf32, #tpu.memory_space<hbm>> -> memref<1x64xf32, #tpu.memory_space<hbm>>
          %dma_start3A_290 = tpu.memref_slice %arg12[%select_n3A_104] : memref<2x!tpu.dma_semaphore, #tpu.memory_space<semaphore_mem>> -> memref<1x!tpu.dma_semaphore, #tpu.memory_space<semaphore_mem>>
          %dma_start3A_291 = tpu.memref_squeeze %dma_start3A_290 : memref<1x!tpu.dma_semaphore, #tpu.memory_space<semaphore_mem>> -> memref<!tpu.dma_semaphore, #tpu.memory_space<semaphore_mem>>
          %dma_start3A_292 = arith.constant 0 : i32
          %dma_start3A_293 = tpu.memref_slice %arg9[%select_n3A_104, %add3A_284, %dma_start3A_292] : memref<2x32x64xf32, #tpu.memory_space<vmem>> -> memref<1x1x64xf32, #tpu.memory_space<vmem>>
          %dma_start3A_294 = tpu.memref_squeeze %dma_start3A_293 : memref<1x1x64xf32, #tpu.memory_space<vmem>> -> memref<1x64xf32, #tpu.memory_space<vmem>>
          %dma_start3A_295 = arith.constant 0 : i32
          %dma_start3A_296 = tpu.memref_slice %arg4[%squeeze3A_280, %dma_start3A_295] : memref<1000000x64xf32, #tpu.memory_space<hbm>> -> memref<1x64xf32, #tpu.memory_space<hbm>>
          tpu.enqueue_dma source(%dma_start3A_296 : memref<1x64xf32, #tpu.memory_space<hbm>>) target(%dma_start3A_294 : memref<1x64xf32, #tpu.memory_space<vmem>>) target_semaphore(%dma_start3A_291 : memref<!tpu.dma_semaphore, #tpu.memory_space<semaphore_mem>>)
          %slice3A_297 = vector.extract_strided_slice %get3A_119 {offsets = [10], sizes = [1], strides = [1]} : vector<16xi32> to vector<1xi32>
          %squeeze3A_298 = vector.extract %slice3A_297[0] : i32 from vector<1xi32>
          %mul3A_299 = arith.constant 16 : i32
          %mul3A_300 = arith.muli %scan3A_111, %mul3A_299 : i32
          %add3A_301 = arith.constant 10 : i32
          %add3A_302 = arith.addi %mul3A_300, %add3A_301 : i32
          %dma_start3A_303 = arith.constant 0 : i32
          %dma_start3A_304 = tpu.memref_slice %arg9[%select_n3A_104, %add3A_302, %dma_start3A_303] : memref<2x32x64xf32, #tpu.memory_space<vmem>> -> memref<1x1x64xf32, #tpu.memory_space<vmem>>
          %dma_start3A_305 = tpu.memref_squeeze %dma_start3A_304 : memref<1x1x64xf32, #tpu.memory_space<vmem>> -> memref<1x64xf32, #tpu.memory_space<vmem>>
          %dma_start3A_306 = arith.constant 0 : i32
          %dma_start3A_307 = tpu.memref_slice %arg4[%squeeze3A_298, %dma_start3A_306] : memref<1000000x64xf32, #tpu.memory_space<hbm>> -> memref<1x64xf32, #tpu.memory_space<hbm>>
          %dma_start3A_308 = tpu.memref_slice %arg12[%select_n3A_104] : memref<2x!tpu.dma_semaphore, #tpu.memory_space<semaphore_mem>> -> memref<1x!tpu.dma_semaphore, #tpu.memory_space<semaphore_mem>>
          %dma_start3A_309 = tpu.memref_squeeze %dma_start3A_308 : memref<1x!tpu.dma_semaphore, #tpu.memory_space<semaphore_mem>> -> memref<!tpu.dma_semaphore, #tpu.memory_space<semaphore_mem>>
          %dma_start3A_310 = arith.constant 0 : i32
          %dma_start3A_311 = tpu.memref_slice %arg9[%select_n3A_104, %add3A_302, %dma_start3A_310] : memref<2x32x64xf32, #tpu.memory_space<vmem>> -> memref<1x1x64xf32, #tpu.memory_space<vmem>>
          %dma_start3A_312 = tpu.memref_squeeze %dma_start3A_311 : memref<1x1x64xf32, #tpu.memory_space<vmem>> -> memref<1x64xf32, #tpu.memory_space<vmem>>
          %dma_start3A_313 = arith.constant 0 : i32
          %dma_start3A_314 = tpu.memref_slice %arg4[%squeeze3A_298, %dma_start3A_313] : memref<1000000x64xf32, #tpu.memory_space<hbm>> -> memref<1x64xf32, #tpu.memory_space<hbm>>
          tpu.enqueue_dma source(%dma_start3A_314 : memref<1x64xf32, #tpu.memory_space<hbm>>) target(%dma_start3A_312 : memref<1x64xf32, #tpu.memory_space<vmem>>) target_semaphore(%dma_start3A_309 : memref<!tpu.dma_semaphore, #tpu.memory_space<semaphore_mem>>)
          %slice3A_315 = vector.extract_strided_slice %get3A_119 {offsets = [11], sizes = [1], strides = [1]} : vector<16xi32> to vector<1xi32>
          %squeeze3A_316 = vector.extract %slice3A_315[0] : i32 from vector<1xi32>
          %mul3A_317 = arith.constant 16 : i32
          %mul3A_318 = arith.muli %scan3A_111, %mul3A_317 : i32
          %add3A_319 = arith.constant 11 : i32
          %add3A_320 = arith.addi %mul3A_318, %add3A_319 : i32
          %dma_start3A_321 = arith.constant 0 : i32
          %dma_start3A_322 = tpu.memref_slice %arg9[%select_n3A_104, %add3A_320, %dma_start3A_321] : memref<2x32x64xf32, #tpu.memory_space<vmem>> -> memref<1x1x64xf32, #tpu.memory_space<vmem>>
          %dma_start3A_323 = tpu.memref_squeeze %dma_start3A_322 : memref<1x1x64xf32, #tpu.memory_space<vmem>> -> memref<1x64xf32, #tpu.memory_space<vmem>>
          %dma_start3A_324 = arith.constant 0 : i32
          %dma_start3A_325 = tpu.memref_slice %arg4[%squeeze3A_316, %dma_start3A_324] : memref<1000000x64xf32, #tpu.memory_space<hbm>> -> memref<1x64xf32, #tpu.memory_space<hbm>>
          %dma_start3A_326 = tpu.memref_slice %arg12[%select_n3A_104] : memref<2x!tpu.dma_semaphore, #tpu.memory_space<semaphore_mem>> -> memref<1x!tpu.dma_semaphore, #tpu.memory_space<semaphore_mem>>
          %dma_start3A_327 = tpu.memref_squeeze %dma_start3A_326 : memref<1x!tpu.dma_semaphore, #tpu.memory_space<semaphore_mem>> -> memref<!tpu.dma_semaphore, #tpu.memory_space<semaphore_mem>>
          %dma_start3A_328 = arith.constant 0 : i32
          %dma_start3A_329 = tpu.memref_slice %arg9[%select_n3A_104, %add3A_320, %dma_start3A_328] : memref<2x32x64xf32, #tpu.memory_space<vmem>> -> memref<1x1x64xf32, #tpu.memory_space<vmem>>
          %dma_start3A_330 = tpu.memref_squeeze %dma_start3A_329 : memref<1x1x64xf32, #tpu.memory_space<vmem>> -> memref<1x64xf32, #tpu.memory_space<vmem>>
          %dma_start3A_331 = arith.constant 0 : i32
          %dma_start3A_332 = tpu.memref_slice %arg4[%squeeze3A_316, %dma_start3A_331] : memref<1000000x64xf32, #tpu.memory_space<hbm>> -> memref<1x64xf32, #tpu.memory_space<hbm>>
          tpu.enqueue_dma source(%dma_start3A_332 : memref<1x64xf32, #tpu.memory_space<hbm>>) target(%dma_start3A_330 : memref<1x64xf32, #tpu.memory_space<vmem>>) target_semaphore(%dma_start3A_327 : memref<!tpu.dma_semaphore, #tpu.memory_space<semaphore_mem>>)
          %slice3A_333 = vector.extract_strided_slice %get3A_119 {offsets = [12], sizes = [1], strides = [1]} : vector<16xi32> to vector<1xi32>
          %squeeze3A_334 = vector.extract %slice3A_333[0] : i32 from vector<1xi32>
          %mul3A_335 = arith.constant 16 : i32
          %mul3A_336 = arith.muli %scan3A_111, %mul3A_335 : i32
          %add3A_337 = arith.constant 12 : i32
          %add3A_338 = arith.addi %mul3A_336, %add3A_337 : i32
          %dma_start3A_339 = arith.constant 0 : i32
          %dma_start3A_340 = tpu.memref_slice %arg9[%select_n3A_104, %add3A_338, %dma_start3A_339] : memref<2x32x64xf32, #tpu.memory_space<vmem>> -> memref<1x1x64xf32, #tpu.memory_space<vmem>>
          %dma_start3A_341 = tpu.memref_squeeze %dma_start3A_340 : memref<1x1x64xf32, #tpu.memory_space<vmem>> -> memref<1x64xf32, #tpu.memory_space<vmem>>
          %dma_start3A_342 = arith.constant 0 : i32
          %dma_start3A_343 = tpu.memref_slice %arg4[%squeeze3A_334, %dma_start3A_342] : memref<1000000x64xf32, #tpu.memory_space<hbm>> -> memref<1x64xf32, #tpu.memory_space<hbm>>
          %dma_start3A_344 = tpu.memref_slice %arg12[%select_n3A_104] : memref<2x!tpu.dma_semaphore, #tpu.memory_space<semaphore_mem>> -> memref<1x!tpu.dma_semaphore, #tpu.memory_space<semaphore_mem>>
          %dma_start3A_345 = tpu.memref_squeeze %dma_start3A_344 : memref<1x!tpu.dma_semaphore, #tpu.memory_space<semaphore_mem>> -> memref<!tpu.dma_semaphore, #tpu.memory_space<semaphore_mem>>
          %dma_start3A_346 = arith.constant 0 : i32
          %dma_start3A_347 = tpu.memref_slice %arg9[%select_n3A_104, %add3A_338, %dma_start3A_346] : memref<2x32x64xf32, #tpu.memory_space<vmem>> -> memref<1x1x64xf32, #tpu.memory_space<vmem>>
          %dma_start3A_348 = tpu.memref_squeeze %dma_start3A_347 : memref<1x1x64xf32, #tpu.memory_space<vmem>> -> memref<1x64xf32, #tpu.memory_space<vmem>>
          %dma_start3A_349 = arith.constant 0 : i32
          %dma_start3A_350 = tpu.memref_slice %arg4[%squeeze3A_334, %dma_start3A_349] : memref<1000000x64xf32, #tpu.memory_space<hbm>> -> memref<1x64xf32, #tpu.memory_space<hbm>>
          tpu.enqueue_dma source(%dma_start3A_350 : memref<1x64xf32, #tpu.memory_space<hbm>>) target(%dma_start3A_348 : memref<1x64xf32, #tpu.memory_space<vmem>>) target_semaphore(%dma_start3A_345 : memref<!tpu.dma_semaphore, #tpu.memory_space<semaphore_mem>>)
          %slice3A_351 = vector.extract_strided_slice %get3A_119 {offsets = [13], sizes = [1], strides = [1]} : vector<16xi32> to vector<1xi32>
          %squeeze3A_352 = vector.extract %slice3A_351[0] : i32 from vector<1xi32>
          %mul3A_353 = arith.constant 16 : i32
          %mul3A_354 = arith.muli %scan3A_111, %mul3A_353 : i32
          %add3A_355 = arith.constant 13 : i32
          %add3A_356 = arith.addi %mul3A_354, %add3A_355 : i32
          %dma_start3A_357 = arith.constant 0 : i32
          %dma_start3A_358 = tpu.memref_slice %arg9[%select_n3A_104, %add3A_356, %dma_start3A_357] : memref<2x32x64xf32, #tpu.memory_space<vmem>> -> memref<1x1x64xf32, #tpu.memory_space<vmem>>
          %dma_start3A_359 = tpu.memref_squeeze %dma_start3A_358 : memref<1x1x64xf32, #tpu.memory_space<vmem>> -> memref<1x64xf32, #tpu.memory_space<vmem>>
          %dma_start3A_360 = arith.constant 0 : i32
          %dma_start3A_361 = tpu.memref_slice %arg4[%squeeze3A_352, %dma_start3A_360] : memref<1000000x64xf32, #tpu.memory_space<hbm>> -> memref<1x64xf32, #tpu.memory_space<hbm>>
          %dma_start3A_362 = tpu.memref_slice %arg12[%select_n3A_104] : memref<2x!tpu.dma_semaphore, #tpu.memory_space<semaphore_mem>> -> memref<1x!tpu.dma_semaphore, #tpu.memory_space<semaphore_mem>>
          %dma_start3A_363 = tpu.memref_squeeze %dma_start3A_362 : memref<1x!tpu.dma_semaphore, #tpu.memory_space<semaphore_mem>> -> memref<!tpu.dma_semaphore, #tpu.memory_space<semaphore_mem>>
          %dma_start3A_364 = arith.constant 0 : i32
          %dma_start3A_365 = tpu.memref_slice %arg9[%select_n3A_104, %add3A_356, %dma_start3A_364] : memref<2x32x64xf32, #tpu.memory_space<vmem>> -> memref<1x1x64xf32, #tpu.memory_space<vmem>>
          %dma_start3A_366 = tpu.memref_squeeze %dma_start3A_365 : memref<1x1x64xf32, #tpu.memory_space<vmem>> -> memref<1x64xf32, #tpu.memory_space<vmem>>
          %dma_start3A_367 = arith.constant 0 : i32
          %dma_start3A_368 = tpu.memref_slice %arg4[%squeeze3A_352, %dma_start3A_367] : memref<1000000x64xf32, #tpu.memory_space<hbm>> -> memref<1x64xf32, #tpu.memory_space<hbm>>
          tpu.enqueue_dma source(%dma_start3A_368 : memref<1x64xf32, #tpu.memory_space<hbm>>) target(%dma_start3A_366 : memref<1x64xf32, #tpu.memory_space<vmem>>) target_semaphore(%dma_start3A_363 : memref<!tpu.dma_semaphore, #tpu.memory_space<semaphore_mem>>)
          %slice3A_369 = vector.extract_strided_slice %get3A_119 {offsets = [14], sizes = [1], strides = [1]} : vector<16xi32> to vector<1xi32>
          %squeeze3A_370 = vector.extract %slice3A_369[0] : i32 from vector<1xi32>
          %mul3A_371 = arith.constant 16 : i32
          %mul3A_372 = arith.muli %scan3A_111, %mul3A_371 : i32
          %add3A_373 = arith.constant 14 : i32
          %add3A_374 = arith.addi %mul3A_372, %add3A_373 : i32
          %dma_start3A_375 = arith.constant 0 : i32
          %dma_start3A_376 = tpu.memref_slice %arg9[%select_n3A_104, %add3A_374, %dma_start3A_375] : memref<2x32x64xf32, #tpu.memory_space<vmem>> -> memref<1x1x64xf32, #tpu.memory_space<vmem>>
          %dma_start3A_377 = tpu.memref_squeeze %dma_start3A_376 : memref<1x1x64xf32, #tpu.memory_space<vmem>> -> memref<1x64xf32, #tpu.memory_space<vmem>>
          %dma_start3A_378 = arith.constant 0 : i32
          %dma_start3A_379 = tpu.memref_slice %arg4[%squeeze3A_370, %dma_start3A_378] : memref<1000000x64xf32, #tpu.memory_space<hbm>> -> memref<1x64xf32, #tpu.memory_space<hbm>>
          %dma_start3A_380 = tpu.memref_slice %arg12[%select_n3A_104] : memref<2x!tpu.dma_semaphore, #tpu.memory_space<semaphore_mem>> -> memref<1x!tpu.dma_semaphore, #tpu.memory_space<semaphore_mem>>
          %dma_start3A_381 = tpu.memref_squeeze %dma_start3A_380 : memref<1x!tpu.dma_semaphore, #tpu.memory_space<semaphore_mem>> -> memref<!tpu.dma_semaphore, #tpu.memory_space<semaphore_mem>>
          %dma_start3A_382 = arith.constant 0 : i32
          %dma_start3A_383 = tpu.memref_slice %arg9[%select_n3A_104, %add3A_374, %dma_start3A_382] : memref<2x32x64xf32, #tpu.memory_space<vmem>> -> memref<1x1x64xf32, #tpu.memory_space<vmem>>
          %dma_start3A_384 = tpu.memref_squeeze %dma_start3A_383 : memref<1x1x64xf32, #tpu.memory_space<vmem>> -> memref<1x64xf32, #tpu.memory_space<vmem>>
          %dma_start3A_385 = arith.constant 0 : i32
          %dma_start3A_386 = tpu.memref_slice %arg4[%squeeze3A_370, %dma_start3A_385] : memref<1000000x64xf32, #tpu.memory_space<hbm>> -> memref<1x64xf32, #tpu.memory_space<hbm>>
          tpu.enqueue_dma source(%dma_start3A_386 : memref<1x64xf32, #tpu.memory_space<hbm>>) target(%dma_start3A_384 : memref<1x64xf32, #tpu.memory_space<vmem>>) target_semaphore(%dma_start3A_381 : memref<!tpu.dma_semaphore, #tpu.memory_space<semaphore_mem>>)
          %slice3A_387 = vector.extract_strided_slice %get3A_119 {offsets = [15], sizes = [1], strides = [1]} : vector<16xi32> to vector<1xi32>
          %squeeze3A_388 = vector.extract %slice3A_387[0] : i32 from vector<1xi32>
          %mul3A_389 = arith.constant 16 : i32
          %mul3A_390 = arith.muli %scan3A_111, %mul3A_389 : i32
          %add3A_391 = arith.constant 15 : i32
          %add3A_392 = arith.addi %mul3A_390, %add3A_391 : i32
          %dma_start3A_393 = arith.constant 0 : i32
          %dma_start3A_394 = tpu.memref_slice %arg9[%select_n3A_104, %add3A_392, %dma_start3A_393] : memref<2x32x64xf32, #tpu.memory_space<vmem>> -> memref<1x1x64xf32, #tpu.memory_space<vmem>>
          %dma_start3A_395 = tpu.memref_squeeze %dma_start3A_394 : memref<1x1x64xf32, #tpu.memory_space<vmem>> -> memref<1x64xf32, #tpu.memory_space<vmem>>
          %dma_start3A_396 = arith.constant 0 : i32
          %dma_start3A_397 = tpu.memref_slice %arg4[%squeeze3A_388, %dma_start3A_396] : memref<1000000x64xf32, #tpu.memory_space<hbm>> -> memref<1x64xf32, #tpu.memory_space<hbm>>
          %dma_start3A_398 = tpu.memref_slice %arg12[%select_n3A_104] : memref<2x!tpu.dma_semaphore, #tpu.memory_space<semaphore_mem>> -> memref<1x!tpu.dma_semaphore, #tpu.memory_space<semaphore_mem>>
          %dma_start3A_399 = tpu.memref_squeeze %dma_start3A_398 : memref<1x!tpu.dma_semaphore, #tpu.memory_space<semaphore_mem>> -> memref<!tpu.dma_semaphore, #tpu.memory_space<semaphore_mem>>
          %dma_start3A_400 = arith.constant 0 : i32
          %dma_start3A_401 = tpu.memref_slice %arg9[%select_n3A_104, %add3A_392, %dma_start3A_400] : memref<2x32x64xf32, #tpu.memory_space<vmem>> -> memref<1x1x64xf32, #tpu.memory_space<vmem>>
          %dma_start3A_402 = tpu.memref_squeeze %dma_start3A_401 : memref<1x1x64xf32, #tpu.memory_space<vmem>> -> memref<1x64xf32, #tpu.memory_space<vmem>>
          %dma_start3A_403 = arith.constant 0 : i32
          %dma_start3A_404 = tpu.memref_slice %arg4[%squeeze3A_388, %dma_start3A_403] : memref<1000000x64xf32, #tpu.memory_space<hbm>> -> memref<1x64xf32, #tpu.memory_space<hbm>>
          tpu.enqueue_dma source(%dma_start3A_404 : memref<1x64xf32, #tpu.memory_space<hbm>>) target(%dma_start3A_402 : memref<1x64xf32, #tpu.memory_space<vmem>>) target_semaphore(%dma_start3A_399 : memref<!tpu.dma_semaphore, #tpu.memory_space<semaphore_mem>>)
        }
        %scan3A_110 = arith.constant 2 : i32
      } else {
      }
      %jit3A = arith.constant 2 : i32
      %eq3A = arith.constant 0 : i32
      %eq3A_24 = arith.cmpi eq, %jit3A, %eq3A : i32
      %jit3A_25 = arith.constant 1 : i32
      %select_n3A = arith.select %eq3A_24, %jit3A_25, %jit3A : i32
      %rem3A = arith.remsi %scan3A_19, %select_n3A : i32
      %ne3A = arith.constant 0 : i32
      %ne3A_26 = arith.cmpi ne, %rem3A, %ne3A : i32
      %lt3A_27 = arith.constant 0 : i32
      %lt3A_28 = arith.cmpi slt, %rem3A, %lt3A_27 : i32
      %lt3A_29 = arith.constant 0 : i32
      %lt3A_30 = arith.cmpi slt, %select_n3A, %lt3A_29 : i32
      %ne3A_31 = arith.xori %lt3A_28, %lt3A_30 : i1
      %and3A = arith.andi %ne3A_31, %ne3A_26 : i1
      %add3A_32 = arith.addi %rem3A, %select_n3A : i32
      %select_n3A_33 = arith.select %and3A, %add3A_32, %rem3A : i32
      %jit3A_34 = arith.constant 2 : i32
      %eq3A_35 = arith.constant 0 : i32
      %eq3A_36 = arith.cmpi eq, %jit3A_34, %eq3A_35 : i32
      %jit3A_37 = arith.constant 1 : i32
      %select_n3A_38 = arith.select %eq3A_36, %jit3A_37, %jit3A_34 : i32
      %rem3A_39 = arith.remsi %scan3A_19, %select_n3A_38 : i32
      %ne3A_40 = arith.constant 0 : i32
      %ne3A_41 = arith.cmpi ne, %rem3A_39, %ne3A_40 : i32
      %lt3A_42 = arith.constant 0 : i32
      %lt3A_43 = arith.cmpi slt, %rem3A_39, %lt3A_42 : i32
      %lt3A_44 = arith.constant 0 : i32
      %lt3A_45 = arith.cmpi slt, %select_n3A_38, %lt3A_44 : i32
      %ne3A_46 = arith.xori %lt3A_43, %lt3A_45 : i1
      %and3A_47 = arith.andi %ne3A_46, %ne3A_41 : i1
      %add3A_48 = arith.addi %rem3A_39, %select_n3A_38 : i32
      %select_n3A_49 = arith.select %and3A_47, %add3A_48, %rem3A_39 : i32
      %dma_wait3A = arith.constant 0 : i32
      %dma_wait3A_50 = arith.constant 0 : i32
      %dma_wait3A_51 = tpu.memref_slice %arg9[%select_n3A_33, %dma_wait3A, %dma_wait3A_50] : memref<2x32x64xf32, #tpu.memory_space<vmem>> -> memref<1x32x64xf32, #tpu.memory_space<vmem>>
      %dma_wait3A_52 = tpu.memref_squeeze %dma_wait3A_51 : memref<1x32x64xf32, #tpu.memory_space<vmem>> -> memref<32x64xf32, #tpu.memory_space<vmem>>
      %dma_wait3A_53 = arith.constant 0 : i32
      %dma_wait3A_54 = arith.constant 0 : i32
      %dma_wait3A_55 = tpu.memref_slice %arg4[%dma_wait3A_53, %dma_wait3A_54] : memref<1000000x64xf32, #tpu.memory_space<hbm>> -> memref<32x64xf32, #tpu.memory_space<hbm>>
      %dma_wait3A_56 = tpu.memref_slice %arg12[%select_n3A_49] : memref<2x!tpu.dma_semaphore, #tpu.memory_space<semaphore_mem>> -> memref<1x!tpu.dma_semaphore, #tpu.memory_space<semaphore_mem>>
      %dma_wait3A_57 = tpu.memref_squeeze %dma_wait3A_56 : memref<1x!tpu.dma_semaphore, #tpu.memory_space<semaphore_mem>> -> memref<!tpu.dma_semaphore, #tpu.memory_space<semaphore_mem>>
      %dma_wait3A_58 = arith.constant 0 : i32
      %dma_wait3A_59 = arith.constant 0 : i32
      %dma_wait3A_60 = tpu.memref_slice %arg9[%select_n3A_33, %dma_wait3A_58, %dma_wait3A_59] : memref<2x32x64xf32, #tpu.memory_space<vmem>> -> memref<1x32x64xf32, #tpu.memory_space<vmem>>
      %dma_wait3A_61 = tpu.memref_squeeze %dma_wait3A_60 : memref<1x32x64xf32, #tpu.memory_space<vmem>> -> memref<32x64xf32, #tpu.memory_space<vmem>>
      %dma_wait3A_62 = arith.constant 0 : i32
      %dma_wait3A_63 = arith.constant 0 : i32
      %dma_wait3A_64 = tpu.memref_slice %arg4[%dma_wait3A_62, %dma_wait3A_63] : memref<1000000x64xf32, #tpu.memory_space<hbm>> -> memref<32x64xf32, #tpu.memory_space<hbm>>
      tpu.wait_dma2 semaphore(%dma_wait3A_57 : memref<!tpu.dma_semaphore, #tpu.memory_space<semaphore_mem>>) src(%dma_wait3A_64 : memref<32x64xf32, #tpu.memory_space<hbm>>) dst(%dma_wait3A_61 : memref<32x64xf32, #tpu.memory_space<vmem>>)
      %jit3A_65 = arith.constant 2 : i32
      %eq3A_66 = arith.constant 0 : i32
      %eq3A_67 = arith.cmpi eq, %jit3A_65, %eq3A_66 : i32
      %jit3A_68 = arith.constant 1 : i32
      %select_n3A_69 = arith.select %eq3A_67, %jit3A_68, %jit3A_65 : i32
      %rem3A_70 = arith.remsi %scan3A_19, %select_n3A_69 : i32
      %ne3A_71 = arith.constant 0 : i32
      %ne3A_72 = arith.cmpi ne, %rem3A_70, %ne3A_71 : i32
      %lt3A_73 = arith.constant 0 : i32
      %lt3A_74 = arith.cmpi slt, %rem3A_70, %lt3A_73 : i32
      %lt3A_75 = arith.constant 0 : i32
      %lt3A_76 = arith.cmpi slt, %select_n3A_69, %lt3A_75 : i32
      %ne3A_77 = arith.xori %lt3A_74, %lt3A_76 : i1
      %and3A_78 = arith.andi %ne3A_77, %ne3A_72 : i1
      %add3A_79 = arith.addi %rem3A_70, %select_n3A_69 : i32
      %select_n3A_80 = arith.select %and3A_78, %add3A_79, %rem3A_70 : i32
      %scan3A_81 = arith.constant 0 : i32
      %scan3A_82 = arith.constant 0 : i32
      %scan3A_83 = arith.constant 2 : i32
      %scan3A_84 = arith.addi %scan3A_82, %scan3A_83 : i32
      %scan3A_85 = arith.constant 1 : i32
      scf.for %scan3A_87 = %scan3A_82 to %scan3A_84 step %scan3A_85  : i32 {
        %mul3A_88 = arith.constant 16 : i32
        %mul3A_89 = arith.muli %scan3A_87, %mul3A_88 : i32
        %mul3A_90 = arith.constant 32 : i32
        %mul3A_91 = arith.muli %scan3A_19, %mul3A_90 : i32
        %add3A_92 = arith.addi %mul3A_91, %mul3A_89 : i32
        %get3A_93 = arith.index_cast %add3A_92 : i32 to index
        %get3A_94 = tpu.vector_load %arg7[%get3A_93] {strides = array<i32>} : memref<512xf32, #tpu.memory_space<vmem>>, vector<16xf32>,
        %get3A_95 = vector.shape_cast %get3A_94 : vector<16xf32> to vector<16xf32>
        %slice3A = vector.extract_strided_slice %get3A_95 {offsets = [0], sizes = [1], strides = [1]} : vector<16xf32> to vector<1xf32>
        %squeeze3A = vector.extract %slice3A[0] : f32 from vector<1xf32>
        %broadcast_in_dim3A = vector.broadcast %squeeze3A : f32 to vector<16xf32>
        %mul3A_96 = arith.mulf %broadcast_in_dim3A, %get3A_4 : vector<16xf32>
        %mul3A_97 = arith.mulf %broadcast_in_dim3A, %get3A_7 : vector<16xf32>
        %add3A_98 = arith.constant 3.14159274 : f32
        %add3A_99 = vector.broadcast %add3A_98 : f32 to vector<16xf32>
        %add3A_100 = arith.addf %mul3A_96, %add3A_99 : vector<16xf32>
        %rem3A_101 = arith.constant 6.28318548 : f32
        %rem3A_102 = vector.broadcast %rem3A_101 : f32 to vector<16xf32>
        %rem3A_103 = arith.remf %add3A_100, %rem3A_102 : vector<16xf32>
        %sub3A = arith.constant 3.14159274 : f32
        %sub3A_104 = vector.broadcast %sub3A : f32 to vector<16xf32>
        %sub3A_105 = arith.subf %rem3A_103, %sub3A_104 : vector<16xf32>
        %add3A_106 = arith.constant 3.14159274 : f32
        %add3A_107 = vector.broadcast %add3A_106 : f32 to vector<16xf32>
        %add3A_108 = arith.addf %mul3A_97, %add3A_107 : vector<16xf32>
        %rem3A_109 = arith.constant 6.28318548 : f32
        %rem3A_110 = vector.broadcast %rem3A_109 : f32 to vector<16xf32>
        %rem3A_111 = arith.remf %add3A_108, %rem3A_110 : vector<16xf32>
        %sub3A_112 = arith.constant 3.14159274 : f32
        %sub3A_113 = vector.broadcast %sub3A_112 : f32 to vector<16xf32>
        %sub3A_114 = arith.subf %rem3A_111, %sub3A_113 : vector<16xf32>
        %mul3A_115 = arith.mulf %sub3A_105, %sub3A_105 : vector<16xf32>
        %mul3A_116 = arith.mulf %sub3A_114, %sub3A_114 : vector<16xf32>
        %mul3A_117 = arith.constant 2.17778847E-6 : f32
        %mul3A_118 = vector.broadcast %mul3A_117 : f32 to vector<16xf32>
        %mul3A_119 = arith.mulf %mul3A_118, %mul3A_115 : vector<16xf32>
        %add3A_120 = arith.constant -1.93373271E-4 : f32
        %add3A_121 = vector.broadcast %add3A_120 : f32 to vector<16xf32>
        %add3A_122 = arith.addf %mul3A_119, %add3A_121 : vector<16xf32>
        %mul3A_123 = arith.mulf %add3A_122, %mul3A_115 : vector<16xf32>
        %add3A_124 = arith.constant 0.00831502489 : f32
        %add3A_125 = vector.broadcast %add3A_124 : f32 to vector<16xf32>
        %add3A_126 = arith.addf %mul3A_123, %add3A_125 : vector<16xf32>
        %mul3A_127 = arith.mulf %add3A_126, %mul3A_115 : vector<16xf32>
        %add3A_128 = arith.constant -0.166644335 : f32
        %add3A_129 = vector.broadcast %add3A_128 : f32 to vector<16xf32>
        %add3A_130 = arith.addf %mul3A_127, %add3A_129 : vector<16xf32>
        %mul3A_131 = arith.constant 2.17778847E-6 : f32
        %mul3A_132 = vector.broadcast %mul3A_131 : f32 to vector<16xf32>
        %mul3A_133 = arith.mulf %mul3A_132, %mul3A_116 : vector<16xf32>
        %add3A_134 = arith.constant -1.93373271E-4 : f32
        %add3A_135 = vector.broadcast %add3A_134 : f32 to vector<16xf32>
        %add3A_136 = arith.addf %mul3A_133, %add3A_135 : vector<16xf32>
        %mul3A_137 = arith.mulf %add3A_136, %mul3A_116 : vector<16xf32>
        %add3A_138 = arith.constant 0.00831502489 : f32
        %add3A_139 = vector.broadcast %add3A_138 : f32 to vector<16xf32>
        %add3A_140 = arith.addf %mul3A_137, %add3A_139 : vector<16xf32>
        %mul3A_141 = arith.mulf %add3A_140, %mul3A_116 : vector<16xf32>
        %add3A_142 = arith.constant -0.166644335 : f32
        %add3A_143 = vector.broadcast %add3A_142 : f32 to vector<16xf32>
        %add3A_144 = arith.addf %mul3A_141, %add3A_143 : vector<16xf32>
        %mul3A_145 = arith.mulf %sub3A_105, %mul3A_115 : vector<16xf32>
        %mul3A_146 = arith.mulf %mul3A_145, %add3A_130 : vector<16xf32>
        %add3A_147 = arith.addf %sub3A_105, %mul3A_146 : vector<16xf32>
        %mul3A_148 = arith.mulf %sub3A_114, %mul3A_116 : vector<16xf32>
        %mul3A_149 = arith.mulf %mul3A_148, %add3A_144 : vector<16xf32>
        %add3A_150 = arith.addf %sub3A_114, %mul3A_149 : vector<16xf32>
        %mul3A_151 = arith.constant -2.19729642E-7 : f32
        %mul3A_152 = vector.broadcast %mul3A_151 : f32 to vector<16xf32>
        %mul3A_153 = arith.mulf %mul3A_115, %mul3A_152 : vector<16xf32>
        %add3A_154 = arith.constant 2.42029419E-5 : f32
        %add3A_155 = vector.broadcast %add3A_154 : f32 to vector<16xf32>
        %add3A_156 = arith.addf %add3A_155, %mul3A_153 : vector<16xf32>
        %mul3A_157 = arith.mulf %mul3A_115, %add3A_156 : vector<16xf32>
        %add3A_158 = arith.constant -0.001385879 : f32
        %add3A_159 = vector.broadcast %add3A_158 : f32 to vector<16xf32>
        %add3A_160 = arith.addf %add3A_159, %mul3A_157 : vector<16xf32>
        %mul3A_161 = arith.mulf %mul3A_115, %add3A_160 : vector<16xf32>
        %add3A_162 = arith.constant 0.0416597761 : f32
        %add3A_163 = vector.broadcast %add3A_162 : f32 to vector<16xf32>
        %add3A_164 = arith.addf %add3A_163, %mul3A_161 : vector<16xf32>
        %mul3A_165 = arith.mulf %mul3A_115, %add3A_164 : vector<16xf32>
        %add3A_166 = arith.constant -0.499994218 : f32
        %add3A_167 = vector.broadcast %add3A_166 : f32 to vector<16xf32>
        %add3A_168 = arith.addf %add3A_167, %mul3A_165 : vector<16xf32>
        %mul3A_169 = arith.mulf %mul3A_115, %add3A_168 : vector<16xf32>
        %add3A_170 = arith.constant 0.999999225 : f32
        %add3A_171 = vector.broadcast %add3A_170 : f32 to vector<16xf32>
        %add3A_172 = arith.addf %add3A_171, %mul3A_169 : vector<16xf32>
        %mul3A_173 = arith.constant -2.19729642E-7 : f32
        %mul3A_174 = vector.broadcast %mul3A_173 : f32 to vector<16xf32>
        %mul3A_175 = arith.mulf %mul3A_116, %mul3A_174 : vector<16xf32>
        %add3A_176 = arith.constant 2.42029419E-5 : f32
        %add3A_177 = vector.broadcast %add3A_176 : f32 to vector<16xf32>
        %add3A_178 = arith.addf %add3A_177, %mul3A_175 : vector<16xf32>
        %mul3A_179 = arith.mulf %mul3A_116, %add3A_178 : vector<16xf32>
        %add3A_180 = arith.constant -0.001385879 : f32
        %add3A_181 = vector.broadcast %add3A_180 : f32 to vector<16xf32>
        %add3A_182 = arith.addf %add3A_181, %mul3A_179 : vector<16xf32>
        %mul3A_183 = arith.mulf %mul3A_116, %add3A_182 : vector<16xf32>
        %add3A_184 = arith.constant 0.0416597761 : f32
        %add3A_185 = vector.broadcast %add3A_184 : f32 to vector<16xf32>
        %add3A_186 = arith.addf %add3A_185, %mul3A_183 : vector<16xf32>
        %mul3A_187 = arith.mulf %mul3A_116, %add3A_186 : vector<16xf32>
        %add3A_188 = arith.constant -0.499994218 : f32
        %add3A_189 = vector.broadcast %add3A_188 : f32 to vector<16xf32>
        %add3A_190 = arith.addf %add3A_189, %mul3A_187 : vector<16xf32>
        %mul3A_191 = arith.mulf %mul3A_116, %add3A_190 : vector<16xf32>
        %add3A_192 = arith.constant 0.999999225 : f32
        %add3A_193 = vector.broadcast %add3A_192 : f32 to vector<16xf32>
        %add3A_194 = arith.addf %add3A_193, %mul3A_191 : vector<16xf32>
        %add3A_195 = arith.constant 0 : i32
        %add3A_196 = arith.addi %mul3A_89, %add3A_195 : i32
        %get3A_197 = arith.index_cast %select_n3A_80 : i32 to index
        %get3A_198 = arith.index_cast %add3A_196 : i32 to index
        %get3A_199 = arith.constant 0 : index
        %get3A_200 = tpu.vector_load %arg9[%get3A_197, %get3A_198, %get3A_199] {strides = array<i32>} : memref<2x32x64xf32, #tpu.memory_space<vmem>>, vector<1x1x16xf32>,
        %get3A_201 = vector.shape_cast %get3A_200 : vector<1x1x16xf32> to vector<16xf32>
        %add3A_202 = arith.addf %get3A_201, %add3A_147 : vector<16xf32>
        %neg3A = arith.constant 0.000000e+00 : f32
        %neg3A_203 = vector.broadcast %neg3A : f32 to vector<16xf32>
        %neg3A_204 = arith.subf %neg3A_203, %add3A_202 : vector<16xf32>
        %exp3A = math.exp %neg3A_204 : vector<16xf32>
        %add3A_205 = arith.constant 1.000000e+00 : f32
        %add3A_206 = vector.broadcast %add3A_205 : f32 to vector<16xf32>
        %add3A_207 = arith.addf %add3A_206, %exp3A : vector<16xf32>
        %div3A = arith.divf %add3A_202, %add3A_207 : vector<16xf32>
        %add3A_208 = arith.constant 0 : i32
        %add3A_209 = arith.addi %add3A_92, %add3A_208 : i32
        %swap3A = arith.index_cast %add3A_209 : i32 to index
        %swap3A_210 = arith.constant 0 : index
        %swap3A_211 = tpu.vector_load %arg10[%swap3A, %swap3A_210] {strides = array<i32>} : memref<512x64xf32, #tpu.memory_space<vmem>>, vector<1x16xf32>,
        %swap3A_212 = vector.shape_cast %swap3A_211 : vector<1x16xf32> to vector<16xf32>
        %swap3A_213 = vector.shape_cast %div3A : vector<16xf32> to vector<1x16xf32>
        tpu.vector_store %arg10[%swap3A, %swap3A_210], %swap3A_213 {strides = array<i32>} : memref<512x64xf32, #tpu.memory_space<vmem>>, vector<1x16xf32>,
        %add3A_214 = arith.constant 0 : i32
        %add3A_215 = arith.addi %mul3A_89, %add3A_214 : i32
        %get3A_216 = arith.index_cast %select_n3A_80 : i32 to index
        %get3A_217 = arith.index_cast %add3A_215 : i32 to index
        %get3A_218 = arith.constant 16 : index
        %get3A_219 = tpu.vector_load %arg9[%get3A_216, %get3A_217, %get3A_218] {strides = array<i32>} : memref<2x32x64xf32, #tpu.memory_space<vmem>>, vector<1x1x16xf32>,
        %get3A_220 = vector.shape_cast %get3A_219 : vector<1x1x16xf32> to vector<16xf32>
        %add3A_221 = arith.addf %get3A_220, %add3A_150 : vector<16xf32>
        %neg3A_222 = arith.constant 0.000000e+00 : f32
        %neg3A_223 = vector.broadcast %neg3A_222 : f32 to vector<16xf32>
        %neg3A_224 = arith.subf %neg3A_223, %add3A_221 : vector<16xf32>
        %exp3A_225 = math.exp %neg3A_224 : vector<16xf32>
        %add3A_226 = arith.constant 1.000000e+00 : f32
        %add3A_227 = vector.broadcast %add3A_226 : f32 to vector<16xf32>
        %add3A_228 = arith.addf %add3A_227, %exp3A_225 : vector<16xf32>
        %div3A_229 = arith.divf %add3A_221, %add3A_228 : vector<16xf32>
        %add3A_230 = arith.constant 0 : i32
        %add3A_231 = arith.addi %add3A_92, %add3A_230 : i32
        %swap3A_232 = arith.index_cast %add3A_231 : i32 to index
        %swap3A_233 = arith.constant 16 : index
        %swap3A_234 = tpu.vector_load %arg10[%swap3A_232, %swap3A_233] {strides = array<i32>} : memref<512x64xf32, #tpu.memory_space<vmem>>, vector<1x16xf32>,
        %swap3A_235 = vector.shape_cast %swap3A_234 : vector<1x16xf32> to vector<16xf32>
        %swap3A_236 = vector.shape_cast %div3A_229 : vector<16xf32> to vector<1x16xf32>
        tpu.vector_store %arg10[%swap3A_232, %swap3A_233], %swap3A_236 {strides = array<i32>} : memref<512x64xf32, #tpu.memory_space<vmem>>, vector<1x16xf32>,
        %add3A_237 = arith.constant 0 : i32
        %add3A_238 = arith.addi %mul3A_89, %add3A_237 : i32
        %get3A_239 = arith.index_cast %select_n3A_80 : i32 to index
        %get3A_240 = arith.index_cast %add3A_238 : i32 to index
        %get3A_241 = arith.constant 32 : index
        %get3A_242 = tpu.vector_load %arg9[%get3A_239, %get3A_240, %get3A_241] {strides = array<i32>} : memref<2x32x64xf32, #tpu.memory_space<vmem>>, vector<1x1x16xf32>,
        %get3A_243 = vector.shape_cast %get3A_242 : vector<1x1x16xf32> to vector<16xf32>
        %add3A_244 = arith.addf %get3A_243, %add3A_172 : vector<16xf32>
        %neg3A_245 = arith.constant 0.000000e+00 : f32
        %neg3A_246 = vector.broadcast %neg3A_245 : f32 to vector<16xf32>
        %neg3A_247 = arith.subf %neg3A_246, %add3A_244 : vector<16xf32>
        %exp3A_248 = math.exp %neg3A_247 : vector<16xf32>
        %add3A_249 = arith.constant 1.000000e+00 : f32
        %add3A_250 = vector.broadcast %add3A_249 : f32 to vector<16xf32>
        %add3A_251 = arith.addf %add3A_250, %exp3A_248 : vector<16xf32>
        %div3A_252 = arith.divf %add3A_244, %add3A_251 : vector<16xf32>
        %add3A_253 = arith.constant 0 : i32
        %add3A_254 = arith.addi %add3A_92, %add3A_253 : i32
        %swap3A_255 = arith.index_cast %add3A_254 : i32 to index
        %swap3A_256 = arith.constant 32 : index
        %swap3A_257 = tpu.vector_load %arg10[%swap3A_255, %swap3A_256] {strides = array<i32>} : memref<512x64xf32, #tpu.memory_space<vmem>>, vector<1x16xf32>,
        %swap3A_258 = vector.shape_cast %swap3A_257 : vector<1x16xf32> to vector<16xf32>
        %swap3A_259 = vector.shape_cast %div3A_252 : vector<16xf32> to vector<1x16xf32>
        tpu.vector_store %arg10[%swap3A_255, %swap3A_256], %swap3A_259 {strides = array<i32>} : memref<512x64xf32, #tpu.memory_space<vmem>>, vector<1x16xf32>,
        %add3A_260 = arith.constant 0 : i32
        %add3A_261 = arith.addi %mul3A_89, %add3A_260 : i32
        %get3A_262 = arith.index_cast %select_n3A_80 : i32 to index
        %get3A_263 = arith.index_cast %add3A_261 : i32 to index
        %get3A_264 = arith.constant 48 : index
        %get3A_265 = tpu.vector_load %arg9[%get3A_262, %get3A_263, %get3A_264] {strides = array<i32>} : memref<2x32x64xf32, #tpu.memory_space<vmem>>, vector<1x1x16xf32>,
        %get3A_266 = vector.shape_cast %get3A_265 : vector<1x1x16xf32> to vector<16xf32>
        %add3A_267 = arith.addf %get3A_266, %add3A_194 : vector<16xf32>
        %neg3A_268 = arith.constant 0.000000e+00 : f32
        %neg3A_269 = vector.broadcast %neg3A_268 : f32 to vector<16xf32>
        %neg3A_270 = arith.subf %neg3A_269, %add3A_267 : vector<16xf32>
        %exp3A_271 = math.exp %neg3A_270 : vector<16xf32>
        %add3A_272 = arith.constant 1.000000e+00 : f32
        %add3A_273 = vector.broadcast %add3A_272 : f32 to vector<16xf32>
        %add3A_274 = arith.addf %add3A_273, %exp3A_271 : vector<16xf32>
        %div3A_275 = arith.divf %add3A_267, %add3A_274 : vector<16xf32>
        %add3A_276 = arith.constant 0 : i32
        %add3A_277 = arith.addi %add3A_92, %add3A_276 : i32
        %swap3A_278 = arith.index_cast %add3A_277 : i32 to index
        %swap3A_279 = arith.constant 48 : index
        %swap3A_280 = tpu.vector_load %arg10[%swap3A_278, %swap3A_279] {strides = array<i32>} : memref<512x64xf32, #tpu.memory_space<vmem>>, vector<1x16xf32>,
        %swap3A_281 = vector.shape_cast %swap3A_280 : vector<1x16xf32> to vector<16xf32>
        %swap3A_282 = vector.shape_cast %div3A_275 : vector<16xf32> to vector<1x16xf32>
        tpu.vector_store %arg10[%swap3A_278, %swap3A_279], %swap3A_282 {strides = array<i32>} : memref<512x64xf32, #tpu.memory_space<vmem>>, vector<1x16xf32>,
        %slice3A_283 = vector.extract_strided_slice %get3A_95 {offsets = [1], sizes = [1], strides = [1]} : vector<16xf32> to vector<1xf32>
        %squeeze3A_284 = vector.extract %slice3A_283[0] : f32 from vector<1xf32>
        %broadcast_in_dim3A_285 = vector.broadcast %squeeze3A_284 : f32 to vector<16xf32>
        %mul3A_286 = arith.mulf %broadcast_in_dim3A_285, %get3A_4 : vector<16xf32>
        %mul3A_287 = arith.mulf %broadcast_in_dim3A_285, %get3A_7 : vector<16xf32>
        %add3A_288 = arith.constant 3.14159274 : f32
        %add3A_289 = vector.broadcast %add3A_288 : f32 to vector<16xf32>
        %add3A_290 = arith.addf %mul3A_286, %add3A_289 : vector<16xf32>
        %rem3A_291 = arith.constant 6.28318548 : f32
        %rem3A_292 = vector.broadcast %rem3A_291 : f32 to vector<16xf32>
        %rem3A_293 = arith.remf %add3A_290, %rem3A_292 : vector<16xf32>
        %sub3A_294 = arith.constant 3.14159274 : f32
        %sub3A_295 = vector.broadcast %sub3A_294 : f32 to vector<16xf32>
        %sub3A_296 = arith.subf %rem3A_293, %sub3A_295 : vector<16xf32>
        %add3A_297 = arith.constant 3.14159274 : f32
        %add3A_298 = vector.broadcast %add3A_297 : f32 to vector<16xf32>
        %add3A_299 = arith.addf %mul3A_287, %add3A_298 : vector<16xf32>
        %rem3A_300 = arith.constant 6.28318548 : f32
        %rem3A_301 = vector.broadcast %rem3A_300 : f32 to vector<16xf32>
        %rem3A_302 = arith.remf %add3A_299, %rem3A_301 : vector<16xf32>
        %sub3A_303 = arith.constant 3.14159274 : f32
        %sub3A_304 = vector.broadcast %sub3A_303 : f32 to vector<16xf32>
        %sub3A_305 = arith.subf %rem3A_302, %sub3A_304 : vector<16xf32>
        %mul3A_306 = arith.mulf %sub3A_296, %sub3A_296 : vector<16xf32>
        %mul3A_307 = arith.mulf %sub3A_305, %sub3A_305 : vector<16xf32>
        %mul3A_308 = arith.constant 2.17778847E-6 : f32
        %mul3A_309 = vector.broadcast %mul3A_308 : f32 to vector<16xf32>
        %mul3A_310 = arith.mulf %mul3A_309, %mul3A_306 : vector<16xf32>
        %add3A_311 = arith.constant -1.93373271E-4 : f32
        %add3A_312 = vector.broadcast %add3A_311 : f32 to vector<16xf32>
        %add3A_313 = arith.addf %mul3A_310, %add3A_312 : vector<16xf32>
        %mul3A_314 = arith.mulf %add3A_313, %mul3A_306 : vector<16xf32>
        %add3A_315 = arith.constant 0.00831502489 : f32
        %add3A_316 = vector.broadcast %add3A_315 : f32 to vector<16xf32>
        %add3A_317 = arith.addf %mul3A_314, %add3A_316 : vector<16xf32>
        %mul3A_318 = arith.mulf %add3A_317, %mul3A_306 : vector<16xf32>
        %add3A_319 = arith.constant -0.166644335 : f32
        %add3A_320 = vector.broadcast %add3A_319 : f32 to vector<16xf32>
        %add3A_321 = arith.addf %mul3A_318, %add3A_320 : vector<16xf32>
        %mul3A_322 = arith.constant 2.17778847E-6 : f32
        %mul3A_323 = vector.broadcast %mul3A_322 : f32 to vector<16xf32>
        %mul3A_324 = arith.mulf %mul3A_323, %mul3A_307 : vector<16xf32>
        %add3A_325 = arith.constant -1.93373271E-4 : f32
        %add3A_326 = vector.broadcast %add3A_325 : f32 to vector<16xf32>
        %add3A_327 = arith.addf %mul3A_324, %add3A_326 : vector<16xf32>
        %mul3A_328 = arith.mulf %add3A_327, %mul3A_307 : vector<16xf32>
        %add3A_329 = arith.constant 0.00831502489 : f32
        %add3A_330 = vector.broadcast %add3A_329 : f32 to vector<16xf32>
        %add3A_331 = arith.addf %mul3A_328, %add3A_330 : vector<16xf32>
        %mul3A_332 = arith.mulf %add3A_331, %mul3A_307 : vector<16xf32>
        %add3A_333 = arith.constant -0.166644335 : f32
        %add3A_334 = vector.broadcast %add3A_333 : f32 to vector<16xf32>
        %add3A_335 = arith.addf %mul3A_332, %add3A_334 : vector<16xf32>
        %mul3A_336 = arith.mulf %sub3A_296, %mul3A_306 : vector<16xf32>
        %mul3A_337 = arith.mulf %mul3A_336, %add3A_321 : vector<16xf32>
        %add3A_338 = arith.addf %sub3A_296, %mul3A_337 : vector<16xf32>
        %mul3A_339 = arith.mulf %sub3A_305, %mul3A_307 : vector<16xf32>
        %mul3A_340 = arith.mulf %mul3A_339, %add3A_335 : vector<16xf32>
        %add3A_341 = arith.addf %sub3A_305, %mul3A_340 : vector<16xf32>
        %mul3A_342 = arith.constant -2.19729642E-7 : f32
        %mul3A_343 = vector.broadcast %mul3A_342 : f32 to vector<16xf32>
        %mul3A_344 = arith.mulf %mul3A_306, %mul3A_343 : vector<16xf32>
        %add3A_345 = arith.constant 2.42029419E-5 : f32
        %add3A_346 = vector.broadcast %add3A_345 : f32 to vector<16xf32>
        %add3A_347 = arith.addf %add3A_346, %mul3A_344 : vector<16xf32>
        %mul3A_348 = arith.mulf %mul3A_306, %add3A_347 : vector<16xf32>
        %add3A_349 = arith.constant -0.001385879 : f32
        %add3A_350 = vector.broadcast %add3A_349 : f32 to vector<16xf32>
        %add3A_351 = arith.addf %add3A_350, %mul3A_348 : vector<16xf32>
        %mul3A_352 = arith.mulf %mul3A_306, %add3A_351 : vector<16xf32>
        %add3A_353 = arith.constant 0.0416597761 : f32
        %add3A_354 = vector.broadcast %add3A_353 : f32 to vector<16xf32>
        %add3A_355 = arith.addf %add3A_354, %mul3A_352 : vector<16xf32>
        %mul3A_356 = arith.mulf %mul3A_306, %add3A_355 : vector<16xf32>
        %add3A_357 = arith.constant -0.499994218 : f32
        %add3A_358 = vector.broadcast %add3A_357 : f32 to vector<16xf32>
        %add3A_359 = arith.addf %add3A_358, %mul3A_356 : vector<16xf32>
        %mul3A_360 = arith.mulf %mul3A_306, %add3A_359 : vector<16xf32>
        %add3A_361 = arith.constant 0.999999225 : f32
        %add3A_362 = vector.broadcast %add3A_361 : f32 to vector<16xf32>
        %add3A_363 = arith.addf %add3A_362, %mul3A_360 : vector<16xf32>
        %mul3A_364 = arith.constant -2.19729642E-7 : f32
        %mul3A_365 = vector.broadcast %mul3A_364 : f32 to vector<16xf32>
        %mul3A_366 = arith.mulf %mul3A_307, %mul3A_365 : vector<16xf32>
        %add3A_367 = arith.constant 2.42029419E-5 : f32
        %add3A_368 = vector.broadcast %add3A_367 : f32 to vector<16xf32>
        %add3A_369 = arith.addf %add3A_368, %mul3A_366 : vector<16xf32>
        %mul3A_370 = arith.mulf %mul3A_307, %add3A_369 : vector<16xf32>
        %add3A_371 = arith.constant -0.001385879 : f32
        %add3A_372 = vector.broadcast %add3A_371 : f32 to vector<16xf32>
        %add3A_373 = arith.addf %add3A_372, %mul3A_370 : vector<16xf32>
        %mul3A_374 = arith.mulf %mul3A_307, %add3A_373 : vector<16xf32>
        %add3A_375 = arith.constant 0.0416597761 : f32
        %add3A_376 = vector.broadcast %add3A_375 : f32 to vector<16xf32>
        %add3A_377 = arith.addf %add3A_376, %mul3A_374 : vector<16xf32>
        %mul3A_378 = arith.mulf %mul3A_307, %add3A_377 : vector<16xf32>
        %add3A_379 = arith.constant -0.499994218 : f32
        %add3A_380 = vector.broadcast %add3A_379 : f32 to vector<16xf32>
        %add3A_381 = arith.addf %add3A_380, %mul3A_378 : vector<16xf32>
        %mul3A_382 = arith.mulf %mul3A_307, %add3A_381 : vector<16xf32>
        %add3A_383 = arith.constant 0.999999225 : f32
        %add3A_384 = vector.broadcast %add3A_383 : f32 to vector<16xf32>
        %add3A_385 = arith.addf %add3A_384, %mul3A_382 : vector<16xf32>
        %add3A_386 = arith.constant 1 : i32
        %add3A_387 = arith.addi %mul3A_89, %add3A_386 : i32
        %get3A_388 = arith.index_cast %select_n3A_80 : i32 to index
        %get3A_389 = arith.index_cast %add3A_387 : i32 to index
        %get3A_390 = arith.constant 0 : index
        %get3A_391 = tpu.vector_load %arg9[%get3A_388, %get3A_389, %get3A_390] {strides = array<i32>} : memref<2x32x64xf32, #tpu.memory_space<vmem>>, vector<1x1x16xf32>,
        %get3A_392 = vector.shape_cast %get3A_391 : vector<1x1x16xf32> to vector<16xf32>
        %add3A_393 = arith.addf %get3A_392, %add3A_338 : vector<16xf32>
        %neg3A_394 = arith.constant 0.000000e+00 : f32
        %neg3A_395 = vector.broadcast %neg3A_394 : f32 to vector<16xf32>
        %neg3A_396 = arith.subf %neg3A_395, %add3A_393 : vector<16xf32>
        %exp3A_397 = math.exp %neg3A_396 : vector<16xf32>
        %add3A_398 = arith.constant 1.000000e+00 : f32
        %add3A_399 = vector.broadcast %add3A_398 : f32 to vector<16xf32>
        %add3A_400 = arith.addf %add3A_399, %exp3A_397 : vector<16xf32>
        %div3A_401 = arith.divf %add3A_393, %add3A_400 : vector<16xf32>
        %add3A_402 = arith.constant 1 : i32
        %add3A_403 = arith.addi %add3A_92, %add3A_402 : i32
        %swap3A_404 = arith.index_cast %add3A_403 : i32 to index
        %swap3A_405 = arith.constant 0 : index
        %swap3A_406 = tpu.vector_load %arg10[%swap3A_404, %swap3A_405] {strides = array<i32>} : memref<512x64xf32, #tpu.memory_space<vmem>>, vector<1x16xf32>,
        %swap3A_407 = vector.shape_cast %swap3A_406 : vector<1x16xf32> to vector<16xf32>
        %swap3A_408 = vector.shape_cast %div3A_401 : vector<16xf32> to vector<1x16xf32>
        tpu.vector_store %arg10[%swap3A_404, %swap3A_405], %swap3A_408 {strides = array<i32>} : memref<512x64xf32, #tpu.memory_space<vmem>>, vector<1x16xf32>,
        %add3A_409 = arith.constant 1 : i32
        %add3A_410 = arith.addi %mul3A_89, %add3A_409 : i32
        %get3A_411 = arith.index_cast %select_n3A_80 : i32 to index
        %get3A_412 = arith.index_cast %add3A_410 : i32 to index
        %get3A_413 = arith.constant 16 : index
        %get3A_414 = tpu.vector_load %arg9[%get3A_411, %get3A_412, %get3A_413] {strides = array<i32>} : memref<2x32x64xf32, #tpu.memory_space<vmem>>, vector<1x1x16xf32>,
        %get3A_415 = vector.shape_cast %get3A_414 : vector<1x1x16xf32> to vector<16xf32>
        %add3A_416 = arith.addf %get3A_415, %add3A_341 : vector<16xf32>
        %neg3A_417 = arith.constant 0.000000e+00 : f32
        %neg3A_418 = vector.broadcast %neg3A_417 : f32 to vector<16xf32>
        %neg3A_419 = arith.subf %neg3A_418, %add3A_416 : vector<16xf32>
        %exp3A_420 = math.exp %neg3A_419 : vector<16xf32>
        %add3A_421 = arith.constant 1.000000e+00 : f32
        %add3A_422 = vector.broadcast %add3A_421 : f32 to vector<16xf32>
        %add3A_423 = arith.addf %add3A_422, %exp3A_420 : vector<16xf32>
        %div3A_424 = arith.divf %add3A_416, %add3A_423 : vector<16xf32>
        %add3A_425 = arith.constant 1 : i32
        %add3A_426 = arith.addi %add3A_92, %add3A_425 : i32
        %swap3A_427 = arith.index_cast %add3A_426 : i32 to index
        %swap3A_428 = arith.constant 16 : index
        %swap3A_429 = tpu.vector_load %arg10[%swap3A_427, %swap3A_428] {strides = array<i32>} : memref<512x64xf32, #tpu.memory_space<vmem>>, vector<1x16xf32>,
        %swap3A_430 = vector.shape_cast %swap3A_429 : vector<1x16xf32> to vector<16xf32>
        %swap3A_431 = vector.shape_cast %div3A_424 : vector<16xf32> to vector<1x16xf32>
        tpu.vector_store %arg10[%swap3A_427, %swap3A_428], %swap3A_431 {strides = array<i32>} : memref<512x64xf32, #tpu.memory_space<vmem>>, vector<1x16xf32>,
        %add3A_432 = arith.constant 1 : i32
        %add3A_433 = arith.addi %mul3A_89, %add3A_432 : i32
        %get3A_434 = arith.index_cast %select_n3A_80 : i32 to index
        %get3A_435 = arith.index_cast %add3A_433 : i32 to index
        %get3A_436 = arith.constant 32 : index
        %get3A_437 = tpu.vector_load %arg9[%get3A_434, %get3A_435, %get3A_436] {strides = array<i32>} : memref<2x32x64xf32, #tpu.memory_space<vmem>>, vector<1x1x16xf32>,
        %get3A_438 = vector.shape_cast %get3A_437 : vector<1x1x16xf32> to vector<16xf32>
        %add3A_439 = arith.addf %get3A_438, %add3A_363 : vector<16xf32>
        %neg3A_440 = arith.constant 0.000000e+00 : f32
        %neg3A_441 = vector.broadcast %neg3A_440 : f32 to vector<16xf32>
        %neg3A_442 = arith.subf %neg3A_441, %add3A_439 : vector<16xf32>
        %exp3A_443 = math.exp %neg3A_442 : vector<16xf32>
        %add3A_444 = arith.constant 1.000000e+00 : f32
        %add3A_445 = vector.broadcast %add3A_444 : f32 to vector<16xf32>
        %add3A_446 = arith.addf %add3A_445, %exp3A_443 : vector<16xf32>
        %div3A_447 = arith.divf %add3A_439, %add3A_446 : vector<16xf32>
        %add3A_448 = arith.constant 1 : i32
        %add3A_449 = arith.addi %add3A_92, %add3A_448 : i32
        %swap3A_450 = arith.index_cast %add3A_449 : i32 to index
        %swap3A_451 = arith.constant 32 : index
        %swap3A_452 = tpu.vector_load %arg10[%swap3A_450, %swap3A_451] {strides = array<i32>} : memref<512x64xf32, #tpu.memory_space<vmem>>, vector<1x16xf32>,
        %swap3A_453 = vector.shape_cast %swap3A_452 : vector<1x16xf32> to vector<16xf32>
        %swap3A_454 = vector.shape_cast %div3A_447 : vector<16xf32> to vector<1x16xf32>
        tpu.vector_store %arg10[%swap3A_450, %swap3A_451], %swap3A_454 {strides = array<i32>} : memref<512x64xf32, #tpu.memory_space<vmem>>, vector<1x16xf32>,
        %add3A_455 = arith.constant 1 : i32
        %add3A_456 = arith.addi %mul3A_89, %add3A_455 : i32
        %get3A_457 = arith.index_cast %select_n3A_80 : i32 to index
        %get3A_458 = arith.index_cast %add3A_456 : i32 to index
        %get3A_459 = arith.constant 48 : index
        %get3A_460 = tpu.vector_load %arg9[%get3A_457, %get3A_458, %get3A_459] {strides = array<i32>} : memref<2x32x64xf32, #tpu.memory_space<vmem>>, vector<1x1x16xf32>,
        %get3A_461 = vector.shape_cast %get3A_460 : vector<1x1x16xf32> to vector<16xf32>
        %add3A_462 = arith.addf %get3A_461, %add3A_385 : vector<16xf32>
        %neg3A_463 = arith.constant 0.000000e+00 : f32
        %neg3A_464 = vector.broadcast %neg3A_463 : f32 to vector<16xf32>
        %neg3A_465 = arith.subf %neg3A_464, %add3A_462 : vector<16xf32>
        %exp3A_466 = math.exp %neg3A_465 : vector<16xf32>
        %add3A_467 = arith.constant 1.000000e+00 : f32
        %add3A_468 = vector.broadcast %add3A_467 : f32 to vector<16xf32>
        %add3A_469 = arith.addf %add3A_468, %exp3A_466 : vector<16xf32>
        %div3A_470 = arith.divf %add3A_462, %add3A_469 : vector<16xf32>
        %add3A_471 = arith.constant 1 : i32
        %add3A_472 = arith.addi %add3A_92, %add3A_471 : i32
        %swap3A_473 = arith.index_cast %add3A_472 : i32 to index
        %swap3A_474 = arith.constant 48 : index
        %swap3A_475 = tpu.vector_load %arg10[%swap3A_473, %swap3A_474] {strides = array<i32>} : memref<512x64xf32, #tpu.memory_space<vmem>>, vector<1x16xf32>,
        %swap3A_476 = vector.shape_cast %swap3A_475 : vector<1x16xf32> to vector<16xf32>
        %swap3A_477 = vector.shape_cast %div3A_470 : vector<16xf32> to vector<1x16xf32>
        tpu.vector_store %arg10[%swap3A_473, %swap3A_474], %swap3A_477 {strides = array<i32>} : memref<512x64xf32, #tpu.memory_space<vmem>>, vector<1x16xf32>,
        %slice3A_478 = vector.extract_strided_slice %get3A_95 {offsets = [2], sizes = [1], strides = [1]} : vector<16xf32> to vector<1xf32>
        %squeeze3A_479 = vector.extract %slice3A_478[0] : f32 from vector<1xf32>
        %broadcast_in_dim3A_480 = vector.broadcast %squeeze3A_479 : f32 to vector<16xf32>
        %mul3A_481 = arith.mulf %broadcast_in_dim3A_480, %get3A_4 : vector<16xf32>
        %mul3A_482 = arith.mulf %broadcast_in_dim3A_480, %get3A_7 : vector<16xf32>
        %add3A_483 = arith.constant 3.14159274 : f32
        %add3A_484 = vector.broadcast %add3A_483 : f32 to vector<16xf32>
        %add3A_485 = arith.addf %mul3A_481, %add3A_484 : vector<16xf32>
        %rem3A_486 = arith.constant 6.28318548 : f32
        %rem3A_487 = vector.broadcast %rem3A_486 : f32 to vector<16xf32>
        %rem3A_488 = arith.remf %add3A_485, %rem3A_487 : vector<16xf32>
        %sub3A_489 = arith.constant 3.14159274 : f32
        %sub3A_490 = vector.broadcast %sub3A_489 : f32 to vector<16xf32>
        %sub3A_491 = arith.subf %rem3A_488, %sub3A_490 : vector<16xf32>
        %add3A_492 = arith.constant 3.14159274 : f32
        %add3A_493 = vector.broadcast %add3A_492 : f32 to vector<16xf32>
        %add3A_494 = arith.addf %mul3A_482, %add3A_493 : vector<16xf32>
        %rem3A_495 = arith.constant 6.28318548 : f32
        %rem3A_496 = vector.broadcast %rem3A_495 : f32 to vector<16xf32>
        %rem3A_497 = arith.remf %add3A_494, %rem3A_496 : vector<16xf32>
        %sub3A_498 = arith.constant 3.14159274 : f32
        %sub3A_499 = vector.broadcast %sub3A_498 : f32 to vector<16xf32>
        %sub3A_500 = arith.subf %rem3A_497, %sub3A_499 : vector<16xf32>
        %mul3A_501 = arith.mulf %sub3A_491, %sub3A_491 : vector<16xf32>
        %mul3A_502 = arith.mulf %sub3A_500, %sub3A_500 : vector<16xf32>
        %mul3A_503 = arith.constant 2.17778847E-6 : f32
        %mul3A_504 = vector.broadcast %mul3A_503 : f32 to vector<16xf32>
        %mul3A_505 = arith.mulf %mul3A_504, %mul3A_501 : vector<16xf32>
        %add3A_506 = arith.constant -1.93373271E-4 : f32
        %add3A_507 = vector.broadcast %add3A_506 : f32 to vector<16xf32>
        %add3A_508 = arith.addf %mul3A_505, %add3A_507 : vector<16xf32>
        %mul3A_509 = arith.mulf %add3A_508, %mul3A_501 : vector<16xf32>
        %add3A_510 = arith.constant 0.00831502489 : f32
        %add3A_511 = vector.broadcast %add3A_510 : f32 to vector<16xf32>
        %add3A_512 = arith.addf %mul3A_509, %add3A_511 : vector<16xf32>
        %mul3A_513 = arith.mulf %add3A_512, %mul3A_501 : vector<16xf32>
        %add3A_514 = arith.constant -0.166644335 : f32
        %add3A_515 = vector.broadcast %add3A_514 : f32 to vector<16xf32>
        %add3A_516 = arith.addf %mul3A_513, %add3A_515 : vector<16xf32>
        %mul3A_517 = arith.constant 2.17778847E-6 : f32
        %mul3A_518 = vector.broadcast %mul3A_517 : f32 to vector<16xf32>
        %mul3A_519 = arith.mulf %mul3A_518, %mul3A_502 : vector<16xf32>
        %add3A_520 = arith.constant -1.93373271E-4 : f32
        %add3A_521 = vector.broadcast %add3A_520 : f32 to vector<16xf32>
        %add3A_522 = arith.addf %mul3A_519, %add3A_521 : vector<16xf32>
        %mul3A_523 = arith.mulf %add3A_522, %mul3A_502 : vector<16xf32>
        %add3A_524 = arith.constant 0.00831502489 : f32
        %add3A_525 = vector.broadcast %add3A_524 : f32 to vector<16xf32>
        %add3A_526 = arith.addf %mul3A_523, %add3A_525 : vector<16xf32>
        %mul3A_527 = arith.mulf %add3A_526, %mul3A_502 : vector<16xf32>
        %add3A_528 = arith.constant -0.166644335 : f32
        %add3A_529 = vector.broadcast %add3A_528 : f32 to vector<16xf32>
        %add3A_530 = arith.addf %mul3A_527, %add3A_529 : vector<16xf32>
        %mul3A_531 = arith.mulf %sub3A_491, %mul3A_501 : vector<16xf32>
        %mul3A_532 = arith.mulf %mul3A_531, %add3A_516 : vector<16xf32>
        %add3A_533 = arith.addf %sub3A_491, %mul3A_532 : vector<16xf32>
        %mul3A_534 = arith.mulf %sub3A_500, %mul3A_502 : vector<16xf32>
        %mul3A_535 = arith.mulf %mul3A_534, %add3A_530 : vector<16xf32>
        %add3A_536 = arith.addf %sub3A_500, %mul3A_535 : vector<16xf32>
        %mul3A_537 = arith.constant -2.19729642E-7 : f32
        %mul3A_538 = vector.broadcast %mul3A_537 : f32 to vector<16xf32>
        %mul3A_539 = arith.mulf %mul3A_501, %mul3A_538 : vector<16xf32>
        %add3A_540 = arith.constant 2.42029419E-5 : f32
        %add3A_541 = vector.broadcast %add3A_540 : f32 to vector<16xf32>
        %add3A_542 = arith.addf %add3A_541, %mul3A_539 : vector<16xf32>
        %mul3A_543 = arith.mulf %mul3A_501, %add3A_542 : vector<16xf32>
        %add3A_544 = arith.constant -0.001385879 : f32
        %add3A_545 = vector.broadcast %add3A_544 : f32 to vector<16xf32>
        %add3A_546 = arith.addf %add3A_545, %mul3A_543 : vector<16xf32>
        %mul3A_547 = arith.mulf %mul3A_501, %add3A_546 : vector<16xf32>
        %add3A_548 = arith.constant 0.0416597761 : f32
        %add3A_549 = vector.broadcast %add3A_548 : f32 to vector<16xf32>
        %add3A_550 = arith.addf %add3A_549, %mul3A_547 : vector<16xf32>
        %mul3A_551 = arith.mulf %mul3A_501, %add3A_550 : vector<16xf32>
        %add3A_552 = arith.constant -0.499994218 : f32
        %add3A_553 = vector.broadcast %add3A_552 : f32 to vector<16xf32>
        %add3A_554 = arith.addf %add3A_553, %mul3A_551 : vector<16xf32>
        %mul3A_555 = arith.mulf %mul3A_501, %add3A_554 : vector<16xf32>
        %add3A_556 = arith.constant 0.999999225 : f32
        %add3A_557 = vector.broadcast %add3A_556 : f32 to vector<16xf32>
        %add3A_558 = arith.addf %add3A_557, %mul3A_555 : vector<16xf32>
        %mul3A_559 = arith.constant -2.19729642E-7 : f32
        %mul3A_560 = vector.broadcast %mul3A_559 : f32 to vector<16xf32>
        %mul3A_561 = arith.mulf %mul3A_502, %mul3A_560 : vector<16xf32>
        %add3A_562 = arith.constant 2.42029419E-5 : f32
        %add3A_563 = vector.broadcast %add3A_562 : f32 to vector<16xf32>
        %add3A_564 = arith.addf %add3A_563, %mul3A_561 : vector<16xf32>
        %mul3A_565 = arith.mulf %mul3A_502, %add3A_564 : vector<16xf32>
        %add3A_566 = arith.constant -0.001385879 : f32
        %add3A_567 = vector.broadcast %add3A_566 : f32 to vector<16xf32>
        %add3A_568 = arith.addf %add3A_567, %mul3A_565 : vector<16xf32>
        %mul3A_569 = arith.mulf %mul3A_502, %add3A_568 : vector<16xf32>
        %add3A_570 = arith.constant 0.0416597761 : f32
        %add3A_571 = vector.broadcast %add3A_570 : f32 to vector<16xf32>
        %add3A_572 = arith.addf %add3A_571, %mul3A_569 : vector<16xf32>
        %mul3A_573 = arith.mulf %mul3A_502, %add3A_572 : vector<16xf32>
        %add3A_574 = arith.constant -0.499994218 : f32
        %add3A_575 = vector.broadcast %add3A_574 : f32 to vector<16xf32>
        %add3A_576 = arith.addf %add3A_575, %mul3A_573 : vector<16xf32>
        %mul3A_577 = arith.mulf %mul3A_502, %add3A_576 : vector<16xf32>
        %add3A_578 = arith.constant 0.999999225 : f32
        %add3A_579 = vector.broadcast %add3A_578 : f32 to vector<16xf32>
        %add3A_580 = arith.addf %add3A_579, %mul3A_577 : vector<16xf32>
        %add3A_581 = arith.constant 2 : i32
        %add3A_582 = arith.addi %mul3A_89, %add3A_581 : i32
        %get3A_583 = arith.index_cast %select_n3A_80 : i32 to index
        %get3A_584 = arith.index_cast %add3A_582 : i32 to index
        %get3A_585 = arith.constant 0 : index
        %get3A_586 = tpu.vector_load %arg9[%get3A_583, %get3A_584, %get3A_585] {strides = array<i32>} : memref<2x32x64xf32, #tpu.memory_space<vmem>>, vector<1x1x16xf32>,
        %get3A_587 = vector.shape_cast %get3A_586 : vector<1x1x16xf32> to vector<16xf32>
        %add3A_588 = arith.addf %get3A_587, %add3A_533 : vector<16xf32>
        %neg3A_589 = arith.constant 0.000000e+00 : f32
        %neg3A_590 = vector.broadcast %neg3A_589 : f32 to vector<16xf32>
        %neg3A_591 = arith.subf %neg3A_590, %add3A_588 : vector<16xf32>
        %exp3A_592 = math.exp %neg3A_591 : vector<16xf32>
        %add3A_593 = arith.constant 1.000000e+00 : f32
        %add3A_594 = vector.broadcast %add3A_593 : f32 to vector<16xf32>
        %add3A_595 = arith.addf %add3A_594, %exp3A_592 : vector<16xf32>
        %div3A_596 = arith.divf %add3A_588, %add3A_595 : vector<16xf32>
        %add3A_597 = arith.constant 2 : i32
        %add3A_598 = arith.addi %add3A_92, %add3A_597 : i32
        %swap3A_599 = arith.index_cast %add3A_598 : i32 to index
        %swap3A_600 = arith.constant 0 : index
        %swap3A_601 = tpu.vector_load %arg10[%swap3A_599, %swap3A_600] {strides = array<i32>} : memref<512x64xf32, #tpu.memory_space<vmem>>, vector<1x16xf32>,
        %swap3A_602 = vector.shape_cast %swap3A_601 : vector<1x16xf32> to vector<16xf32>
        %swap3A_603 = vector.shape_cast %div3A_596 : vector<16xf32> to vector<1x16xf32>
        tpu.vector_store %arg10[%swap3A_599, %swap3A_600], %swap3A_603 {strides = array<i32>} : memref<512x64xf32, #tpu.memory_space<vmem>>, vector<1x16xf32>,
        %add3A_604 = arith.constant 2 : i32
        %add3A_605 = arith.addi %mul3A_89, %add3A_604 : i32
        %get3A_606 = arith.index_cast %select_n3A_80 : i32 to index
        %get3A_607 = arith.index_cast %add3A_605 : i32 to index
        %get3A_608 = arith.constant 16 : index
        %get3A_609 = tpu.vector_load %arg9[%get3A_606, %get3A_607, %get3A_608] {strides = array<i32>} : memref<2x32x64xf32, #tpu.memory_space<vmem>>, vector<1x1x16xf32>,
        %get3A_610 = vector.shape_cast %get3A_609 : vector<1x1x16xf32> to vector<16xf32>
        %add3A_611 = arith.addf %get3A_610, %add3A_536 : vector<16xf32>
        %neg3A_612 = arith.constant 0.000000e+00 : f32
        %neg3A_613 = vector.broadcast %neg3A_612 : f32 to vector<16xf32>
        %neg3A_614 = arith.subf %neg3A_613, %add3A_611 : vector<16xf32>
        %exp3A_615 = math.exp %neg3A_614 : vector<16xf32>
        %add3A_616 = arith.constant 1.000000e+00 : f32
        %add3A_617 = vector.broadcast %add3A_616 : f32 to vector<16xf32>
        %add3A_618 = arith.addf %add3A_617, %exp3A_615 : vector<16xf32>
        %div3A_619 = arith.divf %add3A_611, %add3A_618 : vector<16xf32>
        %add3A_620 = arith.constant 2 : i32
        %add3A_621 = arith.addi %add3A_92, %add3A_620 : i32
        %swap3A_622 = arith.index_cast %add3A_621 : i32 to index
        %swap3A_623 = arith.constant 16 : index
        %swap3A_624 = tpu.vector_load %arg10[%swap3A_622, %swap3A_623] {strides = array<i32>} : memref<512x64xf32, #tpu.memory_space<vmem>>, vector<1x16xf32>,
        %swap3A_625 = vector.shape_cast %swap3A_624 : vector<1x16xf32> to vector<16xf32>
        %swap3A_626 = vector.shape_cast %div3A_619 : vector<16xf32> to vector<1x16xf32>
        tpu.vector_store %arg10[%swap3A_622, %swap3A_623], %swap3A_626 {strides = array<i32>} : memref<512x64xf32, #tpu.memory_space<vmem>>, vector<1x16xf32>,
        %add3A_627 = arith.constant 2 : i32
        %add3A_628 = arith.addi %mul3A_89, %add3A_627 : i32
        %get3A_629 = arith.index_cast %select_n3A_80 : i32 to index
        %get3A_630 = arith.index_cast %add3A_628 : i32 to index
        %get3A_631 = arith.constant 32 : index
        %get3A_632 = tpu.vector_load %arg9[%get3A_629, %get3A_630, %get3A_631] {strides = array<i32>} : memref<2x32x64xf32, #tpu.memory_space<vmem>>, vector<1x1x16xf32>,
        %get3A_633 = vector.shape_cast %get3A_632 : vector<1x1x16xf32> to vector<16xf32>
        %add3A_634 = arith.addf %get3A_633, %add3A_558 : vector<16xf32>
        %neg3A_635 = arith.constant 0.000000e+00 : f32
        %neg3A_636 = vector.broadcast %neg3A_635 : f32 to vector<16xf32>
        %neg3A_637 = arith.subf %neg3A_636, %add3A_634 : vector<16xf32>
        %exp3A_638 = math.exp %neg3A_637 : vector<16xf32>
        %add3A_639 = arith.constant 1.000000e+00 : f32
        %add3A_640 = vector.broadcast %add3A_639 : f32 to vector<16xf32>
        %add3A_641 = arith.addf %add3A_640, %exp3A_638 : vector<16xf32>
        %div3A_642 = arith.divf %add3A_634, %add3A_641 : vector<16xf32>
        %add3A_643 = arith.constant 2 : i32
        %add3A_644 = arith.addi %add3A_92, %add3A_643 : i32
        %swap3A_645 = arith.index_cast %add3A_644 : i32 to index
        %swap3A_646 = arith.constant 32 : index
        %swap3A_647 = tpu.vector_load %arg10[%swap3A_645, %swap3A_646] {strides = array<i32>} : memref<512x64xf32, #tpu.memory_space<vmem>>, vector<1x16xf32>,
        %swap3A_648 = vector.shape_cast %swap3A_647 : vector<1x16xf32> to vector<16xf32>
        %swap3A_649 = vector.shape_cast %div3A_642 : vector<16xf32> to vector<1x16xf32>
        tpu.vector_store %arg10[%swap3A_645, %swap3A_646], %swap3A_649 {strides = array<i32>} : memref<512x64xf32, #tpu.memory_space<vmem>>, vector<1x16xf32>,
        %add3A_650 = arith.constant 2 : i32
        %add3A_651 = arith.addi %mul3A_89, %add3A_650 : i32
        %get3A_652 = arith.index_cast %select_n3A_80 : i32 to index
        %get3A_653 = arith.index_cast %add3A_651 : i32 to index
        %get3A_654 = arith.constant 48 : index
        %get3A_655 = tpu.vector_load %arg9[%get3A_652, %get3A_653, %get3A_654] {strides = array<i32>} : memref<2x32x64xf32, #tpu.memory_space<vmem>>, vector<1x1x16xf32>,
        %get3A_656 = vector.shape_cast %get3A_655 : vector<1x1x16xf32> to vector<16xf32>
        %add3A_657 = arith.addf %get3A_656, %add3A_580 : vector<16xf32>
        %neg3A_658 = arith.constant 0.000000e+00 : f32
        %neg3A_659 = vector.broadcast %neg3A_658 : f32 to vector<16xf32>
        %neg3A_660 = arith.subf %neg3A_659, %add3A_657 : vector<16xf32>
        %exp3A_661 = math.exp %neg3A_660 : vector<16xf32>
        %add3A_662 = arith.constant 1.000000e+00 : f32
        %add3A_663 = vector.broadcast %add3A_662 : f32 to vector<16xf32>
        %add3A_664 = arith.addf %add3A_663, %exp3A_661 : vector<16xf32>
        %div3A_665 = arith.divf %add3A_657, %add3A_664 : vector<16xf32>
        %add3A_666 = arith.constant 2 : i32
        %add3A_667 = arith.addi %add3A_92, %add3A_666 : i32
        %swap3A_668 = arith.index_cast %add3A_667 : i32 to index
        %swap3A_669 = arith.constant 48 : index
        %swap3A_670 = tpu.vector_load %arg10[%swap3A_668, %swap3A_669] {strides = array<i32>} : memref<512x64xf32, #tpu.memory_space<vmem>>, vector<1x16xf32>,
        %swap3A_671 = vector.shape_cast %swap3A_670 : vector<1x16xf32> to vector<16xf32>
        %swap3A_672 = vector.shape_cast %div3A_665 : vector<16xf32> to vector<1x16xf32>
        tpu.vector_store %arg10[%swap3A_668, %swap3A_669], %swap3A_672 {strides = array<i32>} : memref<512x64xf32, #tpu.memory_space<vmem>>, vector<1x16xf32>,
        %slice3A_673 = vector.extract_strided_slice %get3A_95 {offsets = [3], sizes = [1], strides = [1]} : vector<16xf32> to vector<1xf32>
        %squeeze3A_674 = vector.extract %slice3A_673[0] : f32 from vector<1xf32>
        %broadcast_in_dim3A_675 = vector.broadcast %squeeze3A_674 : f32 to vector<16xf32>
        %mul3A_676 = arith.mulf %broadcast_in_dim3A_675, %get3A_4 : vector<16xf32>
        %mul3A_677 = arith.mulf %broadcast_in_dim3A_675, %get3A_7 : vector<16xf32>
        %add3A_678 = arith.constant 3.14159274 : f32
        %add3A_679 = vector.broadcast %add3A_678 : f32 to vector<16xf32>
        %add3A_680 = arith.addf %mul3A_676, %add3A_679 : vector<16xf32>
        %rem3A_681 = arith.constant 6.28318548 : f32
        %rem3A_682 = vector.broadcast %rem3A_681 : f32 to vector<16xf32>
        %rem3A_683 = arith.remf %add3A_680, %rem3A_682 : vector<16xf32>
        %sub3A_684 = arith.constant 3.14159274 : f32
        %sub3A_685 = vector.broadcast %sub3A_684 : f32 to vector<16xf32>
        %sub3A_686 = arith.subf %rem3A_683, %sub3A_685 : vector<16xf32>
        %add3A_687 = arith.constant 3.14159274 : f32
        %add3A_688 = vector.broadcast %add3A_687 : f32 to vector<16xf32>
        %add3A_689 = arith.addf %mul3A_677, %add3A_688 : vector<16xf32>
        %rem3A_690 = arith.constant 6.28318548 : f32
        %rem3A_691 = vector.broadcast %rem3A_690 : f32 to vector<16xf32>
        %rem3A_692 = arith.remf %add3A_689, %rem3A_691 : vector<16xf32>
        %sub3A_693 = arith.constant 3.14159274 : f32
        %sub3A_694 = vector.broadcast %sub3A_693 : f32 to vector<16xf32>
        %sub3A_695 = arith.subf %rem3A_692, %sub3A_694 : vector<16xf32>
        %mul3A_696 = arith.mulf %sub3A_686, %sub3A_686 : vector<16xf32>
        %mul3A_697 = arith.mulf %sub3A_695, %sub3A_695 : vector<16xf32>
        %mul3A_698 = arith.constant 2.17778847E-6 : f32
        %mul3A_699 = vector.broadcast %mul3A_698 : f32 to vector<16xf32>
        %mul3A_700 = arith.mulf %mul3A_699, %mul3A_696 : vector<16xf32>
        %add3A_701 = arith.constant -1.93373271E-4 : f32
        %add3A_702 = vector.broadcast %add3A_701 : f32 to vector<16xf32>
        %add3A_703 = arith.addf %mul3A_700, %add3A_702 : vector<16xf32>
        %mul3A_704 = arith.mulf %add3A_703, %mul3A_696 : vector<16xf32>
        %add3A_705 = arith.constant 0.00831502489 : f32
        %add3A_706 = vector.broadcast %add3A_705 : f32 to vector<16xf32>
        %add3A_707 = arith.addf %mul3A_704, %add3A_706 : vector<16xf32>
        %mul3A_708 = arith.mulf %add3A_707, %mul3A_696 : vector<16xf32>
        %add3A_709 = arith.constant -0.166644335 : f32
        %add3A_710 = vector.broadcast %add3A_709 : f32 to vector<16xf32>
        %add3A_711 = arith.addf %mul3A_708, %add3A_710 : vector<16xf32>
        %mul3A_712 = arith.constant 2.17778847E-6 : f32
        %mul3A_713 = vector.broadcast %mul3A_712 : f32 to vector<16xf32>
        %mul3A_714 = arith.mulf %mul3A_713, %mul3A_697 : vector<16xf32>
        %add3A_715 = arith.constant -1.93373271E-4 : f32
        %add3A_716 = vector.broadcast %add3A_715 : f32 to vector<16xf32>
        %add3A_717 = arith.addf %mul3A_714, %add3A_716 : vector<16xf32>
        %mul3A_718 = arith.mulf %add3A_717, %mul3A_697 : vector<16xf32>
        %add3A_719 = arith.constant 0.00831502489 : f32
        %add3A_720 = vector.broadcast %add3A_719 : f32 to vector<16xf32>
        %add3A_721 = arith.addf %mul3A_718, %add3A_720 : vector<16xf32>
        %mul3A_722 = arith.mulf %add3A_721, %mul3A_697 : vector<16xf32>
        %add3A_723 = arith.constant -0.166644335 : f32
        %add3A_724 = vector.broadcast %add3A_723 : f32 to vector<16xf32>
        %add3A_725 = arith.addf %mul3A_722, %add3A_724 : vector<16xf32>
        %mul3A_726 = arith.mulf %sub3A_686, %mul3A_696 : vector<16xf32>
        %mul3A_727 = arith.mulf %mul3A_726, %add3A_711 : vector<16xf32>
        %add3A_728 = arith.addf %sub3A_686, %mul3A_727 : vector<16xf32>
        %mul3A_729 = arith.mulf %sub3A_695, %mul3A_697 : vector<16xf32>
        %mul3A_730 = arith.mulf %mul3A_729, %add3A_725 : vector<16xf32>
        %add3A_731 = arith.addf %sub3A_695, %mul3A_730 : vector<16xf32>
        %mul3A_732 = arith.constant -2.19729642E-7 : f32
        %mul3A_733 = vector.broadcast %mul3A_732 : f32 to vector<16xf32>
        %mul3A_734 = arith.mulf %mul3A_696, %mul3A_733 : vector<16xf32>
        %add3A_735 = arith.constant 2.42029419E-5 : f32
        %add3A_736 = vector.broadcast %add3A_735 : f32 to vector<16xf32>
        %add3A_737 = arith.addf %add3A_736, %mul3A_734 : vector<16xf32>
        %mul3A_738 = arith.mulf %mul3A_696, %add3A_737 : vector<16xf32>
        %add3A_739 = arith.constant -0.001385879 : f32
        %add3A_740 = vector.broadcast %add3A_739 : f32 to vector<16xf32>
        %add3A_741 = arith.addf %add3A_740, %mul3A_738 : vector<16xf32>
        %mul3A_742 = arith.mulf %mul3A_696, %add3A_741 : vector<16xf32>
        %add3A_743 = arith.constant 0.0416597761 : f32
        %add3A_744 = vector.broadcast %add3A_743 : f32 to vector<16xf32>
        %add3A_745 = arith.addf %add3A_744, %mul3A_742 : vector<16xf32>
        %mul3A_746 = arith.mulf %mul3A_696, %add3A_745 : vector<16xf32>
        %add3A_747 = arith.constant -0.499994218 : f32
        %add3A_748 = vector.broadcast %add3A_747 : f32 to vector<16xf32>
        %add3A_749 = arith.addf %add3A_748, %mul3A_746 : vector<16xf32>
        %mul3A_750 = arith.mulf %mul3A_696, %add3A_749 : vector<16xf32>
        %add3A_751 = arith.constant 0.999999225 : f32
        %add3A_752 = vector.broadcast %add3A_751 : f32 to vector<16xf32>
        %add3A_753 = arith.addf %add3A_752, %mul3A_750 : vector<16xf32>
        %mul3A_754 = arith.constant -2.19729642E-7 : f32
        %mul3A_755 = vector.broadcast %mul3A_754 : f32 to vector<16xf32>
        %mul3A_756 = arith.mulf %mul3A_697, %mul3A_755 : vector<16xf32>
        %add3A_757 = arith.constant 2.42029419E-5 : f32
        %add3A_758 = vector.broadcast %add3A_757 : f32 to vector<16xf32>
        %add3A_759 = arith.addf %add3A_758, %mul3A_756 : vector<16xf32>
        %mul3A_760 = arith.mulf %mul3A_697, %add3A_759 : vector<16xf32>
        %add3A_761 = arith.constant -0.001385879 : f32
        %add3A_762 = vector.broadcast %add3A_761 : f32 to vector<16xf32>
        %add3A_763 = arith.addf %add3A_762, %mul3A_760 : vector<16xf32>
        %mul3A_764 = arith.mulf %mul3A_697, %add3A_763 : vector<16xf32>
        %add3A_765 = arith.constant 0.0416597761 : f32
        %add3A_766 = vector.broadcast %add3A_765 : f32 to vector<16xf32>
        %add3A_767 = arith.addf %add3A_766, %mul3A_764 : vector<16xf32>
        %mul3A_768 = arith.mulf %mul3A_697, %add3A_767 : vector<16xf32>
        %add3A_769 = arith.constant -0.499994218 : f32
        %add3A_770 = vector.broadcast %add3A_769 : f32 to vector<16xf32>
        %add3A_771 = arith.addf %add3A_770, %mul3A_768 : vector<16xf32>
        %mul3A_772 = arith.mulf %mul3A_697, %add3A_771 : vector<16xf32>
        %add3A_773 = arith.constant 0.999999225 : f32
        %add3A_774 = vector.broadcast %add3A_773 : f32 to vector<16xf32>
        %add3A_775 = arith.addf %add3A_774, %mul3A_772 : vector<16xf32>
        %add3A_776 = arith.constant 3 : i32
        %add3A_777 = arith.addi %mul3A_89, %add3A_776 : i32
        %get3A_778 = arith.index_cast %select_n3A_80 : i32 to index
        %get3A_779 = arith.index_cast %add3A_777 : i32 to index
        %get3A_780 = arith.constant 0 : index
        %get3A_781 = tpu.vector_load %arg9[%get3A_778, %get3A_779, %get3A_780] {strides = array<i32>} : memref<2x32x64xf32, #tpu.memory_space<vmem>>, vector<1x1x16xf32>,
        %get3A_782 = vector.shape_cast %get3A_781 : vector<1x1x16xf32> to vector<16xf32>
        %add3A_783 = arith.addf %get3A_782, %add3A_728 : vector<16xf32>
        %neg3A_784 = arith.constant 0.000000e+00 : f32
        %neg3A_785 = vector.broadcast %neg3A_784 : f32 to vector<16xf32>
        %neg3A_786 = arith.subf %neg3A_785, %add3A_783 : vector<16xf32>
        %exp3A_787 = math.exp %neg3A_786 : vector<16xf32>
        %add3A_788 = arith.constant 1.000000e+00 : f32
        %add3A_789 = vector.broadcast %add3A_788 : f32 to vector<16xf32>
        %add3A_790 = arith.addf %add3A_789, %exp3A_787 : vector<16xf32>
        %div3A_791 = arith.divf %add3A_783, %add3A_790 : vector<16xf32>
        %add3A_792 = arith.constant 3 : i32
        %add3A_793 = arith.addi %add3A_92, %add3A_792 : i32
        %swap3A_794 = arith.index_cast %add3A_793 : i32 to index
        %swap3A_795 = arith.constant 0 : index
        %swap3A_796 = tpu.vector_load %arg10[%swap3A_794, %swap3A_795] {strides = array<i32>} : memref<512x64xf32, #tpu.memory_space<vmem>>, vector<1x16xf32>,
        %swap3A_797 = vector.shape_cast %swap3A_796 : vector<1x16xf32> to vector<16xf32>
        %swap3A_798 = vector.shape_cast %div3A_791 : vector<16xf32> to vector<1x16xf32>
        tpu.vector_store %arg10[%swap3A_794, %swap3A_795], %swap3A_798 {strides = array<i32>} : memref<512x64xf32, #tpu.memory_space<vmem>>, vector<1x16xf32>,
        %add3A_799 = arith.constant 3 : i32
        %add3A_800 = arith.addi %mul3A_89, %add3A_799 : i32
        %get3A_801 = arith.index_cast %select_n3A_80 : i32 to index
        %get3A_802 = arith.index_cast %add3A_800 : i32 to index
        %get3A_803 = arith.constant 16 : index
        %get3A_804 = tpu.vector_load %arg9[%get3A_801, %get3A_802, %get3A_803] {strides = array<i32>} : memref<2x32x64xf32, #tpu.memory_space<vmem>>, vector<1x1x16xf32>,
        %get3A_805 = vector.shape_cast %get3A_804 : vector<1x1x16xf32> to vector<16xf32>
        %add3A_806 = arith.addf %get3A_805, %add3A_731 : vector<16xf32>
        %neg3A_807 = arith.constant 0.000000e+00 : f32
        %neg3A_808 = vector.broadcast %neg3A_807 : f32 to vector<16xf32>
        %neg3A_809 = arith.subf %neg3A_808, %add3A_806 : vector<16xf32>
        %exp3A_810 = math.exp %neg3A_809 : vector<16xf32>
        %add3A_811 = arith.constant 1.000000e+00 : f32
        %add3A_812 = vector.broadcast %add3A_811 : f32 to vector<16xf32>
        %add3A_813 = arith.addf %add3A_812, %exp3A_810 : vector<16xf32>
        %div3A_814 = arith.divf %add3A_806, %add3A_813 : vector<16xf32>
        %add3A_815 = arith.constant 3 : i32
        %add3A_816 = arith.addi %add3A_92, %add3A_815 : i32
        %swap3A_817 = arith.index_cast %add3A_816 : i32 to index
        %swap3A_818 = arith.constant 16 : index
        %swap3A_819 = tpu.vector_load %arg10[%swap3A_817, %swap3A_818] {strides = array<i32>} : memref<512x64xf32, #tpu.memory_space<vmem>>, vector<1x16xf32>,
        %swap3A_820 = vector.shape_cast %swap3A_819 : vector<1x16xf32> to vector<16xf32>
        %swap3A_821 = vector.shape_cast %div3A_814 : vector<16xf32> to vector<1x16xf32>
        tpu.vector_store %arg10[%swap3A_817, %swap3A_818], %swap3A_821 {strides = array<i32>} : memref<512x64xf32, #tpu.memory_space<vmem>>, vector<1x16xf32>,
        %add3A_822 = arith.constant 3 : i32
        %add3A_823 = arith.addi %mul3A_89, %add3A_822 : i32
        %get3A_824 = arith.index_cast %select_n3A_80 : i32 to index
        %get3A_825 = arith.index_cast %add3A_823 : i32 to index
        %get3A_826 = arith.constant 32 : index
        %get3A_827 = tpu.vector_load %arg9[%get3A_824, %get3A_825, %get3A_826] {strides = array<i32>} : memref<2x32x64xf32, #tpu.memory_space<vmem>>, vector<1x1x16xf32>,
        %get3A_828 = vector.shape_cast %get3A_827 : vector<1x1x16xf32> to vector<16xf32>
        %add3A_829 = arith.addf %get3A_828, %add3A_753 : vector<16xf32>
        %neg3A_830 = arith.constant 0.000000e+00 : f32
        %neg3A_831 = vector.broadcast %neg3A_830 : f32 to vector<16xf32>
        %neg3A_832 = arith.subf %neg3A_831, %add3A_829 : vector<16xf32>
        %exp3A_833 = math.exp %neg3A_832 : vector<16xf32>
        %add3A_834 = arith.constant 1.000000e+00 : f32
        %add3A_835 = vector.broadcast %add3A_834 : f32 to vector<16xf32>
        %add3A_836 = arith.addf %add3A_835, %exp3A_833 : vector<16xf32>
        %div3A_837 = arith.divf %add3A_829, %add3A_836 : vector<16xf32>
        %add3A_838 = arith.constant 3 : i32
        %add3A_839 = arith.addi %add3A_92, %add3A_838 : i32
        %swap3A_840 = arith.index_cast %add3A_839 : i32 to index
        %swap3A_841 = arith.constant 32 : index
        %swap3A_842 = tpu.vector_load %arg10[%swap3A_840, %swap3A_841] {strides = array<i32>} : memref<512x64xf32, #tpu.memory_space<vmem>>, vector<1x16xf32>,
        %swap3A_843 = vector.shape_cast %swap3A_842 : vector<1x16xf32> to vector<16xf32>
        %swap3A_844 = vector.shape_cast %div3A_837 : vector<16xf32> to vector<1x16xf32>
        tpu.vector_store %arg10[%swap3A_840, %swap3A_841], %swap3A_844 {strides = array<i32>} : memref<512x64xf32, #tpu.memory_space<vmem>>, vector<1x16xf32>,
        %add3A_845 = arith.constant 3 : i32
        %add3A_846 = arith.addi %mul3A_89, %add3A_845 : i32
        %get3A_847 = arith.index_cast %select_n3A_80 : i32 to index
        %get3A_848 = arith.index_cast %add3A_846 : i32 to index
        %get3A_849 = arith.constant 48 : index
        %get3A_850 = tpu.vector_load %arg9[%get3A_847, %get3A_848, %get3A_849] {strides = array<i32>} : memref<2x32x64xf32, #tpu.memory_space<vmem>>, vector<1x1x16xf32>,
        %get3A_851 = vector.shape_cast %get3A_850 : vector<1x1x16xf32> to vector<16xf32>
        %add3A_852 = arith.addf %get3A_851, %add3A_775 : vector<16xf32>
        %neg3A_853 = arith.constant 0.000000e+00 : f32
        %neg3A_854 = vector.broadcast %neg3A_853 : f32 to vector<16xf32>
        %neg3A_855 = arith.subf %neg3A_854, %add3A_852 : vector<16xf32>
        %exp3A_856 = math.exp %neg3A_855 : vector<16xf32>
        %add3A_857 = arith.constant 1.000000e+00 : f32
        %add3A_858 = vector.broadcast %add3A_857 : f32 to vector<16xf32>
        %add3A_859 = arith.addf %add3A_858, %exp3A_856 : vector<16xf32>
        %div3A_860 = arith.divf %add3A_852, %add3A_859 : vector<16xf32>
        %add3A_861 = arith.constant 3 : i32
        %add3A_862 = arith.addi %add3A_92, %add3A_861 : i32
        %swap3A_863 = arith.index_cast %add3A_862 : i32 to index
        %swap3A_864 = arith.constant 48 : index
        %swap3A_865 = tpu.vector_load %arg10[%swap3A_863, %swap3A_864] {strides = array<i32>} : memref<512x64xf32, #tpu.memory_space<vmem>>, vector<1x16xf32>,
        %swap3A_866 = vector.shape_cast %swap3A_865 : vector<1x16xf32> to vector<16xf32>
        %swap3A_867 = vector.shape_cast %div3A_860 : vector<16xf32> to vector<1x16xf32>
        tpu.vector_store %arg10[%swap3A_863, %swap3A_864], %swap3A_867 {strides = array<i32>} : memref<512x64xf32, #tpu.memory_space<vmem>>, vector<1x16xf32>,
        %slice3A_868 = vector.extract_strided_slice %get3A_95 {offsets = [4], sizes = [1], strides = [1]} : vector<16xf32> to vector<1xf32>
        %squeeze3A_869 = vector.extract %slice3A_868[0] : f32 from vector<1xf32>
        %broadcast_in_dim3A_870 = vector.broadcast %squeeze3A_869 : f32 to vector<16xf32>
        %mul3A_871 = arith.mulf %broadcast_in_dim3A_870, %get3A_4 : vector<16xf32>
        %mul3A_872 = arith.mulf %broadcast_in_dim3A_870, %get3A_7 : vector<16xf32>
        %add3A_873 = arith.constant 3.14159274 : f32
        %add3A_874 = vector.broadcast %add3A_873 : f32 to vector<16xf32>
        %add3A_875 = arith.addf %mul3A_871, %add3A_874 : vector<16xf32>
        %rem3A_876 = arith.constant 6.28318548 : f32
        %rem3A_877 = vector.broadcast %rem3A_876 : f32 to vector<16xf32>
        %rem3A_878 = arith.remf %add3A_875, %rem3A_877 : vector<16xf32>
        %sub3A_879 = arith.constant 3.14159274 : f32
        %sub3A_880 = vector.broadcast %sub3A_879 : f32 to vector<16xf32>
        %sub3A_881 = arith.subf %rem3A_878, %sub3A_880 : vector<16xf32>
        %add3A_882 = arith.constant 3.14159274 : f32
        %add3A_883 = vector.broadcast %add3A_882 : f32 to vector<16xf32>
        %add3A_884 = arith.addf %mul3A_872, %add3A_883 : vector<16xf32>
        %rem3A_885 = arith.constant 6.28318548 : f32
        %rem3A_886 = vector.broadcast %rem3A_885 : f32 to vector<16xf32>
        %rem3A_887 = arith.remf %add3A_884, %rem3A_886 : vector<16xf32>
        %sub3A_888 = arith.constant 3.14159274 : f32
        %sub3A_889 = vector.broadcast %sub3A_888 : f32 to vector<16xf32>
        %sub3A_890 = arith.subf %rem3A_887, %sub3A_889 : vector<16xf32>
        %mul3A_891 = arith.mulf %sub3A_881, %sub3A_881 : vector<16xf32>
        %mul3A_892 = arith.mulf %sub3A_890, %sub3A_890 : vector<16xf32>
        %mul3A_893 = arith.constant 2.17778847E-6 : f32
        %mul3A_894 = vector.broadcast %mul3A_893 : f32 to vector<16xf32>
        %mul3A_895 = arith.mulf %mul3A_894, %mul3A_891 : vector<16xf32>
        %add3A_896 = arith.constant -1.93373271E-4 : f32
        %add3A_897 = vector.broadcast %add3A_896 : f32 to vector<16xf32>
        %add3A_898 = arith.addf %mul3A_895, %add3A_897 : vector<16xf32>
        %mul3A_899 = arith.mulf %add3A_898, %mul3A_891 : vector<16xf32>
        %add3A_900 = arith.constant 0.00831502489 : f32
        %add3A_901 = vector.broadcast %add3A_900 : f32 to vector<16xf32>
        %add3A_902 = arith.addf %mul3A_899, %add3A_901 : vector<16xf32>
        %mul3A_903 = arith.mulf %add3A_902, %mul3A_891 : vector<16xf32>
        %add3A_904 = arith.constant -0.166644335 : f32
        %add3A_905 = vector.broadcast %add3A_904 : f32 to vector<16xf32>
        %add3A_906 = arith.addf %mul3A_903, %add3A_905 : vector<16xf32>
        %mul3A_907 = arith.constant 2.17778847E-6 : f32
        %mul3A_908 = vector.broadcast %mul3A_907 : f32 to vector<16xf32>
        %mul3A_909 = arith.mulf %mul3A_908, %mul3A_892 : vector<16xf32>
        %add3A_910 = arith.constant -1.93373271E-4 : f32
        %add3A_911 = vector.broadcast %add3A_910 : f32 to vector<16xf32>
        %add3A_912 = arith.addf %mul3A_909, %add3A_911 : vector<16xf32>
        %mul3A_913 = arith.mulf %add3A_912, %mul3A_892 : vector<16xf32>
        %add3A_914 = arith.constant 0.00831502489 : f32
        %add3A_915 = vector.broadcast %add3A_914 : f32 to vector<16xf32>
        %add3A_916 = arith.addf %mul3A_913, %add3A_915 : vector<16xf32>
        %mul3A_917 = arith.mulf %add3A_916, %mul3A_892 : vector<16xf32>
        %add3A_918 = arith.constant -0.166644335 : f32
        %add3A_919 = vector.broadcast %add3A_918 : f32 to vector<16xf32>
        %add3A_920 = arith.addf %mul3A_917, %add3A_919 : vector<16xf32>
        %mul3A_921 = arith.mulf %sub3A_881, %mul3A_891 : vector<16xf32>
        %mul3A_922 = arith.mulf %mul3A_921, %add3A_906 : vector<16xf32>
        %add3A_923 = arith.addf %sub3A_881, %mul3A_922 : vector<16xf32>
        %mul3A_924 = arith.mulf %sub3A_890, %mul3A_892 : vector<16xf32>
        %mul3A_925 = arith.mulf %mul3A_924, %add3A_920 : vector<16xf32>
        %add3A_926 = arith.addf %sub3A_890, %mul3A_925 : vector<16xf32>
        %mul3A_927 = arith.constant -2.19729642E-7 : f32
        %mul3A_928 = vector.broadcast %mul3A_927 : f32 to vector<16xf32>
        %mul3A_929 = arith.mulf %mul3A_891, %mul3A_928 : vector<16xf32>
        %add3A_930 = arith.constant 2.42029419E-5 : f32
        %add3A_931 = vector.broadcast %add3A_930 : f32 to vector<16xf32>
        %add3A_932 = arith.addf %add3A_931, %mul3A_929 : vector<16xf32>
        %mul3A_933 = arith.mulf %mul3A_891, %add3A_932 : vector<16xf32>
        %add3A_934 = arith.constant -0.001385879 : f32
        %add3A_935 = vector.broadcast %add3A_934 : f32 to vector<16xf32>
        %add3A_936 = arith.addf %add3A_935, %mul3A_933 : vector<16xf32>
        %mul3A_937 = arith.mulf %mul3A_891, %add3A_936 : vector<16xf32>
        %add3A_938 = arith.constant 0.0416597761 : f32
        %add3A_939 = vector.broadcast %add3A_938 : f32 to vector<16xf32>
        %add3A_940 = arith.addf %add3A_939, %mul3A_937 : vector<16xf32>
        %mul3A_941 = arith.mulf %mul3A_891, %add3A_940 : vector<16xf32>
        %add3A_942 = arith.constant -0.499994218 : f32
        %add3A_943 = vector.broadcast %add3A_942 : f32 to vector<16xf32>
        %add3A_944 = arith.addf %add3A_943, %mul3A_941 : vector<16xf32>
        %mul3A_945 = arith.mulf %mul3A_891, %add3A_944 : vector<16xf32>
        %add3A_946 = arith.constant 0.999999225 : f32
        %add3A_947 = vector.broadcast %add3A_946 : f32 to vector<16xf32>
        %add3A_948 = arith.addf %add3A_947, %mul3A_945 : vector<16xf32>
        %mul3A_949 = arith.constant -2.19729642E-7 : f32
        %mul3A_950 = vector.broadcast %mul3A_949 : f32 to vector<16xf32>
        %mul3A_951 = arith.mulf %mul3A_892, %mul3A_950 : vector<16xf32>
        %add3A_952 = arith.constant 2.42029419E-5 : f32
        %add3A_953 = vector.broadcast %add3A_952 : f32 to vector<16xf32>
        %add3A_954 = arith.addf %add3A_953, %mul3A_951 : vector<16xf32>
        %mul3A_955 = arith.mulf %mul3A_892, %add3A_954 : vector<16xf32>
        %add3A_956 = arith.constant -0.001385879 : f32
        %add3A_957 = vector.broadcast %add3A_956 : f32 to vector<16xf32>
        %add3A_958 = arith.addf %add3A_957, %mul3A_955 : vector<16xf32>
        %mul3A_959 = arith.mulf %mul3A_892, %add3A_958 : vector<16xf32>
        %add3A_960 = arith.constant 0.0416597761 : f32
        %add3A_961 = vector.broadcast %add3A_960 : f32 to vector<16xf32>
        %add3A_962 = arith.addf %add3A_961, %mul3A_959 : vector<16xf32>
        %mul3A_963 = arith.mulf %mul3A_892, %add3A_962 : vector<16xf32>
        %add3A_964 = arith.constant -0.499994218 : f32
        %add3A_965 = vector.broadcast %add3A_964 : f32 to vector<16xf32>
        %add3A_966 = arith.addf %add3A_965, %mul3A_963 : vector<16xf32>
        %mul3A_967 = arith.mulf %mul3A_892, %add3A_966 : vector<16xf32>
        %add3A_968 = arith.constant 0.999999225 : f32
        %add3A_969 = vector.broadcast %add3A_968 : f32 to vector<16xf32>
        %add3A_970 = arith.addf %add3A_969, %mul3A_967 : vector<16xf32>
        %add3A_971 = arith.constant 4 : i32
        %add3A_972 = arith.addi %mul3A_89, %add3A_971 : i32
        %get3A_973 = arith.index_cast %select_n3A_80 : i32 to index
        %get3A_974 = arith.index_cast %add3A_972 : i32 to index
        %get3A_975 = arith.constant 0 : index
        %get3A_976 = tpu.vector_load %arg9[%get3A_973, %get3A_974, %get3A_975] {strides = array<i32>} : memref<2x32x64xf32, #tpu.memory_space<vmem>>, vector<1x1x16xf32>,
        %get3A_977 = vector.shape_cast %get3A_976 : vector<1x1x16xf32> to vector<16xf32>
        %add3A_978 = arith.addf %get3A_977, %add3A_923 : vector<16xf32>
        %neg3A_979 = arith.constant 0.000000e+00 : f32
        %neg3A_980 = vector.broadcast %neg3A_979 : f32 to vector<16xf32>
        %neg3A_981 = arith.subf %neg3A_980, %add3A_978 : vector<16xf32>
        %exp3A_982 = math.exp %neg3A_981 : vector<16xf32>
        %add3A_983 = arith.constant 1.000000e+00 : f32
        %add3A_984 = vector.broadcast %add3A_983 : f32 to vector<16xf32>
        %add3A_985 = arith.addf %add3A_984, %exp3A_982 : vector<16xf32>
        %div3A_986 = arith.divf %add3A_978, %add3A_985 : vector<16xf32>
        %add3A_987 = arith.constant 4 : i32
        %add3A_988 = arith.addi %add3A_92, %add3A_987 : i32
        %swap3A_989 = arith.index_cast %add3A_988 : i32 to index
        %swap3A_990 = arith.constant 0 : index
        %swap3A_991 = tpu.vector_load %arg10[%swap3A_989, %swap3A_990] {strides = array<i32>} : memref<512x64xf32, #tpu.memory_space<vmem>>, vector<1x16xf32>,
        %swap3A_992 = vector.shape_cast %swap3A_991 : vector<1x16xf32> to vector<16xf32>
        %swap3A_993 = vector.shape_cast %div3A_986 : vector<16xf32> to vector<1x16xf32>
        tpu.vector_store %arg10[%swap3A_989, %swap3A_990], %swap3A_993 {strides = array<i32>} : memref<512x64xf32, #tpu.memory_space<vmem>>, vector<1x16xf32>,
        %add3A_994 = arith.constant 4 : i32
        %add3A_995 = arith.addi %mul3A_89, %add3A_994 : i32
        %get3A_996 = arith.index_cast %select_n3A_80 : i32 to index
        %get3A_997 = arith.index_cast %add3A_995 : i32 to index
        %get3A_998 = arith.constant 16 : index
        %get3A_999 = tpu.vector_load %arg9[%get3A_996, %get3A_997, %get3A_998] {strides = array<i32>} : memref<2x32x64xf32, #tpu.memory_space<vmem>>, vector<1x1x16xf32>,
        %get3A_1000 = vector.shape_cast %get3A_999 : vector<1x1x16xf32> to vector<16xf32>
        %add3A_1001 = arith.addf %get3A_1000, %add3A_926 : vector<16xf32>
        %neg3A_1002 = arith.constant 0.000000e+00 : f32
        %neg3A_1003 = vector.broadcast %neg3A_1002 : f32 to vector<16xf32>
        %neg3A_1004 = arith.subf %neg3A_1003, %add3A_1001 : vector<16xf32>
        %exp3A_1005 = math.exp %neg3A_1004 : vector<16xf32>
        %add3A_1006 = arith.constant 1.000000e+00 : f32
        %add3A_1007 = vector.broadcast %add3A_1006 : f32 to vector<16xf32>
        %add3A_1008 = arith.addf %add3A_1007, %exp3A_1005 : vector<16xf32>
        %div3A_1009 = arith.divf %add3A_1001, %add3A_1008 : vector<16xf32>
        %add3A_1010 = arith.constant 4 : i32
        %add3A_1011 = arith.addi %add3A_92, %add3A_1010 : i32
        %swap3A_1012 = arith.index_cast %add3A_1011 : i32 to index
        %swap3A_1013 = arith.constant 16 : index
        %swap3A_1014 = tpu.vector_load %arg10[%swap3A_1012, %swap3A_1013] {strides = array<i32>} : memref<512x64xf32, #tpu.memory_space<vmem>>, vector<1x16xf32>,
        %swap3A_1015 = vector.shape_cast %swap3A_1014 : vector<1x16xf32> to vector<16xf32>
        %swap3A_1016 = vector.shape_cast %div3A_1009 : vector<16xf32> to vector<1x16xf32>
        tpu.vector_store %arg10[%swap3A_1012, %swap3A_1013], %swap3A_1016 {strides = array<i32>} : memref<512x64xf32, #tpu.memory_space<vmem>>, vector<1x16xf32>,
        %add3A_1017 = arith.constant 4 : i32
        %add3A_1018 = arith.addi %mul3A_89, %add3A_1017 : i32
        %get3A_1019 = arith.index_cast %select_n3A_80 : i32 to index
        %get3A_1020 = arith.index_cast %add3A_1018 : i32 to index
        %get3A_1021 = arith.constant 32 : index
        %get3A_1022 = tpu.vector_load %arg9[%get3A_1019, %get3A_1020, %get3A_1021] {strides = array<i32>} : memref<2x32x64xf32, #tpu.memory_space<vmem>>, vector<1x1x16xf32>,
        %get3A_1023 = vector.shape_cast %get3A_1022 : vector<1x1x16xf32> to vector<16xf32>
        %add3A_1024 = arith.addf %get3A_1023, %add3A_948 : vector<16xf32>
        %neg3A_1025 = arith.constant 0.000000e+00 : f32
        %neg3A_1026 = vector.broadcast %neg3A_1025 : f32 to vector<16xf32>
        %neg3A_1027 = arith.subf %neg3A_1026, %add3A_1024 : vector<16xf32>
        %exp3A_1028 = math.exp %neg3A_1027 : vector<16xf32>
        %add3A_1029 = arith.constant 1.000000e+00 : f32
        %add3A_1030 = vector.broadcast %add3A_1029 : f32 to vector<16xf32>
        %add3A_1031 = arith.addf %add3A_1030, %exp3A_1028 : vector<16xf32>
        %div3A_1032 = arith.divf %add3A_1024, %add3A_1031 : vector<16xf32>
        %add3A_1033 = arith.constant 4 : i32
        %add3A_1034 = arith.addi %add3A_92, %add3A_1033 : i32
        %swap3A_1035 = arith.index_cast %add3A_1034 : i32 to index
        %swap3A_1036 = arith.constant 32 : index
        %swap3A_1037 = tpu.vector_load %arg10[%swap3A_1035, %swap3A_1036] {strides = array<i32>} : memref<512x64xf32, #tpu.memory_space<vmem>>, vector<1x16xf32>,
        %swap3A_1038 = vector.shape_cast %swap3A_1037 : vector<1x16xf32> to vector<16xf32>
        %swap3A_1039 = vector.shape_cast %div3A_1032 : vector<16xf32> to vector<1x16xf32>
        tpu.vector_store %arg10[%swap3A_1035, %swap3A_1036], %swap3A_1039 {strides = array<i32>} : memref<512x64xf32, #tpu.memory_space<vmem>>, vector<1x16xf32>,
        %add3A_1040 = arith.constant 4 : i32
        %add3A_1041 = arith.addi %mul3A_89, %add3A_1040 : i32
        %get3A_1042 = arith.index_cast %select_n3A_80 : i32 to index
        %get3A_1043 = arith.index_cast %add3A_1041 : i32 to index
        %get3A_1044 = arith.constant 48 : index
        %get3A_1045 = tpu.vector_load %arg9[%get3A_1042, %get3A_1043, %get3A_1044] {strides = array<i32>} : memref<2x32x64xf32, #tpu.memory_space<vmem>>, vector<1x1x16xf32>,
        %get3A_1046 = vector.shape_cast %get3A_1045 : vector<1x1x16xf32> to vector<16xf32>
        %add3A_1047 = arith.addf %get3A_1046, %add3A_970 : vector<16xf32>
        %neg3A_1048 = arith.constant 0.000000e+00 : f32
        %neg3A_1049 = vector.broadcast %neg3A_1048 : f32 to vector<16xf32>
        %neg3A_1050 = arith.subf %neg3A_1049, %add3A_1047 : vector<16xf32>
        %exp3A_1051 = math.exp %neg3A_1050 : vector<16xf32>
        %add3A_1052 = arith.constant 1.000000e+00 : f32
        %add3A_1053 = vector.broadcast %add3A_1052 : f32 to vector<16xf32>
        %add3A_1054 = arith.addf %add3A_1053, %exp3A_1051 : vector<16xf32>
        %div3A_1055 = arith.divf %add3A_1047, %add3A_1054 : vector<16xf32>
        %add3A_1056 = arith.constant 4 : i32
        %add3A_1057 = arith.addi %add3A_92, %add3A_1056 : i32
        %swap3A_1058 = arith.index_cast %add3A_1057 : i32 to index
        %swap3A_1059 = arith.constant 48 : index
        %swap3A_1060 = tpu.vector_load %arg10[%swap3A_1058, %swap3A_1059] {strides = array<i32>} : memref<512x64xf32, #tpu.memory_space<vmem>>, vector<1x16xf32>,
        %swap3A_1061 = vector.shape_cast %swap3A_1060 : vector<1x16xf32> to vector<16xf32>
        %swap3A_1062 = vector.shape_cast %div3A_1055 : vector<16xf32> to vector<1x16xf32>
        tpu.vector_store %arg10[%swap3A_1058, %swap3A_1059], %swap3A_1062 {strides = array<i32>} : memref<512x64xf32, #tpu.memory_space<vmem>>, vector<1x16xf32>,
        %slice3A_1063 = vector.extract_strided_slice %get3A_95 {offsets = [5], sizes = [1], strides = [1]} : vector<16xf32> to vector<1xf32>
        %squeeze3A_1064 = vector.extract %slice3A_1063[0] : f32 from vector<1xf32>
        %broadcast_in_dim3A_1065 = vector.broadcast %squeeze3A_1064 : f32 to vector<16xf32>
        %mul3A_1066 = arith.mulf %broadcast_in_dim3A_1065, %get3A_4 : vector<16xf32>
        %mul3A_1067 = arith.mulf %broadcast_in_dim3A_1065, %get3A_7 : vector<16xf32>
        %add3A_1068 = arith.constant 3.14159274 : f32
        %add3A_1069 = vector.broadcast %add3A_1068 : f32 to vector<16xf32>
        %add3A_1070 = arith.addf %mul3A_1066, %add3A_1069 : vector<16xf32>
        %rem3A_1071 = arith.constant 6.28318548 : f32
        %rem3A_1072 = vector.broadcast %rem3A_1071 : f32 to vector<16xf32>
        %rem3A_1073 = arith.remf %add3A_1070, %rem3A_1072 : vector<16xf32>
        %sub3A_1074 = arith.constant 3.14159274 : f32
        %sub3A_1075 = vector.broadcast %sub3A_1074 : f32 to vector<16xf32>
        %sub3A_1076 = arith.subf %rem3A_1073, %sub3A_1075 : vector<16xf32>
        %add3A_1077 = arith.constant 3.14159274 : f32
        %add3A_1078 = vector.broadcast %add3A_1077 : f32 to vector<16xf32>
        %add3A_1079 = arith.addf %mul3A_1067, %add3A_1078 : vector<16xf32>
        %rem3A_1080 = arith.constant 6.28318548 : f32
        %rem3A_1081 = vector.broadcast %rem3A_1080 : f32 to vector<16xf32>
        %rem3A_1082 = arith.remf %add3A_1079, %rem3A_1081 : vector<16xf32>
        %sub3A_1083 = arith.constant 3.14159274 : f32
        %sub3A_1084 = vector.broadcast %sub3A_1083 : f32 to vector<16xf32>
        %sub3A_1085 = arith.subf %rem3A_1082, %sub3A_1084 : vector<16xf32>
        %mul3A_1086 = arith.mulf %sub3A_1076, %sub3A_1076 : vector<16xf32>
        %mul3A_1087 = arith.mulf %sub3A_1085, %sub3A_1085 : vector<16xf32>
        %mul3A_1088 = arith.constant 2.17778847E-6 : f32
        %mul3A_1089 = vector.broadcast %mul3A_1088 : f32 to vector<16xf32>
        %mul3A_1090 = arith.mulf %mul3A_1089, %mul3A_1086 : vector<16xf32>
        %add3A_1091 = arith.constant -1.93373271E-4 : f32
        %add3A_1092 = vector.broadcast %add3A_1091 : f32 to vector<16xf32>
        %add3A_1093 = arith.addf %mul3A_1090, %add3A_1092 : vector<16xf32>
        %mul3A_1094 = arith.mulf %add3A_1093, %mul3A_1086 : vector<16xf32>
        %add3A_1095 = arith.constant 0.00831502489 : f32
        %add3A_1096 = vector.broadcast %add3A_1095 : f32 to vector<16xf32>
        %add3A_1097 = arith.addf %mul3A_1094, %add3A_1096 : vector<16xf32>
        %mul3A_1098 = arith.mulf %add3A_1097, %mul3A_1086 : vector<16xf32>
        %add3A_1099 = arith.constant -0.166644335 : f32
        %add3A_1100 = vector.broadcast %add3A_1099 : f32 to vector<16xf32>
        %add3A_1101 = arith.addf %mul3A_1098, %add3A_1100 : vector<16xf32>
        %mul3A_1102 = arith.constant 2.17778847E-6 : f32
        %mul3A_1103 = vector.broadcast %mul3A_1102 : f32 to vector<16xf32>
        %mul3A_1104 = arith.mulf %mul3A_1103, %mul3A_1087 : vector<16xf32>
        %add3A_1105 = arith.constant -1.93373271E-4 : f32
        %add3A_1106 = vector.broadcast %add3A_1105 : f32 to vector<16xf32>
        %add3A_1107 = arith.addf %mul3A_1104, %add3A_1106 : vector<16xf32>
        %mul3A_1108 = arith.mulf %add3A_1107, %mul3A_1087 : vector<16xf32>
        %add3A_1109 = arith.constant 0.00831502489 : f32
        %add3A_1110 = vector.broadcast %add3A_1109 : f32 to vector<16xf32>
        %add3A_1111 = arith.addf %mul3A_1108, %add3A_1110 : vector<16xf32>
        %mul3A_1112 = arith.mulf %add3A_1111, %mul3A_1087 : vector<16xf32>
        %add3A_1113 = arith.constant -0.166644335 : f32
        %add3A_1114 = vector.broadcast %add3A_1113 : f32 to vector<16xf32>
        %add3A_1115 = arith.addf %mul3A_1112, %add3A_1114 : vector<16xf32>
        %mul3A_1116 = arith.mulf %sub3A_1076, %mul3A_1086 : vector<16xf32>
        %mul3A_1117 = arith.mulf %mul3A_1116, %add3A_1101 : vector<16xf32>
        %add3A_1118 = arith.addf %sub3A_1076, %mul3A_1117 : vector<16xf32>
        %mul3A_1119 = arith.mulf %sub3A_1085, %mul3A_1087 : vector<16xf32>
        %mul3A_1120 = arith.mulf %mul3A_1119, %add3A_1115 : vector<16xf32>
        %add3A_1121 = arith.addf %sub3A_1085, %mul3A_1120 : vector<16xf32>
        %mul3A_1122 = arith.constant -2.19729642E-7 : f32
        %mul3A_1123 = vector.broadcast %mul3A_1122 : f32 to vector<16xf32>
        %mul3A_1124 = arith.mulf %mul3A_1086, %mul3A_1123 : vector<16xf32>
        %add3A_1125 = arith.constant 2.42029419E-5 : f32
        %add3A_1126 = vector.broadcast %add3A_1125 : f32 to vector<16xf32>
        %add3A_1127 = arith.addf %add3A_1126, %mul3A_1124 : vector<16xf32>
        %mul3A_1128 = arith.mulf %mul3A_1086, %add3A_1127 : vector<16xf32>
        %add3A_1129 = arith.constant -0.001385879 : f32
        %add3A_1130 = vector.broadcast %add3A_1129 : f32 to vector<16xf32>
        %add3A_1131 = arith.addf %add3A_1130, %mul3A_1128 : vector<16xf32>
        %mul3A_1132 = arith.mulf %mul3A_1086, %add3A_1131 : vector<16xf32>
        %add3A_1133 = arith.constant 0.0416597761 : f32
        %add3A_1134 = vector.broadcast %add3A_1133 : f32 to vector<16xf32>
        %add3A_1135 = arith.addf %add3A_1134, %mul3A_1132 : vector<16xf32>
        %mul3A_1136 = arith.mulf %mul3A_1086, %add3A_1135 : vector<16xf32>
        %add3A_1137 = arith.constant -0.499994218 : f32
        %add3A_1138 = vector.broadcast %add3A_1137 : f32 to vector<16xf32>
        %add3A_1139 = arith.addf %add3A_1138, %mul3A_1136 : vector<16xf32>
        %mul3A_1140 = arith.mulf %mul3A_1086, %add3A_1139 : vector<16xf32>
        %add3A_1141 = arith.constant 0.999999225 : f32
        %add3A_1142 = vector.broadcast %add3A_1141 : f32 to vector<16xf32>
        %add3A_1143 = arith.addf %add3A_1142, %mul3A_1140 : vector<16xf32>
        %mul3A_1144 = arith.constant -2.19729642E-7 : f32
        %mul3A_1145 = vector.broadcast %mul3A_1144 : f32 to vector<16xf32>
        %mul3A_1146 = arith.mulf %mul3A_1087, %mul3A_1145 : vector<16xf32>
        %add3A_1147 = arith.constant 2.42029419E-5 : f32
        %add3A_1148 = vector.broadcast %add3A_1147 : f32 to vector<16xf32>
        %add3A_1149 = arith.addf %add3A_1148, %mul3A_1146 : vector<16xf32>
        %mul3A_1150 = arith.mulf %mul3A_1087, %add3A_1149 : vector<16xf32>
        %add3A_1151 = arith.constant -0.001385879 : f32
        %add3A_1152 = vector.broadcast %add3A_1151 : f32 to vector<16xf32>
        %add3A_1153 = arith.addf %add3A_1152, %mul3A_1150 : vector<16xf32>
        %mul3A_1154 = arith.mulf %mul3A_1087, %add3A_1153 : vector<16xf32>
        %add3A_1155 = arith.constant 0.0416597761 : f32
        %add3A_1156 = vector.broadcast %add3A_1155 : f32 to vector<16xf32>
        %add3A_1157 = arith.addf %add3A_1156, %mul3A_1154 : vector<16xf32>
        %mul3A_1158 = arith.mulf %mul3A_1087, %add3A_1157 : vector<16xf32>
        %add3A_1159 = arith.constant -0.499994218 : f32
        %add3A_1160 = vector.broadcast %add3A_1159 : f32 to vector<16xf32>
        %add3A_1161 = arith.addf %add3A_1160, %mul3A_1158 : vector<16xf32>
        %mul3A_1162 = arith.mulf %mul3A_1087, %add3A_1161 : vector<16xf32>
        %add3A_1163 = arith.constant 0.999999225 : f32
        %add3A_1164 = vector.broadcast %add3A_1163 : f32 to vector<16xf32>
        %add3A_1165 = arith.addf %add3A_1164, %mul3A_1162 : vector<16xf32>
        %add3A_1166 = arith.constant 5 : i32
        %add3A_1167 = arith.addi %mul3A_89, %add3A_1166 : i32
        %get3A_1168 = arith.index_cast %select_n3A_80 : i32 to index
        %get3A_1169 = arith.index_cast %add3A_1167 : i32 to index
        %get3A_1170 = arith.constant 0 : index
        %get3A_1171 = tpu.vector_load %arg9[%get3A_1168, %get3A_1169, %get3A_1170] {strides = array<i32>} : memref<2x32x64xf32, #tpu.memory_space<vmem>>, vector<1x1x16xf32>,
        %get3A_1172 = vector.shape_cast %get3A_1171 : vector<1x1x16xf32> to vector<16xf32>
        %add3A_1173 = arith.addf %get3A_1172, %add3A_1118 : vector<16xf32>
        %neg3A_1174 = arith.constant 0.000000e+00 : f32
        %neg3A_1175 = vector.broadcast %neg3A_1174 : f32 to vector<16xf32>
        %neg3A_1176 = arith.subf %neg3A_1175, %add3A_1173 : vector<16xf32>
        %exp3A_1177 = math.exp %neg3A_1176 : vector<16xf32>
        %add3A_1178 = arith.constant 1.000000e+00 : f32
        %add3A_1179 = vector.broadcast %add3A_1178 : f32 to vector<16xf32>
        %add3A_1180 = arith.addf %add3A_1179, %exp3A_1177 : vector<16xf32>
        %div3A_1181 = arith.divf %add3A_1173, %add3A_1180 : vector<16xf32>
        %add3A_1182 = arith.constant 5 : i32
        %add3A_1183 = arith.addi %add3A_92, %add3A_1182 : i32
        %swap3A_1184 = arith.index_cast %add3A_1183 : i32 to index
        %swap3A_1185 = arith.constant 0 : index
        %swap3A_1186 = tpu.vector_load %arg10[%swap3A_1184, %swap3A_1185] {strides = array<i32>} : memref<512x64xf32, #tpu.memory_space<vmem>>, vector<1x16xf32>,
        %swap3A_1187 = vector.shape_cast %swap3A_1186 : vector<1x16xf32> to vector<16xf32>
        %swap3A_1188 = vector.shape_cast %div3A_1181 : vector<16xf32> to vector<1x16xf32>
        tpu.vector_store %arg10[%swap3A_1184, %swap3A_1185], %swap3A_1188 {strides = array<i32>} : memref<512x64xf32, #tpu.memory_space<vmem>>, vector<1x16xf32>,
        %add3A_1189 = arith.constant 5 : i32
        %add3A_1190 = arith.addi %mul3A_89, %add3A_1189 : i32
        %get3A_1191 = arith.index_cast %select_n3A_80 : i32 to index
        %get3A_1192 = arith.index_cast %add3A_1190 : i32 to index
        %get3A_1193 = arith.constant 16 : index
        %get3A_1194 = tpu.vector_load %arg9[%get3A_1191, %get3A_1192, %get3A_1193] {strides = array<i32>} : memref<2x32x64xf32, #tpu.memory_space<vmem>>, vector<1x1x16xf32>,
        %get3A_1195 = vector.shape_cast %get3A_1194 : vector<1x1x16xf32> to vector<16xf32>
        %add3A_1196 = arith.addf %get3A_1195, %add3A_1121 : vector<16xf32>
        %neg3A_1197 = arith.constant 0.000000e+00 : f32
        %neg3A_1198 = vector.broadcast %neg3A_1197 : f32 to vector<16xf32>
        %neg3A_1199 = arith.subf %neg3A_1198, %add3A_1196 : vector<16xf32>
        %exp3A_1200 = math.exp %neg3A_1199 : vector<16xf32>
        %add3A_1201 = arith.constant 1.000000e+00 : f32
        %add3A_1202 = vector.broadcast %add3A_1201 : f32 to vector<16xf32>
        %add3A_1203 = arith.addf %add3A_1202, %exp3A_1200 : vector<16xf32>
        %div3A_1204 = arith.divf %add3A_1196, %add3A_1203 : vector<16xf32>
        %add3A_1205 = arith.constant 5 : i32
        %add3A_1206 = arith.addi %add3A_92, %add3A_1205 : i32
        %swap3A_1207 = arith.index_cast %add3A_1206 : i32 to index
        %swap3A_1208 = arith.constant 16 : index
        %swap3A_1209 = tpu.vector_load %arg10[%swap3A_1207, %swap3A_1208] {strides = array<i32>} : memref<512x64xf32, #tpu.memory_space<vmem>>, vector<1x16xf32>,
        %swap3A_1210 = vector.shape_cast %swap3A_1209 : vector<1x16xf32> to vector<16xf32>
        %swap3A_1211 = vector.shape_cast %div3A_1204 : vector<16xf32> to vector<1x16xf32>
        tpu.vector_store %arg10[%swap3A_1207, %swap3A_1208], %swap3A_1211 {strides = array<i32>} : memref<512x64xf32, #tpu.memory_space<vmem>>, vector<1x16xf32>,
        %add3A_1212 = arith.constant 5 : i32
        %add3A_1213 = arith.addi %mul3A_89, %add3A_1212 : i32
        %get3A_1214 = arith.index_cast %select_n3A_80 : i32 to index
        %get3A_1215 = arith.index_cast %add3A_1213 : i32 to index
        %get3A_1216 = arith.constant 32 : index
        %get3A_1217 = tpu.vector_load %arg9[%get3A_1214, %get3A_1215, %get3A_1216] {strides = array<i32>} : memref<2x32x64xf32, #tpu.memory_space<vmem>>, vector<1x1x16xf32>,
        %get3A_1218 = vector.shape_cast %get3A_1217 : vector<1x1x16xf32> to vector<16xf32>
        %add3A_1219 = arith.addf %get3A_1218, %add3A_1143 : vector<16xf32>
        %neg3A_1220 = arith.constant 0.000000e+00 : f32
        %neg3A_1221 = vector.broadcast %neg3A_1220 : f32 to vector<16xf32>
        %neg3A_1222 = arith.subf %neg3A_1221, %add3A_1219 : vector<16xf32>
        %exp3A_1223 = math.exp %neg3A_1222 : vector<16xf32>
        %add3A_1224 = arith.constant 1.000000e+00 : f32
        %add3A_1225 = vector.broadcast %add3A_1224 : f32 to vector<16xf32>
        %add3A_1226 = arith.addf %add3A_1225, %exp3A_1223 : vector<16xf32>
        %div3A_1227 = arith.divf %add3A_1219, %add3A_1226 : vector<16xf32>
        %add3A_1228 = arith.constant 5 : i32
        %add3A_1229 = arith.addi %add3A_92, %add3A_1228 : i32
        %swap3A_1230 = arith.index_cast %add3A_1229 : i32 to index
        %swap3A_1231 = arith.constant 32 : index
        %swap3A_1232 = tpu.vector_load %arg10[%swap3A_1230, %swap3A_1231] {strides = array<i32>} : memref<512x64xf32, #tpu.memory_space<vmem>>, vector<1x16xf32>,
        %swap3A_1233 = vector.shape_cast %swap3A_1232 : vector<1x16xf32> to vector<16xf32>
        %swap3A_1234 = vector.shape_cast %div3A_1227 : vector<16xf32> to vector<1x16xf32>
        tpu.vector_store %arg10[%swap3A_1230, %swap3A_1231], %swap3A_1234 {strides = array<i32>} : memref<512x64xf32, #tpu.memory_space<vmem>>, vector<1x16xf32>,
        %add3A_1235 = arith.constant 5 : i32
        %add3A_1236 = arith.addi %mul3A_89, %add3A_1235 : i32
        %get3A_1237 = arith.index_cast %select_n3A_80 : i32 to index
        %get3A_1238 = arith.index_cast %add3A_1236 : i32 to index
        %get3A_1239 = arith.constant 48 : index
        %get3A_1240 = tpu.vector_load %arg9[%get3A_1237, %get3A_1238, %get3A_1239] {strides = array<i32>} : memref<2x32x64xf32, #tpu.memory_space<vmem>>, vector<1x1x16xf32>,
        %get3A_1241 = vector.shape_cast %get3A_1240 : vector<1x1x16xf32> to vector<16xf32>
        %add3A_1242 = arith.addf %get3A_1241, %add3A_1165 : vector<16xf32>
        %neg3A_1243 = arith.constant 0.000000e+00 : f32
        %neg3A_1244 = vector.broadcast %neg3A_1243 : f32 to vector<16xf32>
        %neg3A_1245 = arith.subf %neg3A_1244, %add3A_1242 : vector<16xf32>
        %exp3A_1246 = math.exp %neg3A_1245 : vector<16xf32>
        %add3A_1247 = arith.constant 1.000000e+00 : f32
        %add3A_1248 = vector.broadcast %add3A_1247 : f32 to vector<16xf32>
        %add3A_1249 = arith.addf %add3A_1248, %exp3A_1246 : vector<16xf32>
        %div3A_1250 = arith.divf %add3A_1242, %add3A_1249 : vector<16xf32>
        %add3A_1251 = arith.constant 5 : i32
        %add3A_1252 = arith.addi %add3A_92, %add3A_1251 : i32
        %swap3A_1253 = arith.index_cast %add3A_1252 : i32 to index
        %swap3A_1254 = arith.constant 48 : index
        %swap3A_1255 = tpu.vector_load %arg10[%swap3A_1253, %swap3A_1254] {strides = array<i32>} : memref<512x64xf32, #tpu.memory_space<vmem>>, vector<1x16xf32>,
        %swap3A_1256 = vector.shape_cast %swap3A_1255 : vector<1x16xf32> to vector<16xf32>
        %swap3A_1257 = vector.shape_cast %div3A_1250 : vector<16xf32> to vector<1x16xf32>
        tpu.vector_store %arg10[%swap3A_1253, %swap3A_1254], %swap3A_1257 {strides = array<i32>} : memref<512x64xf32, #tpu.memory_space<vmem>>, vector<1x16xf32>,
        %slice3A_1258 = vector.extract_strided_slice %get3A_95 {offsets = [6], sizes = [1], strides = [1]} : vector<16xf32> to vector<1xf32>
        %squeeze3A_1259 = vector.extract %slice3A_1258[0] : f32 from vector<1xf32>
        %broadcast_in_dim3A_1260 = vector.broadcast %squeeze3A_1259 : f32 to vector<16xf32>
        %mul3A_1261 = arith.mulf %broadcast_in_dim3A_1260, %get3A_4 : vector<16xf32>
        %mul3A_1262 = arith.mulf %broadcast_in_dim3A_1260, %get3A_7 : vector<16xf32>
        %add3A_1263 = arith.constant 3.14159274 : f32
        %add3A_1264 = vector.broadcast %add3A_1263 : f32 to vector<16xf32>
        %add3A_1265 = arith.addf %mul3A_1261, %add3A_1264 : vector<16xf32>
        %rem3A_1266 = arith.constant 6.28318548 : f32
        %rem3A_1267 = vector.broadcast %rem3A_1266 : f32 to vector<16xf32>
        %rem3A_1268 = arith.remf %add3A_1265, %rem3A_1267 : vector<16xf32>
        %sub3A_1269 = arith.constant 3.14159274 : f32
        %sub3A_1270 = vector.broadcast %sub3A_1269 : f32 to vector<16xf32>
        %sub3A_1271 = arith.subf %rem3A_1268, %sub3A_1270 : vector<16xf32>
        %add3A_1272 = arith.constant 3.14159274 : f32
        %add3A_1273 = vector.broadcast %add3A_1272 : f32 to vector<16xf32>
        %add3A_1274 = arith.addf %mul3A_1262, %add3A_1273 : vector<16xf32>
        %rem3A_1275 = arith.constant 6.28318548 : f32
        %rem3A_1276 = vector.broadcast %rem3A_1275 : f32 to vector<16xf32>
        %rem3A_1277 = arith.remf %add3A_1274, %rem3A_1276 : vector<16xf32>
        %sub3A_1278 = arith.constant 3.14159274 : f32
        %sub3A_1279 = vector.broadcast %sub3A_1278 : f32 to vector<16xf32>
        %sub3A_1280 = arith.subf %rem3A_1277, %sub3A_1279 : vector<16xf32>
        %mul3A_1281 = arith.mulf %sub3A_1271, %sub3A_1271 : vector<16xf32>
        %mul3A_1282 = arith.mulf %sub3A_1280, %sub3A_1280 : vector<16xf32>
        %mul3A_1283 = arith.constant 2.17778847E-6 : f32
        %mul3A_1284 = vector.broadcast %mul3A_1283 : f32 to vector<16xf32>
        %mul3A_1285 = arith.mulf %mul3A_1284, %mul3A_1281 : vector<16xf32>
        %add3A_1286 = arith.constant -1.93373271E-4 : f32
        %add3A_1287 = vector.broadcast %add3A_1286 : f32 to vector<16xf32>
        %add3A_1288 = arith.addf %mul3A_1285, %add3A_1287 : vector<16xf32>
        %mul3A_1289 = arith.mulf %add3A_1288, %mul3A_1281 : vector<16xf32>
        %add3A_1290 = arith.constant 0.00831502489 : f32
        %add3A_1291 = vector.broadcast %add3A_1290 : f32 to vector<16xf32>
        %add3A_1292 = arith.addf %mul3A_1289, %add3A_1291 : vector<16xf32>
        %mul3A_1293 = arith.mulf %add3A_1292, %mul3A_1281 : vector<16xf32>
        %add3A_1294 = arith.constant -0.166644335 : f32
        %add3A_1295 = vector.broadcast %add3A_1294 : f32 to vector<16xf32>
        %add3A_1296 = arith.addf %mul3A_1293, %add3A_1295 : vector<16xf32>
        %mul3A_1297 = arith.constant 2.17778847E-6 : f32
        %mul3A_1298 = vector.broadcast %mul3A_1297 : f32 to vector<16xf32>
        %mul3A_1299 = arith.mulf %mul3A_1298, %mul3A_1282 : vector<16xf32>
        %add3A_1300 = arith.constant -1.93373271E-4 : f32
        %add3A_1301 = vector.broadcast %add3A_1300 : f32 to vector<16xf32>
        %add3A_1302 = arith.addf %mul3A_1299, %add3A_1301 : vector<16xf32>
        %mul3A_1303 = arith.mulf %add3A_1302, %mul3A_1282 : vector<16xf32>
        %add3A_1304 = arith.constant 0.00831502489 : f32
        %add3A_1305 = vector.broadcast %add3A_1304 : f32 to vector<16xf32>
        %add3A_1306 = arith.addf %mul3A_1303, %add3A_1305 : vector<16xf32>
        %mul3A_1307 = arith.mulf %add3A_1306, %mul3A_1282 : vector<16xf32>
        %add3A_1308 = arith.constant -0.166644335 : f32
        %add3A_1309 = vector.broadcast %add3A_1308 : f32 to vector<16xf32>
        %add3A_1310 = arith.addf %mul3A_1307, %add3A_1309 : vector<16xf32>
        %mul3A_1311 = arith.mulf %sub3A_1271, %mul3A_1281 : vector<16xf32>
        %mul3A_1312 = arith.mulf %mul3A_1311, %add3A_1296 : vector<16xf32>
        %add3A_1313 = arith.addf %sub3A_1271, %mul3A_1312 : vector<16xf32>
        %mul3A_1314 = arith.mulf %sub3A_1280, %mul3A_1282 : vector<16xf32>
        %mul3A_1315 = arith.mulf %mul3A_1314, %add3A_1310 : vector<16xf32>
        %add3A_1316 = arith.addf %sub3A_1280, %mul3A_1315 : vector<16xf32>
        %mul3A_1317 = arith.constant -2.19729642E-7 : f32
        %mul3A_1318 = vector.broadcast %mul3A_1317 : f32 to vector<16xf32>
        %mul3A_1319 = arith.mulf %mul3A_1281, %mul3A_1318 : vector<16xf32>
        %add3A_1320 = arith.constant 2.42029419E-5 : f32
        %add3A_1321 = vector.broadcast %add3A_1320 : f32 to vector<16xf32>
        %add3A_1322 = arith.addf %add3A_1321, %mul3A_1319 : vector<16xf32>
        %mul3A_1323 = arith.mulf %mul3A_1281, %add3A_1322 : vector<16xf32>
        %add3A_1324 = arith.constant -0.001385879 : f32
        %add3A_1325 = vector.broadcast %add3A_1324 : f32 to vector<16xf32>
        %add3A_1326 = arith.addf %add3A_1325, %mul3A_1323 : vector<16xf32>
        %mul3A_1327 = arith.mulf %mul3A_1281, %add3A_1326 : vector<16xf32>
        %add3A_1328 = arith.constant 0.0416597761 : f32
        %add3A_1329 = vector.broadcast %add3A_1328 : f32 to vector<16xf32>
        %add3A_1330 = arith.addf %add3A_1329, %mul3A_1327 : vector<16xf32>
        %mul3A_1331 = arith.mulf %mul3A_1281, %add3A_1330 : vector<16xf32>
        %add3A_1332 = arith.constant -0.499994218 : f32
        %add3A_1333 = vector.broadcast %add3A_1332 : f32 to vector<16xf32>
        %add3A_1334 = arith.addf %add3A_1333, %mul3A_1331 : vector<16xf32>
        %mul3A_1335 = arith.mulf %mul3A_1281, %add3A_1334 : vector<16xf32>
        %add3A_1336 = arith.constant 0.999999225 : f32
        %add3A_1337 = vector.broadcast %add3A_1336 : f32 to vector<16xf32>
        %add3A_1338 = arith.addf %add3A_1337, %mul3A_1335 : vector<16xf32>
        %mul3A_1339 = arith.constant -2.19729642E-7 : f32
        %mul3A_1340 = vector.broadcast %mul3A_1339 : f32 to vector<16xf32>
        %mul3A_1341 = arith.mulf %mul3A_1282, %mul3A_1340 : vector<16xf32>
        %add3A_1342 = arith.constant 2.42029419E-5 : f32
        %add3A_1343 = vector.broadcast %add3A_1342 : f32 to vector<16xf32>
        %add3A_1344 = arith.addf %add3A_1343, %mul3A_1341 : vector<16xf32>
        %mul3A_1345 = arith.mulf %mul3A_1282, %add3A_1344 : vector<16xf32>
        %add3A_1346 = arith.constant -0.001385879 : f32
        %add3A_1347 = vector.broadcast %add3A_1346 : f32 to vector<16xf32>
        %add3A_1348 = arith.addf %add3A_1347, %mul3A_1345 : vector<16xf32>
        %mul3A_1349 = arith.mulf %mul3A_1282, %add3A_1348 : vector<16xf32>
        %add3A_1350 = arith.constant 0.0416597761 : f32
        %add3A_1351 = vector.broadcast %add3A_1350 : f32 to vector<16xf32>
        %add3A_1352 = arith.addf %add3A_1351, %mul3A_1349 : vector<16xf32>
        %mul3A_1353 = arith.mulf %mul3A_1282, %add3A_1352 : vector<16xf32>
        %add3A_1354 = arith.constant -0.499994218 : f32
        %add3A_1355 = vector.broadcast %add3A_1354 : f32 to vector<16xf32>
        %add3A_1356 = arith.addf %add3A_1355, %mul3A_1353 : vector<16xf32>
        %mul3A_1357 = arith.mulf %mul3A_1282, %add3A_1356 : vector<16xf32>
        %add3A_1358 = arith.constant 0.999999225 : f32
        %add3A_1359 = vector.broadcast %add3A_1358 : f32 to vector<16xf32>
        %add3A_1360 = arith.addf %add3A_1359, %mul3A_1357 : vector<16xf32>
        %add3A_1361 = arith.constant 6 : i32
        %add3A_1362 = arith.addi %mul3A_89, %add3A_1361 : i32
        %get3A_1363 = arith.index_cast %select_n3A_80 : i32 to index
        %get3A_1364 = arith.index_cast %add3A_1362 : i32 to index
        %get3A_1365 = arith.constant 0 : index
        %get3A_1366 = tpu.vector_load %arg9[%get3A_1363, %get3A_1364, %get3A_1365] {strides = array<i32>} : memref<2x32x64xf32, #tpu.memory_space<vmem>>, vector<1x1x16xf32>,
        %get3A_1367 = vector.shape_cast %get3A_1366 : vector<1x1x16xf32> to vector<16xf32>
        %add3A_1368 = arith.addf %get3A_1367, %add3A_1313 : vector<16xf32>
        %neg3A_1369 = arith.constant 0.000000e+00 : f32
        %neg3A_1370 = vector.broadcast %neg3A_1369 : f32 to vector<16xf32>
        %neg3A_1371 = arith.subf %neg3A_1370, %add3A_1368 : vector<16xf32>
        %exp3A_1372 = math.exp %neg3A_1371 : vector<16xf32>
        %add3A_1373 = arith.constant 1.000000e+00 : f32
        %add3A_1374 = vector.broadcast %add3A_1373 : f32 to vector<16xf32>
        %add3A_1375 = arith.addf %add3A_1374, %exp3A_1372 : vector<16xf32>
        %div3A_1376 = arith.divf %add3A_1368, %add3A_1375 : vector<16xf32>
        %add3A_1377 = arith.constant 6 : i32
        %add3A_1378 = arith.addi %add3A_92, %add3A_1377 : i32
        %swap3A_1379 = arith.index_cast %add3A_1378 : i32 to index
        %swap3A_1380 = arith.constant 0 : index
        %swap3A_1381 = tpu.vector_load %arg10[%swap3A_1379, %swap3A_1380] {strides = array<i32>} : memref<512x64xf32, #tpu.memory_space<vmem>>, vector<1x16xf32>,
        %swap3A_1382 = vector.shape_cast %swap3A_1381 : vector<1x16xf32> to vector<16xf32>
        %swap3A_1383 = vector.shape_cast %div3A_1376 : vector<16xf32> to vector<1x16xf32>
        tpu.vector_store %arg10[%swap3A_1379, %swap3A_1380], %swap3A_1383 {strides = array<i32>} : memref<512x64xf32, #tpu.memory_space<vmem>>, vector<1x16xf32>,
        %add3A_1384 = arith.constant 6 : i32
        %add3A_1385 = arith.addi %mul3A_89, %add3A_1384 : i32
        %get3A_1386 = arith.index_cast %select_n3A_80 : i32 to index
        %get3A_1387 = arith.index_cast %add3A_1385 : i32 to index
        %get3A_1388 = arith.constant 16 : index
        %get3A_1389 = tpu.vector_load %arg9[%get3A_1386, %get3A_1387, %get3A_1388] {strides = array<i32>} : memref<2x32x64xf32, #tpu.memory_space<vmem>>, vector<1x1x16xf32>,
        %get3A_1390 = vector.shape_cast %get3A_1389 : vector<1x1x16xf32> to vector<16xf32>
        %add3A_1391 = arith.addf %get3A_1390, %add3A_1316 : vector<16xf32>
        %neg3A_1392 = arith.constant 0.000000e+00 : f32
        %neg3A_1393 = vector.broadcast %neg3A_1392 : f32 to vector<16xf32>
        %neg3A_1394 = arith.subf %neg3A_1393, %add3A_1391 : vector<16xf32>
        %exp3A_1395 = math.exp %neg3A_1394 : vector<16xf32>
        %add3A_1396 = arith.constant 1.000000e+00 : f32
        %add3A_1397 = vector.broadcast %add3A_1396 : f32 to vector<16xf32>
        %add3A_1398 = arith.addf %add3A_1397, %exp3A_1395 : vector<16xf32>
        %div3A_1399 = arith.divf %add3A_1391, %add3A_1398 : vector<16xf32>
        %add3A_1400 = arith.constant 6 : i32
        %add3A_1401 = arith.addi %add3A_92, %add3A_1400 : i32
        %swap3A_1402 = arith.index_cast %add3A_1401 : i32 to index
        %swap3A_1403 = arith.constant 16 : index
        %swap3A_1404 = tpu.vector_load %arg10[%swap3A_1402, %swap3A_1403] {strides = array<i32>} : memref<512x64xf32, #tpu.memory_space<vmem>>, vector<1x16xf32>,
        %swap3A_1405 = vector.shape_cast %swap3A_1404 : vector<1x16xf32> to vector<16xf32>
        %swap3A_1406 = vector.shape_cast %div3A_1399 : vector<16xf32> to vector<1x16xf32>
        tpu.vector_store %arg10[%swap3A_1402, %swap3A_1403], %swap3A_1406 {strides = array<i32>} : memref<512x64xf32, #tpu.memory_space<vmem>>, vector<1x16xf32>,
        %add3A_1407 = arith.constant 6 : i32
        %add3A_1408 = arith.addi %mul3A_89, %add3A_1407 : i32
        %get3A_1409 = arith.index_cast %select_n3A_80 : i32 to index
        %get3A_1410 = arith.index_cast %add3A_1408 : i32 to index
        %get3A_1411 = arith.constant 32 : index
        %get3A_1412 = tpu.vector_load %arg9[%get3A_1409, %get3A_1410, %get3A_1411] {strides = array<i32>} : memref<2x32x64xf32, #tpu.memory_space<vmem>>, vector<1x1x16xf32>,
        %get3A_1413 = vector.shape_cast %get3A_1412 : vector<1x1x16xf32> to vector<16xf32>
        %add3A_1414 = arith.addf %get3A_1413, %add3A_1338 : vector<16xf32>
        %neg3A_1415 = arith.constant 0.000000e+00 : f32
        %neg3A_1416 = vector.broadcast %neg3A_1415 : f32 to vector<16xf32>
        %neg3A_1417 = arith.subf %neg3A_1416, %add3A_1414 : vector<16xf32>
        %exp3A_1418 = math.exp %neg3A_1417 : vector<16xf32>
        %add3A_1419 = arith.constant 1.000000e+00 : f32
        %add3A_1420 = vector.broadcast %add3A_1419 : f32 to vector<16xf32>
        %add3A_1421 = arith.addf %add3A_1420, %exp3A_1418 : vector<16xf32>
        %div3A_1422 = arith.divf %add3A_1414, %add3A_1421 : vector<16xf32>
        %add3A_1423 = arith.constant 6 : i32
        %add3A_1424 = arith.addi %add3A_92, %add3A_1423 : i32
        %swap3A_1425 = arith.index_cast %add3A_1424 : i32 to index
        %swap3A_1426 = arith.constant 32 : index
        %swap3A_1427 = tpu.vector_load %arg10[%swap3A_1425, %swap3A_1426] {strides = array<i32>} : memref<512x64xf32, #tpu.memory_space<vmem>>, vector<1x16xf32>,
        %swap3A_1428 = vector.shape_cast %swap3A_1427 : vector<1x16xf32> to vector<16xf32>
        %swap3A_1429 = vector.shape_cast %div3A_1422 : vector<16xf32> to vector<1x16xf32>
        tpu.vector_store %arg10[%swap3A_1425, %swap3A_1426], %swap3A_1429 {strides = array<i32>} : memref<512x64xf32, #tpu.memory_space<vmem>>, vector<1x16xf32>,
        %add3A_1430 = arith.constant 6 : i32
        %add3A_1431 = arith.addi %mul3A_89, %add3A_1430 : i32
        %get3A_1432 = arith.index_cast %select_n3A_80 : i32 to index
        %get3A_1433 = arith.index_cast %add3A_1431 : i32 to index
        %get3A_1434 = arith.constant 48 : index
        %get3A_1435 = tpu.vector_load %arg9[%get3A_1432, %get3A_1433, %get3A_1434] {strides = array<i32>} : memref<2x32x64xf32, #tpu.memory_space<vmem>>, vector<1x1x16xf32>,
        %get3A_1436 = vector.shape_cast %get3A_1435 : vector<1x1x16xf32> to vector<16xf32>
        %add3A_1437 = arith.addf %get3A_1436, %add3A_1360 : vector<16xf32>
        %neg3A_1438 = arith.constant 0.000000e+00 : f32
        %neg3A_1439 = vector.broadcast %neg3A_1438 : f32 to vector<16xf32>
        %neg3A_1440 = arith.subf %neg3A_1439, %add3A_1437 : vector<16xf32>
        %exp3A_1441 = math.exp %neg3A_1440 : vector<16xf32>
        %add3A_1442 = arith.constant 1.000000e+00 : f32
        %add3A_1443 = vector.broadcast %add3A_1442 : f32 to vector<16xf32>
        %add3A_1444 = arith.addf %add3A_1443, %exp3A_1441 : vector<16xf32>
        %div3A_1445 = arith.divf %add3A_1437, %add3A_1444 : vector<16xf32>
        %add3A_1446 = arith.constant 6 : i32
        %add3A_1447 = arith.addi %add3A_92, %add3A_1446 : i32
        %swap3A_1448 = arith.index_cast %add3A_1447 : i32 to index
        %swap3A_1449 = arith.constant 48 : index
        %swap3A_1450 = tpu.vector_load %arg10[%swap3A_1448, %swap3A_1449] {strides = array<i32>} : memref<512x64xf32, #tpu.memory_space<vmem>>, vector<1x16xf32>,
        %swap3A_1451 = vector.shape_cast %swap3A_1450 : vector<1x16xf32> to vector<16xf32>
        %swap3A_1452 = vector.shape_cast %div3A_1445 : vector<16xf32> to vector<1x16xf32>
        tpu.vector_store %arg10[%swap3A_1448, %swap3A_1449], %swap3A_1452 {strides = array<i32>} : memref<512x64xf32, #tpu.memory_space<vmem>>, vector<1x16xf32>,
        %slice3A_1453 = vector.extract_strided_slice %get3A_95 {offsets = [7], sizes = [1], strides = [1]} : vector<16xf32> to vector<1xf32>
        %squeeze3A_1454 = vector.extract %slice3A_1453[0] : f32 from vector<1xf32>
        %broadcast_in_dim3A_1455 = vector.broadcast %squeeze3A_1454 : f32 to vector<16xf32>
        %mul3A_1456 = arith.mulf %broadcast_in_dim3A_1455, %get3A_4 : vector<16xf32>
        %mul3A_1457 = arith.mulf %broadcast_in_dim3A_1455, %get3A_7 : vector<16xf32>
        %add3A_1458 = arith.constant 3.14159274 : f32
        %add3A_1459 = vector.broadcast %add3A_1458 : f32 to vector<16xf32>
        %add3A_1460 = arith.addf %mul3A_1456, %add3A_1459 : vector<16xf32>
        %rem3A_1461 = arith.constant 6.28318548 : f32
        %rem3A_1462 = vector.broadcast %rem3A_1461 : f32 to vector<16xf32>
        %rem3A_1463 = arith.remf %add3A_1460, %rem3A_1462 : vector<16xf32>
        %sub3A_1464 = arith.constant 3.14159274 : f32
        %sub3A_1465 = vector.broadcast %sub3A_1464 : f32 to vector<16xf32>
        %sub3A_1466 = arith.subf %rem3A_1463, %sub3A_1465 : vector<16xf32>
        %add3A_1467 = arith.constant 3.14159274 : f32
        %add3A_1468 = vector.broadcast %add3A_1467 : f32 to vector<16xf32>
        %add3A_1469 = arith.addf %mul3A_1457, %add3A_1468 : vector<16xf32>
        %rem3A_1470 = arith.constant 6.28318548 : f32
        %rem3A_1471 = vector.broadcast %rem3A_1470 : f32 to vector<16xf32>
        %rem3A_1472 = arith.remf %add3A_1469, %rem3A_1471 : vector<16xf32>
        %sub3A_1473 = arith.constant 3.14159274 : f32
        %sub3A_1474 = vector.broadcast %sub3A_1473 : f32 to vector<16xf32>
        %sub3A_1475 = arith.subf %rem3A_1472, %sub3A_1474 : vector<16xf32>
        %mul3A_1476 = arith.mulf %sub3A_1466, %sub3A_1466 : vector<16xf32>
        %mul3A_1477 = arith.mulf %sub3A_1475, %sub3A_1475 : vector<16xf32>
        %mul3A_1478 = arith.constant 2.17778847E-6 : f32
        %mul3A_1479 = vector.broadcast %mul3A_1478 : f32 to vector<16xf32>
        %mul3A_1480 = arith.mulf %mul3A_1479, %mul3A_1476 : vector<16xf32>
        %add3A_1481 = arith.constant -1.93373271E-4 : f32
        %add3A_1482 = vector.broadcast %add3A_1481 : f32 to vector<16xf32>
        %add3A_1483 = arith.addf %mul3A_1480, %add3A_1482 : vector<16xf32>
        %mul3A_1484 = arith.mulf %add3A_1483, %mul3A_1476 : vector<16xf32>
        %add3A_1485 = arith.constant 0.00831502489 : f32
        %add3A_1486 = vector.broadcast %add3A_1485 : f32 to vector<16xf32>
        %add3A_1487 = arith.addf %mul3A_1484, %add3A_1486 : vector<16xf32>
        %mul3A_1488 = arith.mulf %add3A_1487, %mul3A_1476 : vector<16xf32>
        %add3A_1489 = arith.constant -0.166644335 : f32
        %add3A_1490 = vector.broadcast %add3A_1489 : f32 to vector<16xf32>
        %add3A_1491 = arith.addf %mul3A_1488, %add3A_1490 : vector<16xf32>
        %mul3A_1492 = arith.constant 2.17778847E-6 : f32
        %mul3A_1493 = vector.broadcast %mul3A_1492 : f32 to vector<16xf32>
        %mul3A_1494 = arith.mulf %mul3A_1493, %mul3A_1477 : vector<16xf32>
        %add3A_1495 = arith.constant -1.93373271E-4 : f32
        %add3A_1496 = vector.broadcast %add3A_1495 : f32 to vector<16xf32>
        %add3A_1497 = arith.addf %mul3A_1494, %add3A_1496 : vector<16xf32>
        %mul3A_1498 = arith.mulf %add3A_1497, %mul3A_1477 : vector<16xf32>
        %add3A_1499 = arith.constant 0.00831502489 : f32
        %add3A_1500 = vector.broadcast %add3A_1499 : f32 to vector<16xf32>
        %add3A_1501 = arith.addf %mul3A_1498, %add3A_1500 : vector<16xf32>
        %mul3A_1502 = arith.mulf %add3A_1501, %mul3A_1477 : vector<16xf32>
        %add3A_1503 = arith.constant -0.166644335 : f32
        %add3A_1504 = vector.broadcast %add3A_1503 : f32 to vector<16xf32>
        %add3A_1505 = arith.addf %mul3A_1502, %add3A_1504 : vector<16xf32>
        %mul3A_1506 = arith.mulf %sub3A_1466, %mul3A_1476 : vector<16xf32>
        %mul3A_1507 = arith.mulf %mul3A_1506, %add3A_1491 : vector<16xf32>
        %add3A_1508 = arith.addf %sub3A_1466, %mul3A_1507 : vector<16xf32>
        %mul3A_1509 = arith.mulf %sub3A_1475, %mul3A_1477 : vector<16xf32>
        %mul3A_1510 = arith.mulf %mul3A_1509, %add3A_1505 : vector<16xf32>
        %add3A_1511 = arith.addf %sub3A_1475, %mul3A_1510 : vector<16xf32>
        %mul3A_1512 = arith.constant -2.19729642E-7 : f32
        %mul3A_1513 = vector.broadcast %mul3A_1512 : f32 to vector<16xf32>
        %mul3A_1514 = arith.mulf %mul3A_1476, %mul3A_1513 : vector<16xf32>
        %add3A_1515 = arith.constant 2.42029419E-5 : f32
        %add3A_1516 = vector.broadcast %add3A_1515 : f32 to vector<16xf32>
        %add3A_1517 = arith.addf %add3A_1516, %mul3A_1514 : vector<16xf32>
        %mul3A_1518 = arith.mulf %mul3A_1476, %add3A_1517 : vector<16xf32>
        %add3A_1519 = arith.constant -0.001385879 : f32
        %add3A_1520 = vector.broadcast %add3A_1519 : f32 to vector<16xf32>
        %add3A_1521 = arith.addf %add3A_1520, %mul3A_1518 : vector<16xf32>
        %mul3A_1522 = arith.mulf %mul3A_1476, %add3A_1521 : vector<16xf32>
        %add3A_1523 = arith.constant 0.0416597761 : f32
        %add3A_1524 = vector.broadcast %add3A_1523 : f32 to vector<16xf32>
        %add3A_1525 = arith.addf %add3A_1524, %mul3A_1522 : vector<16xf32>
        %mul3A_1526 = arith.mulf %mul3A_1476, %add3A_1525 : vector<16xf32>
        %add3A_1527 = arith.constant -0.499994218 : f32
        %add3A_1528 = vector.broadcast %add3A_1527 : f32 to vector<16xf32>
        %add3A_1529 = arith.addf %add3A_1528, %mul3A_1526 : vector<16xf32>
        %mul3A_1530 = arith.mulf %mul3A_1476, %add3A_1529 : vector<16xf32>
        %add3A_1531 = arith.constant 0.999999225 : f32
        %add3A_1532 = vector.broadcast %add3A_1531 : f32 to vector<16xf32>
        %add3A_1533 = arith.addf %add3A_1532, %mul3A_1530 : vector<16xf32>
        %mul3A_1534 = arith.constant -2.19729642E-7 : f32
        %mul3A_1535 = vector.broadcast %mul3A_1534 : f32 to vector<16xf32>
        %mul3A_1536 = arith.mulf %mul3A_1477, %mul3A_1535 : vector<16xf32>
        %add3A_1537 = arith.constant 2.42029419E-5 : f32
        %add3A_1538 = vector.broadcast %add3A_1537 : f32 to vector<16xf32>
        %add3A_1539 = arith.addf %add3A_1538, %mul3A_1536 : vector<16xf32>
        %mul3A_1540 = arith.mulf %mul3A_1477, %add3A_1539 : vector<16xf32>
        %add3A_1541 = arith.constant -0.001385879 : f32
        %add3A_1542 = vector.broadcast %add3A_1541 : f32 to vector<16xf32>
        %add3A_1543 = arith.addf %add3A_1542, %mul3A_1540 : vector<16xf32>
        %mul3A_1544 = arith.mulf %mul3A_1477, %add3A_1543 : vector<16xf32>
        %add3A_1545 = arith.constant 0.0416597761 : f32
        %add3A_1546 = vector.broadcast %add3A_1545 : f32 to vector<16xf32>
        %add3A_1547 = arith.addf %add3A_1546, %mul3A_1544 : vector<16xf32>
        %mul3A_1548 = arith.mulf %mul3A_1477, %add3A_1547 : vector<16xf32>
        %add3A_1549 = arith.constant -0.499994218 : f32
        %add3A_1550 = vector.broadcast %add3A_1549 : f32 to vector<16xf32>
        %add3A_1551 = arith.addf %add3A_1550, %mul3A_1548 : vector<16xf32>
        %mul3A_1552 = arith.mulf %mul3A_1477, %add3A_1551 : vector<16xf32>
        %add3A_1553 = arith.constant 0.999999225 : f32
        %add3A_1554 = vector.broadcast %add3A_1553 : f32 to vector<16xf32>
        %add3A_1555 = arith.addf %add3A_1554, %mul3A_1552 : vector<16xf32>
        %add3A_1556 = arith.constant 7 : i32
        %add3A_1557 = arith.addi %mul3A_89, %add3A_1556 : i32
        %get3A_1558 = arith.index_cast %select_n3A_80 : i32 to index
        %get3A_1559 = arith.index_cast %add3A_1557 : i32 to index
        %get3A_1560 = arith.constant 0 : index
        %get3A_1561 = tpu.vector_load %arg9[%get3A_1558, %get3A_1559, %get3A_1560] {strides = array<i32>} : memref<2x32x64xf32, #tpu.memory_space<vmem>>, vector<1x1x16xf32>,
        %get3A_1562 = vector.shape_cast %get3A_1561 : vector<1x1x16xf32> to vector<16xf32>
        %add3A_1563 = arith.addf %get3A_1562, %add3A_1508 : vector<16xf32>
        %neg3A_1564 = arith.constant 0.000000e+00 : f32
        %neg3A_1565 = vector.broadcast %neg3A_1564 : f32 to vector<16xf32>
        %neg3A_1566 = arith.subf %neg3A_1565, %add3A_1563 : vector<16xf32>
        %exp3A_1567 = math.exp %neg3A_1566 : vector<16xf32>
        %add3A_1568 = arith.constant 1.000000e+00 : f32
        %add3A_1569 = vector.broadcast %add3A_1568 : f32 to vector<16xf32>
        %add3A_1570 = arith.addf %add3A_1569, %exp3A_1567 : vector<16xf32>
        %div3A_1571 = arith.divf %add3A_1563, %add3A_1570 : vector<16xf32>
        %add3A_1572 = arith.constant 7 : i32
        %add3A_1573 = arith.addi %add3A_92, %add3A_1572 : i32
        %swap3A_1574 = arith.index_cast %add3A_1573 : i32 to index
        %swap3A_1575 = arith.constant 0 : index
        %swap3A_1576 = tpu.vector_load %arg10[%swap3A_1574, %swap3A_1575] {strides = array<i32>} : memref<512x64xf32, #tpu.memory_space<vmem>>, vector<1x16xf32>,
        %swap3A_1577 = vector.shape_cast %swap3A_1576 : vector<1x16xf32> to vector<16xf32>
        %swap3A_1578 = vector.shape_cast %div3A_1571 : vector<16xf32> to vector<1x16xf32>
        tpu.vector_store %arg10[%swap3A_1574, %swap3A_1575], %swap3A_1578 {strides = array<i32>} : memref<512x64xf32, #tpu.memory_space<vmem>>, vector<1x16xf32>,
        %add3A_1579 = arith.constant 7 : i32
        %add3A_1580 = arith.addi %mul3A_89, %add3A_1579 : i32
        %get3A_1581 = arith.index_cast %select_n3A_80 : i32 to index
        %get3A_1582 = arith.index_cast %add3A_1580 : i32 to index
        %get3A_1583 = arith.constant 16 : index
        %get3A_1584 = tpu.vector_load %arg9[%get3A_1581, %get3A_1582, %get3A_1583] {strides = array<i32>} : memref<2x32x64xf32, #tpu.memory_space<vmem>>, vector<1x1x16xf32>,
        %get3A_1585 = vector.shape_cast %get3A_1584 : vector<1x1x16xf32> to vector<16xf32>
        %add3A_1586 = arith.addf %get3A_1585, %add3A_1511 : vector<16xf32>
        %neg3A_1587 = arith.constant 0.000000e+00 : f32
        %neg3A_1588 = vector.broadcast %neg3A_1587 : f32 to vector<16xf32>
        %neg3A_1589 = arith.subf %neg3A_1588, %add3A_1586 : vector<16xf32>
        %exp3A_1590 = math.exp %neg3A_1589 : vector<16xf32>
        %add3A_1591 = arith.constant 1.000000e+00 : f32
        %add3A_1592 = vector.broadcast %add3A_1591 : f32 to vector<16xf32>
        %add3A_1593 = arith.addf %add3A_1592, %exp3A_1590 : vector<16xf32>
        %div3A_1594 = arith.divf %add3A_1586, %add3A_1593 : vector<16xf32>
        %add3A_1595 = arith.constant 7 : i32
        %add3A_1596 = arith.addi %add3A_92, %add3A_1595 : i32
        %swap3A_1597 = arith.index_cast %add3A_1596 : i32 to index
        %swap3A_1598 = arith.constant 16 : index
        %swap3A_1599 = tpu.vector_load %arg10[%swap3A_1597, %swap3A_1598] {strides = array<i32>} : memref<512x64xf32, #tpu.memory_space<vmem>>, vector<1x16xf32>,
        %swap3A_1600 = vector.shape_cast %swap3A_1599 : vector<1x16xf32> to vector<16xf32>
        %swap3A_1601 = vector.shape_cast %div3A_1594 : vector<16xf32> to vector<1x16xf32>
        tpu.vector_store %arg10[%swap3A_1597, %swap3A_1598], %swap3A_1601 {strides = array<i32>} : memref<512x64xf32, #tpu.memory_space<vmem>>, vector<1x16xf32>,
        %add3A_1602 = arith.constant 7 : i32
        %add3A_1603 = arith.addi %mul3A_89, %add3A_1602 : i32
        %get3A_1604 = arith.index_cast %select_n3A_80 : i32 to index
        %get3A_1605 = arith.index_cast %add3A_1603 : i32 to index
        %get3A_1606 = arith.constant 32 : index
        %get3A_1607 = tpu.vector_load %arg9[%get3A_1604, %get3A_1605, %get3A_1606] {strides = array<i32>} : memref<2x32x64xf32, #tpu.memory_space<vmem>>, vector<1x1x16xf32>,
        %get3A_1608 = vector.shape_cast %get3A_1607 : vector<1x1x16xf32> to vector<16xf32>
        %add3A_1609 = arith.addf %get3A_1608, %add3A_1533 : vector<16xf32>
        %neg3A_1610 = arith.constant 0.000000e+00 : f32
        %neg3A_1611 = vector.broadcast %neg3A_1610 : f32 to vector<16xf32>
        %neg3A_1612 = arith.subf %neg3A_1611, %add3A_1609 : vector<16xf32>
        %exp3A_1613 = math.exp %neg3A_1612 : vector<16xf32>
        %add3A_1614 = arith.constant 1.000000e+00 : f32
        %add3A_1615 = vector.broadcast %add3A_1614 : f32 to vector<16xf32>
        %add3A_1616 = arith.addf %add3A_1615, %exp3A_1613 : vector<16xf32>
        %div3A_1617 = arith.divf %add3A_1609, %add3A_1616 : vector<16xf32>
        %add3A_1618 = arith.constant 7 : i32
        %add3A_1619 = arith.addi %add3A_92, %add3A_1618 : i32
        %swap3A_1620 = arith.index_cast %add3A_1619 : i32 to index
        %swap3A_1621 = arith.constant 32 : index
        %swap3A_1622 = tpu.vector_load %arg10[%swap3A_1620, %swap3A_1621] {strides = array<i32>} : memref<512x64xf32, #tpu.memory_space<vmem>>, vector<1x16xf32>,
        %swap3A_1623 = vector.shape_cast %swap3A_1622 : vector<1x16xf32> to vector<16xf32>
        %swap3A_1624 = vector.shape_cast %div3A_1617 : vector<16xf32> to vector<1x16xf32>
        tpu.vector_store %arg10[%swap3A_1620, %swap3A_1621], %swap3A_1624 {strides = array<i32>} : memref<512x64xf32, #tpu.memory_space<vmem>>, vector<1x16xf32>,
        %add3A_1625 = arith.constant 7 : i32
        %add3A_1626 = arith.addi %mul3A_89, %add3A_1625 : i32
        %get3A_1627 = arith.index_cast %select_n3A_80 : i32 to index
        %get3A_1628 = arith.index_cast %add3A_1626 : i32 to index
        %get3A_1629 = arith.constant 48 : index
        %get3A_1630 = tpu.vector_load %arg9[%get3A_1627, %get3A_1628, %get3A_1629] {strides = array<i32>} : memref<2x32x64xf32, #tpu.memory_space<vmem>>, vector<1x1x16xf32>,
        %get3A_1631 = vector.shape_cast %get3A_1630 : vector<1x1x16xf32> to vector<16xf32>
        %add3A_1632 = arith.addf %get3A_1631, %add3A_1555 : vector<16xf32>
        %neg3A_1633 = arith.constant 0.000000e+00 : f32
        %neg3A_1634 = vector.broadcast %neg3A_1633 : f32 to vector<16xf32>
        %neg3A_1635 = arith.subf %neg3A_1634, %add3A_1632 : vector<16xf32>
        %exp3A_1636 = math.exp %neg3A_1635 : vector<16xf32>
        %add3A_1637 = arith.constant 1.000000e+00 : f32
        %add3A_1638 = vector.broadcast %add3A_1637 : f32 to vector<16xf32>
        %add3A_1639 = arith.addf %add3A_1638, %exp3A_1636 : vector<16xf32>
        %div3A_1640 = arith.divf %add3A_1632, %add3A_1639 : vector<16xf32>
        %add3A_1641 = arith.constant 7 : i32
        %add3A_1642 = arith.addi %add3A_92, %add3A_1641 : i32
        %swap3A_1643 = arith.index_cast %add3A_1642 : i32 to index
        %swap3A_1644 = arith.constant 48 : index
        %swap3A_1645 = tpu.vector_load %arg10[%swap3A_1643, %swap3A_1644] {strides = array<i32>} : memref<512x64xf32, #tpu.memory_space<vmem>>, vector<1x16xf32>,
        %swap3A_1646 = vector.shape_cast %swap3A_1645 : vector<1x16xf32> to vector<16xf32>
        %swap3A_1647 = vector.shape_cast %div3A_1640 : vector<16xf32> to vector<1x16xf32>
        tpu.vector_store %arg10[%swap3A_1643, %swap3A_1644], %swap3A_1647 {strides = array<i32>} : memref<512x64xf32, #tpu.memory_space<vmem>>, vector<1x16xf32>,
        %slice3A_1648 = vector.extract_strided_slice %get3A_95 {offsets = [8], sizes = [1], strides = [1]} : vector<16xf32> to vector<1xf32>
        %squeeze3A_1649 = vector.extract %slice3A_1648[0] : f32 from vector<1xf32>
        %broadcast_in_dim3A_1650 = vector.broadcast %squeeze3A_1649 : f32 to vector<16xf32>
        %mul3A_1651 = arith.mulf %broadcast_in_dim3A_1650, %get3A_4 : vector<16xf32>
        %mul3A_1652 = arith.mulf %broadcast_in_dim3A_1650, %get3A_7 : vector<16xf32>
        %add3A_1653 = arith.constant 3.14159274 : f32
        %add3A_1654 = vector.broadcast %add3A_1653 : f32 to vector<16xf32>
        %add3A_1655 = arith.addf %mul3A_1651, %add3A_1654 : vector<16xf32>
        %rem3A_1656 = arith.constant 6.28318548 : f32
        %rem3A_1657 = vector.broadcast %rem3A_1656 : f32 to vector<16xf32>
        %rem3A_1658 = arith.remf %add3A_1655, %rem3A_1657 : vector<16xf32>
        %sub3A_1659 = arith.constant 3.14159274 : f32
        %sub3A_1660 = vector.broadcast %sub3A_1659 : f32 to vector<16xf32>
        %sub3A_1661 = arith.subf %rem3A_1658, %sub3A_1660 : vector<16xf32>
        %add3A_1662 = arith.constant 3.14159274 : f32
        %add3A_1663 = vector.broadcast %add3A_1662 : f32 to vector<16xf32>
        %add3A_1664 = arith.addf %mul3A_1652, %add3A_1663 : vector<16xf32>
        %rem3A_1665 = arith.constant 6.28318548 : f32
        %rem3A_1666 = vector.broadcast %rem3A_1665 : f32 to vector<16xf32>
        %rem3A_1667 = arith.remf %add3A_1664, %rem3A_1666 : vector<16xf32>
        %sub3A_1668 = arith.constant 3.14159274 : f32
        %sub3A_1669 = vector.broadcast %sub3A_1668 : f32 to vector<16xf32>
        %sub3A_1670 = arith.subf %rem3A_1667, %sub3A_1669 : vector<16xf32>
        %mul3A_1671 = arith.mulf %sub3A_1661, %sub3A_1661 : vector<16xf32>
        %mul3A_1672 = arith.mulf %sub3A_1670, %sub3A_1670 : vector<16xf32>
        %mul3A_1673 = arith.constant 2.17778847E-6 : f32
        %mul3A_1674 = vector.broadcast %mul3A_1673 : f32 to vector<16xf32>
        %mul3A_1675 = arith.mulf %mul3A_1674, %mul3A_1671 : vector<16xf32>
        %add3A_1676 = arith.constant -1.93373271E-4 : f32
        %add3A_1677 = vector.broadcast %add3A_1676 : f32 to vector<16xf32>
        %add3A_1678 = arith.addf %mul3A_1675, %add3A_1677 : vector<16xf32>
        %mul3A_1679 = arith.mulf %add3A_1678, %mul3A_1671 : vector<16xf32>
        %add3A_1680 = arith.constant 0.00831502489 : f32
        %add3A_1681 = vector.broadcast %add3A_1680 : f32 to vector<16xf32>
        %add3A_1682 = arith.addf %mul3A_1679, %add3A_1681 : vector<16xf32>
        %mul3A_1683 = arith.mulf %add3A_1682, %mul3A_1671 : vector<16xf32>
        %add3A_1684 = arith.constant -0.166644335 : f32
        %add3A_1685 = vector.broadcast %add3A_1684 : f32 to vector<16xf32>
        %add3A_1686 = arith.addf %mul3A_1683, %add3A_1685 : vector<16xf32>
        %mul3A_1687 = arith.constant 2.17778847E-6 : f32
        %mul3A_1688 = vector.broadcast %mul3A_1687 : f32 to vector<16xf32>
        %mul3A_1689 = arith.mulf %mul3A_1688, %mul3A_1672 : vector<16xf32>
        %add3A_1690 = arith.constant -1.93373271E-4 : f32
        %add3A_1691 = vector.broadcast %add3A_1690 : f32 to vector<16xf32>
        %add3A_1692 = arith.addf %mul3A_1689, %add3A_1691 : vector<16xf32>
        %mul3A_1693 = arith.mulf %add3A_1692, %mul3A_1672 : vector<16xf32>
        %add3A_1694 = arith.constant 0.00831502489 : f32
        %add3A_1695 = vector.broadcast %add3A_1694 : f32 to vector<16xf32>
        %add3A_1696 = arith.addf %mul3A_1693, %add3A_1695 : vector<16xf32>
        %mul3A_1697 = arith.mulf %add3A_1696, %mul3A_1672 : vector<16xf32>
        %add3A_1698 = arith.constant -0.166644335 : f32
        %add3A_1699 = vector.broadcast %add3A_1698 : f32 to vector<16xf32>
        %add3A_1700 = arith.addf %mul3A_1697, %add3A_1699 : vector<16xf32>
        %mul3A_1701 = arith.mulf %sub3A_1661, %mul3A_1671 : vector<16xf32>
        %mul3A_1702 = arith.mulf %mul3A_1701, %add3A_1686 : vector<16xf32>
        %add3A_1703 = arith.addf %sub3A_1661, %mul3A_1702 : vector<16xf32>
        %mul3A_1704 = arith.mulf %sub3A_1670, %mul3A_1672 : vector<16xf32>
        %mul3A_1705 = arith.mulf %mul3A_1704, %add3A_1700 : vector<16xf32>
        %add3A_1706 = arith.addf %sub3A_1670, %mul3A_1705 : vector<16xf32>
        %mul3A_1707 = arith.constant -2.19729642E-7 : f32
        %mul3A_1708 = vector.broadcast %mul3A_1707 : f32 to vector<16xf32>
        %mul3A_1709 = arith.mulf %mul3A_1671, %mul3A_1708 : vector<16xf32>
        %add3A_1710 = arith.constant 2.42029419E-5 : f32
        %add3A_1711 = vector.broadcast %add3A_1710 : f32 to vector<16xf32>
        %add3A_1712 = arith.addf %add3A_1711, %mul3A_1709 : vector<16xf32>
        %mul3A_1713 = arith.mulf %mul3A_1671, %add3A_1712 : vector<16xf32>
        %add3A_1714 = arith.constant -0.001385879 : f32
        %add3A_1715 = vector.broadcast %add3A_1714 : f32 to vector<16xf32>
        %add3A_1716 = arith.addf %add3A_1715, %mul3A_1713 : vector<16xf32>
        %mul3A_1717 = arith.mulf %mul3A_1671, %add3A_1716 : vector<16xf32>
        %add3A_1718 = arith.constant 0.0416597761 : f32
        %add3A_1719 = vector.broadcast %add3A_1718 : f32 to vector<16xf32>
        %add3A_1720 = arith.addf %add3A_1719, %mul3A_1717 : vector<16xf32>
        %mul3A_1721 = arith.mulf %mul3A_1671, %add3A_1720 : vector<16xf32>
        %add3A_1722 = arith.constant -0.499994218 : f32
        %add3A_1723 = vector.broadcast %add3A_1722 : f32 to vector<16xf32>
        %add3A_1724 = arith.addf %add3A_1723, %mul3A_1721 : vector<16xf32>
        %mul3A_1725 = arith.mulf %mul3A_1671, %add3A_1724 : vector<16xf32>
        %add3A_1726 = arith.constant 0.999999225 : f32
        %add3A_1727 = vector.broadcast %add3A_1726 : f32 to vector<16xf32>
        %add3A_1728 = arith.addf %add3A_1727, %mul3A_1725 : vector<16xf32>
        %mul3A_1729 = arith.constant -2.19729642E-7 : f32
        %mul3A_1730 = vector.broadcast %mul3A_1729 : f32 to vector<16xf32>
        %mul3A_1731 = arith.mulf %mul3A_1672, %mul3A_1730 : vector<16xf32>
        %add3A_1732 = arith.constant 2.42029419E-5 : f32
        %add3A_1733 = vector.broadcast %add3A_1732 : f32 to vector<16xf32>
        %add3A_1734 = arith.addf %add3A_1733, %mul3A_1731 : vector<16xf32>
        %mul3A_1735 = arith.mulf %mul3A_1672, %add3A_1734 : vector<16xf32>
        %add3A_1736 = arith.constant -0.001385879 : f32
        %add3A_1737 = vector.broadcast %add3A_1736 : f32 to vector<16xf32>
        %add3A_1738 = arith.addf %add3A_1737, %mul3A_1735 : vector<16xf32>
        %mul3A_1739 = arith.mulf %mul3A_1672, %add3A_1738 : vector<16xf32>
        %add3A_1740 = arith.constant 0.0416597761 : f32
        %add3A_1741 = vector.broadcast %add3A_1740 : f32 to vector<16xf32>
        %add3A_1742 = arith.addf %add3A_1741, %mul3A_1739 : vector<16xf32>
        %mul3A_1743 = arith.mulf %mul3A_1672, %add3A_1742 : vector<16xf32>
        %add3A_1744 = arith.constant -0.499994218 : f32
        %add3A_1745 = vector.broadcast %add3A_1744 : f32 to vector<16xf32>
        %add3A_1746 = arith.addf %add3A_1745, %mul3A_1743 : vector<16xf32>
        %mul3A_1747 = arith.mulf %mul3A_1672, %add3A_1746 : vector<16xf32>
        %add3A_1748 = arith.constant 0.999999225 : f32
        %add3A_1749 = vector.broadcast %add3A_1748 : f32 to vector<16xf32>
        %add3A_1750 = arith.addf %add3A_1749, %mul3A_1747 : vector<16xf32>
        %add3A_1751 = arith.constant 8 : i32
        %add3A_1752 = arith.addi %mul3A_89, %add3A_1751 : i32
        %get3A_1753 = arith.index_cast %select_n3A_80 : i32 to index
        %get3A_1754 = arith.index_cast %add3A_1752 : i32 to index
        %get3A_1755 = arith.constant 0 : index
        %get3A_1756 = tpu.vector_load %arg9[%get3A_1753, %get3A_1754, %get3A_1755] {strides = array<i32>} : memref<2x32x64xf32, #tpu.memory_space<vmem>>, vector<1x1x16xf32>,
        %get3A_1757 = vector.shape_cast %get3A_1756 : vector<1x1x16xf32> to vector<16xf32>
        %add3A_1758 = arith.addf %get3A_1757, %add3A_1703 : vector<16xf32>
        %neg3A_1759 = arith.constant 0.000000e+00 : f32
        %neg3A_1760 = vector.broadcast %neg3A_1759 : f32 to vector<16xf32>
        %neg3A_1761 = arith.subf %neg3A_1760, %add3A_1758 : vector<16xf32>
        %exp3A_1762 = math.exp %neg3A_1761 : vector<16xf32>
        %add3A_1763 = arith.constant 1.000000e+00 : f32
        %add3A_1764 = vector.broadcast %add3A_1763 : f32 to vector<16xf32>
        %add3A_1765 = arith.addf %add3A_1764, %exp3A_1762 : vector<16xf32>
        %div3A_1766 = arith.divf %add3A_1758, %add3A_1765 : vector<16xf32>
        %add3A_1767 = arith.constant 8 : i32
        %add3A_1768 = arith.addi %add3A_92, %add3A_1767 : i32
        %swap3A_1769 = arith.index_cast %add3A_1768 : i32 to index
        %swap3A_1770 = arith.constant 0 : index
        %swap3A_1771 = tpu.vector_load %arg10[%swap3A_1769, %swap3A_1770] {strides = array<i32>} : memref<512x64xf32, #tpu.memory_space<vmem>>, vector<1x16xf32>,
        %swap3A_1772 = vector.shape_cast %swap3A_1771 : vector<1x16xf32> to vector<16xf32>
        %swap3A_1773 = vector.shape_cast %div3A_1766 : vector<16xf32> to vector<1x16xf32>
        tpu.vector_store %arg10[%swap3A_1769, %swap3A_1770], %swap3A_1773 {strides = array<i32>} : memref<512x64xf32, #tpu.memory_space<vmem>>, vector<1x16xf32>,
        %add3A_1774 = arith.constant 8 : i32
        %add3A_1775 = arith.addi %mul3A_89, %add3A_1774 : i32
        %get3A_1776 = arith.index_cast %select_n3A_80 : i32 to index
        %get3A_1777 = arith.index_cast %add3A_1775 : i32 to index
        %get3A_1778 = arith.constant 16 : index
        %get3A_1779 = tpu.vector_load %arg9[%get3A_1776, %get3A_1777, %get3A_1778] {strides = array<i32>} : memref<2x32x64xf32, #tpu.memory_space<vmem>>, vector<1x1x16xf32>,
        %get3A_1780 = vector.shape_cast %get3A_1779 : vector<1x1x16xf32> to vector<16xf32>
        %add3A_1781 = arith.addf %get3A_1780, %add3A_1706 : vector<16xf32>
        %neg3A_1782 = arith.constant 0.000000e+00 : f32
        %neg3A_1783 = vector.broadcast %neg3A_1782 : f32 to vector<16xf32>
        %neg3A_1784 = arith.subf %neg3A_1783, %add3A_1781 : vector<16xf32>
        %exp3A_1785 = math.exp %neg3A_1784 : vector<16xf32>
        %add3A_1786 = arith.constant 1.000000e+00 : f32
        %add3A_1787 = vector.broadcast %add3A_1786 : f32 to vector<16xf32>
        %add3A_1788 = arith.addf %add3A_1787, %exp3A_1785 : vector<16xf32>
        %div3A_1789 = arith.divf %add3A_1781, %add3A_1788 : vector<16xf32>
        %add3A_1790 = arith.constant 8 : i32
        %add3A_1791 = arith.addi %add3A_92, %add3A_1790 : i32
        %swap3A_1792 = arith.index_cast %add3A_1791 : i32 to index
        %swap3A_1793 = arith.constant 16 : index
        %swap3A_1794 = tpu.vector_load %arg10[%swap3A_1792, %swap3A_1793] {strides = array<i32>} : memref<512x64xf32, #tpu.memory_space<vmem>>, vector<1x16xf32>,
        %swap3A_1795 = vector.shape_cast %swap3A_1794 : vector<1x16xf32> to vector<16xf32>
        %swap3A_1796 = vector.shape_cast %div3A_1789 : vector<16xf32> to vector<1x16xf32>
        tpu.vector_store %arg10[%swap3A_1792, %swap3A_1793], %swap3A_1796 {strides = array<i32>} : memref<512x64xf32, #tpu.memory_space<vmem>>, vector<1x16xf32>,
        %add3A_1797 = arith.constant 8 : i32
        %add3A_1798 = arith.addi %mul3A_89, %add3A_1797 : i32
        %get3A_1799 = arith.index_cast %select_n3A_80 : i32 to index
        %get3A_1800 = arith.index_cast %add3A_1798 : i32 to index
        %get3A_1801 = arith.constant 32 : index
        %get3A_1802 = tpu.vector_load %arg9[%get3A_1799, %get3A_1800, %get3A_1801] {strides = array<i32>} : memref<2x32x64xf32, #tpu.memory_space<vmem>>, vector<1x1x16xf32>,
        %get3A_1803 = vector.shape_cast %get3A_1802 : vector<1x1x16xf32> to vector<16xf32>
        %add3A_1804 = arith.addf %get3A_1803, %add3A_1728 : vector<16xf32>
        %neg3A_1805 = arith.constant 0.000000e+00 : f32
        %neg3A_1806 = vector.broadcast %neg3A_1805 : f32 to vector<16xf32>
        %neg3A_1807 = arith.subf %neg3A_1806, %add3A_1804 : vector<16xf32>
        %exp3A_1808 = math.exp %neg3A_1807 : vector<16xf32>
        %add3A_1809 = arith.constant 1.000000e+00 : f32
        %add3A_1810 = vector.broadcast %add3A_1809 : f32 to vector<16xf32>
        %add3A_1811 = arith.addf %add3A_1810, %exp3A_1808 : vector<16xf32>
        %div3A_1812 = arith.divf %add3A_1804, %add3A_1811 : vector<16xf32>
        %add3A_1813 = arith.constant 8 : i32
        %add3A_1814 = arith.addi %add3A_92, %add3A_1813 : i32
        %swap3A_1815 = arith.index_cast %add3A_1814 : i32 to index
        %swap3A_1816 = arith.constant 32 : index
        %swap3A_1817 = tpu.vector_load %arg10[%swap3A_1815, %swap3A_1816] {strides = array<i32>} : memref<512x64xf32, #tpu.memory_space<vmem>>, vector<1x16xf32>,
        %swap3A_1818 = vector.shape_cast %swap3A_1817 : vector<1x16xf32> to vector<16xf32>
        %swap3A_1819 = vector.shape_cast %div3A_1812 : vector<16xf32> to vector<1x16xf32>
        tpu.vector_store %arg10[%swap3A_1815, %swap3A_1816], %swap3A_1819 {strides = array<i32>} : memref<512x64xf32, #tpu.memory_space<vmem>>, vector<1x16xf32>,
        %add3A_1820 = arith.constant 8 : i32
        %add3A_1821 = arith.addi %mul3A_89, %add3A_1820 : i32
        %get3A_1822 = arith.index_cast %select_n3A_80 : i32 to index
        %get3A_1823 = arith.index_cast %add3A_1821 : i32 to index
        %get3A_1824 = arith.constant 48 : index
        %get3A_1825 = tpu.vector_load %arg9[%get3A_1822, %get3A_1823, %get3A_1824] {strides = array<i32>} : memref<2x32x64xf32, #tpu.memory_space<vmem>>, vector<1x1x16xf32>,
        %get3A_1826 = vector.shape_cast %get3A_1825 : vector<1x1x16xf32> to vector<16xf32>
        %add3A_1827 = arith.addf %get3A_1826, %add3A_1750 : vector<16xf32>
        %neg3A_1828 = arith.constant 0.000000e+00 : f32
        %neg3A_1829 = vector.broadcast %neg3A_1828 : f32 to vector<16xf32>
        %neg3A_1830 = arith.subf %neg3A_1829, %add3A_1827 : vector<16xf32>
        %exp3A_1831 = math.exp %neg3A_1830 : vector<16xf32>
        %add3A_1832 = arith.constant 1.000000e+00 : f32
        %add3A_1833 = vector.broadcast %add3A_1832 : f32 to vector<16xf32>
        %add3A_1834 = arith.addf %add3A_1833, %exp3A_1831 : vector<16xf32>
        %div3A_1835 = arith.divf %add3A_1827, %add3A_1834 : vector<16xf32>
        %add3A_1836 = arith.constant 8 : i32
        %add3A_1837 = arith.addi %add3A_92, %add3A_1836 : i32
        %swap3A_1838 = arith.index_cast %add3A_1837 : i32 to index
        %swap3A_1839 = arith.constant 48 : index
        %swap3A_1840 = tpu.vector_load %arg10[%swap3A_1838, %swap3A_1839] {strides = array<i32>} : memref<512x64xf32, #tpu.memory_space<vmem>>, vector<1x16xf32>,
        %swap3A_1841 = vector.shape_cast %swap3A_1840 : vector<1x16xf32> to vector<16xf32>
        %swap3A_1842 = vector.shape_cast %div3A_1835 : vector<16xf32> to vector<1x16xf32>
        tpu.vector_store %arg10[%swap3A_1838, %swap3A_1839], %swap3A_1842 {strides = array<i32>} : memref<512x64xf32, #tpu.memory_space<vmem>>, vector<1x16xf32>,
        %slice3A_1843 = vector.extract_strided_slice %get3A_95 {offsets = [9], sizes = [1], strides = [1]} : vector<16xf32> to vector<1xf32>
        %squeeze3A_1844 = vector.extract %slice3A_1843[0] : f32 from vector<1xf32>
        %broadcast_in_dim3A_1845 = vector.broadcast %squeeze3A_1844 : f32 to vector<16xf32>
        %mul3A_1846 = arith.mulf %broadcast_in_dim3A_1845, %get3A_4 : vector<16xf32>
        %mul3A_1847 = arith.mulf %broadcast_in_dim3A_1845, %get3A_7 : vector<16xf32>
        %add3A_1848 = arith.constant 3.14159274 : f32
        %add3A_1849 = vector.broadcast %add3A_1848 : f32 to vector<16xf32>
        %add3A_1850 = arith.addf %mul3A_1846, %add3A_1849 : vector<16xf32>
        %rem3A_1851 = arith.constant 6.28318548 : f32
        %rem3A_1852 = vector.broadcast %rem3A_1851 : f32 to vector<16xf32>
        %rem3A_1853 = arith.remf %add3A_1850, %rem3A_1852 : vector<16xf32>
        %sub3A_1854 = arith.constant 3.14159274 : f32
        %sub3A_1855 = vector.broadcast %sub3A_1854 : f32 to vector<16xf32>
        %sub3A_1856 = arith.subf %rem3A_1853, %sub3A_1855 : vector<16xf32>
        %add3A_1857 = arith.constant 3.14159274 : f32
        %add3A_1858 = vector.broadcast %add3A_1857 : f32 to vector<16xf32>
        %add3A_1859 = arith.addf %mul3A_1847, %add3A_1858 : vector<16xf32>
        %rem3A_1860 = arith.constant 6.28318548 : f32
        %rem3A_1861 = vector.broadcast %rem3A_1860 : f32 to vector<16xf32>
        %rem3A_1862 = arith.remf %add3A_1859, %rem3A_1861 : vector<16xf32>
        %sub3A_1863 = arith.constant 3.14159274 : f32
        %sub3A_1864 = vector.broadcast %sub3A_1863 : f32 to vector<16xf32>
        %sub3A_1865 = arith.subf %rem3A_1862, %sub3A_1864 : vector<16xf32>
        %mul3A_1866 = arith.mulf %sub3A_1856, %sub3A_1856 : vector<16xf32>
        %mul3A_1867 = arith.mulf %sub3A_1865, %sub3A_1865 : vector<16xf32>
        %mul3A_1868 = arith.constant 2.17778847E-6 : f32
        %mul3A_1869 = vector.broadcast %mul3A_1868 : f32 to vector<16xf32>
        %mul3A_1870 = arith.mulf %mul3A_1869, %mul3A_1866 : vector<16xf32>
        %add3A_1871 = arith.constant -1.93373271E-4 : f32
        %add3A_1872 = vector.broadcast %add3A_1871 : f32 to vector<16xf32>
        %add3A_1873 = arith.addf %mul3A_1870, %add3A_1872 : vector<16xf32>
        %mul3A_1874 = arith.mulf %add3A_1873, %mul3A_1866 : vector<16xf32>
        %add3A_1875 = arith.constant 0.00831502489 : f32
        %add3A_1876 = vector.broadcast %add3A_1875 : f32 to vector<16xf32>
        %add3A_1877 = arith.addf %mul3A_1874, %add3A_1876 : vector<16xf32>
        %mul3A_1878 = arith.mulf %add3A_1877, %mul3A_1866 : vector<16xf32>
        %add3A_1879 = arith.constant -0.166644335 : f32
        %add3A_1880 = vector.broadcast %add3A_1879 : f32 to vector<16xf32>
        %add3A_1881 = arith.addf %mul3A_1878, %add3A_1880 : vector<16xf32>
        %mul3A_1882 = arith.constant 2.17778847E-6 : f32
        %mul3A_1883 = vector.broadcast %mul3A_1882 : f32 to vector<16xf32>
        %mul3A_1884 = arith.mulf %mul3A_1883, %mul3A_1867 : vector<16xf32>
        %add3A_1885 = arith.constant -1.93373271E-4 : f32
        %add3A_1886 = vector.broadcast %add3A_1885 : f32 to vector<16xf32>
        %add3A_1887 = arith.addf %mul3A_1884, %add3A_1886 : vector<16xf32>
        %mul3A_1888 = arith.mulf %add3A_1887, %mul3A_1867 : vector<16xf32>
        %add3A_1889 = arith.constant 0.00831502489 : f32
        %add3A_1890 = vector.broadcast %add3A_1889 : f32 to vector<16xf32>
        %add3A_1891 = arith.addf %mul3A_1888, %add3A_1890 : vector<16xf32>
        %mul3A_1892 = arith.mulf %add3A_1891, %mul3A_1867 : vector<16xf32>
        %add3A_1893 = arith.constant -0.166644335 : f32
        %add3A_1894 = vector.broadcast %add3A_1893 : f32 to vector<16xf32>
        %add3A_1895 = arith.addf %mul3A_1892, %add3A_1894 : vector<16xf32>
        %mul3A_1896 = arith.mulf %sub3A_1856, %mul3A_1866 : vector<16xf32>
        %mul3A_1897 = arith.mulf %mul3A_1896, %add3A_1881 : vector<16xf32>
        %add3A_1898 = arith.addf %sub3A_1856, %mul3A_1897 : vector<16xf32>
        %mul3A_1899 = arith.mulf %sub3A_1865, %mul3A_1867 : vector<16xf32>
        %mul3A_1900 = arith.mulf %mul3A_1899, %add3A_1895 : vector<16xf32>
        %add3A_1901 = arith.addf %sub3A_1865, %mul3A_1900 : vector<16xf32>
        %mul3A_1902 = arith.constant -2.19729642E-7 : f32
        %mul3A_1903 = vector.broadcast %mul3A_1902 : f32 to vector<16xf32>
        %mul3A_1904 = arith.mulf %mul3A_1866, %mul3A_1903 : vector<16xf32>
        %add3A_1905 = arith.constant 2.42029419E-5 : f32
        %add3A_1906 = vector.broadcast %add3A_1905 : f32 to vector<16xf32>
        %add3A_1907 = arith.addf %add3A_1906, %mul3A_1904 : vector<16xf32>
        %mul3A_1908 = arith.mulf %mul3A_1866, %add3A_1907 : vector<16xf32>
        %add3A_1909 = arith.constant -0.001385879 : f32
        %add3A_1910 = vector.broadcast %add3A_1909 : f32 to vector<16xf32>
        %add3A_1911 = arith.addf %add3A_1910, %mul3A_1908 : vector<16xf32>
        %mul3A_1912 = arith.mulf %mul3A_1866, %add3A_1911 : vector<16xf32>
        %add3A_1913 = arith.constant 0.0416597761 : f32
        %add3A_1914 = vector.broadcast %add3A_1913 : f32 to vector<16xf32>
        %add3A_1915 = arith.addf %add3A_1914, %mul3A_1912 : vector<16xf32>
        %mul3A_1916 = arith.mulf %mul3A_1866, %add3A_1915 : vector<16xf32>
        %add3A_1917 = arith.constant -0.499994218 : f32
        %add3A_1918 = vector.broadcast %add3A_1917 : f32 to vector<16xf32>
        %add3A_1919 = arith.addf %add3A_1918, %mul3A_1916 : vector<16xf32>
        %mul3A_1920 = arith.mulf %mul3A_1866, %add3A_1919 : vector<16xf32>
        %add3A_1921 = arith.constant 0.999999225 : f32
        %add3A_1922 = vector.broadcast %add3A_1921 : f32 to vector<16xf32>
        %add3A_1923 = arith.addf %add3A_1922, %mul3A_1920 : vector<16xf32>
        %mul3A_1924 = arith.constant -2.19729642E-7 : f32
        %mul3A_1925 = vector.broadcast %mul3A_1924 : f32 to vector<16xf32>
        %mul3A_1926 = arith.mulf %mul3A_1867, %mul3A_1925 : vector<16xf32>
        %add3A_1927 = arith.constant 2.42029419E-5 : f32
        %add3A_1928 = vector.broadcast %add3A_1927 : f32 to vector<16xf32>
        %add3A_1929 = arith.addf %add3A_1928, %mul3A_1926 : vector<16xf32>
        %mul3A_1930 = arith.mulf %mul3A_1867, %add3A_1929 : vector<16xf32>
        %add3A_1931 = arith.constant -0.001385879 : f32
        %add3A_1932 = vector.broadcast %add3A_1931 : f32 to vector<16xf32>
        %add3A_1933 = arith.addf %add3A_1932, %mul3A_1930 : vector<16xf32>
        %mul3A_1934 = arith.mulf %mul3A_1867, %add3A_1933 : vector<16xf32>
        %add3A_1935 = arith.constant 0.0416597761 : f32
        %add3A_1936 = vector.broadcast %add3A_1935 : f32 to vector<16xf32>
        %add3A_1937 = arith.addf %add3A_1936, %mul3A_1934 : vector<16xf32>
        %mul3A_1938 = arith.mulf %mul3A_1867, %add3A_1937 : vector<16xf32>
        %add3A_1939 = arith.constant -0.499994218 : f32
        %add3A_1940 = vector.broadcast %add3A_1939 : f32 to vector<16xf32>
        %add3A_1941 = arith.addf %add3A_1940, %mul3A_1938 : vector<16xf32>
        %mul3A_1942 = arith.mulf %mul3A_1867, %add3A_1941 : vector<16xf32>
        %add3A_1943 = arith.constant 0.999999225 : f32
        %add3A_1944 = vector.broadcast %add3A_1943 : f32 to vector<16xf32>
        %add3A_1945 = arith.addf %add3A_1944, %mul3A_1942 : vector<16xf32>
        %add3A_1946 = arith.constant 9 : i32
        %add3A_1947 = arith.addi %mul3A_89, %add3A_1946 : i32
        %get3A_1948 = arith.index_cast %select_n3A_80 : i32 to index
        %get3A_1949 = arith.index_cast %add3A_1947 : i32 to index
        %get3A_1950 = arith.constant 0 : index
        %get3A_1951 = tpu.vector_load %arg9[%get3A_1948, %get3A_1949, %get3A_1950] {strides = array<i32>} : memref<2x32x64xf32, #tpu.memory_space<vmem>>, vector<1x1x16xf32>,
        %get3A_1952 = vector.shape_cast %get3A_1951 : vector<1x1x16xf32> to vector<16xf32>
        %add3A_1953 = arith.addf %get3A_1952, %add3A_1898 : vector<16xf32>
        %neg3A_1954 = arith.constant 0.000000e+00 : f32
        %neg3A_1955 = vector.broadcast %neg3A_1954 : f32 to vector<16xf32>
        %neg3A_1956 = arith.subf %neg3A_1955, %add3A_1953 : vector<16xf32>
        %exp3A_1957 = math.exp %neg3A_1956 : vector<16xf32>
        %add3A_1958 = arith.constant 1.000000e+00 : f32
        %add3A_1959 = vector.broadcast %add3A_1958 : f32 to vector<16xf32>
        %add3A_1960 = arith.addf %add3A_1959, %exp3A_1957 : vector<16xf32>
        %div3A_1961 = arith.divf %add3A_1953, %add3A_1960 : vector<16xf32>
        %add3A_1962 = arith.constant 9 : i32
        %add3A_1963 = arith.addi %add3A_92, %add3A_1962 : i32
        %swap3A_1964 = arith.index_cast %add3A_1963 : i32 to index
        %swap3A_1965 = arith.constant 0 : index
        %swap3A_1966 = tpu.vector_load %arg10[%swap3A_1964, %swap3A_1965] {strides = array<i32>} : memref<512x64xf32, #tpu.memory_space<vmem>>, vector<1x16xf32>,
        %swap3A_1967 = vector.shape_cast %swap3A_1966 : vector<1x16xf32> to vector<16xf32>
        %swap3A_1968 = vector.shape_cast %div3A_1961 : vector<16xf32> to vector<1x16xf32>
        tpu.vector_store %arg10[%swap3A_1964, %swap3A_1965], %swap3A_1968 {strides = array<i32>} : memref<512x64xf32, #tpu.memory_space<vmem>>, vector<1x16xf32>,
        %add3A_1969 = arith.constant 9 : i32
        %add3A_1970 = arith.addi %mul3A_89, %add3A_1969 : i32
        %get3A_1971 = arith.index_cast %select_n3A_80 : i32 to index
        %get3A_1972 = arith.index_cast %add3A_1970 : i32 to index
        %get3A_1973 = arith.constant 16 : index
        %get3A_1974 = tpu.vector_load %arg9[%get3A_1971, %get3A_1972, %get3A_1973] {strides = array<i32>} : memref<2x32x64xf32, #tpu.memory_space<vmem>>, vector<1x1x16xf32>,
        %get3A_1975 = vector.shape_cast %get3A_1974 : vector<1x1x16xf32> to vector<16xf32>
        %add3A_1976 = arith.addf %get3A_1975, %add3A_1901 : vector<16xf32>
        %neg3A_1977 = arith.constant 0.000000e+00 : f32
        %neg3A_1978 = vector.broadcast %neg3A_1977 : f32 to vector<16xf32>
        %neg3A_1979 = arith.subf %neg3A_1978, %add3A_1976 : vector<16xf32>
        %exp3A_1980 = math.exp %neg3A_1979 : vector<16xf32>
        %add3A_1981 = arith.constant 1.000000e+00 : f32
        %add3A_1982 = vector.broadcast %add3A_1981 : f32 to vector<16xf32>
        %add3A_1983 = arith.addf %add3A_1982, %exp3A_1980 : vector<16xf32>
        %div3A_1984 = arith.divf %add3A_1976, %add3A_1983 : vector<16xf32>
        %add3A_1985 = arith.constant 9 : i32
        %add3A_1986 = arith.addi %add3A_92, %add3A_1985 : i32
        %swap3A_1987 = arith.index_cast %add3A_1986 : i32 to index
        %swap3A_1988 = arith.constant 16 : index
        %swap3A_1989 = tpu.vector_load %arg10[%swap3A_1987, %swap3A_1988] {strides = array<i32>} : memref<512x64xf32, #tpu.memory_space<vmem>>, vector<1x16xf32>,
        %swap3A_1990 = vector.shape_cast %swap3A_1989 : vector<1x16xf32> to vector<16xf32>
        %swap3A_1991 = vector.shape_cast %div3A_1984 : vector<16xf32> to vector<1x16xf32>
        tpu.vector_store %arg10[%swap3A_1987, %swap3A_1988], %swap3A_1991 {strides = array<i32>} : memref<512x64xf32, #tpu.memory_space<vmem>>, vector<1x16xf32>,
        %add3A_1992 = arith.constant 9 : i32
        %add3A_1993 = arith.addi %mul3A_89, %add3A_1992 : i32
        %get3A_1994 = arith.index_cast %select_n3A_80 : i32 to index
        %get3A_1995 = arith.index_cast %add3A_1993 : i32 to index
        %get3A_1996 = arith.constant 32 : index
        %get3A_1997 = tpu.vector_load %arg9[%get3A_1994, %get3A_1995, %get3A_1996] {strides = array<i32>} : memref<2x32x64xf32, #tpu.memory_space<vmem>>, vector<1x1x16xf32>,
        %get3A_1998 = vector.shape_cast %get3A_1997 : vector<1x1x16xf32> to vector<16xf32>
        %add3A_1999 = arith.addf %get3A_1998, %add3A_1923 : vector<16xf32>
        %neg3A_2000 = arith.constant 0.000000e+00 : f32
        %neg3A_2001 = vector.broadcast %neg3A_2000 : f32 to vector<16xf32>
        %neg3A_2002 = arith.subf %neg3A_2001, %add3A_1999 : vector<16xf32>
        %exp3A_2003 = math.exp %neg3A_2002 : vector<16xf32>
        %add3A_2004 = arith.constant 1.000000e+00 : f32
        %add3A_2005 = vector.broadcast %add3A_2004 : f32 to vector<16xf32>
        %add3A_2006 = arith.addf %add3A_2005, %exp3A_2003 : vector<16xf32>
        %div3A_2007 = arith.divf %add3A_1999, %add3A_2006 : vector<16xf32>
        %add3A_2008 = arith.constant 9 : i32
        %add3A_2009 = arith.addi %add3A_92, %add3A_2008 : i32
        %swap3A_2010 = arith.index_cast %add3A_2009 : i32 to index
        %swap3A_2011 = arith.constant 32 : index
        %swap3A_2012 = tpu.vector_load %arg10[%swap3A_2010, %swap3A_2011] {strides = array<i32>} : memref<512x64xf32, #tpu.memory_space<vmem>>, vector<1x16xf32>,
        %swap3A_2013 = vector.shape_cast %swap3A_2012 : vector<1x16xf32> to vector<16xf32>
        %swap3A_2014 = vector.shape_cast %div3A_2007 : vector<16xf32> to vector<1x16xf32>
        tpu.vector_store %arg10[%swap3A_2010, %swap3A_2011], %swap3A_2014 {strides = array<i32>} : memref<512x64xf32, #tpu.memory_space<vmem>>, vector<1x16xf32>,
        %add3A_2015 = arith.constant 9 : i32
        %add3A_2016 = arith.addi %mul3A_89, %add3A_2015 : i32
        %get3A_2017 = arith.index_cast %select_n3A_80 : i32 to index
        %get3A_2018 = arith.index_cast %add3A_2016 : i32 to index
        %get3A_2019 = arith.constant 48 : index
        %get3A_2020 = tpu.vector_load %arg9[%get3A_2017, %get3A_2018, %get3A_2019] {strides = array<i32>} : memref<2x32x64xf32, #tpu.memory_space<vmem>>, vector<1x1x16xf32>,
        %get3A_2021 = vector.shape_cast %get3A_2020 : vector<1x1x16xf32> to vector<16xf32>
        %add3A_2022 = arith.addf %get3A_2021, %add3A_1945 : vector<16xf32>
        %neg3A_2023 = arith.constant 0.000000e+00 : f32
        %neg3A_2024 = vector.broadcast %neg3A_2023 : f32 to vector<16xf32>
        %neg3A_2025 = arith.subf %neg3A_2024, %add3A_2022 : vector<16xf32>
        %exp3A_2026 = math.exp %neg3A_2025 : vector<16xf32>
        %add3A_2027 = arith.constant 1.000000e+00 : f32
        %add3A_2028 = vector.broadcast %add3A_2027 : f32 to vector<16xf32>
        %add3A_2029 = arith.addf %add3A_2028, %exp3A_2026 : vector<16xf32>
        %div3A_2030 = arith.divf %add3A_2022, %add3A_2029 : vector<16xf32>
        %add3A_2031 = arith.constant 9 : i32
        %add3A_2032 = arith.addi %add3A_92, %add3A_2031 : i32
        %swap3A_2033 = arith.index_cast %add3A_2032 : i32 to index
        %swap3A_2034 = arith.constant 48 : index
        %swap3A_2035 = tpu.vector_load %arg10[%swap3A_2033, %swap3A_2034] {strides = array<i32>} : memref<512x64xf32, #tpu.memory_space<vmem>>, vector<1x16xf32>,
        %swap3A_2036 = vector.shape_cast %swap3A_2035 : vector<1x16xf32> to vector<16xf32>
        %swap3A_2037 = vector.shape_cast %div3A_2030 : vector<16xf32> to vector<1x16xf32>
        tpu.vector_store %arg10[%swap3A_2033, %swap3A_2034], %swap3A_2037 {strides = array<i32>} : memref<512x64xf32, #tpu.memory_space<vmem>>, vector<1x16xf32>,
        %slice3A_2038 = vector.extract_strided_slice %get3A_95 {offsets = [10], sizes = [1], strides = [1]} : vector<16xf32> to vector<1xf32>
        %squeeze3A_2039 = vector.extract %slice3A_2038[0] : f32 from vector<1xf32>
        %broadcast_in_dim3A_2040 = vector.broadcast %squeeze3A_2039 : f32 to vector<16xf32>
        %mul3A_2041 = arith.mulf %broadcast_in_dim3A_2040, %get3A_4 : vector<16xf32>
        %mul3A_2042 = arith.mulf %broadcast_in_dim3A_2040, %get3A_7 : vector<16xf32>
        %add3A_2043 = arith.constant 3.14159274 : f32
        %add3A_2044 = vector.broadcast %add3A_2043 : f32 to vector<16xf32>
        %add3A_2045 = arith.addf %mul3A_2041, %add3A_2044 : vector<16xf32>
        %rem3A_2046 = arith.constant 6.28318548 : f32
        %rem3A_2047 = vector.broadcast %rem3A_2046 : f32 to vector<16xf32>
        %rem3A_2048 = arith.remf %add3A_2045, %rem3A_2047 : vector<16xf32>
        %sub3A_2049 = arith.constant 3.14159274 : f32
        %sub3A_2050 = vector.broadcast %sub3A_2049 : f32 to vector<16xf32>
        %sub3A_2051 = arith.subf %rem3A_2048, %sub3A_2050 : vector<16xf32>
        %add3A_2052 = arith.constant 3.14159274 : f32
        %add3A_2053 = vector.broadcast %add3A_2052 : f32 to vector<16xf32>
        %add3A_2054 = arith.addf %mul3A_2042, %add3A_2053 : vector<16xf32>
        %rem3A_2055 = arith.constant 6.28318548 : f32
        %rem3A_2056 = vector.broadcast %rem3A_2055 : f32 to vector<16xf32>
        %rem3A_2057 = arith.remf %add3A_2054, %rem3A_2056 : vector<16xf32>
        %sub3A_2058 = arith.constant 3.14159274 : f32
        %sub3A_2059 = vector.broadcast %sub3A_2058 : f32 to vector<16xf32>
        %sub3A_2060 = arith.subf %rem3A_2057, %sub3A_2059 : vector<16xf32>
        %mul3A_2061 = arith.mulf %sub3A_2051, %sub3A_2051 : vector<16xf32>
        %mul3A_2062 = arith.mulf %sub3A_2060, %sub3A_2060 : vector<16xf32>
        %mul3A_2063 = arith.constant 2.17778847E-6 : f32
        %mul3A_2064 = vector.broadcast %mul3A_2063 : f32 to vector<16xf32>
        %mul3A_2065 = arith.mulf %mul3A_2064, %mul3A_2061 : vector<16xf32>
        %add3A_2066 = arith.constant -1.93373271E-4 : f32
        %add3A_2067 = vector.broadcast %add3A_2066 : f32 to vector<16xf32>
        %add3A_2068 = arith.addf %mul3A_2065, %add3A_2067 : vector<16xf32>
        %mul3A_2069 = arith.mulf %add3A_2068, %mul3A_2061 : vector<16xf32>
        %add3A_2070 = arith.constant 0.00831502489 : f32
        %add3A_2071 = vector.broadcast %add3A_2070 : f32 to vector<16xf32>
        %add3A_2072 = arith.addf %mul3A_2069, %add3A_2071 : vector<16xf32>
        %mul3A_2073 = arith.mulf %add3A_2072, %mul3A_2061 : vector<16xf32>
        %add3A_2074 = arith.constant -0.166644335 : f32
        %add3A_2075 = vector.broadcast %add3A_2074 : f32 to vector<16xf32>
        %add3A_2076 = arith.addf %mul3A_2073, %add3A_2075 : vector<16xf32>
        %mul3A_2077 = arith.constant 2.17778847E-6 : f32
        %mul3A_2078 = vector.broadcast %mul3A_2077 : f32 to vector<16xf32>
        %mul3A_2079 = arith.mulf %mul3A_2078, %mul3A_2062 : vector<16xf32>
        %add3A_2080 = arith.constant -1.93373271E-4 : f32
        %add3A_2081 = vector.broadcast %add3A_2080 : f32 to vector<16xf32>
        %add3A_2082 = arith.addf %mul3A_2079, %add3A_2081 : vector<16xf32>
        %mul3A_2083 = arith.mulf %add3A_2082, %mul3A_2062 : vector<16xf32>
        %add3A_2084 = arith.constant 0.00831502489 : f32
        %add3A_2085 = vector.broadcast %add3A_2084 : f32 to vector<16xf32>
        %add3A_2086 = arith.addf %mul3A_2083, %add3A_2085 : vector<16xf32>
        %mul3A_2087 = arith.mulf %add3A_2086, %mul3A_2062 : vector<16xf32>
        %add3A_2088 = arith.constant -0.166644335 : f32
        %add3A_2089 = vector.broadcast %add3A_2088 : f32 to vector<16xf32>
        %add3A_2090 = arith.addf %mul3A_2087, %add3A_2089 : vector<16xf32>
        %mul3A_2091 = arith.mulf %sub3A_2051, %mul3A_2061 : vector<16xf32>
        %mul3A_2092 = arith.mulf %mul3A_2091, %add3A_2076 : vector<16xf32>
        %add3A_2093 = arith.addf %sub3A_2051, %mul3A_2092 : vector<16xf32>
        %mul3A_2094 = arith.mulf %sub3A_2060, %mul3A_2062 : vector<16xf32>
        %mul3A_2095 = arith.mulf %mul3A_2094, %add3A_2090 : vector<16xf32>
        %add3A_2096 = arith.addf %sub3A_2060, %mul3A_2095 : vector<16xf32>
        %mul3A_2097 = arith.constant -2.19729642E-7 : f32
        %mul3A_2098 = vector.broadcast %mul3A_2097 : f32 to vector<16xf32>
        %mul3A_2099 = arith.mulf %mul3A_2061, %mul3A_2098 : vector<16xf32>
        %add3A_2100 = arith.constant 2.42029419E-5 : f32
        %add3A_2101 = vector.broadcast %add3A_2100 : f32 to vector<16xf32>
        %add3A_2102 = arith.addf %add3A_2101, %mul3A_2099 : vector<16xf32>
        %mul3A_2103 = arith.mulf %mul3A_2061, %add3A_2102 : vector<16xf32>
        %add3A_2104 = arith.constant -0.001385879 : f32
        %add3A_2105 = vector.broadcast %add3A_2104 : f32 to vector<16xf32>
        %add3A_2106 = arith.addf %add3A_2105, %mul3A_2103 : vector<16xf32>
        %mul3A_2107 = arith.mulf %mul3A_2061, %add3A_2106 : vector<16xf32>
        %add3A_2108 = arith.constant 0.0416597761 : f32
        %add3A_2109 = vector.broadcast %add3A_2108 : f32 to vector<16xf32>
        %add3A_2110 = arith.addf %add3A_2109, %mul3A_2107 : vector<16xf32>
        %mul3A_2111 = arith.mulf %mul3A_2061, %add3A_2110 : vector<16xf32>
        %add3A_2112 = arith.constant -0.499994218 : f32
        %add3A_2113 = vector.broadcast %add3A_2112 : f32 to vector<16xf32>
        %add3A_2114 = arith.addf %add3A_2113, %mul3A_2111 : vector<16xf32>
        %mul3A_2115 = arith.mulf %mul3A_2061, %add3A_2114 : vector<16xf32>
        %add3A_2116 = arith.constant 0.999999225 : f32
        %add3A_2117 = vector.broadcast %add3A_2116 : f32 to vector<16xf32>
        %add3A_2118 = arith.addf %add3A_2117, %mul3A_2115 : vector<16xf32>
        %mul3A_2119 = arith.constant -2.19729642E-7 : f32
        %mul3A_2120 = vector.broadcast %mul3A_2119 : f32 to vector<16xf32>
        %mul3A_2121 = arith.mulf %mul3A_2062, %mul3A_2120 : vector<16xf32>
        %add3A_2122 = arith.constant 2.42029419E-5 : f32
        %add3A_2123 = vector.broadcast %add3A_2122 : f32 to vector<16xf32>
        %add3A_2124 = arith.addf %add3A_2123, %mul3A_2121 : vector<16xf32>
        %mul3A_2125 = arith.mulf %mul3A_2062, %add3A_2124 : vector<16xf32>
        %add3A_2126 = arith.constant -0.001385879 : f32
        %add3A_2127 = vector.broadcast %add3A_2126 : f32 to vector<16xf32>
        %add3A_2128 = arith.addf %add3A_2127, %mul3A_2125 : vector<16xf32>
        %mul3A_2129 = arith.mulf %mul3A_2062, %add3A_2128 : vector<16xf32>
        %add3A_2130 = arith.constant 0.0416597761 : f32
        %add3A_2131 = vector.broadcast %add3A_2130 : f32 to vector<16xf32>
        %add3A_2132 = arith.addf %add3A_2131, %mul3A_2129 : vector<16xf32>
        %mul3A_2133 = arith.mulf %mul3A_2062, %add3A_2132 : vector<16xf32>
        %add3A_2134 = arith.constant -0.499994218 : f32
        %add3A_2135 = vector.broadcast %add3A_2134 : f32 to vector<16xf32>
        %add3A_2136 = arith.addf %add3A_2135, %mul3A_2133 : vector<16xf32>
        %mul3A_2137 = arith.mulf %mul3A_2062, %add3A_2136 : vector<16xf32>
        %add3A_2138 = arith.constant 0.999999225 : f32
        %add3A_2139 = vector.broadcast %add3A_2138 : f32 to vector<16xf32>
        %add3A_2140 = arith.addf %add3A_2139, %mul3A_2137 : vector<16xf32>
        %add3A_2141 = arith.constant 10 : i32
        %add3A_2142 = arith.addi %mul3A_89, %add3A_2141 : i32
        %get3A_2143 = arith.index_cast %select_n3A_80 : i32 to index
        %get3A_2144 = arith.index_cast %add3A_2142 : i32 to index
        %get3A_2145 = arith.constant 0 : index
        %get3A_2146 = tpu.vector_load %arg9[%get3A_2143, %get3A_2144, %get3A_2145] {strides = array<i32>} : memref<2x32x64xf32, #tpu.memory_space<vmem>>, vector<1x1x16xf32>,
        %get3A_2147 = vector.shape_cast %get3A_2146 : vector<1x1x16xf32> to vector<16xf32>
        %add3A_2148 = arith.addf %get3A_2147, %add3A_2093 : vector<16xf32>
        %neg3A_2149 = arith.constant 0.000000e+00 : f32
        %neg3A_2150 = vector.broadcast %neg3A_2149 : f32 to vector<16xf32>
        %neg3A_2151 = arith.subf %neg3A_2150, %add3A_2148 : vector<16xf32>
        %exp3A_2152 = math.exp %neg3A_2151 : vector<16xf32>
        %add3A_2153 = arith.constant 1.000000e+00 : f32
        %add3A_2154 = vector.broadcast %add3A_2153 : f32 to vector<16xf32>
        %add3A_2155 = arith.addf %add3A_2154, %exp3A_2152 : vector<16xf32>
        %div3A_2156 = arith.divf %add3A_2148, %add3A_2155 : vector<16xf32>
        %add3A_2157 = arith.constant 10 : i32
        %add3A_2158 = arith.addi %add3A_92, %add3A_2157 : i32
        %swap3A_2159 = arith.index_cast %add3A_2158 : i32 to index
        %swap3A_2160 = arith.constant 0 : index
        %swap3A_2161 = tpu.vector_load %arg10[%swap3A_2159, %swap3A_2160] {strides = array<i32>} : memref<512x64xf32, #tpu.memory_space<vmem>>, vector<1x16xf32>,
        %swap3A_2162 = vector.shape_cast %swap3A_2161 : vector<1x16xf32> to vector<16xf32>
        %swap3A_2163 = vector.shape_cast %div3A_2156 : vector<16xf32> to vector<1x16xf32>
        tpu.vector_store %arg10[%swap3A_2159, %swap3A_2160], %swap3A_2163 {strides = array<i32>} : memref<512x64xf32, #tpu.memory_space<vmem>>, vector<1x16xf32>,
        %add3A_2164 = arith.constant 10 : i32
        %add3A_2165 = arith.addi %mul3A_89, %add3A_2164 : i32
        %get3A_2166 = arith.index_cast %select_n3A_80 : i32 to index
        %get3A_2167 = arith.index_cast %add3A_2165 : i32 to index
        %get3A_2168 = arith.constant 16 : index
        %get3A_2169 = tpu.vector_load %arg9[%get3A_2166, %get3A_2167, %get3A_2168] {strides = array<i32>} : memref<2x32x64xf32, #tpu.memory_space<vmem>>, vector<1x1x16xf32>,
        %get3A_2170 = vector.shape_cast %get3A_2169 : vector<1x1x16xf32> to vector<16xf32>
        %add3A_2171 = arith.addf %get3A_2170, %add3A_2096 : vector<16xf32>
        %neg3A_2172 = arith.constant 0.000000e+00 : f32
        %neg3A_2173 = vector.broadcast %neg3A_2172 : f32 to vector<16xf32>
        %neg3A_2174 = arith.subf %neg3A_2173, %add3A_2171 : vector<16xf32>
        %exp3A_2175 = math.exp %neg3A_2174 : vector<16xf32>
        %add3A_2176 = arith.constant 1.000000e+00 : f32
        %add3A_2177 = vector.broadcast %add3A_2176 : f32 to vector<16xf32>
        %add3A_2178 = arith.addf %add3A_2177, %exp3A_2175 : vector<16xf32>
        %div3A_2179 = arith.divf %add3A_2171, %add3A_2178 : vector<16xf32>
        %add3A_2180 = arith.constant 10 : i32
        %add3A_2181 = arith.addi %add3A_92, %add3A_2180 : i32
        %swap3A_2182 = arith.index_cast %add3A_2181 : i32 to index
        %swap3A_2183 = arith.constant 16 : index
        %swap3A_2184 = tpu.vector_load %arg10[%swap3A_2182, %swap3A_2183] {strides = array<i32>} : memref<512x64xf32, #tpu.memory_space<vmem>>, vector<1x16xf32>,
        %swap3A_2185 = vector.shape_cast %swap3A_2184 : vector<1x16xf32> to vector<16xf32>
        %swap3A_2186 = vector.shape_cast %div3A_2179 : vector<16xf32> to vector<1x16xf32>
        tpu.vector_store %arg10[%swap3A_2182, %swap3A_2183], %swap3A_2186 {strides = array<i32>} : memref<512x64xf32, #tpu.memory_space<vmem>>, vector<1x16xf32>,
        %add3A_2187 = arith.constant 10 : i32
        %add3A_2188 = arith.addi %mul3A_89, %add3A_2187 : i32
        %get3A_2189 = arith.index_cast %select_n3A_80 : i32 to index
        %get3A_2190 = arith.index_cast %add3A_2188 : i32 to index
        %get3A_2191 = arith.constant 32 : index
        %get3A_2192 = tpu.vector_load %arg9[%get3A_2189, %get3A_2190, %get3A_2191] {strides = array<i32>} : memref<2x32x64xf32, #tpu.memory_space<vmem>>, vector<1x1x16xf32>,
        %get3A_2193 = vector.shape_cast %get3A_2192 : vector<1x1x16xf32> to vector<16xf32>
        %add3A_2194 = arith.addf %get3A_2193, %add3A_2118 : vector<16xf32>
        %neg3A_2195 = arith.constant 0.000000e+00 : f32
        %neg3A_2196 = vector.broadcast %neg3A_2195 : f32 to vector<16xf32>
        %neg3A_2197 = arith.subf %neg3A_2196, %add3A_2194 : vector<16xf32>
        %exp3A_2198 = math.exp %neg3A_2197 : vector<16xf32>
        %add3A_2199 = arith.constant 1.000000e+00 : f32
        %add3A_2200 = vector.broadcast %add3A_2199 : f32 to vector<16xf32>
        %add3A_2201 = arith.addf %add3A_2200, %exp3A_2198 : vector<16xf32>
        %div3A_2202 = arith.divf %add3A_2194, %add3A_2201 : vector<16xf32>
        %add3A_2203 = arith.constant 10 : i32
        %add3A_2204 = arith.addi %add3A_92, %add3A_2203 : i32
        %swap3A_2205 = arith.index_cast %add3A_2204 : i32 to index
        %swap3A_2206 = arith.constant 32 : index
        %swap3A_2207 = tpu.vector_load %arg10[%swap3A_2205, %swap3A_2206] {strides = array<i32>} : memref<512x64xf32, #tpu.memory_space<vmem>>, vector<1x16xf32>,
        %swap3A_2208 = vector.shape_cast %swap3A_2207 : vector<1x16xf32> to vector<16xf32>
        %swap3A_2209 = vector.shape_cast %div3A_2202 : vector<16xf32> to vector<1x16xf32>
        tpu.vector_store %arg10[%swap3A_2205, %swap3A_2206], %swap3A_2209 {strides = array<i32>} : memref<512x64xf32, #tpu.memory_space<vmem>>, vector<1x16xf32>,
        %add3A_2210 = arith.constant 10 : i32
        %add3A_2211 = arith.addi %mul3A_89, %add3A_2210 : i32
        %get3A_2212 = arith.index_cast %select_n3A_80 : i32 to index
        %get3A_2213 = arith.index_cast %add3A_2211 : i32 to index
        %get3A_2214 = arith.constant 48 : index
        %get3A_2215 = tpu.vector_load %arg9[%get3A_2212, %get3A_2213, %get3A_2214] {strides = array<i32>} : memref<2x32x64xf32, #tpu.memory_space<vmem>>, vector<1x1x16xf32>,
        %get3A_2216 = vector.shape_cast %get3A_2215 : vector<1x1x16xf32> to vector<16xf32>
        %add3A_2217 = arith.addf %get3A_2216, %add3A_2140 : vector<16xf32>
        %neg3A_2218 = arith.constant 0.000000e+00 : f32
        %neg3A_2219 = vector.broadcast %neg3A_2218 : f32 to vector<16xf32>
        %neg3A_2220 = arith.subf %neg3A_2219, %add3A_2217 : vector<16xf32>
        %exp3A_2221 = math.exp %neg3A_2220 : vector<16xf32>
        %add3A_2222 = arith.constant 1.000000e+00 : f32
        %add3A_2223 = vector.broadcast %add3A_2222 : f32 to vector<16xf32>
        %add3A_2224 = arith.addf %add3A_2223, %exp3A_2221 : vector<16xf32>
        %div3A_2225 = arith.divf %add3A_2217, %add3A_2224 : vector<16xf32>
        %add3A_2226 = arith.constant 10 : i32
        %add3A_2227 = arith.addi %add3A_92, %add3A_2226 : i32
        %swap3A_2228 = arith.index_cast %add3A_2227 : i32 to index
        %swap3A_2229 = arith.constant 48 : index
        %swap3A_2230 = tpu.vector_load %arg10[%swap3A_2228, %swap3A_2229] {strides = array<i32>} : memref<512x64xf32, #tpu.memory_space<vmem>>, vector<1x16xf32>,
        %swap3A_2231 = vector.shape_cast %swap3A_2230 : vector<1x16xf32> to vector<16xf32>
        %swap3A_2232 = vector.shape_cast %div3A_2225 : vector<16xf32> to vector<1x16xf32>
        tpu.vector_store %arg10[%swap3A_2228, %swap3A_2229], %swap3A_2232 {strides = array<i32>} : memref<512x64xf32, #tpu.memory_space<vmem>>, vector<1x16xf32>,
        %slice3A_2233 = vector.extract_strided_slice %get3A_95 {offsets = [11], sizes = [1], strides = [1]} : vector<16xf32> to vector<1xf32>
        %squeeze3A_2234 = vector.extract %slice3A_2233[0] : f32 from vector<1xf32>
        %broadcast_in_dim3A_2235 = vector.broadcast %squeeze3A_2234 : f32 to vector<16xf32>
        %mul3A_2236 = arith.mulf %broadcast_in_dim3A_2235, %get3A_4 : vector<16xf32>
        %mul3A_2237 = arith.mulf %broadcast_in_dim3A_2235, %get3A_7 : vector<16xf32>
        %add3A_2238 = arith.constant 3.14159274 : f32
        %add3A_2239 = vector.broadcast %add3A_2238 : f32 to vector<16xf32>
        %add3A_2240 = arith.addf %mul3A_2236, %add3A_2239 : vector<16xf32>
        %rem3A_2241 = arith.constant 6.28318548 : f32
        %rem3A_2242 = vector.broadcast %rem3A_2241 : f32 to vector<16xf32>
        %rem3A_2243 = arith.remf %add3A_2240, %rem3A_2242 : vector<16xf32>
        %sub3A_2244 = arith.constant 3.14159274 : f32
        %sub3A_2245 = vector.broadcast %sub3A_2244 : f32 to vector<16xf32>
        %sub3A_2246 = arith.subf %rem3A_2243, %sub3A_2245 : vector<16xf32>
        %add3A_2247 = arith.constant 3.14159274 : f32
        %add3A_2248 = vector.broadcast %add3A_2247 : f32 to vector<16xf32>
        %add3A_2249 = arith.addf %mul3A_2237, %add3A_2248 : vector<16xf32>
        %rem3A_2250 = arith.constant 6.28318548 : f32
        %rem3A_2251 = vector.broadcast %rem3A_2250 : f32 to vector<16xf32>
        %rem3A_2252 = arith.remf %add3A_2249, %rem3A_2251 : vector<16xf32>
        %sub3A_2253 = arith.constant 3.14159274 : f32
        %sub3A_2254 = vector.broadcast %sub3A_2253 : f32 to vector<16xf32>
        %sub3A_2255 = arith.subf %rem3A_2252, %sub3A_2254 : vector<16xf32>
        %mul3A_2256 = arith.mulf %sub3A_2246, %sub3A_2246 : vector<16xf32>
        %mul3A_2257 = arith.mulf %sub3A_2255, %sub3A_2255 : vector<16xf32>
        %mul3A_2258 = arith.constant 2.17778847E-6 : f32
        %mul3A_2259 = vector.broadcast %mul3A_2258 : f32 to vector<16xf32>
        %mul3A_2260 = arith.mulf %mul3A_2259, %mul3A_2256 : vector<16xf32>
        %add3A_2261 = arith.constant -1.93373271E-4 : f32
        %add3A_2262 = vector.broadcast %add3A_2261 : f32 to vector<16xf32>
        %add3A_2263 = arith.addf %mul3A_2260, %add3A_2262 : vector<16xf32>
        %mul3A_2264 = arith.mulf %add3A_2263, %mul3A_2256 : vector<16xf32>
        %add3A_2265 = arith.constant 0.00831502489 : f32
        %add3A_2266 = vector.broadcast %add3A_2265 : f32 to vector<16xf32>
        %add3A_2267 = arith.addf %mul3A_2264, %add3A_2266 : vector<16xf32>
        %mul3A_2268 = arith.mulf %add3A_2267, %mul3A_2256 : vector<16xf32>
        %add3A_2269 = arith.constant -0.166644335 : f32
        %add3A_2270 = vector.broadcast %add3A_2269 : f32 to vector<16xf32>
        %add3A_2271 = arith.addf %mul3A_2268, %add3A_2270 : vector<16xf32>
        %mul3A_2272 = arith.constant 2.17778847E-6 : f32
        %mul3A_2273 = vector.broadcast %mul3A_2272 : f32 to vector<16xf32>
        %mul3A_2274 = arith.mulf %mul3A_2273, %mul3A_2257 : vector<16xf32>
        %add3A_2275 = arith.constant -1.93373271E-4 : f32
        %add3A_2276 = vector.broadcast %add3A_2275 : f32 to vector<16xf32>
        %add3A_2277 = arith.addf %mul3A_2274, %add3A_2276 : vector<16xf32>
        %mul3A_2278 = arith.mulf %add3A_2277, %mul3A_2257 : vector<16xf32>
        %add3A_2279 = arith.constant 0.00831502489 : f32
        %add3A_2280 = vector.broadcast %add3A_2279 : f32 to vector<16xf32>
        %add3A_2281 = arith.addf %mul3A_2278, %add3A_2280 : vector<16xf32>
        %mul3A_2282 = arith.mulf %add3A_2281, %mul3A_2257 : vector<16xf32>
        %add3A_2283 = arith.constant -0.166644335 : f32
        %add3A_2284 = vector.broadcast %add3A_2283 : f32 to vector<16xf32>
        %add3A_2285 = arith.addf %mul3A_2282, %add3A_2284 : vector<16xf32>
        %mul3A_2286 = arith.mulf %sub3A_2246, %mul3A_2256 : vector<16xf32>
        %mul3A_2287 = arith.mulf %mul3A_2286, %add3A_2271 : vector<16xf32>
        %add3A_2288 = arith.addf %sub3A_2246, %mul3A_2287 : vector<16xf32>
        %mul3A_2289 = arith.mulf %sub3A_2255, %mul3A_2257 : vector<16xf32>
        %mul3A_2290 = arith.mulf %mul3A_2289, %add3A_2285 : vector<16xf32>
        %add3A_2291 = arith.addf %sub3A_2255, %mul3A_2290 : vector<16xf32>
        %mul3A_2292 = arith.constant -2.19729642E-7 : f32
        %mul3A_2293 = vector.broadcast %mul3A_2292 : f32 to vector<16xf32>
        %mul3A_2294 = arith.mulf %mul3A_2256, %mul3A_2293 : vector<16xf32>
        %add3A_2295 = arith.constant 2.42029419E-5 : f32
        %add3A_2296 = vector.broadcast %add3A_2295 : f32 to vector<16xf32>
        %add3A_2297 = arith.addf %add3A_2296, %mul3A_2294 : vector<16xf32>
        %mul3A_2298 = arith.mulf %mul3A_2256, %add3A_2297 : vector<16xf32>
        %add3A_2299 = arith.constant -0.001385879 : f32
        %add3A_2300 = vector.broadcast %add3A_2299 : f32 to vector<16xf32>
        %add3A_2301 = arith.addf %add3A_2300, %mul3A_2298 : vector<16xf32>
        %mul3A_2302 = arith.mulf %mul3A_2256, %add3A_2301 : vector<16xf32>
        %add3A_2303 = arith.constant 0.0416597761 : f32
        %add3A_2304 = vector.broadcast %add3A_2303 : f32 to vector<16xf32>
        %add3A_2305 = arith.addf %add3A_2304, %mul3A_2302 : vector<16xf32>
        %mul3A_2306 = arith.mulf %mul3A_2256, %add3A_2305 : vector<16xf32>
        %add3A_2307 = arith.constant -0.499994218 : f32
        %add3A_2308 = vector.broadcast %add3A_2307 : f32 to vector<16xf32>
        %add3A_2309 = arith.addf %add3A_2308, %mul3A_2306 : vector<16xf32>
        %mul3A_2310 = arith.mulf %mul3A_2256, %add3A_2309 : vector<16xf32>
        %add3A_2311 = arith.constant 0.999999225 : f32
        %add3A_2312 = vector.broadcast %add3A_2311 : f32 to vector<16xf32>
        %add3A_2313 = arith.addf %add3A_2312, %mul3A_2310 : vector<16xf32>
        %mul3A_2314 = arith.constant -2.19729642E-7 : f32
        %mul3A_2315 = vector.broadcast %mul3A_2314 : f32 to vector<16xf32>
        %mul3A_2316 = arith.mulf %mul3A_2257, %mul3A_2315 : vector<16xf32>
        %add3A_2317 = arith.constant 2.42029419E-5 : f32
        %add3A_2318 = vector.broadcast %add3A_2317 : f32 to vector<16xf32>
        %add3A_2319 = arith.addf %add3A_2318, %mul3A_2316 : vector<16xf32>
        %mul3A_2320 = arith.mulf %mul3A_2257, %add3A_2319 : vector<16xf32>
        %add3A_2321 = arith.constant -0.001385879 : f32
        %add3A_2322 = vector.broadcast %add3A_2321 : f32 to vector<16xf32>
        %add3A_2323 = arith.addf %add3A_2322, %mul3A_2320 : vector<16xf32>
        %mul3A_2324 = arith.mulf %mul3A_2257, %add3A_2323 : vector<16xf32>
        %add3A_2325 = arith.constant 0.0416597761 : f32
        %add3A_2326 = vector.broadcast %add3A_2325 : f32 to vector<16xf32>
        %add3A_2327 = arith.addf %add3A_2326, %mul3A_2324 : vector<16xf32>
        %mul3A_2328 = arith.mulf %mul3A_2257, %add3A_2327 : vector<16xf32>
        %add3A_2329 = arith.constant -0.499994218 : f32
        %add3A_2330 = vector.broadcast %add3A_2329 : f32 to vector<16xf32>
        %add3A_2331 = arith.addf %add3A_2330, %mul3A_2328 : vector<16xf32>
        %mul3A_2332 = arith.mulf %mul3A_2257, %add3A_2331 : vector<16xf32>
        %add3A_2333 = arith.constant 0.999999225 : f32
        %add3A_2334 = vector.broadcast %add3A_2333 : f32 to vector<16xf32>
        %add3A_2335 = arith.addf %add3A_2334, %mul3A_2332 : vector<16xf32>
        %add3A_2336 = arith.constant 11 : i32
        %add3A_2337 = arith.addi %mul3A_89, %add3A_2336 : i32
        %get3A_2338 = arith.index_cast %select_n3A_80 : i32 to index
        %get3A_2339 = arith.index_cast %add3A_2337 : i32 to index
        %get3A_2340 = arith.constant 0 : index
        %get3A_2341 = tpu.vector_load %arg9[%get3A_2338, %get3A_2339, %get3A_2340] {strides = array<i32>} : memref<2x32x64xf32, #tpu.memory_space<vmem>>, vector<1x1x16xf32>,
        %get3A_2342 = vector.shape_cast %get3A_2341 : vector<1x1x16xf32> to vector<16xf32>
        %add3A_2343 = arith.addf %get3A_2342, %add3A_2288 : vector<16xf32>
        %neg3A_2344 = arith.constant 0.000000e+00 : f32
        %neg3A_2345 = vector.broadcast %neg3A_2344 : f32 to vector<16xf32>
        %neg3A_2346 = arith.subf %neg3A_2345, %add3A_2343 : vector<16xf32>
        %exp3A_2347 = math.exp %neg3A_2346 : vector<16xf32>
        %add3A_2348 = arith.constant 1.000000e+00 : f32
        %add3A_2349 = vector.broadcast %add3A_2348 : f32 to vector<16xf32>
        %add3A_2350 = arith.addf %add3A_2349, %exp3A_2347 : vector<16xf32>
        %div3A_2351 = arith.divf %add3A_2343, %add3A_2350 : vector<16xf32>
        %add3A_2352 = arith.constant 11 : i32
        %add3A_2353 = arith.addi %add3A_92, %add3A_2352 : i32
        %swap3A_2354 = arith.index_cast %add3A_2353 : i32 to index
        %swap3A_2355 = arith.constant 0 : index
        %swap3A_2356 = tpu.vector_load %arg10[%swap3A_2354, %swap3A_2355] {strides = array<i32>} : memref<512x64xf32, #tpu.memory_space<vmem>>, vector<1x16xf32>,
        %swap3A_2357 = vector.shape_cast %swap3A_2356 : vector<1x16xf32> to vector<16xf32>
        %swap3A_2358 = vector.shape_cast %div3A_2351 : vector<16xf32> to vector<1x16xf32>
        tpu.vector_store %arg10[%swap3A_2354, %swap3A_2355], %swap3A_2358 {strides = array<i32>} : memref<512x64xf32, #tpu.memory_space<vmem>>, vector<1x16xf32>,
        %add3A_2359 = arith.constant 11 : i32
        %add3A_2360 = arith.addi %mul3A_89, %add3A_2359 : i32
        %get3A_2361 = arith.index_cast %select_n3A_80 : i32 to index
        %get3A_2362 = arith.index_cast %add3A_2360 : i32 to index
        %get3A_2363 = arith.constant 16 : index
        %get3A_2364 = tpu.vector_load %arg9[%get3A_2361, %get3A_2362, %get3A_2363] {strides = array<i32>} : memref<2x32x64xf32, #tpu.memory_space<vmem>>, vector<1x1x16xf32>,
        %get3A_2365 = vector.shape_cast %get3A_2364 : vector<1x1x16xf32> to vector<16xf32>
        %add3A_2366 = arith.addf %get3A_2365, %add3A_2291 : vector<16xf32>
        %neg3A_2367 = arith.constant 0.000000e+00 : f32
        %neg3A_2368 = vector.broadcast %neg3A_2367 : f32 to vector<16xf32>
        %neg3A_2369 = arith.subf %neg3A_2368, %add3A_2366 : vector<16xf32>
        %exp3A_2370 = math.exp %neg3A_2369 : vector<16xf32>
        %add3A_2371 = arith.constant 1.000000e+00 : f32
        %add3A_2372 = vector.broadcast %add3A_2371 : f32 to vector<16xf32>
        %add3A_2373 = arith.addf %add3A_2372, %exp3A_2370 : vector<16xf32>
        %div3A_2374 = arith.divf %add3A_2366, %add3A_2373 : vector<16xf32>
        %add3A_2375 = arith.constant 11 : i32
        %add3A_2376 = arith.addi %add3A_92, %add3A_2375 : i32
        %swap3A_2377 = arith.index_cast %add3A_2376 : i32 to index
        %swap3A_2378 = arith.constant 16 : index
        %swap3A_2379 = tpu.vector_load %arg10[%swap3A_2377, %swap3A_2378] {strides = array<i32>} : memref<512x64xf32, #tpu.memory_space<vmem>>, vector<1x16xf32>,
        %swap3A_2380 = vector.shape_cast %swap3A_2379 : vector<1x16xf32> to vector<16xf32>
        %swap3A_2381 = vector.shape_cast %div3A_2374 : vector<16xf32> to vector<1x16xf32>
        tpu.vector_store %arg10[%swap3A_2377, %swap3A_2378], %swap3A_2381 {strides = array<i32>} : memref<512x64xf32, #tpu.memory_space<vmem>>, vector<1x16xf32>,
        %add3A_2382 = arith.constant 11 : i32
        %add3A_2383 = arith.addi %mul3A_89, %add3A_2382 : i32
        %get3A_2384 = arith.index_cast %select_n3A_80 : i32 to index
        %get3A_2385 = arith.index_cast %add3A_2383 : i32 to index
        %get3A_2386 = arith.constant 32 : index
        %get3A_2387 = tpu.vector_load %arg9[%get3A_2384, %get3A_2385, %get3A_2386] {strides = array<i32>} : memref<2x32x64xf32, #tpu.memory_space<vmem>>, vector<1x1x16xf32>,
        %get3A_2388 = vector.shape_cast %get3A_2387 : vector<1x1x16xf32> to vector<16xf32>
        %add3A_2389 = arith.addf %get3A_2388, %add3A_2313 : vector<16xf32>
        %neg3A_2390 = arith.constant 0.000000e+00 : f32
        %neg3A_2391 = vector.broadcast %neg3A_2390 : f32 to vector<16xf32>
        %neg3A_2392 = arith.subf %neg3A_2391, %add3A_2389 : vector<16xf32>
        %exp3A_2393 = math.exp %neg3A_2392 : vector<16xf32>
        %add3A_2394 = arith.constant 1.000000e+00 : f32
        %add3A_2395 = vector.broadcast %add3A_2394 : f32 to vector<16xf32>
        %add3A_2396 = arith.addf %add3A_2395, %exp3A_2393 : vector<16xf32>
        %div3A_2397 = arith.divf %add3A_2389, %add3A_2396 : vector<16xf32>
        %add3A_2398 = arith.constant 11 : i32
        %add3A_2399 = arith.addi %add3A_92, %add3A_2398 : i32
        %swap3A_2400 = arith.index_cast %add3A_2399 : i32 to index
        %swap3A_2401 = arith.constant 32 : index
        %swap3A_2402 = tpu.vector_load %arg10[%swap3A_2400, %swap3A_2401] {strides = array<i32>} : memref<512x64xf32, #tpu.memory_space<vmem>>, vector<1x16xf32>,
        %swap3A_2403 = vector.shape_cast %swap3A_2402 : vector<1x16xf32> to vector<16xf32>
        %swap3A_2404 = vector.shape_cast %div3A_2397 : vector<16xf32> to vector<1x16xf32>
        tpu.vector_store %arg10[%swap3A_2400, %swap3A_2401], %swap3A_2404 {strides = array<i32>} : memref<512x64xf32, #tpu.memory_space<vmem>>, vector<1x16xf32>,
        %add3A_2405 = arith.constant 11 : i32
        %add3A_2406 = arith.addi %mul3A_89, %add3A_2405 : i32
        %get3A_2407 = arith.index_cast %select_n3A_80 : i32 to index
        %get3A_2408 = arith.index_cast %add3A_2406 : i32 to index
        %get3A_2409 = arith.constant 48 : index
        %get3A_2410 = tpu.vector_load %arg9[%get3A_2407, %get3A_2408, %get3A_2409] {strides = array<i32>} : memref<2x32x64xf32, #tpu.memory_space<vmem>>, vector<1x1x16xf32>,
        %get3A_2411 = vector.shape_cast %get3A_2410 : vector<1x1x16xf32> to vector<16xf32>
        %add3A_2412 = arith.addf %get3A_2411, %add3A_2335 : vector<16xf32>
        %neg3A_2413 = arith.constant 0.000000e+00 : f32
        %neg3A_2414 = vector.broadcast %neg3A_2413 : f32 to vector<16xf32>
        %neg3A_2415 = arith.subf %neg3A_2414, %add3A_2412 : vector<16xf32>
        %exp3A_2416 = math.exp %neg3A_2415 : vector<16xf32>
        %add3A_2417 = arith.constant 1.000000e+00 : f32
        %add3A_2418 = vector.broadcast %add3A_2417 : f32 to vector<16xf32>
        %add3A_2419 = arith.addf %add3A_2418, %exp3A_2416 : vector<16xf32>
        %div3A_2420 = arith.divf %add3A_2412, %add3A_2419 : vector<16xf32>
        %add3A_2421 = arith.constant 11 : i32
        %add3A_2422 = arith.addi %add3A_92, %add3A_2421 : i32
        %swap3A_2423 = arith.index_cast %add3A_2422 : i32 to index
        %swap3A_2424 = arith.constant 48 : index
        %swap3A_2425 = tpu.vector_load %arg10[%swap3A_2423, %swap3A_2424] {strides = array<i32>} : memref<512x64xf32, #tpu.memory_space<vmem>>, vector<1x16xf32>,
        %swap3A_2426 = vector.shape_cast %swap3A_2425 : vector<1x16xf32> to vector<16xf32>
        %swap3A_2427 = vector.shape_cast %div3A_2420 : vector<16xf32> to vector<1x16xf32>
        tpu.vector_store %arg10[%swap3A_2423, %swap3A_2424], %swap3A_2427 {strides = array<i32>} : memref<512x64xf32, #tpu.memory_space<vmem>>, vector<1x16xf32>,
        %slice3A_2428 = vector.extract_strided_slice %get3A_95 {offsets = [12], sizes = [1], strides = [1]} : vector<16xf32> to vector<1xf32>
        %squeeze3A_2429 = vector.extract %slice3A_2428[0] : f32 from vector<1xf32>
        %broadcast_in_dim3A_2430 = vector.broadcast %squeeze3A_2429 : f32 to vector<16xf32>
        %mul3A_2431 = arith.mulf %broadcast_in_dim3A_2430, %get3A_4 : vector<16xf32>
        %mul3A_2432 = arith.mulf %broadcast_in_dim3A_2430, %get3A_7 : vector<16xf32>
        %add3A_2433 = arith.constant 3.14159274 : f32
        %add3A_2434 = vector.broadcast %add3A_2433 : f32 to vector<16xf32>
        %add3A_2435 = arith.addf %mul3A_2431, %add3A_2434 : vector<16xf32>
        %rem3A_2436 = arith.constant 6.28318548 : f32
        %rem3A_2437 = vector.broadcast %rem3A_2436 : f32 to vector<16xf32>
        %rem3A_2438 = arith.remf %add3A_2435, %rem3A_2437 : vector<16xf32>
        %sub3A_2439 = arith.constant 3.14159274 : f32
        %sub3A_2440 = vector.broadcast %sub3A_2439 : f32 to vector<16xf32>
        %sub3A_2441 = arith.subf %rem3A_2438, %sub3A_2440 : vector<16xf32>
        %add3A_2442 = arith.constant 3.14159274 : f32
        %add3A_2443 = vector.broadcast %add3A_2442 : f32 to vector<16xf32>
        %add3A_2444 = arith.addf %mul3A_2432, %add3A_2443 : vector<16xf32>
        %rem3A_2445 = arith.constant 6.28318548 : f32
        %rem3A_2446 = vector.broadcast %rem3A_2445 : f32 to vector<16xf32>
        %rem3A_2447 = arith.remf %add3A_2444, %rem3A_2446 : vector<16xf32>
        %sub3A_2448 = arith.constant 3.14159274 : f32
        %sub3A_2449 = vector.broadcast %sub3A_2448 : f32 to vector<16xf32>
        %sub3A_2450 = arith.subf %rem3A_2447, %sub3A_2449 : vector<16xf32>
        %mul3A_2451 = arith.mulf %sub3A_2441, %sub3A_2441 : vector<16xf32>
        %mul3A_2452 = arith.mulf %sub3A_2450, %sub3A_2450 : vector<16xf32>
        %mul3A_2453 = arith.constant 2.17778847E-6 : f32
        %mul3A_2454 = vector.broadcast %mul3A_2453 : f32 to vector<16xf32>
        %mul3A_2455 = arith.mulf %mul3A_2454, %mul3A_2451 : vector<16xf32>
        %add3A_2456 = arith.constant -1.93373271E-4 : f32
        %add3A_2457 = vector.broadcast %add3A_2456 : f32 to vector<16xf32>
        %add3A_2458 = arith.addf %mul3A_2455, %add3A_2457 : vector<16xf32>
        %mul3A_2459 = arith.mulf %add3A_2458, %mul3A_2451 : vector<16xf32>
        %add3A_2460 = arith.constant 0.00831502489 : f32
        %add3A_2461 = vector.broadcast %add3A_2460 : f32 to vector<16xf32>
        %add3A_2462 = arith.addf %mul3A_2459, %add3A_2461 : vector<16xf32>
        %mul3A_2463 = arith.mulf %add3A_2462, %mul3A_2451 : vector<16xf32>
        %add3A_2464 = arith.constant -0.166644335 : f32
        %add3A_2465 = vector.broadcast %add3A_2464 : f32 to vector<16xf32>
        %add3A_2466 = arith.addf %mul3A_2463, %add3A_2465 : vector<16xf32>
        %mul3A_2467 = arith.constant 2.17778847E-6 : f32
        %mul3A_2468 = vector.broadcast %mul3A_2467 : f32 to vector<16xf32>
        %mul3A_2469 = arith.mulf %mul3A_2468, %mul3A_2452 : vector<16xf32>
        %add3A_2470 = arith.constant -1.93373271E-4 : f32
        %add3A_2471 = vector.broadcast %add3A_2470 : f32 to vector<16xf32>
        %add3A_2472 = arith.addf %mul3A_2469, %add3A_2471 : vector<16xf32>
        %mul3A_2473 = arith.mulf %add3A_2472, %mul3A_2452 : vector<16xf32>
        %add3A_2474 = arith.constant 0.00831502489 : f32
        %add3A_2475 = vector.broadcast %add3A_2474 : f32 to vector<16xf32>
        %add3A_2476 = arith.addf %mul3A_2473, %add3A_2475 : vector<16xf32>
        %mul3A_2477 = arith.mulf %add3A_2476, %mul3A_2452 : vector<16xf32>
        %add3A_2478 = arith.constant -0.166644335 : f32
        %add3A_2479 = vector.broadcast %add3A_2478 : f32 to vector<16xf32>
        %add3A_2480 = arith.addf %mul3A_2477, %add3A_2479 : vector<16xf32>
        %mul3A_2481 = arith.mulf %sub3A_2441, %mul3A_2451 : vector<16xf32>
        %mul3A_2482 = arith.mulf %mul3A_2481, %add3A_2466 : vector<16xf32>
        %add3A_2483 = arith.addf %sub3A_2441, %mul3A_2482 : vector<16xf32>
        %mul3A_2484 = arith.mulf %sub3A_2450, %mul3A_2452 : vector<16xf32>
        %mul3A_2485 = arith.mulf %mul3A_2484, %add3A_2480 : vector<16xf32>
        %add3A_2486 = arith.addf %sub3A_2450, %mul3A_2485 : vector<16xf32>
        %mul3A_2487 = arith.constant -2.19729642E-7 : f32
        %mul3A_2488 = vector.broadcast %mul3A_2487 : f32 to vector<16xf32>
        %mul3A_2489 = arith.mulf %mul3A_2451, %mul3A_2488 : vector<16xf32>
        %add3A_2490 = arith.constant 2.42029419E-5 : f32
        %add3A_2491 = vector.broadcast %add3A_2490 : f32 to vector<16xf32>
        %add3A_2492 = arith.addf %add3A_2491, %mul3A_2489 : vector<16xf32>
        %mul3A_2493 = arith.mulf %mul3A_2451, %add3A_2492 : vector<16xf32>
        %add3A_2494 = arith.constant -0.001385879 : f32
        %add3A_2495 = vector.broadcast %add3A_2494 : f32 to vector<16xf32>
        %add3A_2496 = arith.addf %add3A_2495, %mul3A_2493 : vector<16xf32>
        %mul3A_2497 = arith.mulf %mul3A_2451, %add3A_2496 : vector<16xf32>
        %add3A_2498 = arith.constant 0.0416597761 : f32
        %add3A_2499 = vector.broadcast %add3A_2498 : f32 to vector<16xf32>
        %add3A_2500 = arith.addf %add3A_2499, %mul3A_2497 : vector<16xf32>
        %mul3A_2501 = arith.mulf %mul3A_2451, %add3A_2500 : vector<16xf32>
        %add3A_2502 = arith.constant -0.499994218 : f32
        %add3A_2503 = vector.broadcast %add3A_2502 : f32 to vector<16xf32>
        %add3A_2504 = arith.addf %add3A_2503, %mul3A_2501 : vector<16xf32>
        %mul3A_2505 = arith.mulf %mul3A_2451, %add3A_2504 : vector<16xf32>
        %add3A_2506 = arith.constant 0.999999225 : f32
        %add3A_2507 = vector.broadcast %add3A_2506 : f32 to vector<16xf32>
        %add3A_2508 = arith.addf %add3A_2507, %mul3A_2505 : vector<16xf32>
        %mul3A_2509 = arith.constant -2.19729642E-7 : f32
        %mul3A_2510 = vector.broadcast %mul3A_2509 : f32 to vector<16xf32>
        %mul3A_2511 = arith.mulf %mul3A_2452, %mul3A_2510 : vector<16xf32>
        %add3A_2512 = arith.constant 2.42029419E-5 : f32
        %add3A_2513 = vector.broadcast %add3A_2512 : f32 to vector<16xf32>
        %add3A_2514 = arith.addf %add3A_2513, %mul3A_2511 : vector<16xf32>
        %mul3A_2515 = arith.mulf %mul3A_2452, %add3A_2514 : vector<16xf32>
        %add3A_2516 = arith.constant -0.001385879 : f32
        %add3A_2517 = vector.broadcast %add3A_2516 : f32 to vector<16xf32>
        %add3A_2518 = arith.addf %add3A_2517, %mul3A_2515 : vector<16xf32>
        %mul3A_2519 = arith.mulf %mul3A_2452, %add3A_2518 : vector<16xf32>
        %add3A_2520 = arith.constant 0.0416597761 : f32
        %add3A_2521 = vector.broadcast %add3A_2520 : f32 to vector<16xf32>
        %add3A_2522 = arith.addf %add3A_2521, %mul3A_2519 : vector<16xf32>
        %mul3A_2523 = arith.mulf %mul3A_2452, %add3A_2522 : vector<16xf32>
        %add3A_2524 = arith.constant -0.499994218 : f32
        %add3A_2525 = vector.broadcast %add3A_2524 : f32 to vector<16xf32>
        %add3A_2526 = arith.addf %add3A_2525, %mul3A_2523 : vector<16xf32>
        %mul3A_2527 = arith.mulf %mul3A_2452, %add3A_2526 : vector<16xf32>
        %add3A_2528 = arith.constant 0.999999225 : f32
        %add3A_2529 = vector.broadcast %add3A_2528 : f32 to vector<16xf32>
        %add3A_2530 = arith.addf %add3A_2529, %mul3A_2527 : vector<16xf32>
        %add3A_2531 = arith.constant 12 : i32
        %add3A_2532 = arith.addi %mul3A_89, %add3A_2531 : i32
        %get3A_2533 = arith.index_cast %select_n3A_80 : i32 to index
        %get3A_2534 = arith.index_cast %add3A_2532 : i32 to index
        %get3A_2535 = arith.constant 0 : index
        %get3A_2536 = tpu.vector_load %arg9[%get3A_2533, %get3A_2534, %get3A_2535] {strides = array<i32>} : memref<2x32x64xf32, #tpu.memory_space<vmem>>, vector<1x1x16xf32>,
        %get3A_2537 = vector.shape_cast %get3A_2536 : vector<1x1x16xf32> to vector<16xf32>
        %add3A_2538 = arith.addf %get3A_2537, %add3A_2483 : vector<16xf32>
        %neg3A_2539 = arith.constant 0.000000e+00 : f32
        %neg3A_2540 = vector.broadcast %neg3A_2539 : f32 to vector<16xf32>
        %neg3A_2541 = arith.subf %neg3A_2540, %add3A_2538 : vector<16xf32>
        %exp3A_2542 = math.exp %neg3A_2541 : vector<16xf32>
        %add3A_2543 = arith.constant 1.000000e+00 : f32
        %add3A_2544 = vector.broadcast %add3A_2543 : f32 to vector<16xf32>
        %add3A_2545 = arith.addf %add3A_2544, %exp3A_2542 : vector<16xf32>
        %div3A_2546 = arith.divf %add3A_2538, %add3A_2545 : vector<16xf32>
        %add3A_2547 = arith.constant 12 : i32
        %add3A_2548 = arith.addi %add3A_92, %add3A_2547 : i32
        %swap3A_2549 = arith.index_cast %add3A_2548 : i32 to index
        %swap3A_2550 = arith.constant 0 : index
        %swap3A_2551 = tpu.vector_load %arg10[%swap3A_2549, %swap3A_2550] {strides = array<i32>} : memref<512x64xf32, #tpu.memory_space<vmem>>, vector<1x16xf32>,
        %swap3A_2552 = vector.shape_cast %swap3A_2551 : vector<1x16xf32> to vector<16xf32>
        %swap3A_2553 = vector.shape_cast %div3A_2546 : vector<16xf32> to vector<1x16xf32>
        tpu.vector_store %arg10[%swap3A_2549, %swap3A_2550], %swap3A_2553 {strides = array<i32>} : memref<512x64xf32, #tpu.memory_space<vmem>>, vector<1x16xf32>,
        %add3A_2554 = arith.constant 12 : i32
        %add3A_2555 = arith.addi %mul3A_89, %add3A_2554 : i32
        %get3A_2556 = arith.index_cast %select_n3A_80 : i32 to index
        %get3A_2557 = arith.index_cast %add3A_2555 : i32 to index
        %get3A_2558 = arith.constant 16 : index
        %get3A_2559 = tpu.vector_load %arg9[%get3A_2556, %get3A_2557, %get3A_2558] {strides = array<i32>} : memref<2x32x64xf32, #tpu.memory_space<vmem>>, vector<1x1x16xf32>,
        %get3A_2560 = vector.shape_cast %get3A_2559 : vector<1x1x16xf32> to vector<16xf32>
        %add3A_2561 = arith.addf %get3A_2560, %add3A_2486 : vector<16xf32>
        %neg3A_2562 = arith.constant 0.000000e+00 : f32
        %neg3A_2563 = vector.broadcast %neg3A_2562 : f32 to vector<16xf32>
        %neg3A_2564 = arith.subf %neg3A_2563, %add3A_2561 : vector<16xf32>
        %exp3A_2565 = math.exp %neg3A_2564 : vector<16xf32>
        %add3A_2566 = arith.constant 1.000000e+00 : f32
        %add3A_2567 = vector.broadcast %add3A_2566 : f32 to vector<16xf32>
        %add3A_2568 = arith.addf %add3A_2567, %exp3A_2565 : vector<16xf32>
        %div3A_2569 = arith.divf %add3A_2561, %add3A_2568 : vector<16xf32>
        %add3A_2570 = arith.constant 12 : i32
        %add3A_2571 = arith.addi %add3A_92, %add3A_2570 : i32
        %swap3A_2572 = arith.index_cast %add3A_2571 : i32 to index
        %swap3A_2573 = arith.constant 16 : index
        %swap3A_2574 = tpu.vector_load %arg10[%swap3A_2572, %swap3A_2573] {strides = array<i32>} : memref<512x64xf32, #tpu.memory_space<vmem>>, vector<1x16xf32>,
        %swap3A_2575 = vector.shape_cast %swap3A_2574 : vector<1x16xf32> to vector<16xf32>
        %swap3A_2576 = vector.shape_cast %div3A_2569 : vector<16xf32> to vector<1x16xf32>
        tpu.vector_store %arg10[%swap3A_2572, %swap3A_2573], %swap3A_2576 {strides = array<i32>} : memref<512x64xf32, #tpu.memory_space<vmem>>, vector<1x16xf32>,
        %add3A_2577 = arith.constant 12 : i32
        %add3A_2578 = arith.addi %mul3A_89, %add3A_2577 : i32
        %get3A_2579 = arith.index_cast %select_n3A_80 : i32 to index
        %get3A_2580 = arith.index_cast %add3A_2578 : i32 to index
        %get3A_2581 = arith.constant 32 : index
        %get3A_2582 = tpu.vector_load %arg9[%get3A_2579, %get3A_2580, %get3A_2581] {strides = array<i32>} : memref<2x32x64xf32, #tpu.memory_space<vmem>>, vector<1x1x16xf32>,
        %get3A_2583 = vector.shape_cast %get3A_2582 : vector<1x1x16xf32> to vector<16xf32>
        %add3A_2584 = arith.addf %get3A_2583, %add3A_2508 : vector<16xf32>
        %neg3A_2585 = arith.constant 0.000000e+00 : f32
        %neg3A_2586 = vector.broadcast %neg3A_2585 : f32 to vector<16xf32>
        %neg3A_2587 = arith.subf %neg3A_2586, %add3A_2584 : vector<16xf32>
        %exp3A_2588 = math.exp %neg3A_2587 : vector<16xf32>
        %add3A_2589 = arith.constant 1.000000e+00 : f32
        %add3A_2590 = vector.broadcast %add3A_2589 : f32 to vector<16xf32>
        %add3A_2591 = arith.addf %add3A_2590, %exp3A_2588 : vector<16xf32>
        %div3A_2592 = arith.divf %add3A_2584, %add3A_2591 : vector<16xf32>
        %add3A_2593 = arith.constant 12 : i32
        %add3A_2594 = arith.addi %add3A_92, %add3A_2593 : i32
        %swap3A_2595 = arith.index_cast %add3A_2594 : i32 to index
        %swap3A_2596 = arith.constant 32 : index
        %swap3A_2597 = tpu.vector_load %arg10[%swap3A_2595, %swap3A_2596] {strides = array<i32>} : memref<512x64xf32, #tpu.memory_space<vmem>>, vector<1x16xf32>,
        %swap3A_2598 = vector.shape_cast %swap3A_2597 : vector<1x16xf32> to vector<16xf32>
        %swap3A_2599 = vector.shape_cast %div3A_2592 : vector<16xf32> to vector<1x16xf32>
        tpu.vector_store %arg10[%swap3A_2595, %swap3A_2596], %swap3A_2599 {strides = array<i32>} : memref<512x64xf32, #tpu.memory_space<vmem>>, vector<1x16xf32>,
        %add3A_2600 = arith.constant 12 : i32
        %add3A_2601 = arith.addi %mul3A_89, %add3A_2600 : i32
        %get3A_2602 = arith.index_cast %select_n3A_80 : i32 to index
        %get3A_2603 = arith.index_cast %add3A_2601 : i32 to index
        %get3A_2604 = arith.constant 48 : index
        %get3A_2605 = tpu.vector_load %arg9[%get3A_2602, %get3A_2603, %get3A_2604] {strides = array<i32>} : memref<2x32x64xf32, #tpu.memory_space<vmem>>, vector<1x1x16xf32>,
        %get3A_2606 = vector.shape_cast %get3A_2605 : vector<1x1x16xf32> to vector<16xf32>
        %add3A_2607 = arith.addf %get3A_2606, %add3A_2530 : vector<16xf32>
        %neg3A_2608 = arith.constant 0.000000e+00 : f32
        %neg3A_2609 = vector.broadcast %neg3A_2608 : f32 to vector<16xf32>
        %neg3A_2610 = arith.subf %neg3A_2609, %add3A_2607 : vector<16xf32>
        %exp3A_2611 = math.exp %neg3A_2610 : vector<16xf32>
        %add3A_2612 = arith.constant 1.000000e+00 : f32
        %add3A_2613 = vector.broadcast %add3A_2612 : f32 to vector<16xf32>
        %add3A_2614 = arith.addf %add3A_2613, %exp3A_2611 : vector<16xf32>
        %div3A_2615 = arith.divf %add3A_2607, %add3A_2614 : vector<16xf32>
        %add3A_2616 = arith.constant 12 : i32
        %add3A_2617 = arith.addi %add3A_92, %add3A_2616 : i32
        %swap3A_2618 = arith.index_cast %add3A_2617 : i32 to index
        %swap3A_2619 = arith.constant 48 : index
        %swap3A_2620 = tpu.vector_load %arg10[%swap3A_2618, %swap3A_2619] {strides = array<i32>} : memref<512x64xf32, #tpu.memory_space<vmem>>, vector<1x16xf32>,
        %swap3A_2621 = vector.shape_cast %swap3A_2620 : vector<1x16xf32> to vector<16xf32>
        %swap3A_2622 = vector.shape_cast %div3A_2615 : vector<16xf32> to vector<1x16xf32>
        tpu.vector_store %arg10[%swap3A_2618, %swap3A_2619], %swap3A_2622 {strides = array<i32>} : memref<512x64xf32, #tpu.memory_space<vmem>>, vector<1x16xf32>,
        %slice3A_2623 = vector.extract_strided_slice %get3A_95 {offsets = [13], sizes = [1], strides = [1]} : vector<16xf32> to vector<1xf32>
        %squeeze3A_2624 = vector.extract %slice3A_2623[0] : f32 from vector<1xf32>
        %broadcast_in_dim3A_2625 = vector.broadcast %squeeze3A_2624 : f32 to vector<16xf32>
        %mul3A_2626 = arith.mulf %broadcast_in_dim3A_2625, %get3A_4 : vector<16xf32>
        %mul3A_2627 = arith.mulf %broadcast_in_dim3A_2625, %get3A_7 : vector<16xf32>
        %add3A_2628 = arith.constant 3.14159274 : f32
        %add3A_2629 = vector.broadcast %add3A_2628 : f32 to vector<16xf32>
        %add3A_2630 = arith.addf %mul3A_2626, %add3A_2629 : vector<16xf32>
        %rem3A_2631 = arith.constant 6.28318548 : f32
        %rem3A_2632 = vector.broadcast %rem3A_2631 : f32 to vector<16xf32>
        %rem3A_2633 = arith.remf %add3A_2630, %rem3A_2632 : vector<16xf32>
        %sub3A_2634 = arith.constant 3.14159274 : f32
        %sub3A_2635 = vector.broadcast %sub3A_2634 : f32 to vector<16xf32>
        %sub3A_2636 = arith.subf %rem3A_2633, %sub3A_2635 : vector<16xf32>
        %add3A_2637 = arith.constant 3.14159274 : f32
        %add3A_2638 = vector.broadcast %add3A_2637 : f32 to vector<16xf32>
        %add3A_2639 = arith.addf %mul3A_2627, %add3A_2638 : vector<16xf32>
        %rem3A_2640 = arith.constant 6.28318548 : f32
        %rem3A_2641 = vector.broadcast %rem3A_2640 : f32 to vector<16xf32>
        %rem3A_2642 = arith.remf %add3A_2639, %rem3A_2641 : vector<16xf32>
        %sub3A_2643 = arith.constant 3.14159274 : f32
        %sub3A_2644 = vector.broadcast %sub3A_2643 : f32 to vector<16xf32>
        %sub3A_2645 = arith.subf %rem3A_2642, %sub3A_2644 : vector<16xf32>
        %mul3A_2646 = arith.mulf %sub3A_2636, %sub3A_2636 : vector<16xf32>
        %mul3A_2647 = arith.mulf %sub3A_2645, %sub3A_2645 : vector<16xf32>
        %mul3A_2648 = arith.constant 2.17778847E-6 : f32
        %mul3A_2649 = vector.broadcast %mul3A_2648 : f32 to vector<16xf32>
        %mul3A_2650 = arith.mulf %mul3A_2649, %mul3A_2646 : vector<16xf32>
        %add3A_2651 = arith.constant -1.93373271E-4 : f32
        %add3A_2652 = vector.broadcast %add3A_2651 : f32 to vector<16xf32>
        %add3A_2653 = arith.addf %mul3A_2650, %add3A_2652 : vector<16xf32>
        %mul3A_2654 = arith.mulf %add3A_2653, %mul3A_2646 : vector<16xf32>
        %add3A_2655 = arith.constant 0.00831502489 : f32
        %add3A_2656 = vector.broadcast %add3A_2655 : f32 to vector<16xf32>
        %add3A_2657 = arith.addf %mul3A_2654, %add3A_2656 : vector<16xf32>
        %mul3A_2658 = arith.mulf %add3A_2657, %mul3A_2646 : vector<16xf32>
        %add3A_2659 = arith.constant -0.166644335 : f32
        %add3A_2660 = vector.broadcast %add3A_2659 : f32 to vector<16xf32>
        %add3A_2661 = arith.addf %mul3A_2658, %add3A_2660 : vector<16xf32>
        %mul3A_2662 = arith.constant 2.17778847E-6 : f32
        %mul3A_2663 = vector.broadcast %mul3A_2662 : f32 to vector<16xf32>
        %mul3A_2664 = arith.mulf %mul3A_2663, %mul3A_2647 : vector<16xf32>
        %add3A_2665 = arith.constant -1.93373271E-4 : f32
        %add3A_2666 = vector.broadcast %add3A_2665 : f32 to vector<16xf32>
        %add3A_2667 = arith.addf %mul3A_2664, %add3A_2666 : vector<16xf32>
        %mul3A_2668 = arith.mulf %add3A_2667, %mul3A_2647 : vector<16xf32>
        %add3A_2669 = arith.constant 0.00831502489 : f32
        %add3A_2670 = vector.broadcast %add3A_2669 : f32 to vector<16xf32>
        %add3A_2671 = arith.addf %mul3A_2668, %add3A_2670 : vector<16xf32>
        %mul3A_2672 = arith.mulf %add3A_2671, %mul3A_2647 : vector<16xf32>
        %add3A_2673 = arith.constant -0.166644335 : f32
        %add3A_2674 = vector.broadcast %add3A_2673 : f32 to vector<16xf32>
        %add3A_2675 = arith.addf %mul3A_2672, %add3A_2674 : vector<16xf32>
        %mul3A_2676 = arith.mulf %sub3A_2636, %mul3A_2646 : vector<16xf32>
        %mul3A_2677 = arith.mulf %mul3A_2676, %add3A_2661 : vector<16xf32>
        %add3A_2678 = arith.addf %sub3A_2636, %mul3A_2677 : vector<16xf32>
        %mul3A_2679 = arith.mulf %sub3A_2645, %mul3A_2647 : vector<16xf32>
        %mul3A_2680 = arith.mulf %mul3A_2679, %add3A_2675 : vector<16xf32>
        %add3A_2681 = arith.addf %sub3A_2645, %mul3A_2680 : vector<16xf32>
        %mul3A_2682 = arith.constant -2.19729642E-7 : f32
        %mul3A_2683 = vector.broadcast %mul3A_2682 : f32 to vector<16xf32>
        %mul3A_2684 = arith.mulf %mul3A_2646, %mul3A_2683 : vector<16xf32>
        %add3A_2685 = arith.constant 2.42029419E-5 : f32
        %add3A_2686 = vector.broadcast %add3A_2685 : f32 to vector<16xf32>
        %add3A_2687 = arith.addf %add3A_2686, %mul3A_2684 : vector<16xf32>
        %mul3A_2688 = arith.mulf %mul3A_2646, %add3A_2687 : vector<16xf32>
        %add3A_2689 = arith.constant -0.001385879 : f32
        %add3A_2690 = vector.broadcast %add3A_2689 : f32 to vector<16xf32>
        %add3A_2691 = arith.addf %add3A_2690, %mul3A_2688 : vector<16xf32>
        %mul3A_2692 = arith.mulf %mul3A_2646, %add3A_2691 : vector<16xf32>
        %add3A_2693 = arith.constant 0.0416597761 : f32
        %add3A_2694 = vector.broadcast %add3A_2693 : f32 to vector<16xf32>
        %add3A_2695 = arith.addf %add3A_2694, %mul3A_2692 : vector<16xf32>
        %mul3A_2696 = arith.mulf %mul3A_2646, %add3A_2695 : vector<16xf32>
        %add3A_2697 = arith.constant -0.499994218 : f32
        %add3A_2698 = vector.broadcast %add3A_2697 : f32 to vector<16xf32>
        %add3A_2699 = arith.addf %add3A_2698, %mul3A_2696 : vector<16xf32>
        %mul3A_2700 = arith.mulf %mul3A_2646, %add3A_2699 : vector<16xf32>
        %add3A_2701 = arith.constant 0.999999225 : f32
        %add3A_2702 = vector.broadcast %add3A_2701 : f32 to vector<16xf32>
        %add3A_2703 = arith.addf %add3A_2702, %mul3A_2700 : vector<16xf32>
        %mul3A_2704 = arith.constant -2.19729642E-7 : f32
        %mul3A_2705 = vector.broadcast %mul3A_2704 : f32 to vector<16xf32>
        %mul3A_2706 = arith.mulf %mul3A_2647, %mul3A_2705 : vector<16xf32>
        %add3A_2707 = arith.constant 2.42029419E-5 : f32
        %add3A_2708 = vector.broadcast %add3A_2707 : f32 to vector<16xf32>
        %add3A_2709 = arith.addf %add3A_2708, %mul3A_2706 : vector<16xf32>
        %mul3A_2710 = arith.mulf %mul3A_2647, %add3A_2709 : vector<16xf32>
        %add3A_2711 = arith.constant -0.001385879 : f32
        %add3A_2712 = vector.broadcast %add3A_2711 : f32 to vector<16xf32>
        %add3A_2713 = arith.addf %add3A_2712, %mul3A_2710 : vector<16xf32>
        %mul3A_2714 = arith.mulf %mul3A_2647, %add3A_2713 : vector<16xf32>
        %add3A_2715 = arith.constant 0.0416597761 : f32
        %add3A_2716 = vector.broadcast %add3A_2715 : f32 to vector<16xf32>
        %add3A_2717 = arith.addf %add3A_2716, %mul3A_2714 : vector<16xf32>
        %mul3A_2718 = arith.mulf %mul3A_2647, %add3A_2717 : vector<16xf32>
        %add3A_2719 = arith.constant -0.499994218 : f32
        %add3A_2720 = vector.broadcast %add3A_2719 : f32 to vector<16xf32>
        %add3A_2721 = arith.addf %add3A_2720, %mul3A_2718 : vector<16xf32>
        %mul3A_2722 = arith.mulf %mul3A_2647, %add3A_2721 : vector<16xf32>
        %add3A_2723 = arith.constant 0.999999225 : f32
        %add3A_2724 = vector.broadcast %add3A_2723 : f32 to vector<16xf32>
        %add3A_2725 = arith.addf %add3A_2724, %mul3A_2722 : vector<16xf32>
        %add3A_2726 = arith.constant 13 : i32
        %add3A_2727 = arith.addi %mul3A_89, %add3A_2726 : i32
        %get3A_2728 = arith.index_cast %select_n3A_80 : i32 to index
        %get3A_2729 = arith.index_cast %add3A_2727 : i32 to index
        %get3A_2730 = arith.constant 0 : index
        %get3A_2731 = tpu.vector_load %arg9[%get3A_2728, %get3A_2729, %get3A_2730] {strides = array<i32>} : memref<2x32x64xf32, #tpu.memory_space<vmem>>, vector<1x1x16xf32>,
        %get3A_2732 = vector.shape_cast %get3A_2731 : vector<1x1x16xf32> to vector<16xf32>
        %add3A_2733 = arith.addf %get3A_2732, %add3A_2678 : vector<16xf32>
        %neg3A_2734 = arith.constant 0.000000e+00 : f32
        %neg3A_2735 = vector.broadcast %neg3A_2734 : f32 to vector<16xf32>
        %neg3A_2736 = arith.subf %neg3A_2735, %add3A_2733 : vector<16xf32>
        %exp3A_2737 = math.exp %neg3A_2736 : vector<16xf32>
        %add3A_2738 = arith.constant 1.000000e+00 : f32
        %add3A_2739 = vector.broadcast %add3A_2738 : f32 to vector<16xf32>
        %add3A_2740 = arith.addf %add3A_2739, %exp3A_2737 : vector<16xf32>
        %div3A_2741 = arith.divf %add3A_2733, %add3A_2740 : vector<16xf32>
        %add3A_2742 = arith.constant 13 : i32
        %add3A_2743 = arith.addi %add3A_92, %add3A_2742 : i32
        %swap3A_2744 = arith.index_cast %add3A_2743 : i32 to index
        %swap3A_2745 = arith.constant 0 : index
        %swap3A_2746 = tpu.vector_load %arg10[%swap3A_2744, %swap3A_2745] {strides = array<i32>} : memref<512x64xf32, #tpu.memory_space<vmem>>, vector<1x16xf32>,
        %swap3A_2747 = vector.shape_cast %swap3A_2746 : vector<1x16xf32> to vector<16xf32>
        %swap3A_2748 = vector.shape_cast %div3A_2741 : vector<16xf32> to vector<1x16xf32>
        tpu.vector_store %arg10[%swap3A_2744, %swap3A_2745], %swap3A_2748 {strides = array<i32>} : memref<512x64xf32, #tpu.memory_space<vmem>>, vector<1x16xf32>,
        %add3A_2749 = arith.constant 13 : i32
        %add3A_2750 = arith.addi %mul3A_89, %add3A_2749 : i32
        %get3A_2751 = arith.index_cast %select_n3A_80 : i32 to index
        %get3A_2752 = arith.index_cast %add3A_2750 : i32 to index
        %get3A_2753 = arith.constant 16 : index
        %get3A_2754 = tpu.vector_load %arg9[%get3A_2751, %get3A_2752, %get3A_2753] {strides = array<i32>} : memref<2x32x64xf32, #tpu.memory_space<vmem>>, vector<1x1x16xf32>,
        %get3A_2755 = vector.shape_cast %get3A_2754 : vector<1x1x16xf32> to vector<16xf32>
        %add3A_2756 = arith.addf %get3A_2755, %add3A_2681 : vector<16xf32>
        %neg3A_2757 = arith.constant 0.000000e+00 : f32
        %neg3A_2758 = vector.broadcast %neg3A_2757 : f32 to vector<16xf32>
        %neg3A_2759 = arith.subf %neg3A_2758, %add3A_2756 : vector<16xf32>
        %exp3A_2760 = math.exp %neg3A_2759 : vector<16xf32>
        %add3A_2761 = arith.constant 1.000000e+00 : f32
        %add3A_2762 = vector.broadcast %add3A_2761 : f32 to vector<16xf32>
        %add3A_2763 = arith.addf %add3A_2762, %exp3A_2760 : vector<16xf32>
        %div3A_2764 = arith.divf %add3A_2756, %add3A_2763 : vector<16xf32>
        %add3A_2765 = arith.constant 13 : i32
        %add3A_2766 = arith.addi %add3A_92, %add3A_2765 : i32
        %swap3A_2767 = arith.index_cast %add3A_2766 : i32 to index
        %swap3A_2768 = arith.constant 16 : index
        %swap3A_2769 = tpu.vector_load %arg10[%swap3A_2767, %swap3A_2768] {strides = array<i32>} : memref<512x64xf32, #tpu.memory_space<vmem>>, vector<1x16xf32>,
        %swap3A_2770 = vector.shape_cast %swap3A_2769 : vector<1x16xf32> to vector<16xf32>
        %swap3A_2771 = vector.shape_cast %div3A_2764 : vector<16xf32> to vector<1x16xf32>
        tpu.vector_store %arg10[%swap3A_2767, %swap3A_2768], %swap3A_2771 {strides = array<i32>} : memref<512x64xf32, #tpu.memory_space<vmem>>, vector<1x16xf32>,
        %add3A_2772 = arith.constant 13 : i32
        %add3A_2773 = arith.addi %mul3A_89, %add3A_2772 : i32
        %get3A_2774 = arith.index_cast %select_n3A_80 : i32 to index
        %get3A_2775 = arith.index_cast %add3A_2773 : i32 to index
        %get3A_2776 = arith.constant 32 : index
        %get3A_2777 = tpu.vector_load %arg9[%get3A_2774, %get3A_2775, %get3A_2776] {strides = array<i32>} : memref<2x32x64xf32, #tpu.memory_space<vmem>>, vector<1x1x16xf32>,
        %get3A_2778 = vector.shape_cast %get3A_2777 : vector<1x1x16xf32> to vector<16xf32>
        %add3A_2779 = arith.addf %get3A_2778, %add3A_2703 : vector<16xf32>
        %neg3A_2780 = arith.constant 0.000000e+00 : f32
        %neg3A_2781 = vector.broadcast %neg3A_2780 : f32 to vector<16xf32>
        %neg3A_2782 = arith.subf %neg3A_2781, %add3A_2779 : vector<16xf32>
        %exp3A_2783 = math.exp %neg3A_2782 : vector<16xf32>
        %add3A_2784 = arith.constant 1.000000e+00 : f32
        %add3A_2785 = vector.broadcast %add3A_2784 : f32 to vector<16xf32>
        %add3A_2786 = arith.addf %add3A_2785, %exp3A_2783 : vector<16xf32>
        %div3A_2787 = arith.divf %add3A_2779, %add3A_2786 : vector<16xf32>
        %add3A_2788 = arith.constant 13 : i32
        %add3A_2789 = arith.addi %add3A_92, %add3A_2788 : i32
        %swap3A_2790 = arith.index_cast %add3A_2789 : i32 to index
        %swap3A_2791 = arith.constant 32 : index
        %swap3A_2792 = tpu.vector_load %arg10[%swap3A_2790, %swap3A_2791] {strides = array<i32>} : memref<512x64xf32, #tpu.memory_space<vmem>>, vector<1x16xf32>,
        %swap3A_2793 = vector.shape_cast %swap3A_2792 : vector<1x16xf32> to vector<16xf32>
        %swap3A_2794 = vector.shape_cast %div3A_2787 : vector<16xf32> to vector<1x16xf32>
        tpu.vector_store %arg10[%swap3A_2790, %swap3A_2791], %swap3A_2794 {strides = array<i32>} : memref<512x64xf32, #tpu.memory_space<vmem>>, vector<1x16xf32>,
        %add3A_2795 = arith.constant 13 : i32
        %add3A_2796 = arith.addi %mul3A_89, %add3A_2795 : i32
        %get3A_2797 = arith.index_cast %select_n3A_80 : i32 to index
        %get3A_2798 = arith.index_cast %add3A_2796 : i32 to index
        %get3A_2799 = arith.constant 48 : index
        %get3A_2800 = tpu.vector_load %arg9[%get3A_2797, %get3A_2798, %get3A_2799] {strides = array<i32>} : memref<2x32x64xf32, #tpu.memory_space<vmem>>, vector<1x1x16xf32>,
        %get3A_2801 = vector.shape_cast %get3A_2800 : vector<1x1x16xf32> to vector<16xf32>
        %add3A_2802 = arith.addf %get3A_2801, %add3A_2725 : vector<16xf32>
        %neg3A_2803 = arith.constant 0.000000e+00 : f32
        %neg3A_2804 = vector.broadcast %neg3A_2803 : f32 to vector<16xf32>
        %neg3A_2805 = arith.subf %neg3A_2804, %add3A_2802 : vector<16xf32>
        %exp3A_2806 = math.exp %neg3A_2805 : vector<16xf32>
        %add3A_2807 = arith.constant 1.000000e+00 : f32
        %add3A_2808 = vector.broadcast %add3A_2807 : f32 to vector<16xf32>
        %add3A_2809 = arith.addf %add3A_2808, %exp3A_2806 : vector<16xf32>
        %div3A_2810 = arith.divf %add3A_2802, %add3A_2809 : vector<16xf32>
        %add3A_2811 = arith.constant 13 : i32
        %add3A_2812 = arith.addi %add3A_92, %add3A_2811 : i32
        %swap3A_2813 = arith.index_cast %add3A_2812 : i32 to index
        %swap3A_2814 = arith.constant 48 : index
        %swap3A_2815 = tpu.vector_load %arg10[%swap3A_2813, %swap3A_2814] {strides = array<i32>} : memref<512x64xf32, #tpu.memory_space<vmem>>, vector<1x16xf32>,
        %swap3A_2816 = vector.shape_cast %swap3A_2815 : vector<1x16xf32> to vector<16xf32>
        %swap3A_2817 = vector.shape_cast %div3A_2810 : vector<16xf32> to vector<1x16xf32>
        tpu.vector_store %arg10[%swap3A_2813, %swap3A_2814], %swap3A_2817 {strides = array<i32>} : memref<512x64xf32, #tpu.memory_space<vmem>>, vector<1x16xf32>,
        %slice3A_2818 = vector.extract_strided_slice %get3A_95 {offsets = [14], sizes = [1], strides = [1]} : vector<16xf32> to vector<1xf32>
        %squeeze3A_2819 = vector.extract %slice3A_2818[0] : f32 from vector<1xf32>
        %broadcast_in_dim3A_2820 = vector.broadcast %squeeze3A_2819 : f32 to vector<16xf32>
        %mul3A_2821 = arith.mulf %broadcast_in_dim3A_2820, %get3A_4 : vector<16xf32>
        %mul3A_2822 = arith.mulf %broadcast_in_dim3A_2820, %get3A_7 : vector<16xf32>
        %add3A_2823 = arith.constant 3.14159274 : f32
        %add3A_2824 = vector.broadcast %add3A_2823 : f32 to vector<16xf32>
        %add3A_2825 = arith.addf %mul3A_2821, %add3A_2824 : vector<16xf32>
        %rem3A_2826 = arith.constant 6.28318548 : f32
        %rem3A_2827 = vector.broadcast %rem3A_2826 : f32 to vector<16xf32>
        %rem3A_2828 = arith.remf %add3A_2825, %rem3A_2827 : vector<16xf32>
        %sub3A_2829 = arith.constant 3.14159274 : f32
        %sub3A_2830 = vector.broadcast %sub3A_2829 : f32 to vector<16xf32>
        %sub3A_2831 = arith.subf %rem3A_2828, %sub3A_2830 : vector<16xf32>
        %add3A_2832 = arith.constant 3.14159274 : f32
        %add3A_2833 = vector.broadcast %add3A_2832 : f32 to vector<16xf32>
        %add3A_2834 = arith.addf %mul3A_2822, %add3A_2833 : vector<16xf32>
        %rem3A_2835 = arith.constant 6.28318548 : f32
        %rem3A_2836 = vector.broadcast %rem3A_2835 : f32 to vector<16xf32>
        %rem3A_2837 = arith.remf %add3A_2834, %rem3A_2836 : vector<16xf32>
        %sub3A_2838 = arith.constant 3.14159274 : f32
        %sub3A_2839 = vector.broadcast %sub3A_2838 : f32 to vector<16xf32>
        %sub3A_2840 = arith.subf %rem3A_2837, %sub3A_2839 : vector<16xf32>
        %mul3A_2841 = arith.mulf %sub3A_2831, %sub3A_2831 : vector<16xf32>
        %mul3A_2842 = arith.mulf %sub3A_2840, %sub3A_2840 : vector<16xf32>
        %mul3A_2843 = arith.constant 2.17778847E-6 : f32
        %mul3A_2844 = vector.broadcast %mul3A_2843 : f32 to vector<16xf32>
        %mul3A_2845 = arith.mulf %mul3A_2844, %mul3A_2841 : vector<16xf32>
        %add3A_2846 = arith.constant -1.93373271E-4 : f32
        %add3A_2847 = vector.broadcast %add3A_2846 : f32 to vector<16xf32>
        %add3A_2848 = arith.addf %mul3A_2845, %add3A_2847 : vector<16xf32>
        %mul3A_2849 = arith.mulf %add3A_2848, %mul3A_2841 : vector<16xf32>
        %add3A_2850 = arith.constant 0.00831502489 : f32
        %add3A_2851 = vector.broadcast %add3A_2850 : f32 to vector<16xf32>
        %add3A_2852 = arith.addf %mul3A_2849, %add3A_2851 : vector<16xf32>
        %mul3A_2853 = arith.mulf %add3A_2852, %mul3A_2841 : vector<16xf32>
        %add3A_2854 = arith.constant -0.166644335 : f32
        %add3A_2855 = vector.broadcast %add3A_2854 : f32 to vector<16xf32>
        %add3A_2856 = arith.addf %mul3A_2853, %add3A_2855 : vector<16xf32>
        %mul3A_2857 = arith.constant 2.17778847E-6 : f32
        %mul3A_2858 = vector.broadcast %mul3A_2857 : f32 to vector<16xf32>
        %mul3A_2859 = arith.mulf %mul3A_2858, %mul3A_2842 : vector<16xf32>
        %add3A_2860 = arith.constant -1.93373271E-4 : f32
        %add3A_2861 = vector.broadcast %add3A_2860 : f32 to vector<16xf32>
        %add3A_2862 = arith.addf %mul3A_2859, %add3A_2861 : vector<16xf32>
        %mul3A_2863 = arith.mulf %add3A_2862, %mul3A_2842 : vector<16xf32>
        %add3A_2864 = arith.constant 0.00831502489 : f32
        %add3A_2865 = vector.broadcast %add3A_2864 : f32 to vector<16xf32>
        %add3A_2866 = arith.addf %mul3A_2863, %add3A_2865 : vector<16xf32>
        %mul3A_2867 = arith.mulf %add3A_2866, %mul3A_2842 : vector<16xf32>
        %add3A_2868 = arith.constant -0.166644335 : f32
        %add3A_2869 = vector.broadcast %add3A_2868 : f32 to vector<16xf32>
        %add3A_2870 = arith.addf %mul3A_2867, %add3A_2869 : vector<16xf32>
        %mul3A_2871 = arith.mulf %sub3A_2831, %mul3A_2841 : vector<16xf32>
        %mul3A_2872 = arith.mulf %mul3A_2871, %add3A_2856 : vector<16xf32>
        %add3A_2873 = arith.addf %sub3A_2831, %mul3A_2872 : vector<16xf32>
        %mul3A_2874 = arith.mulf %sub3A_2840, %mul3A_2842 : vector<16xf32>
        %mul3A_2875 = arith.mulf %mul3A_2874, %add3A_2870 : vector<16xf32>
        %add3A_2876 = arith.addf %sub3A_2840, %mul3A_2875 : vector<16xf32>
        %mul3A_2877 = arith.constant -2.19729642E-7 : f32
        %mul3A_2878 = vector.broadcast %mul3A_2877 : f32 to vector<16xf32>
        %mul3A_2879 = arith.mulf %mul3A_2841, %mul3A_2878 : vector<16xf32>
        %add3A_2880 = arith.constant 2.42029419E-5 : f32
        %add3A_2881 = vector.broadcast %add3A_2880 : f32 to vector<16xf32>
        %add3A_2882 = arith.addf %add3A_2881, %mul3A_2879 : vector<16xf32>
        %mul3A_2883 = arith.mulf %mul3A_2841, %add3A_2882 : vector<16xf32>
        %add3A_2884 = arith.constant -0.001385879 : f32
        %add3A_2885 = vector.broadcast %add3A_2884 : f32 to vector<16xf32>
        %add3A_2886 = arith.addf %add3A_2885, %mul3A_2883 : vector<16xf32>
        %mul3A_2887 = arith.mulf %mul3A_2841, %add3A_2886 : vector<16xf32>
        %add3A_2888 = arith.constant 0.0416597761 : f32
        %add3A_2889 = vector.broadcast %add3A_2888 : f32 to vector<16xf32>
        %add3A_2890 = arith.addf %add3A_2889, %mul3A_2887 : vector<16xf32>
        %mul3A_2891 = arith.mulf %mul3A_2841, %add3A_2890 : vector<16xf32>
        %add3A_2892 = arith.constant -0.499994218 : f32
        %add3A_2893 = vector.broadcast %add3A_2892 : f32 to vector<16xf32>
        %add3A_2894 = arith.addf %add3A_2893, %mul3A_2891 : vector<16xf32>
        %mul3A_2895 = arith.mulf %mul3A_2841, %add3A_2894 : vector<16xf32>
        %add3A_2896 = arith.constant 0.999999225 : f32
        %add3A_2897 = vector.broadcast %add3A_2896 : f32 to vector<16xf32>
        %add3A_2898 = arith.addf %add3A_2897, %mul3A_2895 : vector<16xf32>
        %mul3A_2899 = arith.constant -2.19729642E-7 : f32
        %mul3A_2900 = vector.broadcast %mul3A_2899 : f32 to vector<16xf32>
        %mul3A_2901 = arith.mulf %mul3A_2842, %mul3A_2900 : vector<16xf32>
        %add3A_2902 = arith.constant 2.42029419E-5 : f32
        %add3A_2903 = vector.broadcast %add3A_2902 : f32 to vector<16xf32>
        %add3A_2904 = arith.addf %add3A_2903, %mul3A_2901 : vector<16xf32>
        %mul3A_2905 = arith.mulf %mul3A_2842, %add3A_2904 : vector<16xf32>
        %add3A_2906 = arith.constant -0.001385879 : f32
        %add3A_2907 = vector.broadcast %add3A_2906 : f32 to vector<16xf32>
        %add3A_2908 = arith.addf %add3A_2907, %mul3A_2905 : vector<16xf32>
        %mul3A_2909 = arith.mulf %mul3A_2842, %add3A_2908 : vector<16xf32>
        %add3A_2910 = arith.constant 0.0416597761 : f32
        %add3A_2911 = vector.broadcast %add3A_2910 : f32 to vector<16xf32>
        %add3A_2912 = arith.addf %add3A_2911, %mul3A_2909 : vector<16xf32>
        %mul3A_2913 = arith.mulf %mul3A_2842, %add3A_2912 : vector<16xf32>
        %add3A_2914 = arith.constant -0.499994218 : f32
        %add3A_2915 = vector.broadcast %add3A_2914 : f32 to vector<16xf32>
        %add3A_2916 = arith.addf %add3A_2915, %mul3A_2913 : vector<16xf32>
        %mul3A_2917 = arith.mulf %mul3A_2842, %add3A_2916 : vector<16xf32>
        %add3A_2918 = arith.constant 0.999999225 : f32
        %add3A_2919 = vector.broadcast %add3A_2918 : f32 to vector<16xf32>
        %add3A_2920 = arith.addf %add3A_2919, %mul3A_2917 : vector<16xf32>
        %add3A_2921 = arith.constant 14 : i32
        %add3A_2922 = arith.addi %mul3A_89, %add3A_2921 : i32
        %get3A_2923 = arith.index_cast %select_n3A_80 : i32 to index
        %get3A_2924 = arith.index_cast %add3A_2922 : i32 to index
        %get3A_2925 = arith.constant 0 : index
        %get3A_2926 = tpu.vector_load %arg9[%get3A_2923, %get3A_2924, %get3A_2925] {strides = array<i32>} : memref<2x32x64xf32, #tpu.memory_space<vmem>>, vector<1x1x16xf32>,
        %get3A_2927 = vector.shape_cast %get3A_2926 : vector<1x1x16xf32> to vector<16xf32>
        %add3A_2928 = arith.addf %get3A_2927, %add3A_2873 : vector<16xf32>
        %neg3A_2929 = arith.constant 0.000000e+00 : f32
        %neg3A_2930 = vector.broadcast %neg3A_2929 : f32 to vector<16xf32>
        %neg3A_2931 = arith.subf %neg3A_2930, %add3A_2928 : vector<16xf32>
        %exp3A_2932 = math.exp %neg3A_2931 : vector<16xf32>
        %add3A_2933 = arith.constant 1.000000e+00 : f32
        %add3A_2934 = vector.broadcast %add3A_2933 : f32 to vector<16xf32>
        %add3A_2935 = arith.addf %add3A_2934, %exp3A_2932 : vector<16xf32>
        %div3A_2936 = arith.divf %add3A_2928, %add3A_2935 : vector<16xf32>
        %add3A_2937 = arith.constant 14 : i32
        %add3A_2938 = arith.addi %add3A_92, %add3A_2937 : i32
        %swap3A_2939 = arith.index_cast %add3A_2938 : i32 to index
        %swap3A_2940 = arith.constant 0 : index
        %swap3A_2941 = tpu.vector_load %arg10[%swap3A_2939, %swap3A_2940] {strides = array<i32>} : memref<512x64xf32, #tpu.memory_space<vmem>>, vector<1x16xf32>,
        %swap3A_2942 = vector.shape_cast %swap3A_2941 : vector<1x16xf32> to vector<16xf32>
        %swap3A_2943 = vector.shape_cast %div3A_2936 : vector<16xf32> to vector<1x16xf32>
        tpu.vector_store %arg10[%swap3A_2939, %swap3A_2940], %swap3A_2943 {strides = array<i32>} : memref<512x64xf32, #tpu.memory_space<vmem>>, vector<1x16xf32>,
        %add3A_2944 = arith.constant 14 : i32
        %add3A_2945 = arith.addi %mul3A_89, %add3A_2944 : i32
        %get3A_2946 = arith.index_cast %select_n3A_80 : i32 to index
        %get3A_2947 = arith.index_cast %add3A_2945 : i32 to index
        %get3A_2948 = arith.constant 16 : index
        %get3A_2949 = tpu.vector_load %arg9[%get3A_2946, %get3A_2947, %get3A_2948] {strides = array<i32>} : memref<2x32x64xf32, #tpu.memory_space<vmem>>, vector<1x1x16xf32>,
        %get3A_2950 = vector.shape_cast %get3A_2949 : vector<1x1x16xf32> to vector<16xf32>
        %add3A_2951 = arith.addf %get3A_2950, %add3A_2876 : vector<16xf32>
        %neg3A_2952 = arith.constant 0.000000e+00 : f32
        %neg3A_2953 = vector.broadcast %neg3A_2952 : f32 to vector<16xf32>
        %neg3A_2954 = arith.subf %neg3A_2953, %add3A_2951 : vector<16xf32>
        %exp3A_2955 = math.exp %neg3A_2954 : vector<16xf32>
        %add3A_2956 = arith.constant 1.000000e+00 : f32
        %add3A_2957 = vector.broadcast %add3A_2956 : f32 to vector<16xf32>
        %add3A_2958 = arith.addf %add3A_2957, %exp3A_2955 : vector<16xf32>
        %div3A_2959 = arith.divf %add3A_2951, %add3A_2958 : vector<16xf32>
        %add3A_2960 = arith.constant 14 : i32
        %add3A_2961 = arith.addi %add3A_92, %add3A_2960 : i32
        %swap3A_2962 = arith.index_cast %add3A_2961 : i32 to index
        %swap3A_2963 = arith.constant 16 : index
        %swap3A_2964 = tpu.vector_load %arg10[%swap3A_2962, %swap3A_2963] {strides = array<i32>} : memref<512x64xf32, #tpu.memory_space<vmem>>, vector<1x16xf32>,
        %swap3A_2965 = vector.shape_cast %swap3A_2964 : vector<1x16xf32> to vector<16xf32>
        %swap3A_2966 = vector.shape_cast %div3A_2959 : vector<16xf32> to vector<1x16xf32>
        tpu.vector_store %arg10[%swap3A_2962, %swap3A_2963], %swap3A_2966 {strides = array<i32>} : memref<512x64xf32, #tpu.memory_space<vmem>>, vector<1x16xf32>,
        %add3A_2967 = arith.constant 14 : i32
        %add3A_2968 = arith.addi %mul3A_89, %add3A_2967 : i32
        %get3A_2969 = arith.index_cast %select_n3A_80 : i32 to index
        %get3A_2970 = arith.index_cast %add3A_2968 : i32 to index
        %get3A_2971 = arith.constant 32 : index
        %get3A_2972 = tpu.vector_load %arg9[%get3A_2969, %get3A_2970, %get3A_2971] {strides = array<i32>} : memref<2x32x64xf32, #tpu.memory_space<vmem>>, vector<1x1x16xf32>,
        %get3A_2973 = vector.shape_cast %get3A_2972 : vector<1x1x16xf32> to vector<16xf32>
        %add3A_2974 = arith.addf %get3A_2973, %add3A_2898 : vector<16xf32>
        %neg3A_2975 = arith.constant 0.000000e+00 : f32
        %neg3A_2976 = vector.broadcast %neg3A_2975 : f32 to vector<16xf32>
        %neg3A_2977 = arith.subf %neg3A_2976, %add3A_2974 : vector<16xf32>
        %exp3A_2978 = math.exp %neg3A_2977 : vector<16xf32>
        %add3A_2979 = arith.constant 1.000000e+00 : f32
        %add3A_2980 = vector.broadcast %add3A_2979 : f32 to vector<16xf32>
        %add3A_2981 = arith.addf %add3A_2980, %exp3A_2978 : vector<16xf32>
        %div3A_2982 = arith.divf %add3A_2974, %add3A_2981 : vector<16xf32>
        %add3A_2983 = arith.constant 14 : i32
        %add3A_2984 = arith.addi %add3A_92, %add3A_2983 : i32
        %swap3A_2985 = arith.index_cast %add3A_2984 : i32 to index
        %swap3A_2986 = arith.constant 32 : index
        %swap3A_2987 = tpu.vector_load %arg10[%swap3A_2985, %swap3A_2986] {strides = array<i32>} : memref<512x64xf32, #tpu.memory_space<vmem>>, vector<1x16xf32>,
        %swap3A_2988 = vector.shape_cast %swap3A_2987 : vector<1x16xf32> to vector<16xf32>
        %swap3A_2989 = vector.shape_cast %div3A_2982 : vector<16xf32> to vector<1x16xf32>
        tpu.vector_store %arg10[%swap3A_2985, %swap3A_2986], %swap3A_2989 {strides = array<i32>} : memref<512x64xf32, #tpu.memory_space<vmem>>, vector<1x16xf32>,
        %add3A_2990 = arith.constant 14 : i32
        %add3A_2991 = arith.addi %mul3A_89, %add3A_2990 : i32
        %get3A_2992 = arith.index_cast %select_n3A_80 : i32 to index
        %get3A_2993 = arith.index_cast %add3A_2991 : i32 to index
        %get3A_2994 = arith.constant 48 : index
        %get3A_2995 = tpu.vector_load %arg9[%get3A_2992, %get3A_2993, %get3A_2994] {strides = array<i32>} : memref<2x32x64xf32, #tpu.memory_space<vmem>>, vector<1x1x16xf32>,
        %get3A_2996 = vector.shape_cast %get3A_2995 : vector<1x1x16xf32> to vector<16xf32>
        %add3A_2997 = arith.addf %get3A_2996, %add3A_2920 : vector<16xf32>
        %neg3A_2998 = arith.constant 0.000000e+00 : f32
        %neg3A_2999 = vector.broadcast %neg3A_2998 : f32 to vector<16xf32>
        %neg3A_3000 = arith.subf %neg3A_2999, %add3A_2997 : vector<16xf32>
        %exp3A_3001 = math.exp %neg3A_3000 : vector<16xf32>
        %add3A_3002 = arith.constant 1.000000e+00 : f32
        %add3A_3003 = vector.broadcast %add3A_3002 : f32 to vector<16xf32>
        %add3A_3004 = arith.addf %add3A_3003, %exp3A_3001 : vector<16xf32>
        %div3A_3005 = arith.divf %add3A_2997, %add3A_3004 : vector<16xf32>
        %add3A_3006 = arith.constant 14 : i32
        %add3A_3007 = arith.addi %add3A_92, %add3A_3006 : i32
        %swap3A_3008 = arith.index_cast %add3A_3007 : i32 to index
        %swap3A_3009 = arith.constant 48 : index
        %swap3A_3010 = tpu.vector_load %arg10[%swap3A_3008, %swap3A_3009] {strides = array<i32>} : memref<512x64xf32, #tpu.memory_space<vmem>>, vector<1x16xf32>,
        %swap3A_3011 = vector.shape_cast %swap3A_3010 : vector<1x16xf32> to vector<16xf32>
        %swap3A_3012 = vector.shape_cast %div3A_3005 : vector<16xf32> to vector<1x16xf32>
        tpu.vector_store %arg10[%swap3A_3008, %swap3A_3009], %swap3A_3012 {strides = array<i32>} : memref<512x64xf32, #tpu.memory_space<vmem>>, vector<1x16xf32>,
        %slice3A_3013 = vector.extract_strided_slice %get3A_95 {offsets = [15], sizes = [1], strides = [1]} : vector<16xf32> to vector<1xf32>
        %squeeze3A_3014 = vector.extract %slice3A_3013[0] : f32 from vector<1xf32>
        %broadcast_in_dim3A_3015 = vector.broadcast %squeeze3A_3014 : f32 to vector<16xf32>
        %mul3A_3016 = arith.mulf %broadcast_in_dim3A_3015, %get3A_4 : vector<16xf32>
        %mul3A_3017 = arith.mulf %broadcast_in_dim3A_3015, %get3A_7 : vector<16xf32>
        %add3A_3018 = arith.constant 3.14159274 : f32
        %add3A_3019 = vector.broadcast %add3A_3018 : f32 to vector<16xf32>
        %add3A_3020 = arith.addf %mul3A_3016, %add3A_3019 : vector<16xf32>
        %rem3A_3021 = arith.constant 6.28318548 : f32
        %rem3A_3022 = vector.broadcast %rem3A_3021 : f32 to vector<16xf32>
        %rem3A_3023 = arith.remf %add3A_3020, %rem3A_3022 : vector<16xf32>
        %sub3A_3024 = arith.constant 3.14159274 : f32
        %sub3A_3025 = vector.broadcast %sub3A_3024 : f32 to vector<16xf32>
        %sub3A_3026 = arith.subf %rem3A_3023, %sub3A_3025 : vector<16xf32>
        %add3A_3027 = arith.constant 3.14159274 : f32
        %add3A_3028 = vector.broadcast %add3A_3027 : f32 to vector<16xf32>
        %add3A_3029 = arith.addf %mul3A_3017, %add3A_3028 : vector<16xf32>
        %rem3A_3030 = arith.constant 6.28318548 : f32
        %rem3A_3031 = vector.broadcast %rem3A_3030 : f32 to vector<16xf32>
        %rem3A_3032 = arith.remf %add3A_3029, %rem3A_3031 : vector<16xf32>
        %sub3A_3033 = arith.constant 3.14159274 : f32
        %sub3A_3034 = vector.broadcast %sub3A_3033 : f32 to vector<16xf32>
        %sub3A_3035 = arith.subf %rem3A_3032, %sub3A_3034 : vector<16xf32>
        %mul3A_3036 = arith.mulf %sub3A_3026, %sub3A_3026 : vector<16xf32>
        %mul3A_3037 = arith.mulf %sub3A_3035, %sub3A_3035 : vector<16xf32>
        %mul3A_3038 = arith.constant 2.17778847E-6 : f32
        %mul3A_3039 = vector.broadcast %mul3A_3038 : f32 to vector<16xf32>
        %mul3A_3040 = arith.mulf %mul3A_3039, %mul3A_3036 : vector<16xf32>
        %add3A_3041 = arith.constant -1.93373271E-4 : f32
        %add3A_3042 = vector.broadcast %add3A_3041 : f32 to vector<16xf32>
        %add3A_3043 = arith.addf %mul3A_3040, %add3A_3042 : vector<16xf32>
        %mul3A_3044 = arith.mulf %add3A_3043, %mul3A_3036 : vector<16xf32>
        %add3A_3045 = arith.constant 0.00831502489 : f32
        %add3A_3046 = vector.broadcast %add3A_3045 : f32 to vector<16xf32>
        %add3A_3047 = arith.addf %mul3A_3044, %add3A_3046 : vector<16xf32>
        %mul3A_3048 = arith.mulf %add3A_3047, %mul3A_3036 : vector<16xf32>
        %add3A_3049 = arith.constant -0.166644335 : f32
        %add3A_3050 = vector.broadcast %add3A_3049 : f32 to vector<16xf32>
        %add3A_3051 = arith.addf %mul3A_3048, %add3A_3050 : vector<16xf32>
        %mul3A_3052 = arith.constant 2.17778847E-6 : f32
        %mul3A_3053 = vector.broadcast %mul3A_3052 : f32 to vector<16xf32>
        %mul3A_3054 = arith.mulf %mul3A_3053, %mul3A_3037 : vector<16xf32>
        %add3A_3055 = arith.constant -1.93373271E-4 : f32
        %add3A_3056 = vector.broadcast %add3A_3055 : f32 to vector<16xf32>
        %add3A_3057 = arith.addf %mul3A_3054, %add3A_3056 : vector<16xf32>
        %mul3A_3058 = arith.mulf %add3A_3057, %mul3A_3037 : vector<16xf32>
        %add3A_3059 = arith.constant 0.00831502489 : f32
        %add3A_3060 = vector.broadcast %add3A_3059 : f32 to vector<16xf32>
        %add3A_3061 = arith.addf %mul3A_3058, %add3A_3060 : vector<16xf32>
        %mul3A_3062 = arith.mulf %add3A_3061, %mul3A_3037 : vector<16xf32>
        %add3A_3063 = arith.constant -0.166644335 : f32
        %add3A_3064 = vector.broadcast %add3A_3063 : f32 to vector<16xf32>
        %add3A_3065 = arith.addf %mul3A_3062, %add3A_3064 : vector<16xf32>
        %mul3A_3066 = arith.mulf %sub3A_3026, %mul3A_3036 : vector<16xf32>
        %mul3A_3067 = arith.mulf %mul3A_3066, %add3A_3051 : vector<16xf32>
        %add3A_3068 = arith.addf %sub3A_3026, %mul3A_3067 : vector<16xf32>
        %mul3A_3069 = arith.mulf %sub3A_3035, %mul3A_3037 : vector<16xf32>
        %mul3A_3070 = arith.mulf %mul3A_3069, %add3A_3065 : vector<16xf32>
        %add3A_3071 = arith.addf %sub3A_3035, %mul3A_3070 : vector<16xf32>
        %mul3A_3072 = arith.constant -2.19729642E-7 : f32
        %mul3A_3073 = vector.broadcast %mul3A_3072 : f32 to vector<16xf32>
        %mul3A_3074 = arith.mulf %mul3A_3036, %mul3A_3073 : vector<16xf32>
        %add3A_3075 = arith.constant 2.42029419E-5 : f32
        %add3A_3076 = vector.broadcast %add3A_3075 : f32 to vector<16xf32>
        %add3A_3077 = arith.addf %add3A_3076, %mul3A_3074 : vector<16xf32>
        %mul3A_3078 = arith.mulf %mul3A_3036, %add3A_3077 : vector<16xf32>
        %add3A_3079 = arith.constant -0.001385879 : f32
        %add3A_3080 = vector.broadcast %add3A_3079 : f32 to vector<16xf32>
        %add3A_3081 = arith.addf %add3A_3080, %mul3A_3078 : vector<16xf32>
        %mul3A_3082 = arith.mulf %mul3A_3036, %add3A_3081 : vector<16xf32>
        %add3A_3083 = arith.constant 0.0416597761 : f32
        %add3A_3084 = vector.broadcast %add3A_3083 : f32 to vector<16xf32>
        %add3A_3085 = arith.addf %add3A_3084, %mul3A_3082 : vector<16xf32>
        %mul3A_3086 = arith.mulf %mul3A_3036, %add3A_3085 : vector<16xf32>
        %add3A_3087 = arith.constant -0.499994218 : f32
        %add3A_3088 = vector.broadcast %add3A_3087 : f32 to vector<16xf32>
        %add3A_3089 = arith.addf %add3A_3088, %mul3A_3086 : vector<16xf32>
        %mul3A_3090 = arith.mulf %mul3A_3036, %add3A_3089 : vector<16xf32>
        %add3A_3091 = arith.constant 0.999999225 : f32
        %add3A_3092 = vector.broadcast %add3A_3091 : f32 to vector<16xf32>
        %add3A_3093 = arith.addf %add3A_3092, %mul3A_3090 : vector<16xf32>
        %mul3A_3094 = arith.constant -2.19729642E-7 : f32
        %mul3A_3095 = vector.broadcast %mul3A_3094 : f32 to vector<16xf32>
        %mul3A_3096 = arith.mulf %mul3A_3037, %mul3A_3095 : vector<16xf32>
        %add3A_3097 = arith.constant 2.42029419E-5 : f32
        %add3A_3098 = vector.broadcast %add3A_3097 : f32 to vector<16xf32>
        %add3A_3099 = arith.addf %add3A_3098, %mul3A_3096 : vector<16xf32>
        %mul3A_3100 = arith.mulf %mul3A_3037, %add3A_3099 : vector<16xf32>
        %add3A_3101 = arith.constant -0.001385879 : f32
        %add3A_3102 = vector.broadcast %add3A_3101 : f32 to vector<16xf32>
        %add3A_3103 = arith.addf %add3A_3102, %mul3A_3100 : vector<16xf32>
        %mul3A_3104 = arith.mulf %mul3A_3037, %add3A_3103 : vector<16xf32>
        %add3A_3105 = arith.constant 0.0416597761 : f32
        %add3A_3106 = vector.broadcast %add3A_3105 : f32 to vector<16xf32>
        %add3A_3107 = arith.addf %add3A_3106, %mul3A_3104 : vector<16xf32>
        %mul3A_3108 = arith.mulf %mul3A_3037, %add3A_3107 : vector<16xf32>
        %add3A_3109 = arith.constant -0.499994218 : f32
        %add3A_3110 = vector.broadcast %add3A_3109 : f32 to vector<16xf32>
        %add3A_3111 = arith.addf %add3A_3110, %mul3A_3108 : vector<16xf32>
        %mul3A_3112 = arith.mulf %mul3A_3037, %add3A_3111 : vector<16xf32>
        %add3A_3113 = arith.constant 0.999999225 : f32
        %add3A_3114 = vector.broadcast %add3A_3113 : f32 to vector<16xf32>
        %add3A_3115 = arith.addf %add3A_3114, %mul3A_3112 : vector<16xf32>
        %add3A_3116 = arith.constant 15 : i32
        %add3A_3117 = arith.addi %mul3A_89, %add3A_3116 : i32
        %get3A_3118 = arith.index_cast %select_n3A_80 : i32 to index
        %get3A_3119 = arith.index_cast %add3A_3117 : i32 to index
        %get3A_3120 = arith.constant 0 : index
        %get3A_3121 = tpu.vector_load %arg9[%get3A_3118, %get3A_3119, %get3A_3120] {strides = array<i32>} : memref<2x32x64xf32, #tpu.memory_space<vmem>>, vector<1x1x16xf32>,
        %get3A_3122 = vector.shape_cast %get3A_3121 : vector<1x1x16xf32> to vector<16xf32>
        %add3A_3123 = arith.addf %get3A_3122, %add3A_3068 : vector<16xf32>
        %neg3A_3124 = arith.constant 0.000000e+00 : f32
        %neg3A_3125 = vector.broadcast %neg3A_3124 : f32 to vector<16xf32>
        %neg3A_3126 = arith.subf %neg3A_3125, %add3A_3123 : vector<16xf32>
        %exp3A_3127 = math.exp %neg3A_3126 : vector<16xf32>
        %add3A_3128 = arith.constant 1.000000e+00 : f32
        %add3A_3129 = vector.broadcast %add3A_3128 : f32 to vector<16xf32>
        %add3A_3130 = arith.addf %add3A_3129, %exp3A_3127 : vector<16xf32>
        %div3A_3131 = arith.divf %add3A_3123, %add3A_3130 : vector<16xf32>
        %add3A_3132 = arith.constant 15 : i32
        %add3A_3133 = arith.addi %add3A_92, %add3A_3132 : i32
        %swap3A_3134 = arith.index_cast %add3A_3133 : i32 to index
        %swap3A_3135 = arith.constant 0 : index
        %swap3A_3136 = tpu.vector_load %arg10[%swap3A_3134, %swap3A_3135] {strides = array<i32>} : memref<512x64xf32, #tpu.memory_space<vmem>>, vector<1x16xf32>,
        %swap3A_3137 = vector.shape_cast %swap3A_3136 : vector<1x16xf32> to vector<16xf32>
        %swap3A_3138 = vector.shape_cast %div3A_3131 : vector<16xf32> to vector<1x16xf32>
        tpu.vector_store %arg10[%swap3A_3134, %swap3A_3135], %swap3A_3138 {strides = array<i32>} : memref<512x64xf32, #tpu.memory_space<vmem>>, vector<1x16xf32>,
        %add3A_3139 = arith.constant 15 : i32
        %add3A_3140 = arith.addi %mul3A_89, %add3A_3139 : i32
        %get3A_3141 = arith.index_cast %select_n3A_80 : i32 to index
        %get3A_3142 = arith.index_cast %add3A_3140 : i32 to index
        %get3A_3143 = arith.constant 16 : index
        %get3A_3144 = tpu.vector_load %arg9[%get3A_3141, %get3A_3142, %get3A_3143] {strides = array<i32>} : memref<2x32x64xf32, #tpu.memory_space<vmem>>, vector<1x1x16xf32>,
        %get3A_3145 = vector.shape_cast %get3A_3144 : vector<1x1x16xf32> to vector<16xf32>
        %add3A_3146 = arith.addf %get3A_3145, %add3A_3071 : vector<16xf32>
        %neg3A_3147 = arith.constant 0.000000e+00 : f32
        %neg3A_3148 = vector.broadcast %neg3A_3147 : f32 to vector<16xf32>
        %neg3A_3149 = arith.subf %neg3A_3148, %add3A_3146 : vector<16xf32>
        %exp3A_3150 = math.exp %neg3A_3149 : vector<16xf32>
        %add3A_3151 = arith.constant 1.000000e+00 : f32
        %add3A_3152 = vector.broadcast %add3A_3151 : f32 to vector<16xf32>
        %add3A_3153 = arith.addf %add3A_3152, %exp3A_3150 : vector<16xf32>
        %div3A_3154 = arith.divf %add3A_3146, %add3A_3153 : vector<16xf32>
        %add3A_3155 = arith.constant 15 : i32
        %add3A_3156 = arith.addi %add3A_92, %add3A_3155 : i32
        %swap3A_3157 = arith.index_cast %add3A_3156 : i32 to index
        %swap3A_3158 = arith.constant 16 : index
        %swap3A_3159 = tpu.vector_load %arg10[%swap3A_3157, %swap3A_3158] {strides = array<i32>} : memref<512x64xf32, #tpu.memory_space<vmem>>, vector<1x16xf32>,
        %swap3A_3160 = vector.shape_cast %swap3A_3159 : vector<1x16xf32> to vector<16xf32>
        %swap3A_3161 = vector.shape_cast %div3A_3154 : vector<16xf32> to vector<1x16xf32>
        tpu.vector_store %arg10[%swap3A_3157, %swap3A_3158], %swap3A_3161 {strides = array<i32>} : memref<512x64xf32, #tpu.memory_space<vmem>>, vector<1x16xf32>,
        %add3A_3162 = arith.constant 15 : i32
        %add3A_3163 = arith.addi %mul3A_89, %add3A_3162 : i32
        %get3A_3164 = arith.index_cast %select_n3A_80 : i32 to index
        %get3A_3165 = arith.index_cast %add3A_3163 : i32 to index
        %get3A_3166 = arith.constant 32 : index
        %get3A_3167 = tpu.vector_load %arg9[%get3A_3164, %get3A_3165, %get3A_3166] {strides = array<i32>} : memref<2x32x64xf32, #tpu.memory_space<vmem>>, vector<1x1x16xf32>,
        %get3A_3168 = vector.shape_cast %get3A_3167 : vector<1x1x16xf32> to vector<16xf32>
        %add3A_3169 = arith.addf %get3A_3168, %add3A_3093 : vector<16xf32>
        %neg3A_3170 = arith.constant 0.000000e+00 : f32
        %neg3A_3171 = vector.broadcast %neg3A_3170 : f32 to vector<16xf32>
        %neg3A_3172 = arith.subf %neg3A_3171, %add3A_3169 : vector<16xf32>
        %exp3A_3173 = math.exp %neg3A_3172 : vector<16xf32>
        %add3A_3174 = arith.constant 1.000000e+00 : f32
        %add3A_3175 = vector.broadcast %add3A_3174 : f32 to vector<16xf32>
        %add3A_3176 = arith.addf %add3A_3175, %exp3A_3173 : vector<16xf32>
        %div3A_3177 = arith.divf %add3A_3169, %add3A_3176 : vector<16xf32>
        %add3A_3178 = arith.constant 15 : i32
        %add3A_3179 = arith.addi %add3A_92, %add3A_3178 : i32
        %swap3A_3180 = arith.index_cast %add3A_3179 : i32 to index
        %swap3A_3181 = arith.constant 32 : index
        %swap3A_3182 = tpu.vector_load %arg10[%swap3A_3180, %swap3A_3181] {strides = array<i32>} : memref<512x64xf32, #tpu.memory_space<vmem>>, vector<1x16xf32>,
        %swap3A_3183 = vector.shape_cast %swap3A_3182 : vector<1x16xf32> to vector<16xf32>
        %swap3A_3184 = vector.shape_cast %div3A_3177 : vector<16xf32> to vector<1x16xf32>
        tpu.vector_store %arg10[%swap3A_3180, %swap3A_3181], %swap3A_3184 {strides = array<i32>} : memref<512x64xf32, #tpu.memory_space<vmem>>, vector<1x16xf32>,
        %add3A_3185 = arith.constant 15 : i32
        %add3A_3186 = arith.addi %mul3A_89, %add3A_3185 : i32
        %get3A_3187 = arith.index_cast %select_n3A_80 : i32 to index
        %get3A_3188 = arith.index_cast %add3A_3186 : i32 to index
        %get3A_3189 = arith.constant 48 : index
        %get3A_3190 = tpu.vector_load %arg9[%get3A_3187, %get3A_3188, %get3A_3189] {strides = array<i32>} : memref<2x32x64xf32, #tpu.memory_space<vmem>>, vector<1x1x16xf32>,
        %get3A_3191 = vector.shape_cast %get3A_3190 : vector<1x1x16xf32> to vector<16xf32>
        %add3A_3192 = arith.addf %get3A_3191, %add3A_3115 : vector<16xf32>
        %neg3A_3193 = arith.constant 0.000000e+00 : f32
        %neg3A_3194 = vector.broadcast %neg3A_3193 : f32 to vector<16xf32>
        %neg3A_3195 = arith.subf %neg3A_3194, %add3A_3192 : vector<16xf32>
        %exp3A_3196 = math.exp %neg3A_3195 : vector<16xf32>
        %add3A_3197 = arith.constant 1.000000e+00 : f32
        %add3A_3198 = vector.broadcast %add3A_3197 : f32 to vector<16xf32>
        %add3A_3199 = arith.addf %add3A_3198, %exp3A_3196 : vector<16xf32>
        %div3A_3200 = arith.divf %add3A_3192, %add3A_3199 : vector<16xf32>
        %add3A_3201 = arith.constant 15 : i32
        %add3A_3202 = arith.addi %add3A_92, %add3A_3201 : i32
        %swap3A_3203 = arith.index_cast %add3A_3202 : i32 to index
        %swap3A_3204 = arith.constant 48 : index
        %swap3A_3205 = tpu.vector_load %arg10[%swap3A_3203, %swap3A_3204] {strides = array<i32>} : memref<512x64xf32, #tpu.memory_space<vmem>>, vector<1x16xf32>,
        %swap3A_3206 = vector.shape_cast %swap3A_3205 : vector<1x16xf32> to vector<16xf32>
        %swap3A_3207 = vector.shape_cast %div3A_3200 : vector<16xf32> to vector<1x16xf32>
        tpu.vector_store %arg10[%swap3A_3203, %swap3A_3204], %swap3A_3207 {strides = array<i32>} : memref<512x64xf32, #tpu.memory_space<vmem>>, vector<1x16xf32>,
      }
      %scan3A_86 = arith.constant 2 : i32
    }
    %scan3A_18 = arith.constant 16 : i32
    "tpu.region"() ({
      %run_scoped3A = tpu.sem_alloc : memref<!tpu.dma_semaphore, #tpu.memory_space<semaphore_mem>>
      %dma_start3A = arith.constant 0 : i32
      %dma_start3A_19 = tpu.memref_slice %arg6[%mul3A_2, %dma_start3A] : memref<16384x64xf32, #tpu.memory_space<hbm>> -> memref<512x64xf32, #tpu.memory_space<hbm>>
      %dma_start3A_20 = arith.constant 0 : i32
      %dma_start3A_21 = tpu.memref_slice %arg6[%mul3A_2, %dma_start3A_20] : memref<16384x64xf32, #tpu.memory_space<hbm>> -> memref<512x64xf32, #tpu.memory_space<hbm>>
      tpu.enqueue_dma source(%arg10 : memref<512x64xf32, #tpu.memory_space<vmem>>) target(%dma_start3A_21 : memref<512x64xf32, #tpu.memory_space<hbm>>) target_semaphore(%run_scoped3A : memref<!tpu.dma_semaphore, #tpu.memory_space<semaphore_mem>>)
      %dma_wait3A = arith.constant 0 : i32
      %dma_wait3A_22 = tpu.memref_slice %arg6[%mul3A_2, %dma_wait3A] : memref<16384x64xf32, #tpu.memory_space<hbm>> -> memref<512x64xf32, #tpu.memory_space<hbm>>
      %dma_wait3A_23 = arith.constant 0 : i32
      %dma_wait3A_24 = tpu.memref_slice %arg6[%mul3A_2, %dma_wait3A_23] : memref<16384x64xf32, #tpu.memory_space<hbm>> -> memref<512x64xf32, #tpu.memory_space<hbm>>
      tpu.wait_dma2 semaphore(%run_scoped3A : memref<!tpu.dma_semaphore, #tpu.memory_space<semaphore_mem>>) src(%arg10 : memref<512x64xf32, #tpu.memory_space<vmem>>) dst(%dma_wait3A_24 : memref<512x64xf32, #tpu.memory_space<hbm>>)
      tpu.yield
    }) : () -> ()
    return
  }
}

</mosaic_0001>

<sc_bundles>
// kernel: kernel.3.cloned.1.call-start
scs
__scs_entry_jumppad:
0x0: {  	(pc) =	sbr.rel $0x88, $3  }
0x1: {  	(tag) =	ssettag $0x0;
	lr =	simm.s32 $0x1  }
0x2: {  	[smem:$0x3F9E] =	sst lr;
	_ =	strace $0xD0000000  }
0x3: {  	_ = 	snop  }
0x4: {  	_ = 	snop  }
0x5: {  	_ = 	snop  }
0x6: {  	_ = 	snop  }
0x7: {  	_ = 	snop  }
__scs_overlays_trampoline_lowered:
0x8: {  	[smem:$0x3FAD] =	sst s0  }
0x9: {  	[smem:$0x3FAE] =	sst s1  }
0xa: {  	[smem:$0x3FAF] =	sst s2  }
0xb: {  	[smem:$0x3FB0] =	sst s3  }
0xc: {  	[smem:$0x3FB1] =	sst s4  }
0xd: {  	[smem:$0x3FB2] =	sst s5  }
0xe: {  	[smem:$0x3FB3] =	sst s6  }
0xf: {  	[smem:$0x3FB4] =	sst s7  }
0x10: {  	[smem:$0x3FB5] =	sst s8  }
0x11: {  	[smem:$0x3FB6] =	sst s9;
	s0 =	simm.s32 @!p0 $0x0  }
0x12: {  	s1 =	sld [smem:$0x3F9C];
	s0 =	simm.s32 @p0 $0x1  }
0x13: {  	[smem:$0x3FB7] =	sst s0;
	s0 =	simm.s32 @!p1 $0x0  }
0x14: {  	s2 =	sld [smem:$0x3F9B];
	s0 =	simm.s32 @p1 $0x1  }
0x15: {  	[smem:$0x3FB8] =	sst s0;
	s0 =	simm.s32 @!p2 $0x0  }
0x16: {  	s3 =	sld [smem:$0x3FDB];
	s0 =	simm.s32 @p2 $0x1  }
0x17: {  	s4 =	simm.s32 $0x1BF5;
	[smem:$0x3FBA] =	sst s0  }
0x18: {  	s0 =	sld [smem:$0x3F9D];
	_ =	swait.ge [sflag:s4], $0x0  }
0x19: {  	s7 =	sld [smem:$0x3F9E]  }
0x1a: {  	s8 =	sadd.s32 $0xFFFFE003, lr  }
0x1b: {  	s9 =	sadd.s32 $0xFFFFFEF7, lr;
	s5 =	simm.s32 $0xFFFFFFFF;
	p2 =	slt.u32 s8, $0xFFFFF086  }
0x1c: {  	p1 =	slt.u32 s9, $0xF7A;
	s5 =	simm.s32 @!p2 $0x0  }
0x1d: {  	s5 =	simm.s32 @p1 $0x1;
	p0 =	seq.s32 s7, s2  }
0x1e: {  	s7 =	smul.u32 @!p0 $0xF7A, s2;
	p2 =	seq.s32 @!p0 s5, $0x0  }
0x1f: {  	s9 =	smul.u32 $0xF7A, s1;
	s8 =	simm.s32 @!p0 $0x1BF5;
	p2 =	por !p2, p0  }
0x20: {  	[sflag:s8] =	ssyncset.s32 @!p0 $0xFFFFF086;
	s6 =	sadd.s32 @!p0 s3, s7;
	s7 =	simm.s32 @!p0 $0x108  }
0x21: {  	s3 =	sadd.s32 s3, s9;
	s6 =	sadd.s32 @!p0 $0x88, s6;
	s7 =	simm.s32 @p2 $0x1082  }
0x22: {  	[simem:s7], [sflag:s8] =	dma.local @!p0 [hbm:s6], $0xF7A  }
0x23: {  	s9 =	sor.u32 $0xD0000000, s2;
	s6 =	simm.s32 $0x108;
	_ =	swait.ge @!p0 [sflag:s8], $0x0  }
0x24: {  	s3 =	sadd.s32 $0x88, s3;
	s6 =	simm.s32 @!p1 $0x1082;
	[sflag:s4] =	ssyncset.s32 $0xFFFFF086  }
0x25: {  	[simem:s6], [sflag:s4] =	dma.local [hbm:s3], $0xF7A  }
0x26: {  	[smem:$0x3F9E] =	sst s1;
	(tag) =	ssettag s2;
	_ =	strace s9  }
0x27: {  	s1 =	sld [smem:$0x3FAE]  }
0x28: {  	s2 =	sld [smem:$0x3FAF]  }
0x29: {  	s4 =	sld [smem:$0x3FB1]  }
0x2a: {  	p0 =	seq.s32 s5, $0x0;
	s5 =	sld [smem:$0x3FB2]  }
0x2b: {  	s6 =	sld [smem:$0x3FB3]  }
0x2c: {  	s7 =	sld [smem:$0x3FB4]  }
0x2d: {  	s3 =	simm.s32 $0x108;
	s8 =	sld [smem:$0x3FB5]  }
0x2e: {  	s3 =	simm.s32 @!p0 $0x1082;
	s9 =	sld [smem:$0x3FB6]  }
0x2f: {  	lr =	sadd.s32 s0, s3;
	s0 =	sld [smem:$0x3FAD]  }
0x30: {  	s3 =	sld [smem:$0x3FB0]  }
0x31: {  	[smem:$0x3FB9] =	sst s10  }
0x32: {  	s10 =	sld [smem:$0x3FB7];
	_ =	sdelay $0x3  }
0x33: {  	p0 =	seq.s32 s10, $0x1;
	s10 =	sld [smem:$0x3FB9];
	_ =	sdelay $0x3  }
0x34: {  	[smem:$0x3FB9] =	sst s10  }
0x35: {  	s10 =	sld [smem:$0x3FB8];
	_ =	sdelay $0x3  }
0x36: {  	p1 =	seq.s32 s10, $0x1;
	s10 =	sld [smem:$0x3FB9];
	_ =	sdelay $0x3  }
0x37: {  	[smem:$0x3FB9] =	sst s10  }
0x38: {  	s10 =	sld [smem:$0x3FBA]  }
0x39: {  	_ = 	snop;
	(pc) =	sbr.ind lr, $3  }
0x3a: {  	_ = 	snop  }
0x3b: {  	_ = 	snop  }
0x3c: {  	p2 =	seq.s32 s10, $0x1;
	s10 =	sld [smem:$0x3FB9]  }
0x3d: {  	_ =	shalt  }
0x3e: {  	_ =	shalt  }
0x3f: {  	_ =	shalt  }
0x40: {  	_ =	shalt  }
0x41: {  	_ =	shalt  }
0x42: {  	_ =	shalt  }
0x43: {  	_ =	shalt  }
0x44: {  	_ =	shalt  }
0x45: {  	_ =	shalt  }
0x46: {  	_ =	shalt  }
0x47: {  	_ =	shalt  }
0x48: {  	_ =	shalt  }
0x49: {  	_ =	shalt  }
0x4a: {  	_ =	shalt  }
0x4b: {  	_ =	shalt  }
0x4c: {  	_ =	shalt  }
0x4d: {  	_ =	shalt  }
0x4e: {  	_ =	shalt  }
0x4f: {  	_ =	shalt  }
0x50: {  	_ =	shalt  }
0x51: {  	_ =	shalt  }
0x52: {  	_ =	shalt  }
0x53: {  	_ =	shalt  }
0x54: {  	_ =	shalt  }
0x55: {  	_ =	shalt  }
0x56: {  	_ =	shalt  }
0x57: {  	_ =	shalt  }
0x58: {  	_ =	shalt  }
0x59: {  	_ =	shalt  }
0x5a: {  	_ =	shalt  }
0x5b: {  	_ =	shalt  }
0x5c: {  	_ =	shalt  }
0x5d: {  	_ =	shalt  }
0x5e: {  	_ =	shalt  }
0x5f: {  	_ =	shalt  }
0x60: {  	_ =	shalt  }
0x61: {  	_ =	shalt  }
0x62: {  	_ =	shalt  }
0x63: {  	_ =	shalt  }
0x64: {  	_ =	shalt  }
0x65: {  	_ =	shalt  }
0x66: {  	_ =	shalt  }
0x67: {  	_ =	shalt  }
0x68: {  	_ =	shalt  }
0x69: {  	_ =	shalt  }
0x6a: {  	_ =	shalt  }
0x6b: {  	_ =	shalt  }
0x6c: {  	_ =	shalt  }
0x6d: {  	_ =	shalt  }
0x6e: {  	_ =	shalt  }
0x6f: {  	_ =	shalt  }
0x70: {  	_ =	shalt  }
0x71: {  	_ =	shalt  }
0x72: {  	_ =	shalt  }
0x73: {  	_ =	shalt  }
0x74: {  	_ =	shalt  }
0x75: {  	_ =	shalt  }
0x76: {  	_ =	shalt  }
0x77: {  	_ =	shalt  }
0x78: {  	_ =	shalt  }
0x79: {  	_ =	shalt  }
0x7a: {  	_ =	shalt  }
0x7b: {  	_ =	shalt  }
0x7c: {  	_ =	shalt  }
0x7d: {  	_ =	shalt  }
0x7e: {  	_ =	shalt  }
0x7f: {  	_ =	shalt  }
0x80: {  	_ =	shalt  }
0x81: {  	_ =	shalt  }
0x82: {  	_ =	shalt  }
0x83: {  	_ =	shalt  }
0x84: {  	_ =	shalt  }
0x85: {  	_ =	shalt  }
0x86: {  	_ =	shalt  }
0x87: {  	_ =	shalt  }
.Lfunc_end0:
.L_simem_size_0:
called_computation_lowered:
.L_overlay_start_0:
0x88: {  	s2 =	sld [smem:$0x3FD9]  }
0x89: {  	s3 =	sld [smem:$0x3FFE];
	_ =	sdelay $0x1  }
0x8a: {  	s1 =	srdreg.scid  }
0x8b: {  	s0 =	sand.u32 $0x1, s1  }
0x8c: {  	s17 =	sshll.u32 s0, $0xA;
	s2 =	sadd.s32 s3, s2  }
0x8d: {  	s2 =	sadd.s32 s2, s17  }
0x8e: {  	[smem:$0x3FC5] =	sst s2  }
0x8f: {  	_ = 	snop  }
0x90: {  	s2 =	sld [smem:$0x3FC9]  }
0x91: {  	s18 =	sld [smem:$0x3FC8]  }
0x92: {  	s4 =	sld [smem:$0x3FD0];
	(tm) =	ssettm $0x1  }
0x93: {  	s5 =	sld [smem:$0x3FFB];
	_ =	sdelay $0x3  }
0x94: {  	_ =	strace s5  }
0x95: {  	s5 =	sld [smem:$0x3FFC];
	_ =	sdelay $0x3  }
0x96: {  	_ =	strace s5  }
0x97: {  	s5 =	sld [smem:$0x3FFD];
	_ =	sdelay $0x3  }
0x98: {  	_ =	strace s5  }
0x99: {  	_ =	strace $0x8FFFFFFF  }
0x9a: {  	s19 =	sld [smem:$0x3FDB];
	_ =	sdelay $0x1  }
0x9b: {  	s6 =	simm.s32 $_scs_section_size  }
0x9c: {  	s7 =	simm.s32 $_size__tile_overlayer_lowered;
	s8 =	simm.s32 $_tile_overlayer_lowered  }
0x9d: {  	s22 =	simm.s32 $0x1BFF;
	s21 =	sshll.u32 s8, $0x1;
	s5 =	sadd.s32 s6, s19  }
0x9e: {  	s9 =	simm.s32 $0x0;
	s20 =	sshll.u32 s7, $0x1;
	s7 =	sadd.s32 s21, s5  }
0x9f: {  	[timem:s9], [sflag:s22] =	dma.local [hbm:s7], s20  }
0xa0: {  	_ =	swait.ge [sflag:s22], s20  }
0xa1: {  	s6 =	ssub.s32 $0x0, s20;
	[sflag:s22] =	ssyncset.done $0x0  }
0xa2: {  	[sflag:s22] =	ssyncadd.s32 s6;
	_ =	sdelay $0x1  }
0xa3: {  	s23 =	simm.s32 $0x1B8B  }
0xa4: {  	_ =	swait.ge [sflag:s23], $0x1  }
0xa5: {  	[sflag:s23] =	ssyncset.done $0x0  }
0xa6: {  	s25 =	simm.s32 $0x1B8E;
	s24 =	sld [smem:$0x3FFE];
	[sflag:s23] =	ssyncadd.s32 $0xFFFFFFFF  }
0xa7: {  	s26 =	simm.s32 $execute0_lowered;
	[smem:$0x3FD2] =	sst s25  }
0xa8: {  	s7 =	sshll.u32 s26, $0x1;
	_ =	strace $0x80000046;
	[dreg:$0x1] =	wrdreg $0xFFFFFFFF  }
0xa9: {  	s28 =	simm.s32 $_size_execute0_lowered;
	s5 =	sadd.s32 s5, s7;
	[dreg:$0x0] =	wrdreg $0x0  }
0xaa: {  	s7 =	sshll.u32 s28, $0x1;
	[dreg:$0x2] =	wrdreg s5  }
0xab: {  	[dreg:$0x3] =	wrdreg s7  }
0xac: {  	[dreg:$0x4] =	wrdreg $0xC0  }
0xad: {  	_ =	task [dreg:s9], $0x5FFFF  }
0xae: {  	[dreg:$0x1] =	wrdreg $0xFFFFFFFF  }
0xaf: {  	[dreg:$0x0] =	wrdreg $0x60  }
0xb0: {  	[dreg:$0x2] =	wrdreg s2  }
0xb1: {  	[dreg:$0x3] =	wrdreg s18  }
0xb2: {  	[dreg:$0x4] =	wrdreg s24  }
0xb3: {  	[dreg:$0x5] =	wrdreg s4  }
0xb4: {  	[dreg:$0x6] =	wrdreg $0x9  }
0xb5: {  	_ =	task.clear_ibuf [dreg:s9], $0x7FFFF;
	_ =	strace $0x90000046  }
0xb6: {  	s29 =	simm.s32 $0x9;
	_ =	strace $0x80000048  }
0xb7: {  	_ =	swait.ge [sflag:s29], $0x1  }
0xb8: {  	[sflag:s29] =	ssyncadd.s32 $0xFFFFFFFF  }
0xb9: {  	_ =	strace $0x90000048  }
0xba: {  	_ =	sfence  }
0xbb: {  	s30 =	sld [smem:$0x0];
	_ =	sdelay $0x2  }
0xbc: {  	s31 =	sshll.u32 s1, $0xD;
	s1 =	sshrl.u32 s1, $0x2  }
0xbd: {  	s3 =	sand.u32 $0x4000, s31;
	s1 =	sadd.s32 s1, s30  }
0xbe: {  	s0 =	sor.u32 s3, s0;
	s1 =	sshll.u32 s1, $0x11  }
0xbf: {  	s0 =	sor.u32 s1, s0  }
0xc0: {  	s0 =	sadd.s32 $0x8F2B, s0  }
0xc1: {  	[sflag:s0] =	ssyncadd.remote.s32 $0x1  }
0xc2: {  	_ =	sfence.sel $0xFFFF  }
0xc3: {  	[dreg:$0x0] =	wrdreg $0xFFFFFFFF;
	(pc) =	sbr.abs _section_cstart, $3  }
0xc4: {  	[dreg:$0x1] =	wrdreg $0xFFFFFFFF  }
0xc5: {  	_ =	task.clear_ibuf [dreg:s9], $0x2FFFF;
	_ =	strace $0x9FFFFFFF  }
0xc6: {  	(tm) =	ssettm $0x7FFFFFFF  }
0xc7: {  	_ =	shalt  }
tec
execute0_lowered:
.L_overlay_start_1:
0x0: {  	(tag) =	ssettag $0x1  }
0x1: {  	s5 =	rddreg [dreg:$0x0]  }
0x2: {  	s6 =	rddreg [dreg:$0x1]  }
0x3: {  	s7 =	rddreg [dreg:$0x2]  }
0x4: {  	s1 =	rddreg [dreg:$0x3];
	s2 =	simm.s32 $0x0  }
0x5: {  	[smem:$0x7FF] =	sst s2  }
0x6: {  	s0 =	rddreg [dreg:$0x4];
	v0 =	vimm.f32 $6.283185480e+00;
	_ =	strace $0x80000047  }
0x7: {  	(erf) = vrcp.f32 v0;
	_ =	sdelay $0x1  }
0x8: {  	s4 =	srdreg.scid  }
0x9: {  	s3 =	stileid.u32;
	s12 =	simm.s32 $0x2400;
	s4 =	sand.u32 $0x1, s4  }
0xa: {  	s8 =	sshll.u32 s3, $0xA;
	s9 =	sshll.u32 s4, $0x9;
	s31 =	ssub.s32 $0x2, s4  }
0xb: {  	s13 =	simm.s32 $0x0;
	s8 =	sor.u32 s9, s8;
	s11 =	sshrl.u32 s31, $0x1  }
0xc: {  	s4 =	sadd.s32 $0x400, s7;
	s10 =	sshll.u32 s8, $0x4;
	s9 =	ssub.s32 s31, s11  }
0xd: {  	s8 =	sshrl.u32 s8, $0x3;
	s11 =	simm.s32 $0x12400;
	s7 =	sadd.s32 s10, s7  }
0xe: {  	s5 =	sadd.s32 s5, s8;
	s6 =	sadd.s32 s6, s8;
	s8 =	smax.u32 s9, $0x1  }
0xf: {  	s9 =	simm.s32 $0x3;
	s10 =	simm.s32 $0x200;
	s7 =	sadd.s32 $0xF42800, s7;
	v0 =	vpop (erf)  }
.LBB2_1:
0x10: {  	[tilespmem:s2], [sflag:$0x3] =	stream.linear.gather [hbm4b:s5+s2], $0x200, $0x38;
	[tilespmem:$0x12480] =	vst v63  }
0x11: {  	_ =	swait.ge [sflag:s9], $0x200  }
0x12: {  	[sflag:s9] =	ssyncset.done $0x0  }
0x13: {  	[sflag:s9] =	ssyncadd.s32 $0xFFFFFE00  }
0x14: {  	[tilespmem:s10], [sflag:$0x3] =	stream.linear.gather [hbm4b:s6+s2], $0x200, $0x38;
	[tilespmem:$0x12480] =	vst v63  }
0x15: {  	_ =	swait.ge [sflag:s9], $0x200  }
0x16: {  	[sflag:s9] =	ssyncset.done $0x0  }
0x17: {  	[sflag:s9] =	ssyncadd.s32 $0xFFFFFE00  }
0x18: {  	[tilespmem:s11], [sflag:$0x3] =	stream.linear.gather [hbm4b:s1+s2], $0x80, $0x38;
	[tilespmem:$0x12480] =	vst v63  }
0x19: {  	_ =	swait.ge [sflag:s9], $0x80  }
0x1a: {  	[sflag:s9] =	ssyncset.done $0x0  }
0x1b: {  	[sflag:s9] =	ssyncadd.s32 $0xFFFFFF80  }
0x1c: {  	v1 =	vld [tilespmem:$0x12400]  }
0x1d: {  	p0 =	por $0x1, $0x1;
	s14 =	simm.s32 $0x0;
	v2 =	vld [tilespmem:$0x12410]  }
.LBB2_2:
0x1e: {  	s15 =	sshll.u32 s14, $0x4  }
0x1f: {  	s15 =	sand.u32 $0x3FFFFFF0, s15  }
0x20: {  	v3 =	vld [tilespmem:s15+$0x200];
	_ =	sdelay $0x4  }
0x21: {  	v3 =	vshll.u32 v3, $0x4  }
0x22: {  	(v2sf) =	vpush v3, $0x0;
	_ =	sdelay $0x1  }
0x23: {  	(v2sf) =	vpush v3, $0x1;
	_ =	sdelay $0x2  }
0x24: {  	(v2sf) =	vpush v3, $0x2;
	_ =	sdelay $0x3  }
0x25: {  	(v2sf) =	vpush v3, $0x3;
	_ =	sdelay $0x5  }
0x26: {  	s29 =	spop (v2sf);
	(v2sf) =	vpush v3, $0x4  }
0x27: {  	s28 =	sshll.u32 s14, $0xB  }
0x28: {  	s14 =	sand.u32 $0x3FFFF800, s28;
	s15 =	sand.u32 $0x1FFFFFF0, s29;
	s30 =	spop (v2sf);
	(v2sf) =	vpush v3, $0x5  }
0x29: {  	s16 =	sor.u32 $0x400, s14;
	s17 =	sadd.s32 s4, s15;
	s15 =	simm.s32 $0x0  }
0x2a: {  	[tilespmem:s16], [sflag:$0x1] =	stream.linear.gather [hbm4b:s17+s15], $0x80, $0x38;
	[tilespmem:$0x12480] =	vst v63  }
0x2b: {  	s17 =	spop (v2sf);
	(v2sf) =	vpush v3, $0x6;
	_ =	sdelay $0x3  }
0x2c: {  	s19 =	spop (v2sf);
	(v2sf) =	vpush v3, $0x7;
	_ =	sdelay $0x1  }
0x2d: {  	s16 =	sand.u32 $0x1FFFFFF0, s30  }
0x2e: {  	s31 =	sor.u32 $0x480, s14;
	s16 =	sadd.s32 s4, s16  }
0x2f: {  	[tilespmem:s31], [sflag:$0x1] =	stream.linear.gather [hbm4b:s16+s15], $0x80, $0x38;
	[tilespmem:$0x12480] =	vst v63  }
0x30: {  	s16 =	sand.u32 $0x1FFFFFF0, s17  }
0x31: {  	s18 =	sor.u32 $0x500, s14;
	s16 =	sadd.s32 s4, s16;
	s21 =	spop (v2sf);
	(v2sf) =	vpush v3, $0x8  }
0x32: {  	[tilespmem:s18], [sflag:$0x1] =	stream.linear.gather [hbm4b:s16+s15], $0x80, $0x38;
	[tilespmem:$0x12480] =	vst v63  }
0x33: {  	s16 =	sand.u32 $0x1FFFFFF0, s19;
	s23 =	spop (v2sf);
	(v2sf) =	vpush v3, $0x9  }
0x34: {  	s20 =	sor.u32 $0x580, s14;
	s16 =	sadd.s32 s4, s16  }
0x35: {  	[tilespmem:s20], [sflag:$0x1] =	stream.linear.gather [hbm4b:s16+s15], $0x80, $0x38;
	[tilespmem:$0x12480] =	vst v63  }
0x36: {  	s16 =	sand.u32 $0x1FFFFFF0, s21;
	s25 =	spop (v2sf);
	(v2sf) =	vpush v3, $0xA  }
0x37: {  	s22 =	sor.u32 $0x600, s14;
	s16 =	sadd.s32 s4, s16  }
0x38: {  	[tilespmem:s22], [sflag:$0x1] =	stream.linear.gather [hbm4b:s16+s15], $0x80, $0x38;
	[tilespmem:$0x12480] =	vst v63  }
0x39: {  	s16 =	sand.u32 $0x1FFFFFF0, s23  }
0x3a: {  	s24 =	sor.u32 $0x680, s14;
	s16 =	sadd.s32 s4, s16;
	s28 =	spop (v2sf)  }
0x3b: {  	(v2sf) =	vpush v3, $0xB;
	[tilespmem:s24], [sflag:$0x1] =	stream.linear.gather [hbm4b:s16+s15], $0x80, $0x38;
	[tilespmem:$0x12480] =	vst v63  }
0x3c: {  	s16 =	sand.u32 $0x1FFFFFF0, s25  }
0x3d: {  	s26 =	sor.u32 $0x700, s14;
	s16 =	sadd.s32 s4, s16  }
0x3e: {  	[tilespmem:s26], [sflag:$0x1] =	stream.linear.gather [hbm4b:s16+s15], $0x80, $0x38;
	[tilespmem:$0x12480] =	vst v63  }
0x3f: {  	s16 =	sand.u32 $0x1FFFFFF0, s28  }
0x40: {  	s29 =	sor.u32 $0x780, s14;
	s16 =	sadd.s32 s4, s16;
	s30 =	spop (v2sf);
	(v2sf) =	vpush v3, $0xC  }
0x41: {  	[tilespmem:s29], [sflag:$0x1] =	stream.linear.gather [hbm4b:s16+s15], $0x80, $0x38;
	[tilespmem:$0x12480] =	vst v63  }
0x42: {  	s16 =	sand.u32 $0x1FFFFFF0, s30;
	s18 =	spop (v2sf);
	(v2sf) =	vpush v3, $0xD  }
0x43: {  	s31 =	sadd.s32 $0x800, s14;
	s16 =	sadd.s32 s4, s16  }
0x44: {  	[tilespmem:s31], [sflag:$0x1] =	stream.linear.gather [hbm4b:s16+s15], $0x80, $0x38;
	[tilespmem:$0x12480] =	vst v63  }
0x45: {  	s20 =	spop (v2sf);
	(v2sf) =	vpush v3, $0xE  }
0x46: {  	s16 =	sand.u32 $0x1FFFFFF0, s18  }
0x47: {  	s19 =	sadd.s32 $0x880, s14;
	s16 =	sadd.s32 s4, s16  }
0x48: {  	[tilespmem:s19], [sflag:$0x1] =	stream.linear.gather [hbm4b:s16+s15], $0x80, $0x38;
	[tilespmem:$0x12480] =	vst v63  }
0x49: {  	s16 =	sand.u32 $0x1FFFFFF0, s20  }
0x4a: {  	s21 =	sadd.s32 $0x900, s14;
	s22 =	spop (v2sf);
	(v2sf) =	vpush v3, $0xF;
	s16 =	sadd.s32 s4, s16  }
0x4b: {  	[tilespmem:s21], [sflag:$0x1] =	stream.linear.gather [hbm4b:s16+s15], $0x80, $0x38;
	[tilespmem:$0x12480] =	vst v63  }
0x4c: {  	s16 =	sand.u32 $0x1FFFFFF0, s22  }
0x4d: {  	s23 =	sadd.s32 $0x980, s14;
	s16 =	sadd.s32 s4, s16  }
0x4e: {  	[tilespmem:s23], [sflag:$0x1] =	stream.linear.gather [hbm4b:s16+s15], $0x80, $0x38;
	[tilespmem:$0x12480] =	vst v63  }
0x4f: {  	s24 =	spop (v2sf)  }
0x50: {  	s16 =	sand.u32 $0x1FFFFFF0, s24  }
0x51: {  	s25 =	sadd.s32 $0xA00, s14;
	s26 =	spop (v2sf);
	s16 =	sadd.s32 s4, s16  }
0x52: {  	[tilespmem:s25], [sflag:$0x1] =	stream.linear.gather [hbm4b:s16+s15], $0x80, $0x38;
	[tilespmem:$0x12480] =	vst v63  }
0x53: {  	s16 =	sand.u32 $0x1FFFFFF0, s26  }
0x54: {  	s28 =	sadd.s32 $0xA80, s14;
	s29 =	spop (v2sf);
	s16 =	sadd.s32 s4, s16  }
0x55: {  	[tilespmem:s28], [sflag:$0x1] =	stream.linear.gather [hbm4b:s16+s15], $0x80, $0x38;
	[tilespmem:$0x12480] =	vst v63  }
0x56: {  	s16 =	sand.u32 $0x1FFFFFF0, s29  }
0x57: {  	p1 =	por p0, p0;
	s30 =	sadd.s32 $0xB00, s14;
	s16 =	sadd.s32 s4, s16  }
0x58: {  	[tilespmem:s30], [sflag:$0x1] =	stream.linear.gather [hbm4b:s16+s15], $0x80, $0x38;
	[tilespmem:$0x12480] =	vst v63  }
.Ltmp0:
0x59: {  	s31 =	spop (v2sf);
	(pc) =	sbr.rel @p1 .LBB2_2-.Ltmp0, $4  }
0x5a: {  	s16 =	sand.u32 $0x1FFFFFF0, s31  }
0x5b: {  	s14 =	sadd.s32 $0xB80, s14;
	s16 =	sadd.s32 s4, s16  }
0x5c: {  	[tilespmem:s14], [sflag:$0x1] =	stream.linear.gather [hbm4b:s16+s15], $0x80, $0x38;
	[tilespmem:$0x12480] =	vst v63  }
0x5d: {  	p0 =	por $0x0, $0x0;
	s14 =	simm.s32 $0x1  }
.LBB2_4:
0x5e: {  	p0 =	seq.s32 s15, $0xF  }
.Ltmp1:
0x5f: {  	_ = 	snop;
	(pc) =	sbr.rel @p0 .LBB2_7-.Ltmp1, $2  }
0x60: {  	_ =	sdelay $0x2  }
0x61: {  	s14 =	sadd.s32 $0x1, s15  }
0x62: {  	s16 =	sshll.u32 s14, $0x5  }
0x63: {  	s16 =	sand.u32 $0x3FFFFFE0, s16  }
0x64: {  	s19 =	sadd.s32 $0x200, s16  }
0x65: {  	s17 =	sand.u32 $0x1, s14;
	v3 =	vmov s19  }
0x66: {  	s16 =	sadd.s32 $0x1, s17;
	s17 =	sshll.u32 s17, $0xC  }
0x67: {  	s18 =	simm.s32 $0x0;
	p0 =	por $0x1, $0x1;
	s17 =	sor.u32 $0x400, s17  }
.LBB2_6:
0x68: {  	s19 =	sshll.u32 s18, $0x4  }
0x69: {  	s19 =	sand.u32 $0x3FFFFFF0, s19  }
0x6a: {  	v4 =	vld.idx.msk [tilespmem:v3+s19+$0x0 ss:$0x1], $0xffff;
	_ =	sdelay $0x4  }
0x6b: {  	v4 =	vshll.u32 v4, $0x4  }
0x6c: {  	(v2sf) =	vpush v4, $0x0;
	_ =	sdelay $0x1  }
0x6d: {  	(v2sf) =	vpush v4, $0x1;
	_ =	sdelay $0x1  }
0x6e: {  	(v2sf) =	vpush v4, $0x2;
	_ =	sdelay $0x4  }
0x6f: {  	(v2sf) =	vpush v4, $0x3;
	_ =	sdelay $0x5  }
0x70: {  	s23 =	spop (v2sf);
	(v2sf) =	vpush v4, $0x4;
	_ =	sdelay $0x1  }
0x71: {  	s24 =	spop (v2sf);
	(v2sf) =	vpush v4, $0x5;
	_ =	sdelay $0x1  }
0x72: {  	s25 =	spop (v2sf);
	(v2sf) =	vpush v4, $0x6  }
0x73: {  	s22 =	sshll.u32 s18, $0xB  }
0x74: {  	s18 =	sand.u32 $0x3FFFF800, s22;
	s19 =	sand.u32 $0x1FFFFFF0, s23  }
0x75: {  	s18 =	sadd.s32 s18, s17;
	s19 =	sadd.s32 s4, s19  }
0x76: {  	[tilespmem:s18], [sflag:s16] =	stream.linear.gather [hbm4b:s19+s2], $0x80, $0x38;
	[tilespmem:$0x12480] =	vst v63  }
0x77: {  	s19 =	sand.u32 $0x1FFFFFF0, s24;
	s28 =	spop (v2sf);
	(v2sf) =	vpush v4, $0x7  }
0x78: {  	s20 =	sadd.s32 $0x80, s18;
	s19 =	sadd.s32 s4, s19  }
0x79: {  	[tilespmem:s20], [sflag:s16] =	stream.linear.gather [hbm4b:s19+s2], $0x80, $0x38;
	[tilespmem:$0x12480] =	vst v63  }
0x7a: {  	s19 =	sand.u32 $0x1FFFFFF0, s25  }
0x7b: {  	s26 =	sadd.s32 $0x100, s18;
	s19 =	sadd.s32 s4, s19  }
0x7c: {  	[tilespmem:s26], [sflag:s16] =	stream.linear.gather [hbm4b:s19+s2], $0x80, $0x38;
	[tilespmem:$0x12480] =	vst v63  }
0x7d: {  	s30 =	spop (v2sf);
	(v2sf) =	vpush v4, $0x8  }
0x7e: {  	s19 =	sand.u32 $0x1FFFFFF0, s28  }
0x7f: {  	s29 =	sadd.s32 $0x180, s18;
	s19 =	sadd.s32 s4, s19;
	s21 =	spop (v2sf);
	(v2sf) =	vpush v4, $0x9  }
0x80: {  	[tilespmem:s29], [sflag:s16] =	stream.linear.gather [hbm4b:s19+s2], $0x80, $0x38;
	[tilespmem:$0x12480] =	vst v63  }
0x81: {  	s23 =	spop (v2sf);
	(v2sf) =	vpush v4, $0xA  }
0x82: {  	s19 =	sand.u32 $0x1FFFFFF0, s30  }
0x83: {  	s31 =	sadd.s32 $0x200, s18;
	s19 =	sadd.s32 s4, s19  }
0x84: {  	[tilespmem:s31], [sflag:s16] =	stream.linear.gather [hbm4b:s19+s2], $0x80, $0x38;
	[tilespmem:$0x12480] =	vst v63  }
0x85: {  	s19 =	sand.u32 $0x1FFFFFF0, s21  }
0x86: {  	s22 =	sadd.s32 $0x280, s18;
	s25 =	spop (v2sf);
	s19 =	sadd.s32 s4, s19  }
0x87: {  	(v2sf) =	vpush v4, $0xB;
	[tilespmem:s22], [sflag:s16] =	stream.linear.gather [hbm4b:s19+s2], $0x80, $0x38;
	[tilespmem:$0x12480] =	vst v63  }
0x88: {  	s19 =	sand.u32 $0x1FFFFFF0, s23  }
0x89: {  	s24 =	sadd.s32 $0x300, s18;
	s19 =	sadd.s32 s4, s19  }
0x8a: {  	[tilespmem:s24], [sflag:s16] =	stream.linear.gather [hbm4b:s19+s2], $0x80, $0x38;
	[tilespmem:$0x12480] =	vst v63  }
0x8b: {  	s19 =	sand.u32 $0x1FFFFFF0, s25  }
0x8c: {  	s26 =	sadd.s32 $0x380, s18;
	s19 =	sadd.s32 s4, s19;
	s28 =	spop (v2sf);
	(v2sf) =	vpush v4, $0xC  }
0x8d: {  	[tilespmem:s26], [sflag:s16] =	stream.linear.gather [hbm4b:s19+s2], $0x80, $0x38;
	[tilespmem:$0x12480] =	vst v63  }
0x8e: {  	s30 =	spop (v2sf);
	(v2sf) =	vpush v4, $0xD  }
0x8f: {  	s19 =	sand.u32 $0x1FFFFFF0, s28  }
0x90: {  	s29 =	sadd.s32 $0x400, s18;
	s19 =	sadd.s32 s4, s19;
	s20 =	spop (v2sf)  }
0x91: {  	(v2sf) =	vpush v4, $0xE;
	[tilespmem:s29], [sflag:s16] =	stream.linear.gather [hbm4b:s19+s2], $0x80, $0x38;
	[tilespmem:$0x12480] =	vst v63  }
0x92: {  	s19 =	sand.u32 $0x1FFFFFF0, s30  }
0x93: {  	s31 =	sadd.s32 $0x480, s18;
	s19 =	sadd.s32 s4, s19  }
0x94: {  	[tilespmem:s31], [sflag:s16] =	stream.linear.gather [hbm4b:s19+s2], $0x80, $0x38;
	[tilespmem:$0x12480] =	vst v63  }
0x95: {  	s19 =	sand.u32 $0x1FFFFFF0, s20  }
0x96: {  	s21 =	sadd.s32 $0x500, s18;
	s22 =	spop (v2sf);
	(v2sf) =	vpush v4, $0xF;
	s19 =	sadd.s32 s4, s19  }
0x97: {  	[tilespmem:s21], [sflag:s16] =	stream.linear.gather [hbm4b:s19+s2], $0x80, $0x38;
	[tilespmem:$0x12480] =	vst v63  }
0x98: {  	s19 =	sand.u32 $0x1FFFFFF0, s22  }
0x99: {  	s23 =	sadd.s32 $0x580, s18;
	s19 =	sadd.s32 s4, s19  }
0x9a: {  	[tilespmem:s23], [sflag:s16] =	stream.linear.gather [hbm4b:s19+s2], $0x80, $0x38;
	[tilespmem:$0x12480] =	vst v63  }
0x9b: {  	s24 =	spop (v2sf)  }
0x9c: {  	s19 =	sand.u32 $0x1FFFFFF0, s24  }
0x9d: {  	s25 =	sadd.s32 $0x600, s18;
	s26 =	spop (v2sf);
	s19 =	sadd.s32 s4, s19  }
0x9e: {  	[tilespmem:s25], [sflag:s16] =	stream.linear.gather [hbm4b:s19+s2], $0x80, $0x38;
	[tilespmem:$0x12480] =	vst v63  }
0x9f: {  	s19 =	sand.u32 $0x1FFFFFF0, s26  }
0xa0: {  	s28 =	sadd.s32 $0x680, s18;
	s29 =	spop (v2sf);
	s19 =	sadd.s32 s4, s19  }
0xa1: {  	[tilespmem:s28], [sflag:s16] =	stream.linear.gather [hbm4b:s19+s2], $0x80, $0x38;
	[tilespmem:$0x12480] =	vst v63  }
0xa2: {  	s19 =	sand.u32 $0x1FFFFFF0, s29  }
0xa3: {  	p1 =	por p0, p0;
	s30 =	sadd.s32 $0x700, s18;
	s19 =	sadd.s32 s4, s19  }
0xa4: {  	[tilespmem:s30], [sflag:s16] =	stream.linear.gather [hbm4b:s19+s2], $0x80, $0x38;
	[tilespmem:$0x12480] =	vst v63  }
.Ltmp2:
0xa5: {  	s31 =	spop (v2sf);
	(pc) =	sbr.rel @p1 .LBB2_6-.Ltmp2, $4  }
0xa6: {  	s19 =	sand.u32 $0x1FFFFFF0, s31  }
0xa7: {  	s18 =	sadd.s32 $0x780, s18;
	s19 =	sadd.s32 s4, s19  }
0xa8: {  	[tilespmem:s18], [sflag:s16] =	stream.linear.gather [hbm4b:s19+s2], $0x80, $0x38;
	[tilespmem:$0x12480] =	vst v63  }
0xa9: {  	p0 =	por $0x0, $0x0;
	s18 =	simm.s32 $0x1  }
.LBB2_7:
0xaa: {  	s16 =	sand.u32 $0x1, s15  }
0xab: {  	s17 =	sadd.s32 $0x1, s16  }
0xac: {  	s16 =	sshll.u32 s16, $0xC;
	_ =	swait.ge [sflag:s17], $0x1000  }
0xad: {  	s15 =	sshll.u32 s15, $0x5;
	s31 =	sor.u32 $0x400, s16;
	[sflag:s17] =	ssyncset.done $0x0  }
0xae: {  	p0 =	por $0x1, $0x1;
	s16 =	simm.s32 $0x0;
	v3 =	vmov s31;
	[sflag:s17] =	ssyncadd.s32 $0xFFFFF000  }
.LBB2_8:
0xaf: {  	s17 =	sshll.u32 s16, $0x4  }
0xb0: {  	s17 =	sor.u32 s15, s17  }
0xb1: {  	v4 =	vld [tilespmem:s17+$0x0];
	_ =	sdelay $0x4  }
0xb2: {  	v5 =	vbroadcast v4, $0x0;
	_ =	sdelay $0x1  }
0xb3: {  	v6 =	vmul.f32 v5, v1;
	_ =	sdelay $0x1  }
0xb4: {  	v6 =	vadd.f32 $3.141592740e+00, v6;
	_ =	sdelay $0x1  }
0xb5: {  	v7 =	vand.u32 $0x7FFFFFFF, v6  }
0xb6: {  	v8 =	vmul.f32 v7, v0;
	_ =	sdelay $0x1  }
0xb7: {  	v8 =	vfloor.f32 v8  }
0xb8: {  	v8 =	vmul.f32 $6.283185480e+00, v8;
	_ =	sdelay $0x1  }
0xb9: {  	v7 =	vsub.f32 v7, v8;
	_ =	sdelay $0x1  }
0xba: {  	vm0 =	veq.f32 v7, $6.283185480e+00  }
0xbb: {  	v7 =	vsel vm0, $0x0, v7  }
0xbc: {  	v6 =	vand.u32 $0x80000000, v6;
	v7 =	vand.u32 $0x7FFFFFFF, v7  }
0xbd: {  	v6 =	vor.u32 v6, v7  }
0xbe: {  	v6 =	vadd.f32 $-3.141592740e+00, v6;
	_ =	sdelay $0x1  }
0xbf: {  	v37 =	vmul.f32 v6, v6;
	_ =	sdelay $0x1  }
0xc0: {  	v38 =	vmul.f32 $2.177788470e-06, v37;
	_ =	sdelay $0x1  }
0xc1: {  	v8 =	vadd.f32 $-1.933732710e-04, v38;
	_ =	sdelay $0x1  }
0xc2: {  	v8 =	vmul.f32 v8, v37;
	_ =	sdelay $0x1  }
0xc3: {  	v8 =	vadd.f32 $8.315024890e-03, v8;
	_ =	sdelay $0x1  }
0xc4: {  	v8 =	vmul.f32 v8, v37  }
0xc5: {  	s31 =	sshll.u32 s16, $0xB  }
0xc6: {  	s16 =	sand.u32 $0x3FFFF800, s31;
	v9 =	vmul.f32 v37, v6;
	v8 =	vadd.f32 $-1.666443350e-01, v8  }
0xc7: {  	v10 =	vld.idx.msk [tilespmem:v3+s16+$0x0 ss:$0x1], $0xffff  }
0xc8: {  	v8 =	vmul.f32 v8, v9;
	_ =	sdelay $0x1  }
0xc9: {  	v6 =	vadd.f32 v8, v6;
	_ =	sdelay $0x1  }
0xca: {  	v5 =	vmul.f32 v5, v2;
	v6 =	vadd.f32 v6, v10;
	_ =	sdelay $0x1  }
0xcb: {  	v5 =	vadd.f32 $3.141592740e+00, v5;
	v39 =	vsub.f32 $0.0e+00, v6;
	_ =	sdelay $0x1  }
0xcc: {  	v40 =	vand.u32 $0x7FFFFFFF, v5;
	v8 =	vmul.f32 $1.442695020e+00, v39  }
0xcd: {  	v41 =	vmul.f32 v40, v0  }
0xce: {  	(erf) = vpow2.f32 v8  }
0xcf: {  	v42 =	vfloor.f32 v41  }
0xd0: {  	v8 =	vmul.f32 $6.283185480e+00, v42;
	_ =	sdelay $0x1  }
0xd1: {  	v8 =	vsub.f32 v40, v8;
	_ =	sdelay $0x1  }
0xd2: {  	vm9 =	veq.f32 v8, $6.283185480e+00  }
0xd3: {  	v8 =	vsel vm9, $0x0, v8  }
0xd4: {  	v5 =	vand.u32 $0x80000000, v5;
	v8 =	vand.u32 $0x7FFFFFFF, v8  }
0xd5: {  	v5 =	vor.u32 v5, v8;
	v43 =	vpop (erf)  }
0xd6: {  	v5 =	vadd.f32 $-3.141592740e+00, v5;
	v8 =	vadd.f32 $1.000000000e+00, v43;
	_ =	sdelay $0x1  }
0xd7: {  	v44 =	vmul.f32 v5, v5;
	(erf) = vrcp.f32 v8;
	_ =	sdelay $0x1  }
0xd8: {  	v45 =	vmul.f32 $2.177788470e-06, v44;
	_ =	sdelay $0x1  }
0xd9: {  	v8 =	vadd.f32 $-1.933732710e-04, v45;
	_ =	sdelay $0x1  }
0xda: {  	v8 =	vmul.f32 v8, v44;
	_ =	sdelay $0x1  }
0xdb: {  	v8 =	vadd.f32 $8.315024890e-03, v8  }
0xdc: {  	v46 =	vpop (erf)  }
0xdd: {  	s17 =	sshll.u32 s17, $0x7;
	v8 =	vmul.f32 v8, v44;
	v6 =	vmul.f32 v46, v6  }
0xde: {  	s17 =	sand.u32 $0x3FFFFF80, s17  }
0xdf: {  	v47 =	vmul.f32 v44, v5;
	v8 =	vadd.f32 $-1.666443350e-01, v8;
	[tilespmem:s17+$0x2400] =	vst v6  }
0xe0: {  	v6 =	vld.idx.msk [tilespmem:v3+s16+$0x10 ss:$0x1], $0xffff  }
0xe1: {  	v8 =	vmul.f32 v8, v47;
	_ =	sdelay $0x1  }
0xe2: {  	v5 =	vadd.f32 v8, v5;
	_ =	sdelay $0x1  }
0xe3: {  	v5 =	vadd.f32 v5, v6;
	_ =	sdelay $0x1  }
0xe4: {  	v6 =	vsub.f32 $0.0e+00, v5;
	_ =	sdelay $0x1  }
0xe5: {  	v6 =	vmul.f32 $1.442695020e+00, v6;
	_ =	sdelay $0x1  }
0xe6: {  	(erf) = vpow2.f32 v6;
	_ =	sdelay $0x8  }
0xe7: {  	v6 =	vpop (erf)  }
0xe8: {  	v48 =	vmul.f32 $2.197296420e-07, v37;
	v6 =	vadd.f32 $1.000000000e+00, v6;
	_ =	sdelay $0x1  }
0xe9: {  	v8 =	vsub.f32 $2.420294190e-05, v48;
	(erf) = vrcp.f32 v6;
	_ =	sdelay $0x1  }
0xea: {  	v49 =	vmul.f32 v8, v37;
	_ =	sdelay $0x1  }
0xeb: {  	v6 =	vadd.f32 $-1.385879000e-03, v49;
	_ =	sdelay $0x1  }
0xec: {  	v6 =	vmul.f32 v6, v37;
	_ =	sdelay $0x1  }
0xed: {  	v6 =	vadd.f32 $4.165977610e-02, v6  }
0xee: {  	v50 =	vpop (erf)  }
0xef: {  	v6 =	vmul.f32 v6, v37;
	v5 =	vmul.f32 v50, v5;
	_ =	sdelay $0x1  }
0xf0: {  	v6 =	vadd.f32 $-4.999942180e-01, v6;
	[tilespmem:s17+$0x2410] =	vst v5  }
0xf1: {  	v5 =	vld.idx.msk [tilespmem:v3+s16+$0x20 ss:$0x1], $0xffff  }
0xf2: {  	v6 =	vmul.f32 v6, v37;
	_ =	sdelay $0x1  }
0xf3: {  	v6 =	vadd.f32 $9.999992250e-01, v6;
	_ =	sdelay $0x1  }
0xf4: {  	v5 =	vadd.f32 v6, v5;
	_ =	sdelay $0x1  }
0xf5: {  	v6 =	vsub.f32 $0.0e+00, v5;
	_ =	sdelay $0x1  }
0xf6: {  	v6 =	vmul.f32 $1.442695020e+00, v6;
	_ =	sdelay $0x1  }
0xf7: {  	(erf) = vpow2.f32 v6;
	_ =	sdelay $0x8  }
0xf8: {  	v6 =	vpop (erf)  }
0xf9: {  	v51 =	vmul.f32 $2.197296420e-07, v44;
	v6 =	vadd.f32 $1.000000000e+00, v6;
	_ =	sdelay $0x1  }
0xfa: {  	v7 =	vsub.f32 $2.420294190e-05, v51;
	(erf) = vrcp.f32 v6;
	_ =	sdelay $0x1  }
0xfb: {  	v52 =	vmul.f32 v7, v44;
	_ =	sdelay $0x1  }
0xfc: {  	v6 =	vadd.f32 $-1.385879000e-03, v52;
	_ =	sdelay $0x1  }
0xfd: {  	v6 =	vmul.f32 v6, v44;
	_ =	sdelay $0x1  }
0xfe: {  	v6 =	vadd.f32 $4.165977610e-02, v6  }
0xff: {  	v53 =	vpop (erf)  }
0x100: {  	v6 =	vmul.f32 v6, v44;
	v5 =	vmul.f32 v53, v5;
	_ =	sdelay $0x1  }
0x101: {  	v6 =	vadd.f32 $-4.999942180e-01, v6;
	[tilespmem:s17+$0x2420] =	vst v5  }
0x102: {  	v5 =	vld.idx.msk [tilespmem:v3+s16+$0x30 ss:$0x1], $0xffff  }
0x103: {  	v6 =	vmul.f32 v6, v44;
	_ =	sdelay $0x1  }
0x104: {  	v54 =	vbroadcast v4, $0x1;
	v6 =	vadd.f32 $9.999992250e-01, v6;
	_ =	sdelay $0x1  }
0x105: {  	v55 =	vmul.f32 v54, v1;
	v5 =	vadd.f32 v6, v5;
	_ =	sdelay $0x1  }
0x106: {  	v6 =	vadd.f32 $3.141592740e+00, v55;
	v56 =	vsub.f32 $0.0e+00, v5;
	_ =	sdelay $0x1  }
0x107: {  	v57 =	vand.u32 $0x7FFFFFFF, v6;
	v8 =	vmul.f32 $1.442695020e+00, v56  }
0x108: {  	v58 =	vmul.f32 v57, v0  }
0x109: {  	(erf) = vpow2.f32 v8  }
0x10a: {  	v59 =	vfloor.f32 v58  }
0x10b: {  	v8 =	vmul.f32 $6.283185480e+00, v59;
	_ =	sdelay $0x1  }
0x10c: {  	v8 =	vsub.f32 v57, v8;
	_ =	sdelay $0x1  }
0x10d: {  	vm10 =	veq.f32 v8, $6.283185480e+00  }
0x10e: {  	v8 =	vsel vm10, $0x0, v8  }
0x10f: {  	v6 =	vand.u32 $0x80000000, v6;
	v8 =	vand.u32 $0x7FFFFFFF, v8  }
0x110: {  	v6 =	vor.u32 v6, v8;
	v60 =	vpop (erf)  }
0x111: {  	v6 =	vadd.f32 $-3.141592740e+00, v6;
	v61 =	vadd.f32 $1.000000000e+00, v60;
	_ =	sdelay $0x1  }
0x112: {  	v62 =	vmul.f32 v6, v6;
	(erf) = vrcp.f32 v61;
	_ =	sdelay $0x1  }
0x113: {  	v63 =	vmul.f32 $2.177788470e-06, v62;
	_ =	sdelay $0x1  }
0x114: {  	v9 =	vadd.f32 $-1.933732710e-04, v63;
	_ =	sdelay $0x1  }
0x115: {  	v9 =	vmul.f32 v9, v62;
	_ =	sdelay $0x1  }
0x116: {  	v9 =	vadd.f32 $8.315024890e-03, v9  }
0x117: {  	v12 =	vpop (erf)  }
0x118: {  	v9 =	vmul.f32 v9, v62;
	v5 =	vmul.f32 v12, v5;
	_ =	sdelay $0x1  }
0x119: {  	v13 =	vmul.f32 v62, v6;
	[tilespmem:s17+$0x2430] =	vst v5;
	v5 =	vadd.f32 $-1.666443350e-01, v9  }
0x11a: {  	v14 =	vld.idx.msk [tilespmem:v3+s16+$0x80 ss:$0x1], $0xffff  }
0x11b: {  	v5 =	vmul.f32 v5, v13;
	_ =	sdelay $0x1  }
0x11c: {  	v5 =	vadd.f32 v5, v6;
	_ =	sdelay $0x1  }
0x11d: {  	v15 =	vmul.f32 v54, v2;
	v5 =	vadd.f32 v5, v14;
	_ =	sdelay $0x1  }
0x11e: {  	v6 =	vadd.f32 $3.141592740e+00, v15;
	v16 =	vsub.f32 $0.0e+00, v5;
	_ =	sdelay $0x1  }
0x11f: {  	v17 =	vand.u32 $0x7FFFFFFF, v6;
	v7 =	vmul.f32 $1.442695020e+00, v16  }
0x120: {  	v18 =	vmul.f32 v17, v0  }
0x121: {  	(erf) = vpow2.f32 v7  }
0x122: {  	v19 =	vfloor.f32 v18  }
0x123: {  	v7 =	vmul.f32 $6.283185480e+00, v19;
	_ =	sdelay $0x1  }
0x124: {  	v7 =	vsub.f32 v17, v7;
	_ =	sdelay $0x1  }
0x125: {  	vm11 =	veq.f32 v7, $6.283185480e+00  }
0x126: {  	v7 =	vsel vm11, $0x0, v7  }
0x127: {  	v6 =	vand.u32 $0x80000000, v6;
	v7 =	vand.u32 $0x7FFFFFFF, v7  }
0x128: {  	v6 =	vor.u32 v6, v7;
	v20 =	vpop (erf)  }
0x129: {  	v6 =	vadd.f32 $-3.141592740e+00, v6;
	v7 =	vadd.f32 $1.000000000e+00, v20;
	_ =	sdelay $0x1  }
0x12a: {  	v21 =	vmul.f32 v6, v6;
	(erf) = vrcp.f32 v7;
	_ =	sdelay $0x1  }
0x12b: {  	v22 =	vmul.f32 $2.177788470e-06, v21;
	_ =	sdelay $0x1  }
0x12c: {  	v7 =	vadd.f32 $-1.933732710e-04, v22;
	_ =	sdelay $0x1  }
0x12d: {  	v7 =	vmul.f32 v7, v21;
	_ =	sdelay $0x1  }
0x12e: {  	v7 =	vadd.f32 $8.315024890e-03, v7  }
0x12f: {  	v23 =	vpop (erf)  }
0x130: {  	v7 =	vmul.f32 v7, v21;
	v5 =	vmul.f32 v23, v5;
	_ =	sdelay $0x1  }
0x131: {  	v24 =	vmul.f32 v21, v6;
	v7 =	vadd.f32 $-1.666443350e-01, v7;
	[tilespmem:s17+$0x2480] =	vst v5  }
0x132: {  	v5 =	vld.idx.msk [tilespmem:v3+s16+$0x90 ss:$0x1], $0xffff  }
0x133: {  	v7 =	vmul.f32 v7, v24;
	_ =	sdelay $0x1  }
0x134: {  	v6 =	vadd.f32 v7, v6;
	_ =	sdelay $0x1  }
0x135: {  	v5 =	vadd.f32 v6, v5;
	_ =	sdelay $0x1  }
0x136: {  	v6 =	vsub.f32 $0.0e+00, v5;
	_ =	sdelay $0x1  }
0x137: {  	v6 =	vmul.f32 $1.442695020e+00, v6;
	_ =	sdelay $0x1  }
0x138: {  	(erf) = vpow2.f32 v6;
	_ =	sdelay $0x8  }
0x139: {  	v6 =	vpop (erf)  }
0x13a: {  	v25 =	vmul.f32 $2.197296420e-07, v62;
	v6 =	vadd.f32 $1.000000000e+00, v6;
	_ =	sdelay $0x1  }
0x13b: {  	v7 =	vsub.f32 $2.420294190e-05, v25;
	(erf) = vrcp.f32 v6;
	_ =	sdelay $0x1  }
0x13c: {  	v26 =	vmul.f32 v7, v62;
	_ =	sdelay $0x1  }
0x13d: {  	v6 =	vadd.f32 $-1.385879000e-03, v26;
	_ =	sdelay $0x1  }
0x13e: {  	v6 =	vmul.f32 v6, v62;
	_ =	sdelay $0x1  }
0x13f: {  	v6 =	vadd.f32 $4.165977610e-02, v6  }
0x140: {  	v27 =	vpop (erf)  }
0x141: {  	v6 =	vmul.f32 v6, v62;
	v5 =	vmul.f32 v27, v5;
	_ =	sdelay $0x1  }
0x142: {  	v6 =	vadd.f32 $-4.999942180e-01, v6;
	[tilespmem:s17+$0x2490] =	vst v5  }
0x143: {  	v5 =	vld.idx.msk [tilespmem:v3+s16+$0xA0 ss:$0x1], $0xffff  }
0x144: {  	v6 =	vmul.f32 v6, v62;
	_ =	sdelay $0x1  }
0x145: {  	v6 =	vadd.f32 $9.999992250e-01, v6;
	_ =	sdelay $0x1  }
0x146: {  	v5 =	vadd.f32 v6, v5;
	_ =	sdelay $0x1  }
0x147: {  	v6 =	vsub.f32 $0.0e+00, v5;
	_ =	sdelay $0x1  }
0x148: {  	v6 =	vmul.f32 $1.442695020e+00, v6;
	_ =	sdelay $0x1  }
0x149: {  	(erf) = vpow2.f32 v6;
	_ =	sdelay $0x8  }
0x14a: {  	v6 =	vpop (erf)  }
0x14b: {  	v28 =	vmul.f32 $2.197296420e-07, v21;
	v6 =	vadd.f32 $1.000000000e+00, v6;
	_ =	sdelay $0x1  }
0x14c: {  	v7 =	vsub.f32 $2.420294190e-05, v28;
	(erf) = vrcp.f32 v6;
	_ =	sdelay $0x1  }
0x14d: {  	v29 =	vmul.f32 v7, v21;
	_ =	sdelay $0x1  }
0x14e: {  	v6 =	vadd.f32 $-1.385879000e-03, v29;
	_ =	sdelay $0x1  }
0x14f: {  	v6 =	vmul.f32 v6, v21;
	_ =	sdelay $0x1  }
0x150: {  	v6 =	vadd.f32 $4.165977610e-02, v6  }
0x151: {  	v30 =	vpop (erf)  }
0x152: {  	v6 =	vmul.f32 v6, v21;
	v5 =	vmul.f32 v30, v5;
	_ =	sdelay $0x1  }
0x153: {  	v6 =	vadd.f32 $-4.999942180e-01, v6;
	[tilespmem:s17+$0x24A0] =	vst v5  }
0x154: {  	v5 =	vld.idx.msk [tilespmem:v3+s16+$0xB0 ss:$0x1], $0xffff  }
0x155: {  	v6 =	vmul.f32 v6, v21;
	_ =	sdelay $0x1  }
0x156: {  	v31 =	vbroadcast v4, $0x2;
	v6 =	vadd.f32 $9.999992250e-01, v6;
	_ =	sdelay $0x1  }
0x157: {  	v32 =	vmul.f32 v31, v1;
	v5 =	vadd.f32 v6, v5;
	_ =	sdelay $0x1  }
0x158: {  	v6 =	vadd.f32 $3.141592740e+00, v32;
	v33 =	vsub.f32 $0.0e+00, v5;
	_ =	sdelay $0x1  }
0x159: {  	v34 =	vand.u32 $0x7FFFFFFF, v6;
	v8 =	vmul.f32 $1.442695020e+00, v33  }
0x15a: {  	v35 =	vmul.f32 v34, v0  }
0x15b: {  	(erf) = vpow2.f32 v8  }
0x15c: {  	v36 =	vfloor.f32 v35  }
0x15d: {  	v8 =	vmul.f32 $6.283185480e+00, v36;
	_ =	sdelay $0x1  }
0x15e: {  	v8 =	vsub.f32 v34, v8;
	_ =	sdelay $0x1  }
0x15f: {  	vm12 =	veq.f32 v8, $6.283185480e+00  }
0x160: {  	v8 =	vsel vm12, $0x0, v8  }
0x161: {  	v6 =	vand.u32 $0x80000000, v6;
	v8 =	vand.u32 $0x7FFFFFFF, v8  }
0x162: {  	v6 =	vor.u32 v6, v8;
	v37 =	vpop (erf)  }
0x163: {  	v6 =	vadd.f32 $-3.141592740e+00, v6;
	v38 =	vadd.f32 $1.000000000e+00, v37;
	_ =	sdelay $0x1  }
0x164: {  	v39 =	vmul.f32 v6, v6;
	(erf) = vrcp.f32 v38;
	_ =	sdelay $0x1  }
0x165: {  	v40 =	vmul.f32 $2.177788470e-06, v39;
	_ =	sdelay $0x1  }
0x166: {  	v9 =	vadd.f32 $-1.933732710e-04, v40;
	_ =	sdelay $0x1  }
0x167: {  	v9 =	vmul.f32 v9, v39;
	_ =	sdelay $0x1  }
0x168: {  	v9 =	vadd.f32 $8.315024890e-03, v9  }
0x169: {  	v41 =	vpop (erf)  }
0x16a: {  	v9 =	vmul.f32 v9, v39;
	v5 =	vmul.f32 v41, v5;
	_ =	sdelay $0x1  }
0x16b: {  	v42 =	vmul.f32 v39, v6;
	[tilespmem:s17+$0x24B0] =	vst v5;
	v5 =	vadd.f32 $-1.666443350e-01, v9  }
0x16c: {  	v43 =	vld.idx.msk [tilespmem:v3+s16+$0x100 ss:$0x1], $0xffff  }
0x16d: {  	v5 =	vmul.f32 v5, v42;
	_ =	sdelay $0x1  }
0x16e: {  	v5 =	vadd.f32 v5, v6;
	_ =	sdelay $0x1  }
0x16f: {  	v44 =	vmul.f32 v31, v2;
	v5 =	vadd.f32 v5, v43;
	_ =	sdelay $0x1  }
0x170: {  	v6 =	vadd.f32 $3.141592740e+00, v44;
	v45 =	vsub.f32 $0.0e+00, v5;
	_ =	sdelay $0x1  }
0x171: {  	v46 =	vand.u32 $0x7FFFFFFF, v6;
	v7 =	vmul.f32 $1.442695020e+00, v45  }
0x172: {  	v47 =	vmul.f32 v46, v0  }
0x173: {  	(erf) = vpow2.f32 v7  }
0x174: {  	v48 =	vfloor.f32 v47  }
0x175: {  	v7 =	vmul.f32 $6.283185480e+00, v48;
	_ =	sdelay $0x1  }
0x176: {  	v7 =	vsub.f32 v46, v7;
	_ =	sdelay $0x1  }
0x177: {  	vm13 =	veq.f32 v7, $6.283185480e+00  }
0x178: {  	v7 =	vsel vm13, $0x0, v7  }
0x179: {  	v6 =	vand.u32 $0x80000000, v6;
	v7 =	vand.u32 $0x7FFFFFFF, v7  }
0x17a: {  	v6 =	vor.u32 v6, v7;
	v49 =	vpop (erf)  }
0x17b: {  	v6 =	vadd.f32 $-3.141592740e+00, v6;
	v7 =	vadd.f32 $1.000000000e+00, v49;
	_ =	sdelay $0x1  }
0x17c: {  	v50 =	vmul.f32 v6, v6;
	(erf) = vrcp.f32 v7;
	_ =	sdelay $0x1  }
0x17d: {  	v51 =	vmul.f32 $2.177788470e-06, v50;
	_ =	sdelay $0x1  }
0x17e: {  	v7 =	vadd.f32 $-1.933732710e-04, v51;
	_ =	sdelay $0x1  }
0x17f: {  	v7 =	vmul.f32 v7, v50;
	_ =	sdelay $0x1  }
0x180: {  	v7 =	vadd.f32 $8.315024890e-03, v7  }
0x181: {  	v52 =	vpop (erf)  }
0x182: {  	v7 =	vmul.f32 v7, v50;
	v5 =	vmul.f32 v52, v5;
	_ =	sdelay $0x1  }
0x183: {  	v53 =	vmul.f32 v50, v6;
	v7 =	vadd.f32 $-1.666443350e-01, v7;
	[tilespmem:s17+$0x2500] =	vst v5  }
0x184: {  	v5 =	vld.idx.msk [tilespmem:v3+s16+$0x110 ss:$0x1], $0xffff  }
0x185: {  	v7 =	vmul.f32 v7, v53;
	_ =	sdelay $0x1  }
0x186: {  	v6 =	vadd.f32 v7, v6;
	_ =	sdelay $0x1  }
0x187: {  	v5 =	vadd.f32 v6, v5;
	_ =	sdelay $0x1  }
0x188: {  	v6 =	vsub.f32 $0.0e+00, v5;
	_ =	sdelay $0x1  }
0x189: {  	v6 =	vmul.f32 $1.442695020e+00, v6;
	_ =	sdelay $0x1  }
0x18a: {  	(erf) = vpow2.f32 v6;
	_ =	sdelay $0x8  }
0x18b: {  	v6 =	vpop (erf)  }
0x18c: {  	v54 =	vmul.f32 $2.197296420e-07, v39;
	v6 =	vadd.f32 $1.000000000e+00, v6;
	_ =	sdelay $0x1  }
0x18d: {  	v7 =	vsub.f32 $2.420294190e-05, v54;
	(erf) = vrcp.f32 v6;
	_ =	sdelay $0x1  }
0x18e: {  	v55 =	vmul.f32 v7, v39;
	_ =	sdelay $0x1  }
0x18f: {  	v6 =	vadd.f32 $-1.385879000e-03, v55;
	_ =	sdelay $0x1  }
0x190: {  	v6 =	vmul.f32 v6, v39;
	_ =	sdelay $0x1  }
0x191: {  	v6 =	vadd.f32 $4.165977610e-02, v6  }
0x192: {  	v56 =	vpop (erf)  }
0x193: {  	v6 =	vmul.f32 v6, v39;
	v5 =	vmul.f32 v56, v5;
	_ =	sdelay $0x1  }
0x194: {  	v6 =	vadd.f32 $-4.999942180e-01, v6;
	[tilespmem:s17+$0x2510] =	vst v5  }
0x195: {  	v5 =	vld.idx.msk [tilespmem:v3+s16+$0x120 ss:$0x1], $0xffff  }
0x196: {  	v6 =	vmul.f32 v6, v39;
	_ =	sdelay $0x1  }
0x197: {  	v6 =	vadd.f32 $9.999992250e-01, v6;
	_ =	sdelay $0x1  }
0x198: {  	v5 =	vadd.f32 v6, v5;
	_ =	sdelay $0x1  }
0x199: {  	v6 =	vsub.f32 $0.0e+00, v5;
	_ =	sdelay $0x1  }
0x19a: {  	v6 =	vmul.f32 $1.442695020e+00, v6;
	_ =	sdelay $0x1  }
0x19b: {  	(erf) = vpow2.f32 v6;
	_ =	sdelay $0x8  }
0x19c: {  	v6 =	vpop (erf)  }
0x19d: {  	v57 =	vmul.f32 $2.197296420e-07, v50;
	v6 =	vadd.f32 $1.000000000e+00, v6;
	_ =	sdelay $0x1  }
0x19e: {  	v7 =	vsub.f32 $2.420294190e-05, v57;
	(erf) = vrcp.f32 v6;
	_ =	sdelay $0x1  }
0x19f: {  	v58 =	vmul.f32 v7, v50;
	_ =	sdelay $0x1  }
0x1a0: {  	v6 =	vadd.f32 $-1.385879000e-03, v58;
	_ =	sdelay $0x1  }
0x1a1: {  	v6 =	vmul.f32 v6, v50;
	_ =	sdelay $0x1  }
0x1a2: {  	v6 =	vadd.f32 $4.165977610e-02, v6  }
0x1a3: {  	v59 =	vpop (erf)  }
0x1a4: {  	v6 =	vmul.f32 v6, v50;
	v5 =	vmul.f32 v59, v5;
	_ =	sdelay $0x1  }
0x1a5: {  	v6 =	vadd.f32 $-4.999942180e-01, v6;
	[tilespmem:s17+$0x2520] =	vst v5  }
0x1a6: {  	v5 =	vld.idx.msk [tilespmem:v3+s16+$0x130 ss:$0x1], $0xffff  }
0x1a7: {  	v6 =	vmul.f32 v6, v50;
	_ =	sdelay $0x1  }
0x1a8: {  	v60 =	vbroadcast v4, $0x3;
	v6 =	vadd.f32 $9.999992250e-01, v6;
	_ =	sdelay $0x1  }
0x1a9: {  	v61 =	vmul.f32 v60, v1;
	v5 =	vadd.f32 v6, v5;
	_ =	sdelay $0x1  }
0x1aa: {  	v6 =	vadd.f32 $3.141592740e+00, v61;
	v62 =	vsub.f32 $0.0e+00, v5;
	_ =	sdelay $0x1  }
0x1ab: {  	v63 =	vand.u32 $0x7FFFFFFF, v6;
	v8 =	vmul.f32 $1.442695020e+00, v62  }
0x1ac: {  	v12 =	vmul.f32 v63, v0  }
0x1ad: {  	(erf) = vpow2.f32 v8  }
0x1ae: {  	v13 =	vfloor.f32 v12  }
0x1af: {  	v8 =	vmul.f32 $6.283185480e+00, v13;
	_ =	sdelay $0x1  }
0x1b0: {  	v8 =	vsub.f32 v63, v8;
	_ =	sdelay $0x1  }
0x1b1: {  	vm14 =	veq.f32 v8, $6.283185480e+00  }
0x1b2: {  	v8 =	vsel vm14, $0x0, v8  }
0x1b3: {  	v6 =	vand.u32 $0x80000000, v6;
	v8 =	vand.u32 $0x7FFFFFFF, v8  }
0x1b4: {  	v6 =	vor.u32 v6, v8;
	v14 =	vpop (erf)  }
0x1b5: {  	v6 =	vadd.f32 $-3.141592740e+00, v6;
	v15 =	vadd.f32 $1.000000000e+00, v14;
	_ =	sdelay $0x1  }
0x1b6: {  	v16 =	vmul.f32 v6, v6;
	(erf) = vrcp.f32 v15;
	_ =	sdelay $0x1  }
0x1b7: {  	v17 =	vmul.f32 $2.177788470e-06, v16;
	_ =	sdelay $0x1  }
0x1b8: {  	v9 =	vadd.f32 $-1.933732710e-04, v17;
	_ =	sdelay $0x1  }
0x1b9: {  	v9 =	vmul.f32 v9, v16;
	_ =	sdelay $0x1  }
0x1ba: {  	v9 =	vadd.f32 $8.315024890e-03, v9  }
0x1bb: {  	v18 =	vpop (erf)  }
0x1bc: {  	v9 =	vmul.f32 v9, v16;
	v5 =	vmul.f32 v18, v5;
	_ =	sdelay $0x1  }
0x1bd: {  	v19 =	vmul.f32 v16, v6;
	[tilespmem:s17+$0x2530] =	vst v5;
	v5 =	vadd.f32 $-1.666443350e-01, v9  }
0x1be: {  	v20 =	vld.idx.msk [tilespmem:v3+s16+$0x180 ss:$0x1], $0xffff  }
0x1bf: {  	v5 =	vmul.f32 v5, v19;
	_ =	sdelay $0x1  }
0x1c0: {  	v5 =	vadd.f32 v5, v6;
	_ =	sdelay $0x1  }
0x1c1: {  	v21 =	vmul.f32 v60, v2;
	v5 =	vadd.f32 v20, v5;
	_ =	sdelay $0x1  }
0x1c2: {  	v6 =	vadd.f32 $3.141592740e+00, v21;
	v22 =	vsub.f32 $0.0e+00, v5;
	_ =	sdelay $0x1  }
0x1c3: {  	v23 =	vand.u32 $0x7FFFFFFF, v6;
	v7 =	vmul.f32 $1.442695020e+00, v22  }
0x1c4: {  	v24 =	vmul.f32 v23, v0  }
0x1c5: {  	(erf) = vpow2.f32 v7  }
0x1c6: {  	v25 =	vfloor.f32 v24  }
0x1c7: {  	v7 =	vmul.f32 $6.283185480e+00, v25;
	_ =	sdelay $0x1  }
0x1c8: {  	v7 =	vsub.f32 v23, v7;
	_ =	sdelay $0x1  }
0x1c9: {  	vm15 =	veq.f32 v7, $6.283185480e+00  }
0x1ca: {  	v7 =	vsel vm15, $0x0, v7  }
0x1cb: {  	v6 =	vand.u32 $0x80000000, v6;
	v7 =	vand.u32 $0x7FFFFFFF, v7  }
0x1cc: {  	v6 =	vor.u32 v6, v7;
	v26 =	vpop (erf)  }
0x1cd: {  	v6 =	vadd.f32 $-3.141592740e+00, v6;
	v7 =	vadd.f32 $1.000000000e+00, v26;
	_ =	sdelay $0x1  }
0x1ce: {  	v27 =	vmul.f32 v6, v6;
	(erf) = vrcp.f32 v7;
	_ =	sdelay $0x1  }
0x1cf: {  	v28 =	vmul.f32 $2.177788470e-06, v27;
	_ =	sdelay $0x1  }
0x1d0: {  	v7 =	vadd.f32 $-1.933732710e-04, v28;
	_ =	sdelay $0x1  }
0x1d1: {  	v7 =	vmul.f32 v7, v27;
	_ =	sdelay $0x1  }
0x1d2: {  	v7 =	vadd.f32 $8.315024890e-03, v7  }
0x1d3: {  	v29 =	vpop (erf)  }
0x1d4: {  	v7 =	vmul.f32 v7, v27;
	v5 =	vmul.f32 v29, v5;
	_ =	sdelay $0x1  }
0x1d5: {  	v30 =	vmul.f32 v27, v6;
	v7 =	vadd.f32 $-1.666443350e-01, v7;
	[tilespmem:s17+$0x2580] =	vst v5  }
0x1d6: {  	v5 =	vld.idx.msk [tilespmem:v3+s16+$0x190 ss:$0x1], $0xffff  }
0x1d7: {  	v7 =	vmul.f32 v7, v30;
	_ =	sdelay $0x1  }
0x1d8: {  	v6 =	vadd.f32 v7, v6;
	_ =	sdelay $0x1  }
0x1d9: {  	v5 =	vadd.f32 v5, v6;
	_ =	sdelay $0x1  }
0x1da: {  	v6 =	vsub.f32 $0.0e+00, v5;
	_ =	sdelay $0x1  }
0x1db: {  	v6 =	vmul.f32 $1.442695020e+00, v6;
	_ =	sdelay $0x1  }
0x1dc: {  	(erf) = vpow2.f32 v6;
	_ =	sdelay $0x8  }
0x1dd: {  	v6 =	vpop (erf)  }
0x1de: {  	v31 =	vmul.f32 $2.197296420e-07, v16;
	v6 =	vadd.f32 $1.000000000e+00, v6;
	_ =	sdelay $0x1  }
0x1df: {  	v7 =	vsub.f32 $2.420294190e-05, v31;
	(erf) = vrcp.f32 v6;
	_ =	sdelay $0x1  }
0x1e0: {  	v32 =	vmul.f32 v7, v16;
	_ =	sdelay $0x1  }
0x1e1: {  	v6 =	vadd.f32 $-1.385879000e-03, v32;
	_ =	sdelay $0x1  }
0x1e2: {  	v6 =	vmul.f32 v6, v16;
	_ =	sdelay $0x1  }
0x1e3: {  	v6 =	vadd.f32 $4.165977610e-02, v6  }
0x1e4: {  	v33 =	vpop (erf)  }
0x1e5: {  	v6 =	vmul.f32 v6, v16;
	v5 =	vmul.f32 v33, v5;
	_ =	sdelay $0x1  }
0x1e6: {  	v6 =	vadd.f32 $-4.999942180e-01, v6;
	[tilespmem:s17+$0x2590] =	vst v5  }
0x1e7: {  	v5 =	vld.idx.msk [tilespmem:v3+s16+$0x1A0 ss:$0x1], $0xffff  }
0x1e8: {  	v6 =	vmul.f32 v6, v16;
	_ =	sdelay $0x1  }
0x1e9: {  	v6 =	vadd.f32 $9.999992250e-01, v6;
	_ =	sdelay $0x1  }
0x1ea: {  	v5 =	vadd.f32 v5, v6;
	_ =	sdelay $0x1  }
0x1eb: {  	v6 =	vsub.f32 $0.0e+00, v5;
	_ =	sdelay $0x1  }
0x1ec: {  	v6 =	vmul.f32 $1.442695020e+00, v6;
	_ =	sdelay $0x1  }
0x1ed: {  	(erf) = vpow2.f32 v6;
	_ =	sdelay $0x8  }
0x1ee: {  	v6 =	vpop (erf)  }
0x1ef: {  	v34 =	vmul.f32 $2.197296420e-07, v27;
	v6 =	vadd.f32 $1.000000000e+00, v6;
	_ =	sdelay $0x1  }
0x1f0: {  	v7 =	vsub.f32 $2.420294190e-05, v34;
	(erf) = vrcp.f32 v6;
	_ =	sdelay $0x1  }
0x1f1: {  	v35 =	vmul.f32 v7, v27;
	_ =	sdelay $0x1  }
0x1f2: {  	v6 =	vadd.f32 $-1.385879000e-03, v35;
	_ =	sdelay $0x1  }
0x1f3: {  	v6 =	vmul.f32 v6, v27;
	_ =	sdelay $0x1  }
0x1f4: {  	v6 =	vadd.f32 $4.165977610e-02, v6  }
0x1f5: {  	v36 =	vpop (erf)  }
0x1f6: {  	v6 =	vmul.f32 v6, v27;
	v5 =	vmul.f32 v36, v5;
	_ =	sdelay $0x1  }
0x1f7: {  	v6 =	vadd.f32 $-4.999942180e-01, v6;
	[tilespmem:s17+$0x25A0] =	vst v5  }
0x1f8: {  	v5 =	vld.idx.msk [tilespmem:v3+s16+$0x1B0 ss:$0x1], $0xffff  }
0x1f9: {  	v6 =	vmul.f32 v6, v27;
	_ =	sdelay $0x1  }
0x1fa: {  	v37 =	vbroadcast v4, $0x4;
	v6 =	vadd.f32 $9.999992250e-01, v6;
	_ =	sdelay $0x1  }
0x1fb: {  	v38 =	vmul.f32 v37, v1;
	v5 =	vadd.f32 v5, v6;
	_ =	sdelay $0x1  }
0x1fc: {  	v6 =	vadd.f32 $3.141592740e+00, v38;
	v39 =	vsub.f32 $0.0e+00, v5;
	_ =	sdelay $0x1  }
0x1fd: {  	v40 =	vand.u32 $0x7FFFFFFF, v6;
	v8 =	vmul.f32 $1.442695020e+00, v39  }
0x1fe: {  	v41 =	vmul.f32 v40, v0  }
0x1ff: {  	(erf) = vpow2.f32 v8  }
0x200: {  	v42 =	vfloor.f32 v41  }
0x201: {  	v8 =	vmul.f32 $6.283185480e+00, v42;
	_ =	sdelay $0x1  }
0x202: {  	v8 =	vsub.f32 v40, v8;
	_ =	sdelay $0x1  }
0x203: {  	vm4 =	veq.f32 v8, $6.283185480e+00  }
0x204: {  	v8 =	vsel vm4, $0x0, v8  }
0x205: {  	v6 =	vand.u32 $0x80000000, v6;
	v8 =	vand.u32 $0x7FFFFFFF, v8  }
0x206: {  	v6 =	vor.u32 v6, v8;
	v43 =	vpop (erf)  }
0x207: {  	v6 =	vadd.f32 $-3.141592740e+00, v6;
	v44 =	vadd.f32 $1.000000000e+00, v43;
	_ =	sdelay $0x1  }
0x208: {  	v45 =	vmul.f32 v6, v6;
	(erf) = vrcp.f32 v44;
	_ =	sdelay $0x1  }
0x209: {  	v46 =	vmul.f32 $2.177788470e-06, v45;
	_ =	sdelay $0x1  }
0x20a: {  	v9 =	vadd.f32 $-1.933732710e-04, v46;
	_ =	sdelay $0x1  }
0x20b: {  	v9 =	vmul.f32 v9, v45;
	_ =	sdelay $0x1  }
0x20c: {  	v9 =	vadd.f32 $8.315024890e-03, v9  }
0x20d: {  	v47 =	vpop (erf)  }
0x20e: {  	v9 =	vmul.f32 v9, v45;
	v5 =	vmul.f32 v47, v5;
	_ =	sdelay $0x1  }
0x20f: {  	v48 =	vmul.f32 v45, v6;
	[tilespmem:s17+$0x25B0] =	vst v5;
	v5 =	vadd.f32 $-1.666443350e-01, v9  }
0x210: {  	v49 =	vld.idx.msk [tilespmem:v3+s16+$0x200 ss:$0x1], $0xffff  }
0x211: {  	v5 =	vmul.f32 v5, v48;
	_ =	sdelay $0x1  }
0x212: {  	v5 =	vadd.f32 v5, v6;
	_ =	sdelay $0x1  }
0x213: {  	v50 =	vmul.f32 v37, v2;
	v5 =	vadd.f32 v49, v5;
	_ =	sdelay $0x1  }
0x214: {  	v6 =	vadd.f32 $3.141592740e+00, v50;
	v51 =	vsub.f32 $0.0e+00, v5;
	_ =	sdelay $0x1  }
0x215: {  	v52 =	vand.u32 $0x7FFFFFFF, v6;
	v7 =	vmul.f32 $1.442695020e+00, v51  }
0x216: {  	v53 =	vmul.f32 v52, v0  }
0x217: {  	(erf) = vpow2.f32 v7  }
0x218: {  	v54 =	vfloor.f32 v53  }
0x219: {  	v7 =	vmul.f32 $6.283185480e+00, v54;
	_ =	sdelay $0x1  }
0x21a: {  	v7 =	vsub.f32 v52, v7;
	_ =	sdelay $0x1  }
0x21b: {  	vm5 =	veq.f32 v7, $6.283185480e+00  }
0x21c: {  	v7 =	vsel vm5, $0x0, v7  }
0x21d: {  	v6 =	vand.u32 $0x80000000, v6;
	v7 =	vand.u32 $0x7FFFFFFF, v7  }
0x21e: {  	v6 =	vor.u32 v6, v7;
	v55 =	vpop (erf)  }
0x21f: {  	v6 =	vadd.f32 $-3.141592740e+00, v6;
	v7 =	vadd.f32 $1.000000000e+00, v55;
	_ =	sdelay $0x1  }
0x220: {  	v56 =	vmul.f32 v6, v6;
	(erf) = vrcp.f32 v7;
	_ =	sdelay $0x1  }
0x221: {  	v57 =	vmul.f32 $2.177788470e-06, v56;
	_ =	sdelay $0x1  }
0x222: {  	v7 =	vadd.f32 $-1.933732710e-04, v57;
	_ =	sdelay $0x1  }
0x223: {  	v7 =	vmul.f32 v7, v56;
	_ =	sdelay $0x1  }
0x224: {  	v7 =	vadd.f32 $8.315024890e-03, v7  }
0x225: {  	v58 =	vpop (erf)  }
0x226: {  	v7 =	vmul.f32 v7, v56;
	v5 =	vmul.f32 v58, v5;
	_ =	sdelay $0x1  }
0x227: {  	v59 =	vmul.f32 v56, v6;
	v7 =	vadd.f32 $-1.666443350e-01, v7;
	[tilespmem:s17+$0x2600] =	vst v5  }
0x228: {  	v5 =	vld.idx.msk [tilespmem:v3+s16+$0x210 ss:$0x1], $0xffff  }
0x229: {  	v7 =	vmul.f32 v7, v59;
	_ =	sdelay $0x1  }
0x22a: {  	v6 =	vadd.f32 v7, v6;
	_ =	sdelay $0x1  }
0x22b: {  	v5 =	vadd.f32 v5, v6;
	_ =	sdelay $0x1  }
0x22c: {  	v6 =	vsub.f32 $0.0e+00, v5;
	_ =	sdelay $0x1  }
0x22d: {  	v6 =	vmul.f32 $1.442695020e+00, v6;
	_ =	sdelay $0x1  }
0x22e: {  	(erf) = vpow2.f32 v6;
	_ =	sdelay $0x8  }
0x22f: {  	v6 =	vpop (erf)  }
0x230: {  	v60 =	vmul.f32 $2.197296420e-07, v45;
	v6 =	vadd.f32 $1.000000000e+00, v6;
	_ =	sdelay $0x1  }
0x231: {  	v7 =	vsub.f32 $2.420294190e-05, v60;
	(erf) = vrcp.f32 v6;
	_ =	sdelay $0x1  }
0x232: {  	v61 =	vmul.f32 v7, v45;
	_ =	sdelay $0x1  }
0x233: {  	v6 =	vadd.f32 $-1.385879000e-03, v61;
	_ =	sdelay $0x1  }
0x234: {  	v6 =	vmul.f32 v6, v45;
	_ =	sdelay $0x1  }
0x235: {  	v6 =	vadd.f32 $4.165977610e-02, v6  }
0x236: {  	v62 =	vpop (erf)  }
0x237: {  	v6 =	vmul.f32 v6, v45;
	v5 =	vmul.f32 v62, v5;
	_ =	sdelay $0x1  }
0x238: {  	v6 =	vadd.f32 $-4.999942180e-01, v6;
	[tilespmem:s17+$0x2610] =	vst v5  }
0x239: {  	v5 =	vld.idx.msk [tilespmem:v3+s16+$0x220 ss:$0x1], $0xffff  }
0x23a: {  	v6 =	vmul.f32 v6, v45;
	_ =	sdelay $0x1  }
0x23b: {  	v6 =	vadd.f32 $9.999992250e-01, v6;
	_ =	sdelay $0x1  }
0x23c: {  	v5 =	vadd.f32 v5, v6;
	_ =	sdelay $0x1  }
0x23d: {  	v6 =	vsub.f32 $0.0e+00, v5;
	_ =	sdelay $0x1  }
0x23e: {  	v6 =	vmul.f32 $1.442695020e+00, v6;
	_ =	sdelay $0x1  }
0x23f: {  	(erf) = vpow2.f32 v6;
	_ =	sdelay $0x8  }
0x240: {  	v6 =	vpop (erf)  }
0x241: {  	v63 =	vmul.f32 $2.197296420e-07, v56;
	v6 =	vadd.f32 $1.000000000e+00, v6;
	_ =	sdelay $0x1  }
0x242: {  	v7 =	vsub.f32 $2.420294190e-05, v63;
	(erf) = vrcp.f32 v6;
	_ =	sdelay $0x1  }
0x243: {  	v10 =	vmul.f32 v7, v56;
	_ =	sdelay $0x1  }
0x244: {  	v6 =	vadd.f32 $-1.385879000e-03, v10;
	_ =	sdelay $0x1  }
0x245: {  	v6 =	vmul.f32 v6, v56;
	_ =	sdelay $0x1  }
0x246: {  	v6 =	vadd.f32 $4.165977610e-02, v6  }
0x247: {  	v11 =	vpop (erf)  }
0x248: {  	v6 =	vmul.f32 v6, v56;
	v5 =	vmul.f32 v11, v5;
	_ =	sdelay $0x1  }
0x249: {  	v6 =	vadd.f32 $-4.999942180e-01, v6;
	[tilespmem:s17+$0x2620] =	vst v5  }
0x24a: {  	v5 =	vld.idx.msk [tilespmem:v3+s16+$0x230 ss:$0x1], $0xffff  }
0x24b: {  	v6 =	vmul.f32 v6, v56;
	_ =	sdelay $0x1  }
0x24c: {  	v12 =	vbroadcast v4, $0x5;
	v6 =	vadd.f32 $9.999992250e-01, v6;
	_ =	sdelay $0x1  }
0x24d: {  	v13 =	vmul.f32 v12, v1;
	v5 =	vadd.f32 v5, v6;
	_ =	sdelay $0x1  }
0x24e: {  	v6 =	vadd.f32 $3.141592740e+00, v13;
	v14 =	vsub.f32 $0.0e+00, v5;
	_ =	sdelay $0x1  }
0x24f: {  	v15 =	vand.u32 $0x7FFFFFFF, v6;
	v8 =	vmul.f32 $1.442695020e+00, v14  }
0x250: {  	v16 =	vmul.f32 v15, v0  }
0x251: {  	(erf) = vpow2.f32 v8  }
0x252: {  	v17 =	vfloor.f32 v16  }
0x253: {  	v8 =	vmul.f32 $6.283185480e+00, v17;
	_ =	sdelay $0x1  }
0x254: {  	v8 =	vsub.f32 v15, v8;
	_ =	sdelay $0x1  }
0x255: {  	vm6 =	veq.f32 v8, $6.283185480e+00  }
0x256: {  	v8 =	vsel vm6, $0x0, v8  }
0x257: {  	v6 =	vand.u32 $0x80000000, v6;
	v8 =	vand.u32 $0x7FFFFFFF, v8  }
0x258: {  	v6 =	vor.u32 v6, v8;
	v18 =	vpop (erf)  }
0x259: {  	v6 =	vadd.f32 $-3.141592740e+00, v6;
	v19 =	vadd.f32 $1.000000000e+00, v18;
	_ =	sdelay $0x1  }
0x25a: {  	v20 =	vmul.f32 v6, v6;
	(erf) = vrcp.f32 v19;
	_ =	sdelay $0x1  }
0x25b: {  	v21 =	vmul.f32 $2.177788470e-06, v20;
	_ =	sdelay $0x1  }
0x25c: {  	v9 =	vadd.f32 $-1.933732710e-04, v21;
	_ =	sdelay $0x1  }
0x25d: {  	v9 =	vmul.f32 v9, v20;
	_ =	sdelay $0x1  }
0x25e: {  	v9 =	vadd.f32 $8.315024890e-03, v9  }
0x25f: {  	v22 =	vpop (erf)  }
0x260: {  	v9 =	vmul.f32 v9, v20;
	v5 =	vmul.f32 v22, v5;
	_ =	sdelay $0x1  }
0x261: {  	v23 =	vmul.f32 v20, v6;
	[tilespmem:s17+$0x2630] =	vst v5;
	v5 =	vadd.f32 $-1.666443350e-01, v9  }
0x262: {  	v24 =	vld.idx.msk [tilespmem:v3+s16+$0x280 ss:$0x1], $0xffff  }
0x263: {  	v5 =	vmul.f32 v5, v23;
	_ =	sdelay $0x1  }
0x264: {  	v5 =	vadd.f32 v5, v6;
	_ =	sdelay $0x1  }
0x265: {  	v25 =	vmul.f32 v12, v2;
	v5 =	vadd.f32 v24, v5;
	_ =	sdelay $0x1  }
0x266: {  	v6 =	vadd.f32 $3.141592740e+00, v25;
	v26 =	vsub.f32 $0.0e+00, v5;
	_ =	sdelay $0x1  }
0x267: {  	v27 =	vand.u32 $0x7FFFFFFF, v6;
	v7 =	vmul.f32 $1.442695020e+00, v26  }
0x268: {  	v28 =	vmul.f32 v27, v0  }
0x269: {  	(erf) = vpow2.f32 v7  }
0x26a: {  	v29 =	vfloor.f32 v28  }
0x26b: {  	v7 =	vmul.f32 $6.283185480e+00, v29;
	_ =	sdelay $0x1  }
0x26c: {  	v7 =	vsub.f32 v27, v7;
	_ =	sdelay $0x1  }
0x26d: {  	vm7 =	veq.f32 v7, $6.283185480e+00  }
0x26e: {  	v7 =	vsel vm7, $0x0, v7  }
0x26f: {  	v6 =	vand.u32 $0x80000000, v6;
	v7 =	vand.u32 $0x7FFFFFFF, v7  }
0x270: {  	v6 =	vor.u32 v6, v7;
	v30 =	vpop (erf)  }
0x271: {  	v6 =	vadd.f32 $-3.141592740e+00, v6;
	v7 =	vadd.f32 $1.000000000e+00, v30;
	_ =	sdelay $0x1  }
0x272: {  	v31 =	vmul.f32 v6, v6;
	(erf) = vrcp.f32 v7;
	_ =	sdelay $0x1  }
0x273: {  	v32 =	vmul.f32 $2.177788470e-06, v31;
	_ =	sdelay $0x1  }
0x274: {  	v7 =	vadd.f32 $-1.933732710e-04, v32;
	_ =	sdelay $0x1  }
0x275: {  	v7 =	vmul.f32 v7, v31;
	_ =	sdelay $0x1  }
0x276: {  	v7 =	vadd.f32 $8.315024890e-03, v7  }
0x277: {  	v33 =	vpop (erf)  }
0x278: {  	v7 =	vmul.f32 v7, v31;
	v5 =	vmul.f32 v33, v5;
	_ =	sdelay $0x1  }
0x279: {  	v34 =	vmul.f32 v31, v6;
	v7 =	vadd.f32 $-1.666443350e-01, v7;
	[tilespmem:s17+$0x2680] =	vst v5  }
0x27a: {  	v5 =	vld.idx.msk [tilespmem:v3+s16+$0x290 ss:$0x1], $0xffff  }
0x27b: {  	v7 =	vmul.f32 v7, v34;
	_ =	sdelay $0x1  }
0x27c: {  	v6 =	vadd.f32 v7, v6;
	_ =	sdelay $0x1  }
0x27d: {  	v5 =	vadd.f32 v5, v6;
	_ =	sdelay $0x1  }
0x27e: {  	v6 =	vsub.f32 $0.0e+00, v5;
	_ =	sdelay $0x1  }
0x27f: {  	v6 =	vmul.f32 $1.442695020e+00, v6;
	_ =	sdelay $0x1  }
0x280: {  	(erf) = vpow2.f32 v6;
	_ =	sdelay $0x8  }
0x281: {  	v6 =	vpop (erf)  }
0x282: {  	v35 =	vmul.f32 $2.197296420e-07, v20;
	v6 =	vadd.f32 $1.000000000e+00, v6;
	_ =	sdelay $0x1  }
0x283: {  	v7 =	vsub.f32 $2.420294190e-05, v35;
	(erf) = vrcp.f32 v6;
	_ =	sdelay $0x1  }
0x284: {  	v36 =	vmul.f32 v7, v20;
	_ =	sdelay $0x1  }
0x285: {  	v6 =	vadd.f32 $-1.385879000e-03, v36;
	_ =	sdelay $0x1  }
0x286: {  	v6 =	vmul.f32 v6, v20;
	_ =	sdelay $0x1  }
0x287: {  	v6 =	vadd.f32 $4.165977610e-02, v6  }
0x288: {  	v37 =	vpop (erf)  }
0x289: {  	v6 =	vmul.f32 v6, v20;
	v5 =	vmul.f32 v37, v5;
	_ =	sdelay $0x1  }
0x28a: {  	v6 =	vadd.f32 $-4.999942180e-01, v6;
	[tilespmem:s17+$0x2690] =	vst v5  }
0x28b: {  	v5 =	vld.idx.msk [tilespmem:v3+s16+$0x2A0 ss:$0x1], $0xffff  }
0x28c: {  	v6 =	vmul.f32 v6, v20;
	_ =	sdelay $0x1  }
0x28d: {  	v6 =	vadd.f32 $9.999992250e-01, v6;
	_ =	sdelay $0x1  }
0x28e: {  	v5 =	vadd.f32 v5, v6;
	_ =	sdelay $0x1  }
0x28f: {  	v6 =	vsub.f32 $0.0e+00, v5;
	_ =	sdelay $0x1  }
0x290: {  	v6 =	vmul.f32 $1.442695020e+00, v6;
	_ =	sdelay $0x1  }
0x291: {  	(erf) = vpow2.f32 v6;
	_ =	sdelay $0x8  }
0x292: {  	v6 =	vpop (erf)  }
0x293: {  	v38 =	vmul.f32 $2.197296420e-07, v31;
	v6 =	vadd.f32 $1.000000000e+00, v6;
	_ =	sdelay $0x1  }
0x294: {  	v7 =	vsub.f32 $2.420294190e-05, v38;
	(erf) = vrcp.f32 v6;
	_ =	sdelay $0x1  }
0x295: {  	v39 =	vmul.f32 v7, v31;
	_ =	sdelay $0x1  }
0x296: {  	v6 =	vadd.f32 $-1.385879000e-03, v39;
	_ =	sdelay $0x1  }
0x297: {  	v6 =	vmul.f32 v6, v31;
	_ =	sdelay $0x1  }
0x298: {  	v6 =	vadd.f32 $4.165977610e-02, v6  }
0x299: {  	v40 =	vpop (erf)  }
0x29a: {  	v6 =	vmul.f32 v6, v31;
	v5 =	vmul.f32 v40, v5;
	_ =	sdelay $0x1  }
0x29b: {  	v6 =	vadd.f32 $-4.999942180e-01, v6;
	[tilespmem:s17+$0x26A0] =	vst v5  }
0x29c: {  	v5 =	vld.idx.msk [tilespmem:v3+s16+$0x2B0 ss:$0x1], $0xffff  }
0x29d: {  	v6 =	vmul.f32 v6, v31;
	_ =	sdelay $0x1  }
0x29e: {  	v41 =	vbroadcast v4, $0x6;
	v6 =	vadd.f32 $9.999992250e-01, v6;
	_ =	sdelay $0x1  }
0x29f: {  	v42 =	vmul.f32 v41, v1;
	v5 =	vadd.f32 v5, v6;
	_ =	sdelay $0x1  }
0x2a0: {  	v6 =	vadd.f32 $3.141592740e+00, v42;
	v43 =	vsub.f32 $0.0e+00, v5;
	_ =	sdelay $0x1  }
0x2a1: {  	v44 =	vand.u32 $0x7FFFFFFF, v6;
	v8 =	vmul.f32 $1.442695020e+00, v43  }
0x2a2: {  	v45 =	vmul.f32 v44, v0  }
0x2a3: {  	(erf) = vpow2.f32 v8  }
0x2a4: {  	v46 =	vfloor.f32 v45  }
0x2a5: {  	v8 =	vmul.f32 $6.283185480e+00, v46;
	_ =	sdelay $0x1  }
0x2a6: {  	v8 =	vsub.f32 v44, v8;
	_ =	sdelay $0x1  }
0x2a7: {  	vm8 =	veq.f32 v8, $6.283185480e+00  }
0x2a8: {  	v8 =	vsel vm8, $0x0, v8  }
0x2a9: {  	v6 =	vand.u32 $0x80000000, v6;
	v8 =	vand.u32 $0x7FFFFFFF, v8  }
0x2aa: {  	v6 =	vor.u32 v6, v8;
	v47 =	vpop (erf)  }
0x2ab: {  	v6 =	vadd.f32 $-3.141592740e+00, v6;
	v48 =	vadd.f32 $1.000000000e+00, v47;
	_ =	sdelay $0x1  }
0x2ac: {  	v49 =	vmul.f32 v6, v6;
	(erf) = vrcp.f32 v48;
	_ =	sdelay $0x1  }
0x2ad: {  	v50 =	vmul.f32 $2.177788470e-06, v49;
	_ =	sdelay $0x1  }
0x2ae: {  	v9 =	vadd.f32 $-1.933732710e-04, v50;
	_ =	sdelay $0x1  }
0x2af: {  	v9 =	vmul.f32 v9, v49;
	_ =	sdelay $0x1  }
0x2b0: {  	v9 =	vadd.f32 $8.315024890e-03, v9  }
0x2b1: {  	v51 =	vpop (erf)  }
0x2b2: {  	v9 =	vmul.f32 v9, v49;
	v5 =	vmul.f32 v51, v5;
	_ =	sdelay $0x1  }
0x2b3: {  	v52 =	vmul.f32 v49, v6;
	[tilespmem:s17+$0x26B0] =	vst v5;
	v5 =	vadd.f32 $-1.666443350e-01, v9  }
0x2b4: {  	v53 =	vld.idx.msk [tilespmem:v3+s16+$0x300 ss:$0x1], $0xffff  }
0x2b5: {  	v5 =	vmul.f32 v5, v52;
	_ =	sdelay $0x1  }
0x2b6: {  	v5 =	vadd.f32 v5, v6;
	_ =	sdelay $0x1  }
0x2b7: {  	v54 =	vmul.f32 v41, v2;
	v5 =	vadd.f32 v53, v5;
	_ =	sdelay $0x1  }
0x2b8: {  	v6 =	vadd.f32 $3.141592740e+00, v54;
	v55 =	vsub.f32 $0.0e+00, v5;
	_ =	sdelay $0x1  }
0x2b9: {  	v56 =	vand.u32 $0x7FFFFFFF, v6;
	v7 =	vmul.f32 $1.442695020e+00, v55  }
0x2ba: {  	v57 =	vmul.f32 v56, v0  }
0x2bb: {  	(erf) = vpow2.f32 v7  }
0x2bc: {  	v58 =	vfloor.f32 v57  }
0x2bd: {  	v7 =	vmul.f32 $6.283185480e+00, v58;
	_ =	sdelay $0x1  }
0x2be: {  	v7 =	vsub.f32 v56, v7;
	_ =	sdelay $0x1  }
0x2bf: {  	vm9 =	veq.f32 v7, $6.283185480e+00  }
0x2c0: {  	v7 =	vsel vm9, $0x0, v7  }
0x2c1: {  	v6 =	vand.u32 $0x80000000, v6;
	v7 =	vand.u32 $0x7FFFFFFF, v7  }
0x2c2: {  	v6 =	vor.u32 v6, v7;
	v59 =	vpop (erf)  }
0x2c3: {  	v6 =	vadd.f32 $-3.141592740e+00, v6;
	v7 =	vadd.f32 $1.000000000e+00, v59;
	_ =	sdelay $0x1  }
0x2c4: {  	v60 =	vmul.f32 v6, v6;
	(erf) = vrcp.f32 v7;
	_ =	sdelay $0x1  }
0x2c5: {  	v61 =	vmul.f32 $2.177788470e-06, v60;
	_ =	sdelay $0x1  }
0x2c6: {  	v7 =	vadd.f32 $-1.933732710e-04, v61;
	_ =	sdelay $0x1  }
0x2c7: {  	v7 =	vmul.f32 v7, v60;
	_ =	sdelay $0x1  }
0x2c8: {  	v7 =	vadd.f32 $8.315024890e-03, v7  }
0x2c9: {  	v62 =	vpop (erf)  }
0x2ca: {  	v7 =	vmul.f32 v7, v60;
	v5 =	vmul.f32 v62, v5;
	_ =	sdelay $0x1  }
0x2cb: {  	v63 =	vmul.f32 v60, v6;
	v7 =	vadd.f32 $-1.666443350e-01, v7;
	[tilespmem:s17+$0x2700] =	vst v5  }
0x2cc: {  	v5 =	vld.idx.msk [tilespmem:v3+s16+$0x310 ss:$0x1], $0xffff  }
0x2cd: {  	v7 =	vmul.f32 v7, v63;
	_ =	sdelay $0x1  }
0x2ce: {  	v6 =	vadd.f32 v7, v6;
	_ =	sdelay $0x1  }
0x2cf: {  	v5 =	vadd.f32 v5, v6;
	_ =	sdelay $0x1  }
0x2d0: {  	v6 =	vsub.f32 $0.0e+00, v5;
	_ =	sdelay $0x1  }
0x2d1: {  	v6 =	vmul.f32 $1.442695020e+00, v6;
	_ =	sdelay $0x1  }
0x2d2: {  	(erf) = vpow2.f32 v6;
	_ =	sdelay $0x8  }
0x2d3: {  	v6 =	vpop (erf)  }
0x2d4: {  	v12 =	vmul.f32 $2.197296420e-07, v49;
	v6 =	vadd.f32 $1.000000000e+00, v6;
	_ =	sdelay $0x1  }
0x2d5: {  	v7 =	vsub.f32 $2.420294190e-05, v12;
	(erf) = vrcp.f32 v6;
	_ =	sdelay $0x1  }
0x2d6: {  	v13 =	vmul.f32 v7, v49;
	_ =	sdelay $0x1  }
0x2d7: {  	v6 =	vadd.f32 $-1.385879000e-03, v13;
	_ =	sdelay $0x1  }
0x2d8: {  	v6 =	vmul.f32 v6, v49;
	_ =	sdelay $0x1  }
0x2d9: {  	v6 =	vadd.f32 $4.165977610e-02, v6  }
0x2da: {  	v14 =	vpop (erf)  }
0x2db: {  	v6 =	vmul.f32 v6, v49;
	v5 =	vmul.f32 v14, v5;
	_ =	sdelay $0x1  }
0x2dc: {  	v6 =	vadd.f32 $-4.999942180e-01, v6;
	[tilespmem:s17+$0x2710] =	vst v5  }
0x2dd: {  	v5 =	vld.idx.msk [tilespmem:v3+s16+$0x320 ss:$0x1], $0xffff  }
0x2de: {  	v6 =	vmul.f32 v6, v49;
	_ =	sdelay $0x1  }
0x2df: {  	v6 =	vadd.f32 $9.999992250e-01, v6;
	_ =	sdelay $0x1  }
0x2e0: {  	v5 =	vadd.f32 v5, v6;
	_ =	sdelay $0x1  }
0x2e1: {  	v6 =	vsub.f32 $0.0e+00, v5;
	_ =	sdelay $0x1  }
0x2e2: {  	v6 =	vmul.f32 $1.442695020e+00, v6;
	_ =	sdelay $0x1  }
0x2e3: {  	(erf) = vpow2.f32 v6;
	_ =	sdelay $0x8  }
0x2e4: {  	v6 =	vpop (erf)  }
0x2e5: {  	v15 =	vmul.f32 $2.197296420e-07, v60;
	v6 =	vadd.f32 $1.000000000e+00, v6;
	_ =	sdelay $0x1  }
0x2e6: {  	v7 =	vsub.f32 $2.420294190e-05, v15;
	(erf) = vrcp.f32 v6;
	_ =	sdelay $0x1  }
0x2e7: {  	v16 =	vmul.f32 v7, v60;
	_ =	sdelay $0x1  }
0x2e8: {  	v6 =	vadd.f32 $-1.385879000e-03, v16;
	_ =	sdelay $0x1  }
0x2e9: {  	v6 =	vmul.f32 v6, v60;
	_ =	sdelay $0x1  }
0x2ea: {  	v6 =	vadd.f32 $4.165977610e-02, v6  }
0x2eb: {  	v17 =	vpop (erf)  }
0x2ec: {  	v6 =	vmul.f32 v6, v60;
	v5 =	vmul.f32 v17, v5;
	_ =	sdelay $0x1  }
0x2ed: {  	v6 =	vadd.f32 $-4.999942180e-01, v6;
	[tilespmem:s17+$0x2720] =	vst v5  }
0x2ee: {  	v5 =	vld.idx.msk [tilespmem:v3+s16+$0x330 ss:$0x1], $0xffff  }
0x2ef: {  	v6 =	vmul.f32 v6, v60;
	_ =	sdelay $0x1  }
0x2f0: {  	v18 =	vbroadcast v4, $0x7;
	v6 =	vadd.f32 $9.999992250e-01, v6;
	_ =	sdelay $0x1  }
0x2f1: {  	v19 =	vmul.f32 v18, v1;
	v5 =	vadd.f32 v5, v6;
	_ =	sdelay $0x1  }
0x2f2: {  	v6 =	vadd.f32 $3.141592740e+00, v19;
	v20 =	vsub.f32 $0.0e+00, v5;
	_ =	sdelay $0x1  }
0x2f3: {  	v21 =	vand.u32 $0x7FFFFFFF, v6;
	v8 =	vmul.f32 $1.442695020e+00, v20  }
0x2f4: {  	v22 =	vmul.f32 v21, v0  }
0x2f5: {  	(erf) = vpow2.f32 v8  }
0x2f6: {  	v23 =	vfloor.f32 v22  }
0x2f7: {  	v8 =	vmul.f32 $6.283185480e+00, v23;
	_ =	sdelay $0x1  }
0x2f8: {  	v8 =	vsub.f32 v21, v8;
	_ =	sdelay $0x1  }
0x2f9: {  	vm10 =	veq.f32 v8, $6.283185480e+00  }
0x2fa: {  	v8 =	vsel vm10, $0x0, v8  }
0x2fb: {  	v6 =	vand.u32 $0x80000000, v6;
	v8 =	vand.u32 $0x7FFFFFFF, v8  }
0x2fc: {  	v6 =	vor.u32 v6, v8;
	v24 =	vpop (erf)  }
0x2fd: {  	v6 =	vadd.f32 $-3.141592740e+00, v6;
	v25 =	vadd.f32 $1.000000000e+00, v24;
	_ =	sdelay $0x1  }
0x2fe: {  	v26 =	vmul.f32 v6, v6;
	(erf) = vrcp.f32 v25;
	_ =	sdelay $0x1  }
0x2ff: {  	v27 =	vmul.f32 $2.177788470e-06, v26;
	_ =	sdelay $0x1  }
0x300: {  	v9 =	vadd.f32 $-1.933732710e-04, v27;
	_ =	sdelay $0x1  }
0x301: {  	v9 =	vmul.f32 v9, v26;
	_ =	sdelay $0x1  }
0x302: {  	v9 =	vadd.f32 $8.315024890e-03, v9  }
0x303: {  	v28 =	vpop (erf)  }
0x304: {  	v9 =	vmul.f32 v9, v26;
	v5 =	vmul.f32 v28, v5;
	_ =	sdelay $0x1  }
0x305: {  	v29 =	vmul.f32 v26, v6;
	[tilespmem:s17+$0x2730] =	vst v5;
	v5 =	vadd.f32 $-1.666443350e-01, v9  }
0x306: {  	v30 =	vld.idx.msk [tilespmem:v3+s16+$0x380 ss:$0x1], $0xffff  }
0x307: {  	v5 =	vmul.f32 v5, v29;
	_ =	sdelay $0x1  }
0x308: {  	v5 =	vadd.f32 v5, v6;
	_ =	sdelay $0x1  }
0x309: {  	v31 =	vmul.f32 v18, v2;
	v5 =	vadd.f32 v30, v5;
	_ =	sdelay $0x1  }
0x30a: {  	v6 =	vadd.f32 $3.141592740e+00, v31;
	v32 =	vsub.f32 $0.0e+00, v5;
	_ =	sdelay $0x1  }
0x30b: {  	v33 =	vand.u32 $0x7FFFFFFF, v6;
	v7 =	vmul.f32 $1.442695020e+00, v32  }
0x30c: {  	v34 =	vmul.f32 v33, v0  }
0x30d: {  	(erf) = vpow2.f32 v7  }
0x30e: {  	v35 =	vfloor.f32 v34  }
0x30f: {  	v7 =	vmul.f32 $6.283185480e+00, v35;
	_ =	sdelay $0x1  }
0x310: {  	v7 =	vsub.f32 v33, v7;
	_ =	sdelay $0x1  }
0x311: {  	vm11 =	veq.f32 v7, $6.283185480e+00  }
0x312: {  	v7 =	vsel vm11, $0x0, v7  }
0x313: {  	v6 =	vand.u32 $0x80000000, v6;
	v7 =	vand.u32 $0x7FFFFFFF, v7  }
0x314: {  	v6 =	vor.u32 v6, v7;
	v36 =	vpop (erf)  }
0x315: {  	v6 =	vadd.f32 $-3.141592740e+00, v6;
	v7 =	vadd.f32 $1.000000000e+00, v36;
	_ =	sdelay $0x1  }
0x316: {  	v37 =	vmul.f32 v6, v6;
	(erf) = vrcp.f32 v7;
	_ =	sdelay $0x1  }
0x317: {  	v38 =	vmul.f32 $2.177788470e-06, v37;
	_ =	sdelay $0x1  }
0x318: {  	v7 =	vadd.f32 $-1.933732710e-04, v38;
	_ =	sdelay $0x1  }
0x319: {  	v7 =	vmul.f32 v7, v37;
	_ =	sdelay $0x1  }
0x31a: {  	v7 =	vadd.f32 $8.315024890e-03, v7  }
0x31b: {  	v39 =	vpop (erf)  }
0x31c: {  	v7 =	vmul.f32 v7, v37;
	v5 =	vmul.f32 v39, v5;
	_ =	sdelay $0x1  }
0x31d: {  	v40 =	vmul.f32 v37, v6;
	v7 =	vadd.f32 $-1.666443350e-01, v7;
	[tilespmem:s17+$0x2780] =	vst v5  }
0x31e: {  	v5 =	vld.idx.msk [tilespmem:v3+s16+$0x390 ss:$0x1], $0xffff  }
0x31f: {  	v7 =	vmul.f32 v7, v40;
	_ =	sdelay $0x1  }
0x320: {  	v6 =	vadd.f32 v7, v6;
	_ =	sdelay $0x1  }
0x321: {  	v5 =	vadd.f32 v5, v6;
	_ =	sdelay $0x1  }
0x322: {  	v6 =	vsub.f32 $0.0e+00, v5;
	_ =	sdelay $0x1  }
0x323: {  	v6 =	vmul.f32 $1.442695020e+00, v6;
	_ =	sdelay $0x1  }
0x324: {  	(erf) = vpow2.f32 v6;
	_ =	sdelay $0x8  }
0x325: {  	v6 =	vpop (erf)  }
0x326: {  	v41 =	vmul.f32 $2.197296420e-07, v26;
	v6 =	vadd.f32 $1.000000000e+00, v6;
	_ =	sdelay $0x1  }
0x327: {  	v7 =	vsub.f32 $2.420294190e-05, v41;
	(erf) = vrcp.f32 v6;
	_ =	sdelay $0x1  }
0x328: {  	v42 =	vmul.f32 v7, v26;
	_ =	sdelay $0x1  }
0x329: {  	v6 =	vadd.f32 $-1.385879000e-03, v42;
	_ =	sdelay $0x1  }
0x32a: {  	v6 =	vmul.f32 v6, v26;
	_ =	sdelay $0x1  }
0x32b: {  	v6 =	vadd.f32 $4.165977610e-02, v6  }
0x32c: {  	v43 =	vpop (erf)  }
0x32d: {  	v6 =	vmul.f32 v6, v26;
	v5 =	vmul.f32 v43, v5;
	_ =	sdelay $0x1  }
0x32e: {  	v6 =	vadd.f32 $-4.999942180e-01, v6;
	[tilespmem:s17+$0x2790] =	vst v5  }
0x32f: {  	v5 =	vld.idx.msk [tilespmem:v3+s16+$0x3A0 ss:$0x1], $0xffff  }
0x330: {  	v6 =	vmul.f32 v6, v26;
	_ =	sdelay $0x1  }
0x331: {  	v6 =	vadd.f32 $9.999992250e-01, v6;
	_ =	sdelay $0x1  }
0x332: {  	v5 =	vadd.f32 v5, v6;
	_ =	sdelay $0x1  }
0x333: {  	v6 =	vsub.f32 $0.0e+00, v5;
	_ =	sdelay $0x1  }
0x334: {  	v6 =	vmul.f32 $1.442695020e+00, v6;
	_ =	sdelay $0x1  }
0x335: {  	(erf) = vpow2.f32 v6;
	_ =	sdelay $0x8  }
0x336: {  	v6 =	vpop (erf)  }
0x337: {  	v44 =	vmul.f32 $2.197296420e-07, v37;
	v6 =	vadd.f32 $1.000000000e+00, v6;
	_ =	sdelay $0x1  }
0x338: {  	v7 =	vsub.f32 $2.420294190e-05, v44;
	(erf) = vrcp.f32 v6;
	_ =	sdelay $0x1  }
0x339: {  	v45 =	vmul.f32 v7, v37;
	_ =	sdelay $0x1  }
0x33a: {  	v6 =	vadd.f32 $-1.385879000e-03, v45;
	_ =	sdelay $0x1  }
0x33b: {  	v6 =	vmul.f32 v6, v37;
	_ =	sdelay $0x1  }
0x33c: {  	v6 =	vadd.f32 $4.165977610e-02, v6  }
0x33d: {  	v46 =	vpop (erf)  }
0x33e: {  	v6 =	vmul.f32 v6, v37;
	v5 =	vmul.f32 v46, v5;
	_ =	sdelay $0x1  }
0x33f: {  	v6 =	vadd.f32 $-4.999942180e-01, v6;
	[tilespmem:s17+$0x27A0] =	vst v5  }
0x340: {  	v5 =	vld.idx.msk [tilespmem:v3+s16+$0x3B0 ss:$0x1], $0xffff  }
0x341: {  	v6 =	vmul.f32 v6, v37;
	_ =	sdelay $0x1  }
0x342: {  	v47 =	vbroadcast v4, $0x8;
	v6 =	vadd.f32 $9.999992250e-01, v6;
	_ =	sdelay $0x1  }
0x343: {  	v48 =	vmul.f32 v47, v1;
	v5 =	vadd.f32 v5, v6;
	_ =	sdelay $0x1  }
0x344: {  	v6 =	vadd.f32 $3.141592740e+00, v48;
	v49 =	vsub.f32 $0.0e+00, v5;
	_ =	sdelay $0x1  }
0x345: {  	v50 =	vand.u32 $0x7FFFFFFF, v6;
	v8 =	vmul.f32 $1.442695020e+00, v49  }
0x346: {  	v51 =	vmul.f32 v50, v0  }
0x347: {  	(erf) = vpow2.f32 v8  }
0x348: {  	v52 =	vfloor.f32 v51  }
0x349: {  	v8 =	vmul.f32 $6.283185480e+00, v52;
	_ =	sdelay $0x1  }
0x34a: {  	v8 =	vsub.f32 v50, v8;
	_ =	sdelay $0x1  }
0x34b: {  	vm12 =	veq.f32 v8, $6.283185480e+00  }
0x34c: {  	v8 =	vsel vm12, $0x0, v8  }
0x34d: {  	v6 =	vand.u32 $0x80000000, v6;
	v8 =	vand.u32 $0x7FFFFFFF, v8  }
0x34e: {  	v6 =	vor.u32 v6, v8;
	v53 =	vpop (erf)  }
0x34f: {  	v6 =	vadd.f32 $-3.141592740e+00, v6;
	v54 =	vadd.f32 $1.000000000e+00, v53;
	_ =	sdelay $0x1  }
0x350: {  	v55 =	vmul.f32 v6, v6;
	(erf) = vrcp.f32 v54;
	_ =	sdelay $0x1  }
0x351: {  	v56 =	vmul.f32 $2.177788470e-06, v55;
	_ =	sdelay $0x1  }
0x352: {  	v9 =	vadd.f32 $-1.933732710e-04, v56;
	_ =	sdelay $0x1  }
0x353: {  	v9 =	vmul.f32 v9, v55;
	_ =	sdelay $0x1  }
0x354: {  	v9 =	vadd.f32 $8.315024890e-03, v9  }
0x355: {  	v57 =	vpop (erf)  }
0x356: {  	v9 =	vmul.f32 v9, v55;
	v5 =	vmul.f32 v57, v5;
	_ =	sdelay $0x1  }
0x357: {  	v58 =	vmul.f32 v55, v6;
	[tilespmem:s17+$0x27B0] =	vst v5;
	v5 =	vadd.f32 $-1.666443350e-01, v9  }
0x358: {  	v59 =	vld.idx.msk [tilespmem:v3+s16+$0x400 ss:$0x1], $0xffff  }
0x359: {  	v5 =	vmul.f32 v5, v58;
	_ =	sdelay $0x1  }
0x35a: {  	v5 =	vadd.f32 v5, v6;
	_ =	sdelay $0x1  }
0x35b: {  	v60 =	vmul.f32 v47, v2;
	v5 =	vadd.f32 v59, v5;
	_ =	sdelay $0x1  }
0x35c: {  	v6 =	vadd.f32 $3.141592740e+00, v60;
	v61 =	vsub.f32 $0.0e+00, v5;
	_ =	sdelay $0x1  }
0x35d: {  	v62 =	vand.u32 $0x7FFFFFFF, v6;
	v7 =	vmul.f32 $1.442695020e+00, v61  }
0x35e: {  	v63 =	vmul.f32 v62, v0  }
0x35f: {  	(erf) = vpow2.f32 v7  }
0x360: {  	v10 =	vfloor.f32 v63  }
0x361: {  	v7 =	vmul.f32 $6.283185480e+00, v10;
	_ =	sdelay $0x1  }
0x362: {  	v7 =	vsub.f32 v62, v7;
	_ =	sdelay $0x1  }
0x363: {  	vm13 =	veq.f32 v7, $6.283185480e+00  }
0x364: {  	v7 =	vsel vm13, $0x0, v7  }
0x365: {  	v6 =	vand.u32 $0x80000000, v6;
	v7 =	vand.u32 $0x7FFFFFFF, v7  }
0x366: {  	v6 =	vor.u32 v6, v7;
	v11 =	vpop (erf)  }
0x367: {  	v6 =	vadd.f32 $-3.141592740e+00, v6;
	v7 =	vadd.f32 $1.000000000e+00, v11;
	_ =	sdelay $0x1  }
0x368: {  	v12 =	vmul.f32 v6, v6;
	(erf) = vrcp.f32 v7;
	_ =	sdelay $0x1  }
0x369: {  	v13 =	vmul.f32 $2.177788470e-06, v12;
	_ =	sdelay $0x1  }
0x36a: {  	v7 =	vadd.f32 $-1.933732710e-04, v13;
	_ =	sdelay $0x1  }
0x36b: {  	v7 =	vmul.f32 v7, v12;
	_ =	sdelay $0x1  }
0x36c: {  	v7 =	vadd.f32 $8.315024890e-03, v7  }
0x36d: {  	v14 =	vpop (erf)  }
0x36e: {  	v7 =	vmul.f32 v7, v12;
	v5 =	vmul.f32 v14, v5;
	_ =	sdelay $0x1  }
0x36f: {  	v15 =	vmul.f32 v12, v6;
	v7 =	vadd.f32 $-1.666443350e-01, v7;
	[tilespmem:s17+$0x2800] =	vst v5  }
0x370: {  	v5 =	vld.idx.msk [tilespmem:v3+s16+$0x410 ss:$0x1], $0xffff  }
0x371: {  	v7 =	vmul.f32 v7, v15;
	_ =	sdelay $0x1  }
0x372: {  	v6 =	vadd.f32 v7, v6;
	_ =	sdelay $0x1  }
0x373: {  	v5 =	vadd.f32 v5, v6;
	_ =	sdelay $0x1  }
0x374: {  	v6 =	vsub.f32 $0.0e+00, v5;
	_ =	sdelay $0x1  }
0x375: {  	v6 =	vmul.f32 $1.442695020e+00, v6;
	_ =	sdelay $0x1  }
0x376: {  	(erf) = vpow2.f32 v6;
	_ =	sdelay $0x8  }
0x377: {  	v6 =	vpop (erf)  }
0x378: {  	v16 =	vmul.f32 $2.197296420e-07, v55;
	v6 =	vadd.f32 $1.000000000e+00, v6;
	_ =	sdelay $0x1  }
0x379: {  	v7 =	vsub.f32 $2.420294190e-05, v16;
	(erf) = vrcp.f32 v6;
	_ =	sdelay $0x1  }
0x37a: {  	v17 =	vmul.f32 v7, v55;
	_ =	sdelay $0x1  }
0x37b: {  	v6 =	vadd.f32 $-1.385879000e-03, v17;
	_ =	sdelay $0x1  }
0x37c: {  	v6 =	vmul.f32 v6, v55;
	_ =	sdelay $0x1  }
0x37d: {  	v6 =	vadd.f32 $4.165977610e-02, v6  }
0x37e: {  	v18 =	vpop (erf)  }
0x37f: {  	v6 =	vmul.f32 v6, v55;
	v5 =	vmul.f32 v18, v5;
	_ =	sdelay $0x1  }
0x380: {  	v6 =	vadd.f32 $-4.999942180e-01, v6;
	[tilespmem:s17+$0x2810] =	vst v5  }
0x381: {  	v5 =	vld.idx.msk [tilespmem:v3+s16+$0x420 ss:$0x1], $0xffff  }
0x382: {  	v6 =	vmul.f32 v6, v55;
	_ =	sdelay $0x1  }
0x383: {  	v6 =	vadd.f32 $9.999992250e-01, v6;
	_ =	sdelay $0x1  }
0x384: {  	v5 =	vadd.f32 v5, v6;
	_ =	sdelay $0x1  }
0x385: {  	v6 =	vsub.f32 $0.0e+00, v5;
	_ =	sdelay $0x1  }
0x386: {  	v6 =	vmul.f32 $1.442695020e+00, v6;
	_ =	sdelay $0x1  }
0x387: {  	(erf) = vpow2.f32 v6;
	_ =	sdelay $0x8  }
0x388: {  	v6 =	vpop (erf)  }
0x389: {  	v19 =	vmul.f32 $2.197296420e-07, v12;
	v6 =	vadd.f32 $1.000000000e+00, v6;
	_ =	sdelay $0x1  }
0x38a: {  	v7 =	vsub.f32 $2.420294190e-05, v19;
	(erf) = vrcp.f32 v6;
	_ =	sdelay $0x1  }
0x38b: {  	v20 =	vmul.f32 v7, v12;
	_ =	sdelay $0x1  }
0x38c: {  	v6 =	vadd.f32 $-1.385879000e-03, v20;
	_ =	sdelay $0x1  }
0x38d: {  	v6 =	vmul.f32 v6, v12;
	_ =	sdelay $0x1  }
0x38e: {  	v6 =	vadd.f32 $4.165977610e-02, v6  }
0x38f: {  	v21 =	vpop (erf)  }
0x390: {  	v6 =	vmul.f32 v6, v12;
	v5 =	vmul.f32 v21, v5;
	_ =	sdelay $0x1  }
0x391: {  	v6 =	vadd.f32 $-4.999942180e-01, v6;
	[tilespmem:s17+$0x2820] =	vst v5  }
0x392: {  	v5 =	vld.idx.msk [tilespmem:v3+s16+$0x430 ss:$0x1], $0xffff  }
0x393: {  	v6 =	vmul.f32 v6, v12;
	_ =	sdelay $0x1  }
0x394: {  	v22 =	vbroadcast v4, $0x9;
	v6 =	vadd.f32 $9.999992250e-01, v6;
	_ =	sdelay $0x1  }
0x395: {  	v23 =	vmul.f32 v22, v1;
	v5 =	vadd.f32 v5, v6;
	_ =	sdelay $0x1  }
0x396: {  	v6 =	vadd.f32 $3.141592740e+00, v23;
	v24 =	vsub.f32 $0.0e+00, v5;
	_ =	sdelay $0x1  }
0x397: {  	v25 =	vand.u32 $0x7FFFFFFF, v6;
	v8 =	vmul.f32 $1.442695020e+00, v24  }
0x398: {  	v26 =	vmul.f32 v25, v0  }
0x399: {  	(erf) = vpow2.f32 v8  }
0x39a: {  	v27 =	vfloor.f32 v26  }
0x39b: {  	v8 =	vmul.f32 $6.283185480e+00, v27;
	_ =	sdelay $0x1  }
0x39c: {  	v8 =	vsub.f32 v25, v8;
	_ =	sdelay $0x1  }
0x39d: {  	vm14 =	veq.f32 v8, $6.283185480e+00  }
0x39e: {  	v8 =	vsel vm14, $0x0, v8  }
0x39f: {  	v6 =	vand.u32 $0x80000000, v6;
	v8 =	vand.u32 $0x7FFFFFFF, v8  }
0x3a0: {  	v6 =	vor.u32 v6, v8;
	v28 =	vpop (erf)  }
0x3a1: {  	v6 =	vadd.f32 $-3.141592740e+00, v6;
	v29 =	vadd.f32 $1.000000000e+00, v28;
	_ =	sdelay $0x1  }
0x3a2: {  	v30 =	vmul.f32 v6, v6;
	(erf) = vrcp.f32 v29;
	_ =	sdelay $0x1  }
0x3a3: {  	v31 =	vmul.f32 $2.177788470e-06, v30;
	_ =	sdelay $0x1  }
0x3a4: {  	v9 =	vadd.f32 $-1.933732710e-04, v31;
	_ =	sdelay $0x1  }
0x3a5: {  	v9 =	vmul.f32 v9, v30;
	_ =	sdelay $0x1  }
0x3a6: {  	v9 =	vadd.f32 $8.315024890e-03, v9  }
0x3a7: {  	v32 =	vpop (erf)  }
0x3a8: {  	v9 =	vmul.f32 v9, v30;
	v5 =	vmul.f32 v32, v5;
	_ =	sdelay $0x1  }
0x3a9: {  	v33 =	vmul.f32 v30, v6;
	[tilespmem:s17+$0x2830] =	vst v5;
	v5 =	vadd.f32 $-1.666443350e-01, v9  }
0x3aa: {  	v34 =	vld.idx.msk [tilespmem:v3+s16+$0x480 ss:$0x1], $0xffff  }
0x3ab: {  	v5 =	vmul.f32 v5, v33;
	_ =	sdelay $0x1  }
0x3ac: {  	v5 =	vadd.f32 v5, v6;
	_ =	sdelay $0x1  }
0x3ad: {  	v35 =	vmul.f32 v22, v2;
	v5 =	vadd.f32 v34, v5;
	_ =	sdelay $0x1  }
0x3ae: {  	v6 =	vadd.f32 $3.141592740e+00, v35;
	v36 =	vsub.f32 $0.0e+00, v5;
	_ =	sdelay $0x1  }
0x3af: {  	v37 =	vand.u32 $0x7FFFFFFF, v6;
	v7 =	vmul.f32 $1.442695020e+00, v36  }
0x3b0: {  	v38 =	vmul.f32 v37, v0  }
0x3b1: {  	(erf) = vpow2.f32 v7  }
0x3b2: {  	v39 =	vfloor.f32 v38  }
0x3b3: {  	v7 =	vmul.f32 $6.283185480e+00, v39;
	_ =	sdelay $0x1  }
0x3b4: {  	v7 =	vsub.f32 v37, v7;
	_ =	sdelay $0x1  }
0x3b5: {  	vm15 =	veq.f32 v7, $6.283185480e+00  }
0x3b6: {  	v7 =	vsel vm15, $0x0, v7  }
0x3b7: {  	v6 =	vand.u32 $0x80000000, v6;
	v7 =	vand.u32 $0x7FFFFFFF, v7  }
0x3b8: {  	v6 =	vor.u32 v6, v7;
	v40 =	vpop (erf)  }
0x3b9: {  	v6 =	vadd.f32 $-3.141592740e+00, v6;
	v7 =	vadd.f32 $1.000000000e+00, v40;
	_ =	sdelay $0x1  }
0x3ba: {  	v41 =	vmul.f32 v6, v6;
	(erf) = vrcp.f32 v7;
	_ =	sdelay $0x1  }
0x3bb: {  	v42 =	vmul.f32 $2.177788470e-06, v41;
	_ =	sdelay $0x1  }
0x3bc: {  	v7 =	vadd.f32 $-1.933732710e-04, v42;
	_ =	sdelay $0x1  }
0x3bd: {  	v7 =	vmul.f32 v7, v41;
	_ =	sdelay $0x1  }
0x3be: {  	v7 =	vadd.f32 $8.315024890e-03, v7  }
0x3bf: {  	v43 =	vpop (erf)  }
0x3c0: {  	v7 =	vmul.f32 v7, v41;
	v5 =	vmul.f32 v43, v5;
	_ =	sdelay $0x1  }
0x3c1: {  	v44 =	vmul.f32 v41, v6;
	v7 =	vadd.f32 $-1.666443350e-01, v7;
	[tilespmem:s17+$0x2880] =	vst v5  }
0x3c2: {  	v5 =	vld.idx.msk [tilespmem:v3+s16+$0x490 ss:$0x1], $0xffff  }
0x3c3: {  	v7 =	vmul.f32 v7, v44;
	_ =	sdelay $0x1  }
0x3c4: {  	v6 =	vadd.f32 v7, v6;
	_ =	sdelay $0x1  }
0x3c5: {  	v5 =	vadd.f32 v5, v6;
	_ =	sdelay $0x1  }
0x3c6: {  	v6 =	vsub.f32 $0.0e+00, v5;
	_ =	sdelay $0x1  }
0x3c7: {  	v6 =	vmul.f32 $1.442695020e+00, v6;
	_ =	sdelay $0x1  }
0x3c8: {  	(erf) = vpow2.f32 v6;
	_ =	sdelay $0x8  }
0x3c9: {  	v6 =	vpop (erf)  }
0x3ca: {  	v45 =	vmul.f32 $2.197296420e-07, v30;
	v6 =	vadd.f32 $1.000000000e+00, v6;
	_ =	sdelay $0x1  }
0x3cb: {  	v7 =	vsub.f32 $2.420294190e-05, v45;
	(erf) = vrcp.f32 v6;
	_ =	sdelay $0x1  }
0x3cc: {  	v46 =	vmul.f32 v7, v30;
	_ =	sdelay $0x1  }
0x3cd: {  	v6 =	vadd.f32 $-1.385879000e-03, v46;
	_ =	sdelay $0x1  }
0x3ce: {  	v6 =	vmul.f32 v6, v30;
	_ =	sdelay $0x1  }
0x3cf: {  	v6 =	vadd.f32 $4.165977610e-02, v6  }
0x3d0: {  	v47 =	vpop (erf)  }
0x3d1: {  	v6 =	vmul.f32 v6, v30;
	v5 =	vmul.f32 v47, v5;
	_ =	sdelay $0x1  }
0x3d2: {  	v6 =	vadd.f32 $-4.999942180e-01, v6;
	[tilespmem:s17+$0x2890] =	vst v5  }
0x3d3: {  	v5 =	vld.idx.msk [tilespmem:v3+s16+$0x4A0 ss:$0x1], $0xffff  }
0x3d4: {  	v6 =	vmul.f32 v6, v30;
	_ =	sdelay $0x1  }
0x3d5: {  	v6 =	vadd.f32 $9.999992250e-01, v6;
	_ =	sdelay $0x1  }
0x3d6: {  	v5 =	vadd.f32 v5, v6;
	_ =	sdelay $0x1  }
0x3d7: {  	v6 =	vsub.f32 $0.0e+00, v5;
	_ =	sdelay $0x1  }
0x3d8: {  	v6 =	vmul.f32 $1.442695020e+00, v6;
	_ =	sdelay $0x1  }
0x3d9: {  	(erf) = vpow2.f32 v6;
	_ =	sdelay $0x8  }
0x3da: {  	v6 =	vpop (erf)  }
0x3db: {  	v48 =	vmul.f32 $2.197296420e-07, v41;
	v6 =	vadd.f32 $1.000000000e+00, v6;
	_ =	sdelay $0x1  }
0x3dc: {  	v7 =	vsub.f32 $2.420294190e-05, v48;
	(erf) = vrcp.f32 v6;
	_ =	sdelay $0x1  }
0x3dd: {  	v49 =	vmul.f32 v7, v41;
	_ =	sdelay $0x1  }
0x3de: {  	v6 =	vadd.f32 $-1.385879000e-03, v49;
	_ =	sdelay $0x1  }
0x3df: {  	v6 =	vmul.f32 v6, v41;
	_ =	sdelay $0x1  }
0x3e0: {  	v6 =	vadd.f32 $4.165977610e-02, v6  }
0x3e1: {  	v50 =	vpop (erf)  }
0x3e2: {  	v6 =	vmul.f32 v6, v41;
	v5 =	vmul.f32 v50, v5;
	_ =	sdelay $0x1  }
0x3e3: {  	v6 =	vadd.f32 $-4.999942180e-01, v6;
	[tilespmem:s17+$0x28A0] =	vst v5  }
0x3e4: {  	v5 =	vld.idx.msk [tilespmem:v3+s16+$0x4B0 ss:$0x1], $0xffff  }
0x3e5: {  	v6 =	vmul.f32 v6, v41;
	_ =	sdelay $0x1  }
0x3e6: {  	v51 =	vbroadcast v4, $0xA;
	v6 =	vadd.f32 $9.999992250e-01, v6;
	_ =	sdelay $0x1  }
0x3e7: {  	v52 =	vmul.f32 v51, v1;
	v5 =	vadd.f32 v5, v6;
	_ =	sdelay $0x1  }
0x3e8: {  	v6 =	vadd.f32 $3.141592740e+00, v52;
	v53 =	vsub.f32 $0.0e+00, v5;
	_ =	sdelay $0x1  }
0x3e9: {  	v54 =	vand.u32 $0x7FFFFFFF, v6;
	v8 =	vmul.f32 $1.442695020e+00, v53  }
0x3ea: {  	v55 =	vmul.f32 v54, v0  }
0x3eb: {  	(erf) = vpow2.f32 v8  }
0x3ec: {  	v56 =	vfloor.f32 v55  }
0x3ed: {  	v8 =	vmul.f32 $6.283185480e+00, v56;
	_ =	sdelay $0x1  }
0x3ee: {  	v8 =	vsub.f32 v54, v8;
	_ =	sdelay $0x1  }
0x3ef: {  	vm4 =	veq.f32 v8, $6.283185480e+00  }
0x3f0: {  	v8 =	vsel vm4, $0x0, v8  }
0x3f1: {  	v6 =	vand.u32 $0x80000000, v6;
	v8 =	vand.u32 $0x7FFFFFFF, v8  }
0x3f2: {  	v6 =	vor.u32 v6, v8;
	v57 =	vpop (erf)  }
0x3f3: {  	v6 =	vadd.f32 $-3.141592740e+00, v6;
	v58 =	vadd.f32 $1.000000000e+00, v57;
	_ =	sdelay $0x1  }
0x3f4: {  	v59 =	vmul.f32 v6, v6;
	(erf) = vrcp.f32 v58;
	_ =	sdelay $0x1  }
0x3f5: {  	v60 =	vmul.f32 $2.177788470e-06, v59;
	_ =	sdelay $0x1  }
0x3f6: {  	v9 =	vadd.f32 $-1.933732710e-04, v60;
	_ =	sdelay $0x1  }
0x3f7: {  	v9 =	vmul.f32 v9, v59;
	_ =	sdelay $0x1  }
0x3f8: {  	v9 =	vadd.f32 $8.315024890e-03, v9  }
0x3f9: {  	v61 =	vpop (erf)  }
0x3fa: {  	v9 =	vmul.f32 v9, v59;
	v5 =	vmul.f32 v61, v5;
	_ =	sdelay $0x1  }
0x3fb: {  	v62 =	vmul.f32 v59, v6;
	[tilespmem:s17+$0x28B0] =	vst v5;
	v5 =	vadd.f32 $-1.666443350e-01, v9  }
0x3fc: {  	v63 =	vld.idx.msk [tilespmem:v3+s16+$0x500 ss:$0x1], $0xffff  }
0x3fd: {  	v5 =	vmul.f32 v5, v62;
	_ =	sdelay $0x1  }
0x3fe: {  	v5 =	vadd.f32 v5, v6;
	_ =	sdelay $0x1  }
0x3ff: {  	v11 =	vmul.f32 v51, v2;
	v5 =	vadd.f32 v63, v5;
	_ =	sdelay $0x1  }
0x400: {  	v6 =	vadd.f32 $3.141592740e+00, v11;
	v12 =	vsub.f32 $0.0e+00, v5;
	_ =	sdelay $0x1  }
0x401: {  	v13 =	vand.u32 $0x7FFFFFFF, v6;
	v7 =	vmul.f32 $1.442695020e+00, v12  }
0x402: {  	v14 =	vmul.f32 v13, v0  }
0x403: {  	(erf) = vpow2.f32 v7  }
0x404: {  	v15 =	vfloor.f32 v14  }
0x405: {  	v7 =	vmul.f32 $6.283185480e+00, v15;
	_ =	sdelay $0x1  }
0x406: {  	v7 =	vsub.f32 v13, v7;
	_ =	sdelay $0x1  }
0x407: {  	vm5 =	veq.f32 v7, $6.283185480e+00  }
0x408: {  	v7 =	vsel vm5, $0x0, v7  }
0x409: {  	v6 =	vand.u32 $0x80000000, v6;
	v7 =	vand.u32 $0x7FFFFFFF, v7  }
0x40a: {  	v6 =	vor.u32 v6, v7;
	v16 =	vpop (erf)  }
0x40b: {  	v6 =	vadd.f32 $-3.141592740e+00, v6;
	v7 =	vadd.f32 $1.000000000e+00, v16;
	_ =	sdelay $0x1  }
0x40c: {  	v17 =	vmul.f32 v6, v6;
	(erf) = vrcp.f32 v7;
	_ =	sdelay $0x1  }
0x40d: {  	v18 =	vmul.f32 $2.177788470e-06, v17;
	_ =	sdelay $0x1  }
0x40e: {  	v7 =	vadd.f32 $-1.933732710e-04, v18;
	_ =	sdelay $0x1  }
0x40f: {  	v7 =	vmul.f32 v7, v17;
	_ =	sdelay $0x1  }
0x410: {  	v7 =	vadd.f32 $8.315024890e-03, v7  }
0x411: {  	v19 =	vpop (erf)  }
0x412: {  	v7 =	vmul.f32 v7, v17;
	v5 =	vmul.f32 v19, v5;
	_ =	sdelay $0x1  }
0x413: {  	v20 =	vmul.f32 v17, v6;
	v7 =	vadd.f32 $-1.666443350e-01, v7;
	[tilespmem:s17+$0x2900] =	vst v5  }
0x414: {  	v5 =	vld.idx.msk [tilespmem:v3+s16+$0x510 ss:$0x1], $0xffff  }
0x415: {  	v7 =	vmul.f32 v7, v20;
	_ =	sdelay $0x1  }
0x416: {  	v6 =	vadd.f32 v7, v6;
	_ =	sdelay $0x1  }
0x417: {  	v5 =	vadd.f32 v5, v6;
	_ =	sdelay $0x1  }
0x418: {  	v6 =	vsub.f32 $0.0e+00, v5;
	_ =	sdelay $0x1  }
0x419: {  	v6 =	vmul.f32 $1.442695020e+00, v6;
	_ =	sdelay $0x1  }
0x41a: {  	(erf) = vpow2.f32 v6;
	_ =	sdelay $0x8  }
0x41b: {  	v6 =	vpop (erf)  }
0x41c: {  	v21 =	vmul.f32 $2.197296420e-07, v59;
	v6 =	vadd.f32 $1.000000000e+00, v6;
	_ =	sdelay $0x1  }
0x41d: {  	v7 =	vsub.f32 $2.420294190e-05, v21;
	(erf) = vrcp.f32 v6;
	_ =	sdelay $0x1  }
0x41e: {  	v22 =	vmul.f32 v7, v59;
	_ =	sdelay $0x1  }
0x41f: {  	v6 =	vadd.f32 $-1.385879000e-03, v22;
	_ =	sdelay $0x1  }
0x420: {  	v6 =	vmul.f32 v6, v59;
	_ =	sdelay $0x1  }
0x421: {  	v6 =	vadd.f32 $4.165977610e-02, v6  }
0x422: {  	v23 =	vpop (erf)  }
0x423: {  	v6 =	vmul.f32 v6, v59;
	v5 =	vmul.f32 v23, v5;
	_ =	sdelay $0x1  }
0x424: {  	v6 =	vadd.f32 $-4.999942180e-01, v6;
	[tilespmem:s17+$0x2910] =	vst v5  }
0x425: {  	v5 =	vld.idx.msk [tilespmem:v3+s16+$0x520 ss:$0x1], $0xffff  }
0x426: {  	v6 =	vmul.f32 v6, v59;
	_ =	sdelay $0x1  }
0x427: {  	v6 =	vadd.f32 $9.999992250e-01, v6;
	_ =	sdelay $0x1  }
0x428: {  	v5 =	vadd.f32 v5, v6;
	_ =	sdelay $0x1  }
0x429: {  	v6 =	vsub.f32 $0.0e+00, v5;
	_ =	sdelay $0x1  }
0x42a: {  	v6 =	vmul.f32 $1.442695020e+00, v6;
	_ =	sdelay $0x1  }
0x42b: {  	(erf) = vpow2.f32 v6;
	_ =	sdelay $0x8  }
0x42c: {  	v6 =	vpop (erf)  }
0x42d: {  	v24 =	vmul.f32 $2.197296420e-07, v17;
	v6 =	vadd.f32 $1.000000000e+00, v6;
	_ =	sdelay $0x1  }
0x42e: {  	v7 =	vsub.f32 $2.420294190e-05, v24;
	(erf) = vrcp.f32 v6;
	_ =	sdelay $0x1  }
0x42f: {  	v25 =	vmul.f32 v7, v17;
	_ =	sdelay $0x1  }
0x430: {  	v6 =	vadd.f32 $-1.385879000e-03, v25;
	_ =	sdelay $0x1  }
0x431: {  	v6 =	vmul.f32 v6, v17;
	_ =	sdelay $0x1  }
0x432: {  	v6 =	vadd.f32 $4.165977610e-02, v6  }
0x433: {  	v26 =	vpop (erf)  }
0x434: {  	v6 =	vmul.f32 v6, v17;
	v5 =	vmul.f32 v26, v5;
	_ =	sdelay $0x1  }
0x435: {  	v6 =	vadd.f32 $-4.999942180e-01, v6;
	[tilespmem:s17+$0x2920] =	vst v5  }
0x436: {  	v5 =	vld.idx.msk [tilespmem:v3+s16+$0x530 ss:$0x1], $0xffff  }
0x437: {  	v6 =	vmul.f32 v6, v17;
	_ =	sdelay $0x1  }
0x438: {  	v27 =	vbroadcast v4, $0xB;
	v6 =	vadd.f32 $9.999992250e-01, v6;
	_ =	sdelay $0x1  }
0x439: {  	v28 =	vmul.f32 v27, v1;
	v5 =	vadd.f32 v5, v6;
	_ =	sdelay $0x1  }
0x43a: {  	v6 =	vadd.f32 $3.141592740e+00, v28;
	v29 =	vsub.f32 $0.0e+00, v5;
	_ =	sdelay $0x1  }
0x43b: {  	v30 =	vand.u32 $0x7FFFFFFF, v6;
	v8 =	vmul.f32 $1.442695020e+00, v29  }
0x43c: {  	v31 =	vmul.f32 v30, v0  }
0x43d: {  	(erf) = vpow2.f32 v8  }
0x43e: {  	v32 =	vfloor.f32 v31  }
0x43f: {  	v8 =	vmul.f32 $6.283185480e+00, v32;
	_ =	sdelay $0x1  }
0x440: {  	v8 =	vsub.f32 v30, v8;
	_ =	sdelay $0x1  }
0x441: {  	vm6 =	veq.f32 v8, $6.283185480e+00  }
0x442: {  	v8 =	vsel vm6, $0x0, v8  }
0x443: {  	v6 =	vand.u32 $0x80000000, v6;
	v8 =	vand.u32 $0x7FFFFFFF, v8  }
0x444: {  	v6 =	vor.u32 v6, v8;
	v33 =	vpop (erf)  }
0x445: {  	v6 =	vadd.f32 $-3.141592740e+00, v6;
	v34 =	vadd.f32 $1.000000000e+00, v33;
	_ =	sdelay $0x1  }
0x446: {  	v35 =	vmul.f32 v6, v6;
	(erf) = vrcp.f32 v34;
	_ =	sdelay $0x1  }
0x447: {  	v36 =	vmul.f32 $2.177788470e-06, v35;
	_ =	sdelay $0x1  }
0x448: {  	v9 =	vadd.f32 $-1.933732710e-04, v36;
	_ =	sdelay $0x1  }
0x449: {  	v9 =	vmul.f32 v9, v35;
	_ =	sdelay $0x1  }
0x44a: {  	v9 =	vadd.f32 $8.315024890e-03, v9  }
0x44b: {  	v37 =	vpop (erf)  }
0x44c: {  	v9 =	vmul.f32 v9, v35;
	v5 =	vmul.f32 v37, v5;
	_ =	sdelay $0x1  }
0x44d: {  	v38 =	vmul.f32 v35, v6;
	[tilespmem:s17+$0x2930] =	vst v5;
	v5 =	vadd.f32 $-1.666443350e-01, v9  }
0x44e: {  	v39 =	vld.idx.msk [tilespmem:v3+s16+$0x580 ss:$0x1], $0xffff  }
0x44f: {  	v5 =	vmul.f32 v5, v38;
	_ =	sdelay $0x1  }
0x450: {  	v5 =	vadd.f32 v5, v6;
	_ =	sdelay $0x1  }
0x451: {  	v40 =	vmul.f32 v27, v2;
	v5 =	vadd.f32 v39, v5;
	_ =	sdelay $0x1  }
0x452: {  	v6 =	vadd.f32 $3.141592740e+00, v40;
	v41 =	vsub.f32 $0.0e+00, v5;
	_ =	sdelay $0x1  }
0x453: {  	v42 =	vand.u32 $0x7FFFFFFF, v6;
	v7 =	vmul.f32 $1.442695020e+00, v41  }
0x454: {  	v43 =	vmul.f32 v42, v0  }
0x455: {  	(erf) = vpow2.f32 v7  }
0x456: {  	v44 =	vfloor.f32 v43  }
0x457: {  	v7 =	vmul.f32 $6.283185480e+00, v44;
	_ =	sdelay $0x1  }
0x458: {  	v7 =	vsub.f32 v42, v7;
	_ =	sdelay $0x1  }
0x459: {  	vm7 =	veq.f32 v7, $6.283185480e+00  }
0x45a: {  	v7 =	vsel vm7, $0x0, v7  }
0x45b: {  	v6 =	vand.u32 $0x80000000, v6;
	v7 =	vand.u32 $0x7FFFFFFF, v7  }
0x45c: {  	v6 =	vor.u32 v6, v7;
	v45 =	vpop (erf)  }
0x45d: {  	v6 =	vadd.f32 $-3.141592740e+00, v6;
	v7 =	vadd.f32 $1.000000000e+00, v45;
	_ =	sdelay $0x1  }
0x45e: {  	v46 =	vmul.f32 v6, v6;
	(erf) = vrcp.f32 v7;
	_ =	sdelay $0x1  }
0x45f: {  	v47 =	vmul.f32 $2.177788470e-06, v46;
	_ =	sdelay $0x1  }
0x460: {  	v7 =	vadd.f32 $-1.933732710e-04, v47;
	_ =	sdelay $0x1  }
0x461: {  	v7 =	vmul.f32 v7, v46;
	_ =	sdelay $0x1  }
0x462: {  	v7 =	vadd.f32 $8.315024890e-03, v7  }
0x463: {  	v48 =	vpop (erf)  }
0x464: {  	v7 =	vmul.f32 v7, v46;
	v5 =	vmul.f32 v48, v5;
	_ =	sdelay $0x1  }
0x465: {  	v49 =	vmul.f32 v46, v6;
	v7 =	vadd.f32 $-1.666443350e-01, v7;
	[tilespmem:s17+$0x2980] =	vst v5  }
0x466: {  	v5 =	vld.idx.msk [tilespmem:v3+s16+$0x590 ss:$0x1], $0xffff  }
0x467: {  	v7 =	vmul.f32 v7, v49;
	_ =	sdelay $0x1  }
0x468: {  	v6 =	vadd.f32 v7, v6;
	_ =	sdelay $0x1  }
0x469: {  	v5 =	vadd.f32 v5, v6;
	_ =	sdelay $0x1  }
0x46a: {  	v6 =	vsub.f32 $0.0e+00, v5;
	_ =	sdelay $0x1  }
0x46b: {  	v6 =	vmul.f32 $1.442695020e+00, v6;
	_ =	sdelay $0x1  }
0x46c: {  	(erf) = vpow2.f32 v6;
	_ =	sdelay $0x8  }
0x46d: {  	v6 =	vpop (erf)  }
0x46e: {  	v50 =	vmul.f32 $2.197296420e-07, v35;
	v6 =	vadd.f32 $1.000000000e+00, v6;
	_ =	sdelay $0x1  }
0x46f: {  	v7 =	vsub.f32 $2.420294190e-05, v50;
	(erf) = vrcp.f32 v6;
	_ =	sdelay $0x1  }
0x470: {  	v51 =	vmul.f32 v7, v35;
	_ =	sdelay $0x1  }
0x471: {  	v6 =	vadd.f32 $-1.385879000e-03, v51;
	_ =	sdelay $0x1  }
0x472: {  	v6 =	vmul.f32 v6, v35;
	_ =	sdelay $0x1  }
0x473: {  	v6 =	vadd.f32 $4.165977610e-02, v6  }
0x474: {  	v52 =	vpop (erf)  }
0x475: {  	v6 =	vmul.f32 v6, v35;
	v5 =	vmul.f32 v52, v5;
	_ =	sdelay $0x1  }
0x476: {  	v6 =	vadd.f32 $-4.999942180e-01, v6;
	[tilespmem:s17+$0x2990] =	vst v5  }
0x477: {  	v5 =	vld.idx.msk [tilespmem:v3+s16+$0x5A0 ss:$0x1], $0xffff  }
0x478: {  	v6 =	vmul.f32 v6, v35;
	_ =	sdelay $0x1  }
0x479: {  	v6 =	vadd.f32 $9.999992250e-01, v6;
	_ =	sdelay $0x1  }
0x47a: {  	v5 =	vadd.f32 v5, v6;
	_ =	sdelay $0x1  }
0x47b: {  	v6 =	vsub.f32 $0.0e+00, v5;
	_ =	sdelay $0x1  }
0x47c: {  	v6 =	vmul.f32 $1.442695020e+00, v6;
	_ =	sdelay $0x1  }
0x47d: {  	(erf) = vpow2.f32 v6;
	_ =	sdelay $0x8  }
0x47e: {  	v6 =	vpop (erf)  }
0x47f: {  	v53 =	vmul.f32 $2.197296420e-07, v46;
	v6 =	vadd.f32 $1.000000000e+00, v6;
	_ =	sdelay $0x1  }
0x480: {  	v7 =	vsub.f32 $2.420294190e-05, v53;
	(erf) = vrcp.f32 v6;
	_ =	sdelay $0x1  }
0x481: {  	v54 =	vmul.f32 v7, v46;
	_ =	sdelay $0x1  }
0x482: {  	v6 =	vadd.f32 $-1.385879000e-03, v54;
	_ =	sdelay $0x1  }
0x483: {  	v6 =	vmul.f32 v6, v46;
	_ =	sdelay $0x1  }
0x484: {  	v6 =	vadd.f32 $4.165977610e-02, v6  }
0x485: {  	v55 =	vpop (erf)  }
0x486: {  	v6 =	vmul.f32 v6, v46;
	v5 =	vmul.f32 v55, v5;
	_ =	sdelay $0x1  }
0x487: {  	v6 =	vadd.f32 $-4.999942180e-01, v6;
	[tilespmem:s17+$0x29A0] =	vst v5  }
0x488: {  	v5 =	vld.idx.msk [tilespmem:v3+s16+$0x5B0 ss:$0x1], $0xffff  }
0x489: {  	v6 =	vmul.f32 v6, v46;
	_ =	sdelay $0x1  }
0x48a: {  	v56 =	vbroadcast v4, $0xC;
	v6 =	vadd.f32 $9.999992250e-01, v6;
	_ =	sdelay $0x1  }
0x48b: {  	v57 =	vmul.f32 v56, v1;
	v5 =	vadd.f32 v5, v6;
	_ =	sdelay $0x1  }
0x48c: {  	v6 =	vadd.f32 $3.141592740e+00, v57;
	v58 =	vsub.f32 $0.0e+00, v5;
	_ =	sdelay $0x1  }
0x48d: {  	v59 =	vand.u32 $0x7FFFFFFF, v6;
	v8 =	vmul.f32 $1.442695020e+00, v58  }
0x48e: {  	v60 =	vmul.f32 v59, v0  }
0x48f: {  	(erf) = vpow2.f32 v8  }
0x490: {  	v61 =	vfloor.f32 v60  }
0x491: {  	v8 =	vmul.f32 $6.283185480e+00, v61;
	_ =	sdelay $0x1  }
0x492: {  	v8 =	vsub.f32 v59, v8;
	_ =	sdelay $0x1  }
0x493: {  	vm8 =	veq.f32 v8, $6.283185480e+00  }
0x494: {  	v8 =	vsel vm8, $0x0, v8  }
0x495: {  	v6 =	vand.u32 $0x80000000, v6;
	v8 =	vand.u32 $0x7FFFFFFF, v8  }
0x496: {  	v6 =	vor.u32 v6, v8;
	v62 =	vpop (erf)  }
0x497: {  	v6 =	vadd.f32 $-3.141592740e+00, v6;
	v63 =	vadd.f32 $1.000000000e+00, v62;
	_ =	sdelay $0x1  }
0x498: {  	v12 =	vmul.f32 v6, v6;
	(erf) = vrcp.f32 v63;
	_ =	sdelay $0x1  }
0x499: {  	v13 =	vmul.f32 $2.177788470e-06, v12;
	_ =	sdelay $0x1  }
0x49a: {  	v9 =	vadd.f32 $-1.933732710e-04, v13;
	_ =	sdelay $0x1  }
0x49b: {  	v9 =	vmul.f32 v9, v12;
	_ =	sdelay $0x1  }
0x49c: {  	v9 =	vadd.f32 $8.315024890e-03, v9  }
0x49d: {  	v14 =	vpop (erf)  }
0x49e: {  	v9 =	vmul.f32 v9, v12;
	v5 =	vmul.f32 v14, v5;
	_ =	sdelay $0x1  }
0x49f: {  	v15 =	vmul.f32 v12, v6;
	[tilespmem:s17+$0x29B0] =	vst v5;
	v5 =	vadd.f32 $-1.666443350e-01, v9  }
0x4a0: {  	v16 =	vld.idx.msk [tilespmem:v3+s16+$0x600 ss:$0x1], $0xffff  }
0x4a1: {  	v5 =	vmul.f32 v5, v15;
	_ =	sdelay $0x1  }
0x4a2: {  	v5 =	vadd.f32 v5, v6;
	_ =	sdelay $0x1  }
0x4a3: {  	v17 =	vmul.f32 v56, v2;
	v5 =	vadd.f32 v16, v5;
	_ =	sdelay $0x1  }
0x4a4: {  	v6 =	vadd.f32 $3.141592740e+00, v17;
	v18 =	vsub.f32 $0.0e+00, v5;
	_ =	sdelay $0x1  }
0x4a5: {  	v19 =	vand.u32 $0x7FFFFFFF, v6;
	v7 =	vmul.f32 $1.442695020e+00, v18  }
0x4a6: {  	v20 =	vmul.f32 v19, v0  }
0x4a7: {  	(erf) = vpow2.f32 v7  }
0x4a8: {  	v21 =	vfloor.f32 v20  }
0x4a9: {  	v7 =	vmul.f32 $6.283185480e+00, v21;
	_ =	sdelay $0x1  }
0x4aa: {  	v7 =	vsub.f32 v19, v7;
	_ =	sdelay $0x1  }
0x4ab: {  	vm9 =	veq.f32 v7, $6.283185480e+00  }
0x4ac: {  	v7 =	vsel vm9, $0x0, v7  }
0x4ad: {  	v6 =	vand.u32 $0x80000000, v6;
	v7 =	vand.u32 $0x7FFFFFFF, v7  }
0x4ae: {  	v6 =	vor.u32 v6, v7;
	v22 =	vpop (erf)  }
0x4af: {  	v6 =	vadd.f32 $-3.141592740e+00, v6;
	v7 =	vadd.f32 $1.000000000e+00, v22;
	_ =	sdelay $0x1  }
0x4b0: {  	v23 =	vmul.f32 v6, v6;
	(erf) = vrcp.f32 v7;
	_ =	sdelay $0x1  }
0x4b1: {  	v24 =	vmul.f32 $2.177788470e-06, v23;
	_ =	sdelay $0x1  }
0x4b2: {  	v7 =	vadd.f32 $-1.933732710e-04, v24;
	_ =	sdelay $0x1  }
0x4b3: {  	v7 =	vmul.f32 v7, v23;
	_ =	sdelay $0x1  }
0x4b4: {  	v7 =	vadd.f32 $8.315024890e-03, v7  }
0x4b5: {  	v25 =	vpop (erf)  }
0x4b6: {  	v7 =	vmul.f32 v7, v23;
	v5 =	vmul.f32 v25, v5;
	_ =	sdelay $0x1  }
0x4b7: {  	v26 =	vmul.f32 v23, v6;
	v7 =	vadd.f32 $-1.666443350e-01, v7;
	[tilespmem:s17+$0x2A00] =	vst v5  }
0x4b8: {  	v5 =	vld.idx.msk [tilespmem:v3+s16+$0x610 ss:$0x1], $0xffff  }
0x4b9: {  	v7 =	vmul.f32 v7, v26;
	_ =	sdelay $0x1  }
0x4ba: {  	v6 =	vadd.f32 v7, v6;
	_ =	sdelay $0x1  }
0x4bb: {  	v5 =	vadd.f32 v5, v6;
	_ =	sdelay $0x1  }
0x4bc: {  	v6 =	vsub.f32 $0.0e+00, v5;
	_ =	sdelay $0x1  }
0x4bd: {  	v6 =	vmul.f32 $1.442695020e+00, v6;
	_ =	sdelay $0x1  }
0x4be: {  	(erf) = vpow2.f32 v6;
	_ =	sdelay $0x8  }
0x4bf: {  	v6 =	vpop (erf)  }
0x4c0: {  	v27 =	vmul.f32 $2.197296420e-07, v12;
	v6 =	vadd.f32 $1.000000000e+00, v6;
	_ =	sdelay $0x1  }
0x4c1: {  	v7 =	vsub.f32 $2.420294190e-05, v27;
	(erf) = vrcp.f32 v6;
	_ =	sdelay $0x1  }
0x4c2: {  	v28 =	vmul.f32 v7, v12;
	_ =	sdelay $0x1  }
0x4c3: {  	v6 =	vadd.f32 $-1.385879000e-03, v28;
	_ =	sdelay $0x1  }
0x4c4: {  	v6 =	vmul.f32 v6, v12;
	_ =	sdelay $0x1  }
0x4c5: {  	v6 =	vadd.f32 $4.165977610e-02, v6  }
0x4c6: {  	v29 =	vpop (erf)  }
0x4c7: {  	v6 =	vmul.f32 v6, v12;
	v5 =	vmul.f32 v29, v5;
	_ =	sdelay $0x1  }
0x4c8: {  	v6 =	vadd.f32 $-4.999942180e-01, v6;
	[tilespmem:s17+$0x2A10] =	vst v5  }
0x4c9: {  	v5 =	vld.idx.msk [tilespmem:v3+s16+$0x620 ss:$0x1], $0xffff  }
0x4ca: {  	v6 =	vmul.f32 v6, v12;
	_ =	sdelay $0x1  }
0x4cb: {  	v6 =	vadd.f32 $9.999992250e-01, v6;
	_ =	sdelay $0x1  }
0x4cc: {  	v5 =	vadd.f32 v5, v6;
	_ =	sdelay $0x1  }
0x4cd: {  	v6 =	vsub.f32 $0.0e+00, v5;
	_ =	sdelay $0x1  }
0x4ce: {  	v6 =	vmul.f32 $1.442695020e+00, v6;
	_ =	sdelay $0x1  }
0x4cf: {  	(erf) = vpow2.f32 v6;
	_ =	sdelay $0x8  }
0x4d0: {  	v6 =	vpop (erf)  }
0x4d1: {  	v30 =	vmul.f32 $2.197296420e-07, v23;
	v6 =	vadd.f32 $1.000000000e+00, v6;
	_ =	sdelay $0x1  }
0x4d2: {  	v7 =	vsub.f32 $2.420294190e-05, v30;
	(erf) = vrcp.f32 v6;
	_ =	sdelay $0x1  }
0x4d3: {  	v31 =	vmul.f32 v7, v23;
	_ =	sdelay $0x1  }
0x4d4: {  	v6 =	vadd.f32 $-1.385879000e-03, v31;
	_ =	sdelay $0x1  }
0x4d5: {  	v6 =	vmul.f32 v6, v23;
	_ =	sdelay $0x1  }
0x4d6: {  	v6 =	vadd.f32 $4.165977610e-02, v6  }
0x4d7: {  	v32 =	vpop (erf)  }
0x4d8: {  	v6 =	vmul.f32 v6, v23;
	v5 =	vmul.f32 v32, v5;
	_ =	sdelay $0x1  }
0x4d9: {  	v6 =	vadd.f32 $-4.999942180e-01, v6;
	[tilespmem:s17+$0x2A20] =	vst v5  }
0x4da: {  	v5 =	vld.idx.msk [tilespmem:v3+s16+$0x630 ss:$0x1], $0xffff  }
0x4db: {  	v6 =	vmul.f32 v6, v23;
	_ =	sdelay $0x1  }
0x4dc: {  	v33 =	vbroadcast v4, $0xD;
	v6 =	vadd.f32 $9.999992250e-01, v6;
	_ =	sdelay $0x1  }
0x4dd: {  	v34 =	vmul.f32 v33, v1;
	v5 =	vadd.f32 v5, v6;
	_ =	sdelay $0x1  }
0x4de: {  	v6 =	vadd.f32 $3.141592740e+00, v34;
	v35 =	vsub.f32 $0.0e+00, v5;
	_ =	sdelay $0x1  }
0x4df: {  	v36 =	vand.u32 $0x7FFFFFFF, v6;
	v8 =	vmul.f32 $1.442695020e+00, v35  }
0x4e0: {  	v37 =	vmul.f32 v36, v0  }
0x4e1: {  	(erf) = vpow2.f32 v8  }
0x4e2: {  	v38 =	vfloor.f32 v37  }
0x4e3: {  	v8 =	vmul.f32 $6.283185480e+00, v38;
	_ =	sdelay $0x1  }
0x4e4: {  	v8 =	vsub.f32 v36, v8;
	_ =	sdelay $0x1  }
0x4e5: {  	vm10 =	veq.f32 v8, $6.283185480e+00  }
0x4e6: {  	v8 =	vsel vm10, $0x0, v8  }
0x4e7: {  	v6 =	vand.u32 $0x80000000, v6;
	v8 =	vand.u32 $0x7FFFFFFF, v8  }
0x4e8: {  	v6 =	vor.u32 v6, v8;
	v39 =	vpop (erf)  }
0x4e9: {  	v6 =	vadd.f32 $-3.141592740e+00, v6;
	v40 =	vadd.f32 $1.000000000e+00, v39;
	_ =	sdelay $0x1  }
0x4ea: {  	v41 =	vmul.f32 v6, v6;
	(erf) = vrcp.f32 v40;
	_ =	sdelay $0x1  }
0x4eb: {  	v42 =	vmul.f32 $2.177788470e-06, v41;
	_ =	sdelay $0x1  }
0x4ec: {  	v9 =	vadd.f32 $-1.933732710e-04, v42;
	_ =	sdelay $0x1  }
0x4ed: {  	v9 =	vmul.f32 v9, v41;
	_ =	sdelay $0x1  }
0x4ee: {  	v9 =	vadd.f32 $8.315024890e-03, v9  }
0x4ef: {  	v43 =	vpop (erf)  }
0x4f0: {  	v9 =	vmul.f32 v9, v41;
	v5 =	vmul.f32 v43, v5;
	_ =	sdelay $0x1  }
0x4f1: {  	v44 =	vmul.f32 v41, v6;
	[tilespmem:s17+$0x2A30] =	vst v5;
	v5 =	vadd.f32 $-1.666443350e-01, v9  }
0x4f2: {  	v45 =	vld.idx.msk [tilespmem:v3+s16+$0x680 ss:$0x1], $0xffff  }
0x4f3: {  	v5 =	vmul.f32 v5, v44;
	_ =	sdelay $0x1  }
0x4f4: {  	v5 =	vadd.f32 v5, v6;
	_ =	sdelay $0x1  }
0x4f5: {  	v46 =	vmul.f32 v33, v2;
	v5 =	vadd.f32 v45, v5;
	_ =	sdelay $0x1  }
0x4f6: {  	v6 =	vadd.f32 $3.141592740e+00, v46;
	v47 =	vsub.f32 $0.0e+00, v5;
	_ =	sdelay $0x1  }
0x4f7: {  	v48 =	vand.u32 $0x7FFFFFFF, v6;
	v7 =	vmul.f32 $1.442695020e+00, v47  }
0x4f8: {  	v49 =	vmul.f32 v48, v0  }
0x4f9: {  	(erf) = vpow2.f32 v7  }
0x4fa: {  	v50 =	vfloor.f32 v49  }
0x4fb: {  	v7 =	vmul.f32 $6.283185480e+00, v50;
	_ =	sdelay $0x1  }
0x4fc: {  	v7 =	vsub.f32 v48, v7;
	_ =	sdelay $0x1  }
0x4fd: {  	vm11 =	veq.f32 v7, $6.283185480e+00  }
0x4fe: {  	v7 =	vsel vm11, $0x0, v7  }
0x4ff: {  	v6 =	vand.u32 $0x80000000, v6;
	v7 =	vand.u32 $0x7FFFFFFF, v7  }
0x500: {  	v6 =	vor.u32 v6, v7;
	v51 =	vpop (erf)  }
0x501: {  	v6 =	vadd.f32 $-3.141592740e+00, v6;
	v7 =	vadd.f32 $1.000000000e+00, v51;
	_ =	sdelay $0x1  }
0x502: {  	v52 =	vmul.f32 v6, v6;
	(erf) = vrcp.f32 v7;
	_ =	sdelay $0x1  }
0x503: {  	v53 =	vmul.f32 $2.177788470e-06, v52;
	_ =	sdelay $0x1  }
0x504: {  	v7 =	vadd.f32 $-1.933732710e-04, v53;
	_ =	sdelay $0x1  }
0x505: {  	v7 =	vmul.f32 v7, v52;
	_ =	sdelay $0x1  }
0x506: {  	v7 =	vadd.f32 $8.315024890e-03, v7  }
0x507: {  	v54 =	vpop (erf)  }
0x508: {  	v7 =	vmul.f32 v7, v52;
	v5 =	vmul.f32 v54, v5;
	_ =	sdelay $0x1  }
0x509: {  	v55 =	vmul.f32 v52, v6;
	v7 =	vadd.f32 $-1.666443350e-01, v7;
	[tilespmem:s17+$0x2A80] =	vst v5  }
0x50a: {  	v5 =	vld.idx.msk [tilespmem:v3+s16+$0x690 ss:$0x1], $0xffff  }
0x50b: {  	v7 =	vmul.f32 v7, v55;
	_ =	sdelay $0x1  }
0x50c: {  	v6 =	vadd.f32 v7, v6;
	_ =	sdelay $0x1  }
0x50d: {  	v5 =	vadd.f32 v5, v6;
	_ =	sdelay $0x1  }
0x50e: {  	v6 =	vsub.f32 $0.0e+00, v5;
	_ =	sdelay $0x1  }
0x50f: {  	v6 =	vmul.f32 $1.442695020e+00, v6;
	_ =	sdelay $0x1  }
0x510: {  	(erf) = vpow2.f32 v6;
	_ =	sdelay $0x8  }
0x511: {  	v6 =	vpop (erf)  }
0x512: {  	v56 =	vmul.f32 $2.197296420e-07, v41;
	v6 =	vadd.f32 $1.000000000e+00, v6;
	_ =	sdelay $0x1  }
0x513: {  	v7 =	vsub.f32 $2.420294190e-05, v56;
	(erf) = vrcp.f32 v6;
	_ =	sdelay $0x1  }
0x514: {  	v57 =	vmul.f32 v7, v41;
	_ =	sdelay $0x1  }
0x515: {  	v6 =	vadd.f32 $-1.385879000e-03, v57;
	_ =	sdelay $0x1  }
0x516: {  	v6 =	vmul.f32 v6, v41;
	_ =	sdelay $0x1  }
0x517: {  	v6 =	vadd.f32 $4.165977610e-02, v6  }
0x518: {  	v58 =	vpop (erf)  }
0x519: {  	v6 =	vmul.f32 v6, v41;
	v5 =	vmul.f32 v58, v5;
	_ =	sdelay $0x1  }
0x51a: {  	v6 =	vadd.f32 $-4.999942180e-01, v6;
	[tilespmem:s17+$0x2A90] =	vst v5  }
0x51b: {  	v5 =	vld.idx.msk [tilespmem:v3+s16+$0x6A0 ss:$0x1], $0xffff  }
0x51c: {  	v6 =	vmul.f32 v6, v41;
	_ =	sdelay $0x1  }
0x51d: {  	v6 =	vadd.f32 $9.999992250e-01, v6;
	_ =	sdelay $0x1  }
0x51e: {  	v5 =	vadd.f32 v5, v6;
	_ =	sdelay $0x1  }
0x51f: {  	v6 =	vsub.f32 $0.0e+00, v5;
	_ =	sdelay $0x1  }
0x520: {  	v6 =	vmul.f32 $1.442695020e+00, v6;
	_ =	sdelay $0x1  }
0x521: {  	(erf) = vpow2.f32 v6;
	_ =	sdelay $0x8  }
0x522: {  	v6 =	vpop (erf)  }
0x523: {  	v59 =	vmul.f32 $2.197296420e-07, v52;
	v6 =	vadd.f32 $1.000000000e+00, v6;
	_ =	sdelay $0x1  }
0x524: {  	v7 =	vsub.f32 $2.420294190e-05, v59;
	(erf) = vrcp.f32 v6;
	_ =	sdelay $0x1  }
0x525: {  	v60 =	vmul.f32 v7, v52;
	_ =	sdelay $0x1  }
0x526: {  	v6 =	vadd.f32 $-1.385879000e-03, v60;
	_ =	sdelay $0x1  }
0x527: {  	v6 =	vmul.f32 v6, v52;
	_ =	sdelay $0x1  }
0x528: {  	v6 =	vadd.f32 $4.165977610e-02, v6  }
0x529: {  	v61 =	vpop (erf)  }
0x52a: {  	v6 =	vmul.f32 v6, v52;
	v5 =	vmul.f32 v61, v5;
	_ =	sdelay $0x1  }
0x52b: {  	v6 =	vadd.f32 $-4.999942180e-01, v6;
	[tilespmem:s17+$0x2AA0] =	vst v5  }
0x52c: {  	v5 =	vld.idx.msk [tilespmem:v3+s16+$0x6B0 ss:$0x1], $0xffff  }
0x52d: {  	v6 =	vmul.f32 v6, v52;
	_ =	sdelay $0x1  }
0x52e: {  	v62 =	vbroadcast v4, $0xE;
	v6 =	vadd.f32 $9.999992250e-01, v6;
	_ =	sdelay $0x1  }
0x52f: {  	v63 =	vmul.f32 v62, v1;
	v5 =	vadd.f32 v5, v6;
	_ =	sdelay $0x1  }
0x530: {  	v6 =	vadd.f32 $3.141592740e+00, v63;
	v12 =	vsub.f32 $0.0e+00, v5;
	_ =	sdelay $0x1  }
0x531: {  	v13 =	vand.u32 $0x7FFFFFFF, v6;
	v8 =	vmul.f32 $1.442695020e+00, v12  }
0x532: {  	v14 =	vmul.f32 v13, v0  }
0x533: {  	(erf) = vpow2.f32 v8  }
0x534: {  	v15 =	vfloor.f32 v14  }
0x535: {  	v8 =	vmul.f32 $6.283185480e+00, v15;
	_ =	sdelay $0x1  }
0x536: {  	v8 =	vsub.f32 v13, v8;
	_ =	sdelay $0x1  }
0x537: {  	vm12 =	veq.f32 v8, $6.283185480e+00  }
0x538: {  	v8 =	vsel vm12, $0x0, v8  }
0x539: {  	v6 =	vand.u32 $0x80000000, v6;
	v8 =	vand.u32 $0x7FFFFFFF, v8  }
0x53a: {  	v6 =	vor.u32 v6, v8;
	v16 =	vpop (erf)  }
0x53b: {  	v6 =	vadd.f32 $-3.141592740e+00, v6;
	v17 =	vadd.f32 $1.000000000e+00, v16;
	_ =	sdelay $0x1  }
0x53c: {  	v18 =	vmul.f32 v6, v6;
	(erf) = vrcp.f32 v17;
	_ =	sdelay $0x1  }
0x53d: {  	v19 =	vmul.f32 $2.177788470e-06, v18;
	_ =	sdelay $0x1  }
0x53e: {  	v9 =	vadd.f32 $-1.933732710e-04, v19;
	_ =	sdelay $0x1  }
0x53f: {  	v9 =	vmul.f32 v9, v18;
	_ =	sdelay $0x1  }
0x540: {  	v9 =	vadd.f32 $8.315024890e-03, v9  }
0x541: {  	v20 =	vpop (erf)  }
0x542: {  	v9 =	vmul.f32 v9, v18;
	v5 =	vmul.f32 v20, v5;
	_ =	sdelay $0x1  }
0x543: {  	v21 =	vmul.f32 v18, v6;
	[tilespmem:s17+$0x2AB0] =	vst v5;
	v5 =	vadd.f32 $-1.666443350e-01, v9  }
0x544: {  	v22 =	vld.idx.msk [tilespmem:v3+s16+$0x700 ss:$0x1], $0xffff  }
0x545: {  	v5 =	vmul.f32 v5, v21;
	_ =	sdelay $0x1  }
0x546: {  	v5 =	vadd.f32 v5, v6;
	_ =	sdelay $0x1  }
0x547: {  	v23 =	vmul.f32 v62, v2;
	v5 =	vadd.f32 v22, v5;
	_ =	sdelay $0x1  }
0x548: {  	v6 =	vadd.f32 $3.141592740e+00, v23;
	v24 =	vsub.f32 $0.0e+00, v5;
	_ =	sdelay $0x1  }
0x549: {  	v25 =	vand.u32 $0x7FFFFFFF, v6;
	v7 =	vmul.f32 $1.442695020e+00, v24  }
0x54a: {  	v26 =	vmul.f32 v25, v0  }
0x54b: {  	(erf) = vpow2.f32 v7  }
0x54c: {  	v27 =	vfloor.f32 v26  }
0x54d: {  	v7 =	vmul.f32 $6.283185480e+00, v27;
	_ =	sdelay $0x1  }
0x54e: {  	v7 =	vsub.f32 v25, v7;
	_ =	sdelay $0x1  }
0x54f: {  	vm13 =	veq.f32 v7, $6.283185480e+00  }
0x550: {  	v7 =	vsel vm13, $0x0, v7  }
0x551: {  	v6 =	vand.u32 $0x80000000, v6;
	v7 =	vand.u32 $0x7FFFFFFF, v7  }
0x552: {  	v6 =	vor.u32 v6, v7;
	v28 =	vpop (erf)  }
0x553: {  	v6 =	vadd.f32 $-3.141592740e+00, v6;
	v7 =	vadd.f32 $1.000000000e+00, v28;
	_ =	sdelay $0x1  }
0x554: {  	v29 =	vmul.f32 v6, v6;
	(erf) = vrcp.f32 v7;
	_ =	sdelay $0x1  }
0x555: {  	v30 =	vmul.f32 $2.177788470e-06, v29;
	_ =	sdelay $0x1  }
0x556: {  	v7 =	vadd.f32 $-1.933732710e-04, v30;
	_ =	sdelay $0x1  }
0x557: {  	v7 =	vmul.f32 v7, v29;
	_ =	sdelay $0x1  }
0x558: {  	v7 =	vadd.f32 $8.315024890e-03, v7  }
0x559: {  	v31 =	vpop (erf)  }
0x55a: {  	v7 =	vmul.f32 v7, v29;
	v5 =	vmul.f32 v31, v5;
	_ =	sdelay $0x1  }
0x55b: {  	v32 =	vmul.f32 v29, v6;
	v7 =	vadd.f32 $-1.666443350e-01, v7;
	[tilespmem:s17+$0x2B00] =	vst v5  }
0x55c: {  	v5 =	vld.idx.msk [tilespmem:v3+s16+$0x710 ss:$0x1], $0xffff  }
0x55d: {  	v7 =	vmul.f32 v7, v32;
	_ =	sdelay $0x1  }
0x55e: {  	v6 =	vadd.f32 v7, v6;
	_ =	sdelay $0x1  }
0x55f: {  	v5 =	vadd.f32 v5, v6;
	_ =	sdelay $0x1  }
0x560: {  	v6 =	vsub.f32 $0.0e+00, v5;
	_ =	sdelay $0x1  }
0x561: {  	v6 =	vmul.f32 $1.442695020e+00, v6;
	_ =	sdelay $0x1  }
0x562: {  	(erf) = vpow2.f32 v6;
	_ =	sdelay $0x8  }
0x563: {  	v6 =	vpop (erf)  }
0x564: {  	v33 =	vmul.f32 $2.197296420e-07, v18;
	v6 =	vadd.f32 $1.000000000e+00, v6;
	_ =	sdelay $0x1  }
0x565: {  	v7 =	vsub.f32 $2.420294190e-05, v33;
	(erf) = vrcp.f32 v6;
	_ =	sdelay $0x1  }
0x566: {  	v34 =	vmul.f32 v7, v18;
	_ =	sdelay $0x1  }
0x567: {  	v6 =	vadd.f32 $-1.385879000e-03, v34;
	_ =	sdelay $0x1  }
0x568: {  	v6 =	vmul.f32 v6, v18;
	_ =	sdelay $0x1  }
0x569: {  	v6 =	vadd.f32 $4.165977610e-02, v6  }
0x56a: {  	v35 =	vpop (erf)  }
0x56b: {  	v6 =	vmul.f32 v6, v18;
	v5 =	vmul.f32 v35, v5;
	_ =	sdelay $0x1  }
0x56c: {  	v6 =	vadd.f32 $-4.999942180e-01, v6;
	[tilespmem:s17+$0x2B10] =	vst v5  }
0x56d: {  	v5 =	vld.idx.msk [tilespmem:v3+s16+$0x720 ss:$0x1], $0xffff  }
0x56e: {  	v6 =	vmul.f32 v6, v18;
	_ =	sdelay $0x1  }
0x56f: {  	v6 =	vadd.f32 $9.999992250e-01, v6;
	_ =	sdelay $0x1  }
0x570: {  	v5 =	vadd.f32 v5, v6;
	_ =	sdelay $0x1  }
0x571: {  	v6 =	vsub.f32 $0.0e+00, v5;
	_ =	sdelay $0x1  }
0x572: {  	v6 =	vmul.f32 $1.442695020e+00, v6;
	_ =	sdelay $0x1  }
0x573: {  	(erf) = vpow2.f32 v6;
	_ =	sdelay $0x8  }
0x574: {  	v6 =	vpop (erf)  }
0x575: {  	v36 =	vmul.f32 $2.197296420e-07, v29;
	v6 =	vadd.f32 $1.000000000e+00, v6;
	_ =	sdelay $0x1  }
0x576: {  	v7 =	vsub.f32 $2.420294190e-05, v36;
	(erf) = vrcp.f32 v6;
	_ =	sdelay $0x1  }
0x577: {  	v37 =	vmul.f32 v7, v29;
	_ =	sdelay $0x1  }
0x578: {  	v6 =	vadd.f32 $-1.385879000e-03, v37;
	_ =	sdelay $0x1  }
0x579: {  	v6 =	vmul.f32 v6, v29;
	_ =	sdelay $0x1  }
0x57a: {  	v6 =	vadd.f32 $4.165977610e-02, v6  }
0x57b: {  	v38 =	vpop (erf)  }
0x57c: {  	v6 =	vmul.f32 v6, v29;
	v5 =	vmul.f32 v38, v5;
	_ =	sdelay $0x1  }
0x57d: {  	v6 =	vadd.f32 $-4.999942180e-01, v6;
	[tilespmem:s17+$0x2B20] =	vst v5  }
0x57e: {  	v5 =	vld.idx.msk [tilespmem:v3+s16+$0x730 ss:$0x1], $0xffff  }
0x57f: {  	v6 =	vmul.f32 v6, v29;
	_ =	sdelay $0x1  }
0x580: {  	v4 =	vbroadcast v4, $0xF;
	v6 =	vadd.f32 $9.999992250e-01, v6;
	_ =	sdelay $0x1  }
0x581: {  	v39 =	vmul.f32 v4, v1;
	v5 =	vadd.f32 v5, v6;
	_ =	sdelay $0x1  }
0x582: {  	v6 =	vadd.f32 $3.141592740e+00, v39;
	v40 =	vsub.f32 $0.0e+00, v5;
	_ =	sdelay $0x1  }
0x583: {  	v41 =	vand.u32 $0x7FFFFFFF, v6;
	v7 =	vmul.f32 $1.442695020e+00, v40  }
0x584: {  	v42 =	vmul.f32 v41, v0  }
0x585: {  	(erf) = vpow2.f32 v7  }
0x586: {  	v43 =	vfloor.f32 v42  }
0x587: {  	v7 =	vmul.f32 $6.283185480e+00, v43;
	_ =	sdelay $0x1  }
0x588: {  	v7 =	vsub.f32 v41, v7;
	_ =	sdelay $0x1  }
0x589: {  	vm14 =	veq.f32 v7, $6.283185480e+00  }
0x58a: {  	v7 =	vsel vm14, $0x0, v7  }
0x58b: {  	v6 =	vand.u32 $0x80000000, v6;
	v7 =	vand.u32 $0x7FFFFFFF, v7  }
0x58c: {  	v6 =	vor.u32 v6, v7;
	v44 =	vpop (erf)  }
0x58d: {  	v6 =	vadd.f32 $-3.141592740e+00, v6;
	v45 =	vadd.f32 $1.000000000e+00, v44;
	_ =	sdelay $0x1  }
0x58e: {  	v46 =	vmul.f32 v6, v6;
	(erf) = vrcp.f32 v45;
	_ =	sdelay $0x1  }
0x58f: {  	v47 =	vmul.f32 $2.177788470e-06, v46;
	_ =	sdelay $0x1  }
0x590: {  	v8 =	vadd.f32 $-1.933732710e-04, v47;
	_ =	sdelay $0x1  }
0x591: {  	v8 =	vmul.f32 v8, v46;
	_ =	sdelay $0x1  }
0x592: {  	v8 =	vadd.f32 $8.315024890e-03, v8  }
0x593: {  	v48 =	vpop (erf)  }
0x594: {  	v8 =	vmul.f32 v8, v46;
	v5 =	vmul.f32 v48, v5;
	_ =	sdelay $0x1  }
0x595: {  	v49 =	vmul.f32 v46, v6;
	[tilespmem:s17+$0x2B30] =	vst v5;
	v5 =	vadd.f32 $-1.666443350e-01, v8  }
0x596: {  	v50 =	vld.idx.msk [tilespmem:v3+s16+$0x780 ss:$0x1], $0xffff  }
0x597: {  	v5 =	vmul.f32 v5, v49;
	_ =	sdelay $0x1  }
0x598: {  	v5 =	vadd.f32 v5, v6;
	_ =	sdelay $0x1  }
0x599: {  	v4 =	vmul.f32 v4, v2;
	v5 =	vadd.f32 v50, v5;
	_ =	sdelay $0x1  }
0x59a: {  	v4 =	vadd.f32 $3.141592740e+00, v4;
	v51 =	vsub.f32 $0.0e+00, v5;
	_ =	sdelay $0x1  }
0x59b: {  	v52 =	vand.u32 $0x7FFFFFFF, v4;
	v6 =	vmul.f32 $1.442695020e+00, v51  }
0x59c: {  	v53 =	vmul.f32 v52, v0  }
0x59d: {  	(erf) = vpow2.f32 v6  }
0x59e: {  	v54 =	vfloor.f32 v53  }
0x59f: {  	v6 =	vmul.f32 $6.283185480e+00, v54;
	_ =	sdelay $0x1  }
0x5a0: {  	v6 =	vsub.f32 v52, v6;
	_ =	sdelay $0x1  }
0x5a1: {  	vm15 =	veq.f32 v6, $6.283185480e+00  }
0x5a2: {  	v6 =	vsel vm15, $0x0, v6  }
0x5a3: {  	v4 =	vand.u32 $0x80000000, v4;
	v6 =	vand.u32 $0x7FFFFFFF, v6  }
0x5a4: {  	v4 =	vor.u32 v4, v6;
	v55 =	vpop (erf)  }
0x5a5: {  	v4 =	vadd.f32 $-3.141592740e+00, v4;
	v6 =	vadd.f32 $1.000000000e+00, v55;
	_ =	sdelay $0x1  }
0x5a6: {  	v56 =	vmul.f32 v4, v4;
	(erf) = vrcp.f32 v6;
	_ =	sdelay $0x1  }
0x5a7: {  	v57 =	vmul.f32 $2.177788470e-06, v56;
	_ =	sdelay $0x1  }
0x5a8: {  	v6 =	vadd.f32 $-1.933732710e-04, v57;
	_ =	sdelay $0x1  }
0x5a9: {  	v6 =	vmul.f32 v6, v56;
	_ =	sdelay $0x1  }
0x5aa: {  	v6 =	vadd.f32 $8.315024890e-03, v6  }
0x5ab: {  	v58 =	vpop (erf)  }
0x5ac: {  	v6 =	vmul.f32 v6, v56;
	v5 =	vmul.f32 v58, v5;
	_ =	sdelay $0x1  }
0x5ad: {  	v59 =	vmul.f32 v56, v4;
	v6 =	vadd.f32 $-1.666443350e-01, v6;
	[tilespmem:s17+$0x2B80] =	vst v5  }
0x5ae: {  	v5 =	vld.idx.msk [tilespmem:v3+s16+$0x790 ss:$0x1], $0xffff  }
0x5af: {  	v6 =	vmul.f32 v6, v59;
	_ =	sdelay $0x1  }
0x5b0: {  	v4 =	vadd.f32 v6, v4;
	_ =	sdelay $0x1  }
0x5b1: {  	v4 =	vadd.f32 v5, v4;
	_ =	sdelay $0x1  }
0x5b2: {  	v5 =	vsub.f32 $0.0e+00, v4;
	_ =	sdelay $0x1  }
0x5b3: {  	v5 =	vmul.f32 $1.442695020e+00, v5;
	_ =	sdelay $0x1  }
0x5b4: {  	(erf) = vpow2.f32 v5;
	_ =	sdelay $0x8  }
0x5b5: {  	v5 =	vpop (erf)  }
0x5b6: {  	v60 =	vmul.f32 $2.197296420e-07, v46;
	v5 =	vadd.f32 $1.000000000e+00, v5;
	_ =	sdelay $0x1  }
0x5b7: {  	v6 =	vsub.f32 $2.420294190e-05, v60;
	(erf) = vrcp.f32 v5;
	_ =	sdelay $0x1  }
0x5b8: {  	v5 =	vmul.f32 v6, v46;
	_ =	sdelay $0x1  }
0x5b9: {  	v5 =	vadd.f32 $-1.385879000e-03, v5;
	_ =	sdelay $0x1  }
0x5ba: {  	v5 =	vmul.f32 v5, v46;
	_ =	sdelay $0x1  }
0x5bb: {  	v5 =	vadd.f32 $4.165977610e-02, v5  }
0x5bc: {  	v61 =	vpop (erf)  }
0x5bd: {  	v5 =	vmul.f32 v5, v46;
	v4 =	vmul.f32 v61, v4;
	_ =	sdelay $0x1  }
0x5be: {  	v5 =	vadd.f32 $-4.999942180e-01, v5;
	[tilespmem:s17+$0x2B90] =	vst v4  }
0x5bf: {  	v4 =	vld.idx.msk [tilespmem:v3+s16+$0x7A0 ss:$0x1], $0xffff  }
0x5c0: {  	v5 =	vmul.f32 v5, v46;
	_ =	sdelay $0x1  }
0x5c1: {  	v5 =	vadd.f32 $9.999992250e-01, v5;
	_ =	sdelay $0x1  }
0x5c2: {  	v4 =	vadd.f32 v4, v5;
	_ =	sdelay $0x1  }
0x5c3: {  	v5 =	vsub.f32 $0.0e+00, v4;
	_ =	sdelay $0x1  }
0x5c4: {  	v5 =	vmul.f32 $1.442695020e+00, v5;
	_ =	sdelay $0x1  }
0x5c5: {  	(erf) = vpow2.f32 v5;
	_ =	sdelay $0x8  }
0x5c6: {  	v5 =	vpop (erf)  }
0x5c7: {  	v62 =	vmul.f32 $2.197296420e-07, v56;
	v5 =	vadd.f32 $1.000000000e+00, v5;
	_ =	sdelay $0x1  }
0x5c8: {  	v6 =	vsub.f32 $2.420294190e-05, v62;
	(erf) = vrcp.f32 v5;
	_ =	sdelay $0x1  }
0x5c9: {  	v5 =	vmul.f32 v6, v56;
	_ =	sdelay $0x1  }
0x5ca: {  	v5 =	vadd.f32 $-1.385879000e-03, v5;
	_ =	sdelay $0x1  }
0x5cb: {  	v5 =	vmul.f32 v5, v56;
	_ =	sdelay $0x1  }
0x5cc: {  	v5 =	vadd.f32 $4.165977610e-02, v5  }
0x5cd: {  	v63 =	vpop (erf)  }
0x5ce: {  	v5 =	vmul.f32 v5, v56;
	v4 =	vmul.f32 v63, v4;
	_ =	sdelay $0x1  }
0x5cf: {  	v5 =	vadd.f32 $-4.999942180e-01, v5;
	[tilespmem:s17+$0x2BA0] =	vst v4  }
0x5d0: {  	v4 =	vld.idx.msk [tilespmem:v3+s16+$0x7B0 ss:$0x1], $0xffff  }
0x5d1: {  	v5 =	vmul.f32 v5, v56;
	_ =	sdelay $0x1  }
0x5d2: {  	v5 =	vadd.f32 $9.999992250e-01, v5;
	_ =	sdelay $0x1  }
0x5d3: {  	v4 =	vadd.f32 v4, v5;
	_ =	sdelay $0x1  }
0x5d4: {  	v5 =	vsub.f32 $0.0e+00, v4;
	_ =	sdelay $0x1  }
0x5d5: {  	v5 =	vmul.f32 $1.442695020e+00, v5;
	_ =	sdelay $0x1  }
0x5d6: {  	(erf) = vpow2.f32 v5;
	_ =	sdelay $0x8  }
0x5d7: {  	v5 =	vpop (erf)  }
0x5d8: {  	v5 =	vadd.f32 $1.000000000e+00, v5;
	_ =	sdelay $0x1  }
0x5d9: {  	(erf) = vrcp.f32 v5;
	_ =	sdelay $0x6  }
0x5da: {  	p1 =	por p0, p0  }
.Ltmp3:
0x5db: {  	_ = 	snop;
	(pc) =	sbr.rel @p1 .LBB2_8-.Ltmp3, $3  }
0x5dc: {  	v5 =	vpop (erf)  }
0x5dd: {  	v4 =	vmul.f32 v5, v4;
	_ =	sdelay $0x1  }
0x5de: {  	p0 =	por $0x0, $0x0;
	s16 =	simm.s32 $0x1;
	[tilespmem:s17+$0x2BB0] =	vst v4  }
0x5df: {  	p0 =	seq.s32 s14, $0x10  }
.Ltmp4:
0x5e0: {  	_ = 	snop;
	(pc) =	sbr.rel @!p0 .LBB2_4-.Ltmp4, $2  }
0x5e1: {  	_ =	sdelay $0x2  }
0x5e2: {  	s15 =	smov.u32 s14  }
0x5e3: {  	s13 =	sadd.s32 $0x1, s13  }
0x5e4: {  	p0 =	sne.s32 s13, s8  }
.Ltmp5:
0x5e5: {  	_ = 	snop;
	(pc) =	sbr.rel @p0 .LBB2_1-.Ltmp5, $4  }
0x5e6: {  	[hbm4b:s7+s2] =	stream.linear.scatter [tilespmem:s12], [sflag:$0x3], $0x10000, $0x38;
	[tilespmem:$0x12480] =	vst v63  }
0x5e7: {  	_ =	swait.ge [sflag:s9], $0x10000  }
0x5e8: {  	[sflag:s9] =	ssyncset.done $0x0  }
0x5e9: {  	[sflag:s9] =	ssyncadd.s32 $0xFFFF0000  }
0x5ea: {  	_ =	sfence.sel $0x180000  }
0x5eb: {  	[bflag:$0x0] =	sbarrier.arrive $0xFFFF  }
0x5ec: {  	p0 =	sne.s32 s3, $0x0;
	_ =	strace $0x90000047  }
0x5ed: {  	s0 =	sadd.s32 @!p0 $0x100000, s0;
	[bflag:$0x2] =	sbarrier.arrive $0xFFFF  }
0x5ee: {  	[sflag:s0] =	ssyncadd.tile.s32 @!p0 $0x1;
	_ =	shalt  }
.Lfunc_end2:
_tile_overlayer_lowered:
.L_overlay_start_2:
0x5ef: {  	(tag) =	ssettag $0x2  }
0x5f0: {  	s0 =	rddreg [dreg:$0x0];
	s2 =	stileid.u32  }
0x5f1: {  	s1 =	rddreg [dreg:$0x1];
	p0 =	sne.s32 s2, $0x0  }
0x5f2: {  	s3 =	rddreg [dreg:$0x2];
	[bflag:$0x3] =	sbarrier.arrive $0xFFFF;
	s2 =	simm.s32 @!p0 $0x1C03  }
0x5f3: {  	[timem:s3], [sflag:s2] =	dma.local @!p0 [hbm:s0], s1  }
0x5f4: {  	s0 =	simm.s32 @!p0 $0x3  }
0x5f5: {  	_ =	swait.ge @!p0 [sflag:s0], s1  }
0x5f6: {  	s1 =	ssub.s32 @!p0 $0x0, s1;
	[sflag:s0] =	ssyncset.done @!p0 $0x0  }
0x5f7: {  	[sflag:s0] =	ssyncadd.s32 @!p0 s1  }
0x5f8: {  	[bflag:$0x3] =	sbarrier.arrive $0xFFFF  }
0x5f9: {  	_ =	shalt  }

</sc_bundles>
